<compile_context>
chip_gen: v7x
topology: tpu7x:2x2x1
jax: 0.10.2.dev20260603
libtpu: 0.0.44.dev20260713+nightly
codegen_flags: <defaults>
</compile_context>

<pallas_src>
import dataclasses
import functools

import jax
import jax.numpy as jnp
import numpy as np
from jax import lax
from jax.experimental import pallas as pl
from jax.experimental.pallas import tpu as pltpu
from jax.experimental.pallas import tpu_sc as plsc

N = 10000
E = 320000
HID = 128
H = 8
OUT = 16
NL = 3
FFN = 128

NC = 2
NS = 16
NW = NC * NS
CH = 128
NCHUNK = E // CH
MAXC = -(-NCHUNK // NW)
NP = N + 640
BZ = 80
NBZ = NP // BZ

_f32 = jnp.float32


def _sds(shape):
    return jax.ShapeDtypeStruct(shape, _f32)


def _sc_params():
    cp = pltpu.CompilerParams()
    if "needs_layout_passes" in pltpu.CompilerParams.__dataclass_fields__:
        cp = dataclasses.replace(cp, needs_layout_passes=False)
    return cp


def _sc_gather(xs, xd, src, dst):
    mesh = plsc.VectorSubcoreMesh(core_axis_name="c", subcore_axis_name="s")

    @functools.partial(
        pl.kernel,
        out_type=(_sds((E, HID)), _sds((E, HID))),
        mesh=mesh,
        scratch_types=[
            pltpu.VMEM((CH,), jnp.int32),
            pltpu.VMEM((CH,), jnp.int32),
            pltpu.VMEM((CH, HID), _f32),
            pltpu.VMEM((CH, HID), _f32),
            pltpu.VMEM((CH, HID), _f32),
            pltpu.VMEM((CH, HID), _f32),
            pltpu.SemaphoreType.DMA,
            pltpu.SemaphoreType.DMA,
            pltpu.SemaphoreType.DMA,
            pltpu.SemaphoreType.DMA,
            pltpu.SemaphoreType.DMA,
            pltpu.SemaphoreType.DMA,
        ],
    )
    def k(xs_hbm, xd_hbm, src_hbm, dst_hbm, os_hbm, od_hbm,
          si_v, di_v, rs0, rd0, rs1, rd1,
          sem_a, sem_b, ss0a, ss0b, ss1a, ss1b):
        cid = lax.axis_index("c")
        sid = lax.axis_index("s")
        wid = sid * NC + cid
        per = NCHUNK // NW
        rem = NCHUNK % NW
        start = wid * per + jnp.minimum(wid, rem)
        cnt = per + jnp.where(wid < rem, 1, 0)

        def drain_stores(rs, rd, ssa, ssb):
            pltpu.make_async_copy(rs, os_hbm.at[pl.ds(0, CH)], ssa).wait()
            pltpu.make_async_copy(rd, od_hbm.at[pl.ds(0, CH)], ssb).wait()

        def do_chunk(i, rs, rd, ssa, ssb):
            base = (start + i) * CH
            ia = pltpu.async_copy(src_hbm.at[pl.ds(base, CH)], si_v, sem_a)
            ib = pltpu.async_copy(dst_hbm.at[pl.ds(base, CH)], di_v, sem_b)
            ia.wait()
            ib.wait()
            a = pltpu.async_copy(xs_hbm.at[si_v], rs, sem_a)
            b = pltpu.async_copy(xd_hbm.at[di_v], rd, sem_b)
            a.wait()
            b.wait()
            pltpu.async_copy(rs, os_hbm.at[pl.ds(base, CH)], ssa)
            pltpu.async_copy(rd, od_hbm.at[pl.ds(base, CH)], ssb)

        @pl.loop(0, MAXC)
        def _(i):
            @pl.when((i < cnt) & (i % 2 == 0))
            def _():
                @pl.when(i >= 2)
                def _():
                    drain_stores(rs0, rd0, ss0a, ss0b)

                do_chunk(i, rs0, rd0, ss0a, ss0b)

            @pl.when((i < cnt) & (i % 2 == 1))
            def _():
                @pl.when(i >= 2)
                def _():
                    drain_stores(rs1, rd1, ss1a, ss1b)

                do_chunk(i, rs1, rd1, ss1a, ss1b)

        @pl.when((cnt >= 1) & ((cnt - 1) % 2 == 0))
        def _():
            drain_stores(rs0, rd0, ss0a, ss0b)

        @pl.when((cnt >= 1) & ((cnt - 1) % 2 == 1))
        def _():
            drain_stores(rs1, rd1, ss1a, ss1b)

        @pl.when((cnt >= 2) & ((cnt - 2) % 2 == 0))
        def _():
            drain_stores(rs0, rd0, ss0a, ss0b)

        @pl.when((cnt >= 2) & ((cnt - 2) % 2 == 1))
        def _():
            drain_stores(rs1, rd1, ss1a, ss1b)

    return k(xs, xd, src, dst)


def _sc_scatter(num_c, ex_f, dst, zt):
    mesh = plsc.VectorSubcoreMesh(core_axis_name="c", subcore_axis_name="s")

    @functools.partial(
        pl.kernel,
        out_type=_sds((NC * NP, HID)),
        mesh=mesh,
        scratch_types=[
            pltpu.VMEM((CH,), jnp.int32),
            pltpu.VMEM((CH,), jnp.int32),
            pltpu.VMEM((CH, HID), _f32),
            pltpu.VMEM((CH, HID), _f32),
            pltpu.VMEM((CH * H,), _f32),
            pltpu.VMEM_SHARED((NP, HID), _f32),
            pltpu.SemaphoreType.DMA,
            pltpu.SemaphoreType.DMA,
        ],
        compiler_params=_sc_params(),
    )
    def k(nc_hbm, ex_hbm, dst_hbm, zt_hbm, ot_hbm,
          idx_v, didx_v, dat_v, den_v, ex_v, tab_s, sem_a, sem_b):
        cid = lax.axis_index("c")
        sid = lax.axis_index("s")
        wid = sid * NC + cid
        per = NCHUNK // NW
        rem = NCHUNK % NW
        start = wid * per + jnp.minimum(wid, rem)
        cnt = per + jnp.where(wid < rem, 1, 0)
        zv16 = jnp.zeros((16,), _f32)
        lane = lax.iota(jnp.int32, 16)

        @pl.loop(0, CH)
        def _(r):
            @pl.loop(0, HID // 16)
            def _(c):
                den_v[r, pl.ds(c * 16, 16)] = zv16

        @pl.loop(0, -(-NBZ // NS))
        def _(j):
            blk = j * NS + sid

            @pl.when(blk < NBZ)
            def _():
                pltpu.sync_copy(zt_hbm.at[pl.ds(blk * BZ, BZ)],
                                dat_v.at[pl.ds(0, BZ)])
                pltpu.sync_copy(dat_v.at[pl.ds(0, BZ)],
                                tab_s.at[pl.ds(blk * BZ, BZ)])

        plsc.subcore_barrier()

        @pl.loop(0, MAXC)
        def _(i):
            @pl.when(i < cnt)
            def _():
                base = (start + i) * CH
                li = pltpu.async_copy(dst_hbm.at[pl.ds(base, CH)], idx_v,
                                      sem_a)
                ld = pltpu.async_copy(nc_hbm.at[pl.ds(base, CH)], dat_v,
                                      sem_b)
                le = pltpu.async_copy(ex_hbm.at[pl.ds(base * H, CH * H)],
                                      ex_v, sem_a)
                li.wait()
                ld.wait()
                le.wait()
                add_n = pltpu.async_copy(dat_v, tab_s.at[idx_v], sem_a,
                                         add=True)

                @pl.loop(0, CH // 16)
                def _(g):
                    row = lane + g * 16
                    dvec = idx_v[pl.ds(g * 16, 16)]
                    didx_v[pl.ds(g * 16, 16)] = N + dvec // 16
                    colb = lax.rem(dvec, 16) * H
                    for h in range(H):
                        vals = plsc.load_gather(ex_v, [row * H + h])
                        plsc.store_scatter(den_v, [row, colb + h], vals)

                add_d = pltpu.async_copy(den_v, tab_s.at[didx_v], sem_b,
                                         add=True)
                add_n.wait()
                add_d.wait()

                @pl.loop(0, CH // 16)
                def _(g):
                    row = lane + g * 16
                    dvec = idx_v[pl.ds(g * 16, 16)]
                    colb = lax.rem(dvec, 16) * H
                    for h in range(H):
                        plsc.store_scatter(den_v, [row, colb + h], zv16)

        plsc.subcore_barrier()

        @pl.loop(0, -(-NBZ // NS))
        def _(j):
            blk = j * NS + sid

            @pl.when(blk < NBZ)
            def _():
                pltpu.sync_copy(tab_s.at[pl.ds(blk * BZ, BZ)],
                                dat_v.at[pl.ds(0, BZ)])
                pltpu.sync_copy(dat_v.at[pl.ds(0, BZ)],
                                ot_hbm.at[pl.ds(cid * NP + blk * BZ, BZ)])

    return k(num_c, ex_f, dst, zt)


def _tc_project(x, wl, wr):
    def body(x_ref, wl_ref, wr_ref, xs_ref, xd_ref):
        xv = x_ref[...]
        xs_ref[...] = jnp.dot(xv, wl_ref[...], preferred_element_type=_f32)
        xd_ref[...] = jnp.dot(xv, wr_ref[...], preferred_element_type=_f32)

    return pl.pallas_call(
        body, out_shape=(_sds((N, HID)), _sds((N, HID))),
    )(x, wl, wr)


_EB = 2000


def _tc_edge(e_in, xs_src, xd_dst, wep, bep, we, attb, sel, weu, beu, project):
    nblk = E // _EB
    in_ch = e_in.shape[1]

    def body(e_ref, xs_ref, xd_ref, wep_ref, bep_ref, we_ref, attb_ref,
             sel_ref, weu_ref, beu_ref, enew_ref, log_ref, gmax_ref):
        if project:
            e = jnp.dot(e_ref[...], wep_ref[...],
                        preferred_element_type=_f32) + bep_ref[...]
        else:
            e = e_ref[...]
        ee = jnp.dot(e, we_ref[...], preferred_element_type=_f32)
        m = xs_ref[...] + xd_ref[...] + ee
        g = jnp.where(m >= 0, m, 0.2 * m)
        logits = jnp.dot(g * attb_ref[...], sel_ref[...],
                         preferred_element_type=_f32)
        r = jnp.maximum(g, 0.0)
        enew_ref[...] = e + jnp.dot(r, weu_ref[...],
                                    preferred_element_type=_f32) + beu_ref[...]
        log_ref[...] = logits
        bm = jnp.max(logits, axis=0, keepdims=True)
        i = pl.program_id(0)

        @pl.when(i == 0)
        def _():
            gmax_ref[...] = bm

        @pl.when(i != 0)
        def _():
            gmax_ref[...] = jnp.maximum(gmax_ref[...], bm)

    wspec = lambda s: pl.BlockSpec(s, lambda i: (0, 0))
    return pl.pallas_call(
        body,
        grid=(nblk,),
        in_specs=[
            pl.BlockSpec((_EB, in_ch), lambda i: (i, 0)),
            pl.BlockSpec((_EB, HID), lambda i: (i, 0)),
            pl.BlockSpec((_EB, HID), lambda i: (i, 0)),
            wspec((16, HID)), wspec((1, HID)), wspec((HID, HID)),
            wspec((1, HID)), wspec((HID, H)), wspec((HID, HID)),
            wspec((1, HID)),
        ],
        out_specs=[
            pl.BlockSpec((_EB, HID), lambda i: (i, 0)),
            pl.BlockSpec((_EB, H), lambda i: (i, 0)),
            pl.BlockSpec((1, H), lambda i: (0, 0)),
        ],
        out_shape=(_sds((E, HID)), _sds((E, H)), _sds((1, H))),
    )(e_in, xs_src, xd_dst, wep, bep, we, attb, sel, weu, beu)


def _tc_contrib(logits, gmax, xs_src, selt):
    nblk = E // _EB

    def body(log_ref, xs_ref, gmax_ref, selt_ref, num_ref, ex_ref):
        ex = jnp.exp(log_ref[...] - gmax_ref[...])
        exb = jnp.dot(ex, selt_ref[...], preferred_element_type=_f32)
        num_ref[...] = exb * xs_ref[...]
        ex_ref[...] = ex

    return pl.pallas_call(
        body,
        grid=(nblk,),
        in_specs=[
            pl.BlockSpec((_EB, H), lambda i: (i, 0)),
            pl.BlockSpec((_EB, HID), lambda i: (i, 0)),
            pl.BlockSpec((1, H), lambda i: (0, 0)),
            pl.BlockSpec((H, HID), lambda i: (0, 0)),
        ],
        out_specs=[
            pl.BlockSpec((_EB, HID), lambda i: (i, 0)),
            pl.BlockSpec((_EB, H), lambda i: (i, 0)),
        ],
        out_shape=(_sds((E, HID)), _sds((E, H))),
    )(logits, xs_src, gmax, selt)


def _tc_node(tab, den8, x, wres, bres, w1, b1, w2, b2, selt, km, ln):
    def body(*refs):
        if ln is not None:
            (tab_ref, den_ref, x_ref, wres_ref, bres_ref, w1_ref, b1_ref,
             w2_ref, b2_ref, selt_ref, km_ref, g_ref, be_ref, o_ref) = refs
        else:
            (tab_ref, den_ref, x_ref, wres_ref, bres_ref, w1_ref, b1_ref,
             w2_ref, b2_ref, selt_ref, km_ref, o_ref) = refs
        num = tab_ref[0:N, :] + tab_ref[NP:NP + N, :]
        den = den_ref[0:N, :] + den_ref[N:2 * N, :]
        invb = jnp.dot(1.0 / (den + 1e-16), selt_ref[...],
                       preferred_element_type=_f32)
        agg = jnp.dot(num * invb, km_ref[...], preferred_element_type=_f32)
        out = agg + jnp.dot(x_ref[...], wres_ref[...],
                            preferred_element_type=_f32) + bres_ref[...]
        h1 = jnp.maximum(jnp.dot(out, w1_ref[...],
                                 preferred_element_type=_f32) + b1_ref[...], 0.0)
        out = out + jnp.dot(h1, w2_ref[...],
                            preferred_element_type=_f32) + b2_ref[...]
        if ln is not None:
            mu = jnp.mean(out, axis=1, keepdims=True)
            v = jnp.mean((out - mu) ** 2, axis=1, keepdims=True)
            out = (out - mu) / jnp.sqrt(v + 1e-5) * g_ref[...] + be_ref[...]
        o_ref[...] = out

    args = [tab, den8, x, wres, bres, w1, b1, w2, b2, selt, km]
    if ln is not None:
        args += [ln[0], ln[1]]
    return pl.pallas_call(body, out_shape=_sds((N, OUT)))(*args)


def kernel(mesh_enc, edge_index, edge_attr, params):
    src = edge_index[0]
    dst = edge_index[1]
    zt = jnp.zeros((NP, HID), _f32)

    sel_np = np.kron(np.eye(H, dtype=np.float32),
                     np.ones((OUT, 1), dtype=np.float32))
    sel = jnp.asarray(sel_np)
    selt = jnp.asarray(sel_np.T)
    sel16 = jnp.asarray(np.concatenate(
        [np.eye(H, dtype=np.float32),
         np.zeros((H, OUT - H), dtype=np.float32)], axis=1))
    km = jnp.asarray(np.kron(np.ones((H, 1), dtype=np.float32) / H,
                             np.eye(OUT, dtype=np.float32)))

    wep = params["W_ep"]
    bep = params["b_ep"].reshape(1, HID)

    x = mesh_enc
    e = edge_attr
    for l in range(NL):
        p = params["layers"][l]
        attb = p["att"].reshape(1, H * OUT)
        xs, xd = _tc_project(x, p["Wl"], p["Wr"])
        xs_src, xd_dst = _sc_gather(xs, xd, src, dst)
        enew, logits, gmax = _tc_edge(
            e, xs_src, xd_dst, wep, bep, p["We"], attb, sel,
            p["Weu"], p["beu"].reshape(1, HID), project=(l == 0))
        num_c, ex = _tc_contrib(logits, gmax, xs_src, selt)
        tab = _sc_scatter(num_c, ex.reshape(E * H), dst, zt)
        den8 = jnp.concatenate(
            [tab[N:N + N // 16].reshape(N, H),
             tab[NP + N:NP + N + N // 16].reshape(N, H)], axis=0)
        ln = None
        if l < NL - 1:
            ln = (params["norms"][l]["g"].reshape(1, OUT),
                  params["norms"][l]["b"].reshape(1, OUT))
        x = _tc_node(tab, den8, x, p["Wres"], p["bres"].reshape(1, OUT),
                     p["W1"], p["b1"].reshape(1, FFN),
                     p["W2"], p["b2"].reshape(1, OUT), selt, km, ln)
        e = enew
    return x

# --- scband reference (transcript-rebuilt; emitter-appended) ---
"""Pipeline reference for scband-processor-block-8959301780005 (READ-ONLY COPY).

The authoritative reference and input builder live on the scoring server;
editing this copy changes nothing except your own understanding.
"""

import jax, jax.numpy as jnp
import numpy as np

HID = 128
HEADS = 8
OUT = 16
NL = 3
EDIM_IN = 16
N_NODES = 10000
N_EDGES = 320000
FFN_H = 128

def _mat(k, i, o):
    return (jax.random.normal(k, (i, o), dtype=jnp.float32) / np.sqrt(i)).astype(jnp.float32)

def setup_inputs(seed: int = 0) -> dict:
    key = jax.random.key(seed)
    ks = jax.random.split(key, 64)
    it = iter(range(64))
    mesh_enc = jax.random.normal(ks[next(it)], (N_NODES, HID), dtype=jnp.float32)
    edge_index = jax.random.randint(ks[next(it)], (2, N_EDGES), 0, N_NODES, dtype=jnp.int32)
    edge_attr = jax.random.normal(ks[next(it)], (N_EDGES, EDIM_IN), dtype=jnp.float32)
    params = {
        "W_ep": _mat(ks[next(it)], EDIM_IN, HID),
        "b_ep": jnp.zeros((HID,), jnp.float32),
        "layers": [],
        "norms": [],
    }
    for l in range(NL):
        in_ch = HID if l == 0 else OUT
        p = {
            "Wl": _mat(ks[next(it)], in_ch, HEADS * OUT),
            "Wr": _mat(ks[next(it)], in_ch, HEADS * OUT),
            "We": _mat(ks[next(it)], HID, HEADS * OUT),
            "att": _mat(ks[next(it)], HEADS, OUT),
            "Wres": _mat(ks[next(it)], in_ch, OUT),
            "bres": jnp.zeros((OUT,), jnp.float32),
            "W1": _mat(ks[next(it)], OUT, FFN_H),
            "b1": jnp.zeros((FFN_H,), jnp.float32),
            "W2": _mat(ks[next(it)], FFN_H, OUT),
            "b2": jnp.zeros((OUT,), jnp.float32),
            "Weu": _mat(ks[next(it)], HEADS * OUT, HID),
            "beu": jnp.zeros((HID,), jnp.float32),
        }
        params["layers"].append(p)
        if l < NL - 1:
            params["norms"].append({"g": jnp.ones((OUT,), jnp.float32), "b": jnp.zeros((OUT,), jnp.float32)})
    return {"mesh_enc": mesh_enc, "edge_index": edge_index, "edge_attr": edge_attr, "params": params}

def _seg_softmax(logits, seg, n):
    m = jax.ops.segment_max(logits, seg, num_segments=n)
    m = jnp.where(jnp.isfinite(m), m, 0.0)
    ex = jnp.exp(logits - m[seg])
    s = jax.ops.segment_sum(ex, seg, num_segments=n)
    return ex / (s[seg] + 1e-16)

def _layernorm(x, g, b):
    mu = x.mean(axis=-1, keepdims=True)
    v = ((x - mu) ** 2).mean(axis=-1, keepdims=True)
    return (x - mu) / jnp.sqrt(v + 1e-5) * g + b

def _gat_layer(x, e, src, dst, p, n):
    E = e.shape[0]
    xs = (x @ p["Wl"]).reshape(n, HEADS, OUT)
    xd = (x @ p["Wr"]).reshape(n, HEADS, OUT)
    ee = (e @ p["We"]).reshape(E, HEADS, OUT)
    m = xs[src] + xd[dst] + ee
    g = jax.nn.leaky_relu(m, negative_slope=0.2)
    logits = jnp.einsum("ehc,hc->eh", g, p["att"])
    alpha = _seg_softmax(logits, dst, n)
    agg = jax.ops.segment_sum(alpha[..., None] * xs[src], dst, num_segments=n)
    out = agg.mean(axis=1)
    out = out + x @ p["Wres"] + p["bres"]
    h = jax.nn.relu(out @ p["W1"] + p["b1"])
    out = out + h @ p["W2"] + p["b2"]
    e_new = e + jax.nn.relu(g.reshape(E, HEADS * OUT)) @ p["Weu"] + p["beu"]
    return out, e_new

def reference(mesh_enc, edge_index, edge_attr, params):
    src = edge_index[0]
    dst = edge_index[1]
    n = mesh_enc.shape[0]
    e = edge_attr @ params["W_ep"] + params["b_ep"]
    x = mesh_enc
    for l in range(NL):
        x, e = _gat_layer(x, e, src, dst, params["layers"][l], n)
        if l < NL - 1:
            x = _layernorm(x, params["norms"][l]["g"], params["norms"][l]["b"])
    return x

if __name__ == "__main__":
    import jax
    _d = setup_inputs()
    print(jax.jit(kernel)(*tuple(_d.values())))

</pallas_src>

<mosaic_0001>
#map = affine_map<(d0, d1) -> (0, 0)>
#map1 = affine_map<(d0, d1) -> (0)>
module attributes {stable_mosaic.version = 14 : i64} {
  func.func @k(%arg0: i32, %arg1: i32, %arg2: memref<10000x128xf32, #tpu.memory_space<hbm>>, %arg3: memref<10000x128xf32, #tpu.memory_space<hbm>>, %arg4: memref<320000xi32, #tpu.memory_space<hbm>>, %arg5: memref<320000xi32, #tpu.memory_space<hbm>>, %arg6: memref<320000x128xf32, #tpu.memory_space<hbm>>, %arg7: memref<320000x128xf32, #tpu.memory_space<hbm>>, %arg8: memref<128xi32, #tpu.memory_space<vmem>>, %arg9: memref<128xi32, #tpu.memory_space<vmem>>, %arg10: memref<128x128xf32, #tpu.memory_space<vmem>>, %arg11: memref<128x128xf32, #tpu.memory_space<vmem>>, %arg12: memref<128x128xf32, #tpu.memory_space<vmem>>, %arg13: memref<128x128xf32, #tpu.memory_space<vmem>>, %arg14: memref<!tpu.dma_semaphore, #tpu.memory_space<semaphore_mem>>, %arg15: memref<!tpu.dma_semaphore, #tpu.memory_space<semaphore_mem>>, %arg16: memref<!tpu.dma_semaphore, #tpu.memory_space<semaphore_mem>>, %arg17: memref<!tpu.dma_semaphore, #tpu.memory_space<semaphore_mem>>, %arg18: memref<!tpu.dma_semaphore, #tpu.memory_space<semaphore_mem>>, %arg19: memref<!tpu.dma_semaphore, #tpu.memory_space<semaphore_mem>>) attributes {dimension_semantics = [#tpu.dimension_semantics<core_parallel>, #tpu.dimension_semantics<subcore_parallel>], iteration_bounds = array<i64: 2, 16>, scalar_prefetch = 0 : i64, scratch_operands = 12 : i64, tpu.core_type = #tpu.core_type<sc_vector_subcore>, window_params = [{transform_indices = #map}, {transform_indices = #map}, {transform_indices = #map1}, {transform_indices = #map1}, {transform_indices = #map}, {transform_indices = #map}]} {
    %mul3A = arith.constant 2 : i32
    %mul3A_0 = arith.muli %arg1, %mul3A : i32
    %add3A = arith.addi %mul3A_0, %arg0 : i32
    %mul3A_1 = arith.constant 78 : i32
    %mul3A_2 = arith.muli %add3A, %mul3A_1 : i32
    %min3A = arith.constant 4 : i32
    %min3A_3 = arith.minsi %add3A, %min3A : i32
    %add3A_4 = arith.addi %mul3A_2, %min3A_3 : i32
    %lt3A = arith.constant 4 : i32
    %lt3A_5 = arith.cmpi slt, %add3A, %lt3A : i32
    %jit3A = arith.constant 1 : i32
    %jit3A_6 = arith.constant 0 : i32
    %select_n3A = arith.select %lt3A_5, %jit3A, %jit3A_6 : i32
    %add3A_7 = arith.constant 78 : i32
    %add3A_8 = arith.addi %add3A_7, %select_n3A : i32
    %scan3A = arith.constant 0 : i32
    %scan3A_9 = arith.constant 79 : i32
    %scan3A_10 = arith.addi %scan3A, %scan3A_9 : i32
    %scan3A_11 = arith.constant 1 : i32
    scf.for %scan3A_109 = %scan3A to %scan3A_10 step %scan3A_11  : i32 {
      %mul3A_110 = arith.constant 1 : i32
      %mul3A_111 = arith.muli %scan3A_109, %mul3A_110 : i32
      %add3A_112 = arith.constant 0 : i32
      %add3A_113 = arith.addi %add3A_112, %mul3A_111 : i32
      %lt3A_114 = arith.cmpi slt, %add3A_113, %add3A_8 : i32
      %jit3A_115 = arith.constant 2 : i32
      %eq3A_116 = arith.constant 0 : i32
      %eq3A_117 = arith.cmpi eq, %jit3A_115, %eq3A_116 : i32
      %jit3A_118 = arith.constant 1 : i32
      %select_n3A_119 = arith.select %eq3A_117, %jit3A_118, %jit3A_115 : i32
      %rem3A_120 = arith.remsi %add3A_113, %select_n3A_119 : i32
      %ne3A_121 = arith.constant 0 : i32
      %ne3A_122 = arith.cmpi ne, %rem3A_120, %ne3A_121 : i32
      %lt3A_123 = arith.constant 0 : i32
      %lt3A_124 = arith.cmpi slt, %rem3A_120, %lt3A_123 : i32
      %lt3A_125 = arith.constant 0 : i32
      %lt3A_126 = arith.cmpi slt, %select_n3A_119, %lt3A_125 : i32
      %ne3A_127 = arith.xori %lt3A_124, %lt3A_126 : i1
      %and3A_128 = arith.andi %ne3A_127, %ne3A_122 : i1
      %add3A_129 = arith.addi %rem3A_120, %select_n3A_119 : i32
      %select_n3A_130 = arith.select %and3A_128, %add3A_129, %rem3A_120 : i32
      %eq3A_131 = arith.constant 0 : i32
      %eq3A_132 = arith.cmpi eq, %select_n3A_130, %eq3A_131 : i32
      %and3A_133 = arith.andi %lt3A_114, %eq3A_132 : i1
      %convert_element_type3A_134 = arith.extui %and3A_133 : i1 to i32
      %cond3A_135 = arith.constant 0 : i32
      %cond3A_136 = arith.cmpi ne, %convert_element_type3A_134, %cond3A_135 : i32
      scf.if %cond3A_136 {
        %ge3A_160 = arith.constant 2 : i32
        %ge3A_161 = arith.cmpi sge, %add3A_113, %ge3A_160 : i32
        %convert_element_type3A_162 = arith.extui %ge3A_161 : i1 to i32
        %cond3A_163 = arith.constant 0 : i32
        %cond3A_164 = arith.cmpi ne, %convert_element_type3A_162, %cond3A_163 : i32
        scf.if %cond3A_164 {
          %dma_wait3A_194 = arith.constant 0 : i32
          %dma_wait3A_195 = arith.constant 0 : i32
          %dma_wait3A_196 = tpu.memref_slice %arg6[%dma_wait3A_194, %dma_wait3A_195] : memref<320000x128xf32, #tpu.memory_space<hbm>> -> memref<128x128xf32, #tpu.memory_space<hbm>>
          %dma_wait3A_197 = arith.constant 0 : i32
          %dma_wait3A_198 = arith.constant 0 : i32
          %dma_wait3A_199 = tpu.memref_slice %arg6[%dma_wait3A_197, %dma_wait3A_198] : memref<320000x128xf32, #tpu.memory_space<hbm>> -> memref<128x128xf32, #tpu.memory_space<hbm>>
          tpu.wait_dma2 semaphore(%arg16 : memref<!tpu.dma_semaphore, #tpu.memory_space<semaphore_mem>>) src(%arg10 : memref<128x128xf32, #tpu.memory_space<vmem>>) dst(%dma_wait3A_199 : memref<128x128xf32, #tpu.memory_space<hbm>>)
          %dma_wait3A_200 = arith.constant 0 : i32
          %dma_wait3A_201 = arith.constant 0 : i32
          %dma_wait3A_202 = tpu.memref_slice %arg7[%dma_wait3A_200, %dma_wait3A_201] : memref<320000x128xf32, #tpu.memory_space<hbm>> -> memref<128x128xf32, #tpu.memory_space<hbm>>
          %dma_wait3A_203 = arith.constant 0 : i32
          %dma_wait3A_204 = arith.constant 0 : i32
          %dma_wait3A_205 = tpu.memref_slice %arg7[%dma_wait3A_203, %dma_wait3A_204] : memref<320000x128xf32, #tpu.memory_space<hbm>> -> memref<128x128xf32, #tpu.memory_space<hbm>>
          tpu.wait_dma2 semaphore(%arg17 : memref<!tpu.dma_semaphore, #tpu.memory_space<semaphore_mem>>) src(%arg11 : memref<128x128xf32, #tpu.memory_space<vmem>>) dst(%dma_wait3A_205 : memref<128x128xf32, #tpu.memory_space<hbm>>)
        } else {
        }
        %add3A_165 = arith.addi %add3A_4, %add3A_113 : i32
        %mul3A_166 = arith.constant 128 : i32
        %mul3A_167 = arith.muli %add3A_165, %mul3A_166 : i32
        %dma_start3A = tpu.memref_slice %arg4[%mul3A_167] : memref<320000xi32, #tpu.memory_space<hbm>> -> memref<128xi32, #tpu.memory_space<hbm>>
        %dma_start3A_168 = tpu.memref_slice %arg4[%mul3A_167] : memref<320000xi32, #tpu.memory_space<hbm>> -> memref<128xi32, #tpu.memory_space<hbm>>
        tpu.enqueue_dma source(%dma_start3A_168 : memref<128xi32, #tpu.memory_space<hbm>>) target(%arg8 : memref<128xi32, #tpu.memory_space<vmem>>) target_semaphore(%arg14 : memref<!tpu.dma_semaphore, #tpu.memory_space<semaphore_mem>>)
        %dma_start3A_169 = tpu.memref_slice %arg5[%mul3A_167] : memref<320000xi32, #tpu.memory_space<hbm>> -> memref<128xi32, #tpu.memory_space<hbm>>
        %dma_start3A_170 = tpu.memref_slice %arg5[%mul3A_167] : memref<320000xi32, #tpu.memory_space<hbm>> -> memref<128xi32, #tpu.memory_space<hbm>>
        tpu.enqueue_dma source(%dma_start3A_170 : memref<128xi32, #tpu.memory_space<hbm>>) target(%arg9 : memref<128xi32, #tpu.memory_space<vmem>>) target_semaphore(%arg15 : memref<!tpu.dma_semaphore, #tpu.memory_space<semaphore_mem>>)
        %dma_wait3A = tpu.memref_slice %arg4[%mul3A_167] : memref<320000xi32, #tpu.memory_space<hbm>> -> memref<128xi32, #tpu.memory_space<hbm>>
        %dma_wait3A_171 = tpu.memref_slice %arg4[%mul3A_167] : memref<320000xi32, #tpu.memory_space<hbm>> -> memref<128xi32, #tpu.memory_space<hbm>>
        tpu.wait_dma2 semaphore(%arg14 : memref<!tpu.dma_semaphore, #tpu.memory_space<semaphore_mem>>) src(%dma_wait3A_171 : memref<128xi32, #tpu.memory_space<hbm>>) dst(%arg8 : memref<128xi32, #tpu.memory_space<vmem>>)
        %dma_wait3A_172 = tpu.memref_slice %arg5[%mul3A_167] : memref<320000xi32, #tpu.memory_space<hbm>> -> memref<128xi32, #tpu.memory_space<hbm>>
        %dma_wait3A_173 = tpu.memref_slice %arg5[%mul3A_167] : memref<320000xi32, #tpu.memory_space<hbm>> -> memref<128xi32, #tpu.memory_space<hbm>>
        tpu.wait_dma2 semaphore(%arg15 : memref<!tpu.dma_semaphore, #tpu.memory_space<semaphore_mem>>) src(%dma_wait3A_173 : memref<128xi32, #tpu.memory_space<hbm>>) dst(%arg9 : memref<128xi32, #tpu.memory_space<vmem>>)
        %dma_start3A_174 = arith.constant 0 : i32
        %dma_start3A_175 = arith.constant 0 : i32
        %dma_start3A_176 = tpu.memref_slice %arg2[%dma_start3A_174, %dma_start3A_175] : memref<10000x128xf32, #tpu.memory_space<hbm>> -> memref<10000x128xf32, #tpu.memory_space<hbm>>
        tpu.enqueue_indirect_dma source(%dma_start3A_176 : memref<10000x128xf32, #tpu.memory_space<hbm>>) target(%arg10 : memref<128x128xf32, #tpu.memory_space<vmem>>) offsets(%arg8 : memref<128xi32, #tpu.memory_space<vmem>>) semaphore(%arg14 : memref<!tpu.dma_semaphore, #tpu.memory_space<semaphore_mem>>)
        %dma_start3A_177 = arith.constant 0 : i32
        %dma_start3A_178 = arith.constant 0 : i32
        %dma_start3A_179 = tpu.memref_slice %arg3[%dma_start3A_177, %dma_start3A_178] : memref<10000x128xf32, #tpu.memory_space<hbm>> -> memref<10000x128xf32, #tpu.memory_space<hbm>>
        tpu.enqueue_indirect_dma source(%dma_start3A_179 : memref<10000x128xf32, #tpu.memory_space<hbm>>) target(%arg11 : memref<128x128xf32, #tpu.memory_space<vmem>>) offsets(%arg9 : memref<128xi32, #tpu.memory_space<vmem>>) semaphore(%arg15 : memref<!tpu.dma_semaphore, #tpu.memory_space<semaphore_mem>>)
        %dma_wait3A_180 = arith.constant 0 : i32
        %dma_wait3A_181 = arith.constant 0 : i32
        %dma_wait3A_182 = tpu.memref_slice %arg2[%dma_wait3A_180, %dma_wait3A_181] : memref<10000x128xf32, #tpu.memory_space<hbm>> -> memref<10000x128xf32, #tpu.memory_space<hbm>>
        tpu.wait_indirect_dma semaphore(%arg14 : memref<!tpu.dma_semaphore, #tpu.memory_space<semaphore_mem>>) src(%dma_wait3A_182 : memref<10000x128xf32, #tpu.memory_space<hbm>>) dst(%arg10 : memref<128x128xf32, #tpu.memory_space<vmem>>)
        %dma_wait3A_183 = arith.constant 0 : i32
        %dma_wait3A_184 = arith.constant 0 : i32
        %dma_wait3A_185 = tpu.memref_slice %arg3[%dma_wait3A_183, %dma_wait3A_184] : memref<10000x128xf32, #tpu.memory_space<hbm>> -> memref<10000x128xf32, #tpu.memory_space<hbm>>
        tpu.wait_indirect_dma semaphore(%arg15 : memref<!tpu.dma_semaphore, #tpu.memory_space<semaphore_mem>>) src(%dma_wait3A_185 : memref<10000x128xf32, #tpu.memory_space<hbm>>) dst(%arg11 : memref<128x128xf32, #tpu.memory_space<vmem>>)
        %dma_start3A_186 = arith.constant 0 : i32
        %dma_start3A_187 = tpu.memref_slice %arg6[%mul3A_167, %dma_start3A_186] : memref<320000x128xf32, #tpu.memory_space<hbm>> -> memref<128x128xf32, #tpu.memory_space<hbm>>
        %dma_start3A_188 = arith.constant 0 : i32
        %dma_start3A_189 = tpu.memref_slice %arg6[%mul3A_167, %dma_start3A_188] : memref<320000x128xf32, #tpu.memory_space<hbm>> -> memref<128x128xf32, #tpu.memory_space<hbm>>
        tpu.enqueue_dma source(%arg10 : memref<128x128xf32, #tpu.memory_space<vmem>>) target(%dma_start3A_189 : memref<128x128xf32, #tpu.memory_space<hbm>>) target_semaphore(%arg16 : memref<!tpu.dma_semaphore, #tpu.memory_space<semaphore_mem>>)
        %dma_start3A_190 = arith.constant 0 : i32
        %dma_start3A_191 = tpu.memref_slice %arg7[%mul3A_167, %dma_start3A_190] : memref<320000x128xf32, #tpu.memory_space<hbm>> -> memref<128x128xf32, #tpu.memory_space<hbm>>
        %dma_start3A_192 = arith.constant 0 : i32
        %dma_start3A_193 = tpu.memref_slice %arg7[%mul3A_167, %dma_start3A_192] : memref<320000x128xf32, #tpu.memory_space<hbm>> -> memref<128x128xf32, #tpu.memory_space<hbm>>
        tpu.enqueue_dma source(%arg11 : memref<128x128xf32, #tpu.memory_space<vmem>>) target(%dma_start3A_193 : memref<128x128xf32, #tpu.memory_space<hbm>>) target_semaphore(%arg17 : memref<!tpu.dma_semaphore, #tpu.memory_space<semaphore_mem>>)
      } else {
      }
      %lt3A_137 = arith.cmpi slt, %add3A_113, %add3A_8 : i32
      %jit3A_138 = arith.constant 2 : i32
      %eq3A_139 = arith.constant 0 : i32
      %eq3A_140 = arith.cmpi eq, %jit3A_138, %eq3A_139 : i32
      %jit3A_141 = arith.constant 1 : i32
      %select_n3A_142 = arith.select %eq3A_140, %jit3A_141, %jit3A_138 : i32
      %rem3A_143 = arith.remsi %add3A_113, %select_n3A_142 : i32
      %ne3A_144 = arith.constant 0 : i32
      %ne3A_145 = arith.cmpi ne, %rem3A_143, %ne3A_144 : i32
      %lt3A_146 = arith.constant 0 : i32
      %lt3A_147 = arith.cmpi slt, %rem3A_143, %lt3A_146 : i32
      %lt3A_148 = arith.constant 0 : i32
      %lt3A_149 = arith.cmpi slt, %select_n3A_142, %lt3A_148 : i32
      %ne3A_150 = arith.xori %lt3A_147, %lt3A_149 : i1
      %and3A_151 = arith.andi %ne3A_150, %ne3A_145 : i1
      %add3A_152 = arith.addi %rem3A_143, %select_n3A_142 : i32
      %select_n3A_153 = arith.select %and3A_151, %add3A_152, %rem3A_143 : i32
      %eq3A_154 = arith.constant 1 : i32
      %eq3A_155 = arith.cmpi eq, %select_n3A_153, %eq3A_154 : i32
      %and3A_156 = arith.andi %lt3A_137, %eq3A_155 : i1
      %convert_element_type3A_157 = arith.extui %and3A_156 : i1 to i32
      %cond3A_158 = arith.constant 0 : i32
      %cond3A_159 = arith.cmpi ne, %convert_element_type3A_157, %cond3A_158 : i32
      scf.if %cond3A_159 {
        %ge3A_160 = arith.constant 2 : i32
        %ge3A_161 = arith.cmpi sge, %add3A_113, %ge3A_160 : i32
        %convert_element_type3A_162 = arith.extui %ge3A_161 : i1 to i32
        %cond3A_163 = arith.constant 0 : i32
        %cond3A_164 = arith.cmpi ne, %convert_element_type3A_162, %cond3A_163 : i32
        scf.if %cond3A_164 {
          %dma_wait3A_194 = arith.constant 0 : i32
          %dma_wait3A_195 = arith.constant 0 : i32
          %dma_wait3A_196 = tpu.memref_slice %arg6[%dma_wait3A_194, %dma_wait3A_195] : memref<320000x128xf32, #tpu.memory_space<hbm>> -> memref<128x128xf32, #tpu.memory_space<hbm>>
          %dma_wait3A_197 = arith.constant 0 : i32
          %dma_wait3A_198 = arith.constant 0 : i32
          %dma_wait3A_199 = tpu.memref_slice %arg6[%dma_wait3A_197, %dma_wait3A_198] : memref<320000x128xf32, #tpu.memory_space<hbm>> -> memref<128x128xf32, #tpu.memory_space<hbm>>
          tpu.wait_dma2 semaphore(%arg18 : memref<!tpu.dma_semaphore, #tpu.memory_space<semaphore_mem>>) src(%arg12 : memref<128x128xf32, #tpu.memory_space<vmem>>) dst(%dma_wait3A_199 : memref<128x128xf32, #tpu.memory_space<hbm>>)
          %dma_wait3A_200 = arith.constant 0 : i32
          %dma_wait3A_201 = arith.constant 0 : i32
          %dma_wait3A_202 = tpu.memref_slice %arg7[%dma_wait3A_200, %dma_wait3A_201] : memref<320000x128xf32, #tpu.memory_space<hbm>> -> memref<128x128xf32, #tpu.memory_space<hbm>>
          %dma_wait3A_203 = arith.constant 0 : i32
          %dma_wait3A_204 = arith.constant 0 : i32
          %dma_wait3A_205 = tpu.memref_slice %arg7[%dma_wait3A_203, %dma_wait3A_204] : memref<320000x128xf32, #tpu.memory_space<hbm>> -> memref<128x128xf32, #tpu.memory_space<hbm>>
          tpu.wait_dma2 semaphore(%arg19 : memref<!tpu.dma_semaphore, #tpu.memory_space<semaphore_mem>>) src(%arg13 : memref<128x128xf32, #tpu.memory_space<vmem>>) dst(%dma_wait3A_205 : memref<128x128xf32, #tpu.memory_space<hbm>>)
        } else {
        }
        %add3A_165 = arith.addi %add3A_4, %add3A_113 : i32
        %mul3A_166 = arith.constant 128 : i32
        %mul3A_167 = arith.muli %add3A_165, %mul3A_166 : i32
        %dma_start3A = tpu.memref_slice %arg4[%mul3A_167] : memref<320000xi32, #tpu.memory_space<hbm>> -> memref<128xi32, #tpu.memory_space<hbm>>
        %dma_start3A_168 = tpu.memref_slice %arg4[%mul3A_167] : memref<320000xi32, #tpu.memory_space<hbm>> -> memref<128xi32, #tpu.memory_space<hbm>>
        tpu.enqueue_dma source(%dma_start3A_168 : memref<128xi32, #tpu.memory_space<hbm>>) target(%arg8 : memref<128xi32, #tpu.memory_space<vmem>>) target_semaphore(%arg14 : memref<!tpu.dma_semaphore, #tpu.memory_space<semaphore_mem>>)
        %dma_start3A_169 = tpu.memref_slice %arg5[%mul3A_167] : memref<320000xi32, #tpu.memory_space<hbm>> -> memref<128xi32, #tpu.memory_space<hbm>>
        %dma_start3A_170 = tpu.memref_slice %arg5[%mul3A_167] : memref<320000xi32, #tpu.memory_space<hbm>> -> memref<128xi32, #tpu.memory_space<hbm>>
        tpu.enqueue_dma source(%dma_start3A_170 : memref<128xi32, #tpu.memory_space<hbm>>) target(%arg9 : memref<128xi32, #tpu.memory_space<vmem>>) target_semaphore(%arg15 : memref<!tpu.dma_semaphore, #tpu.memory_space<semaphore_mem>>)
        %dma_wait3A = tpu.memref_slice %arg4[%mul3A_167] : memref<320000xi32, #tpu.memory_space<hbm>> -> memref<128xi32, #tpu.memory_space<hbm>>
        %dma_wait3A_171 = tpu.memref_slice %arg4[%mul3A_167] : memref<320000xi32, #tpu.memory_space<hbm>> -> memref<128xi32, #tpu.memory_space<hbm>>
        tpu.wait_dma2 semaphore(%arg14 : memref<!tpu.dma_semaphore, #tpu.memory_space<semaphore_mem>>) src(%dma_wait3A_171 : memref<128xi32, #tpu.memory_space<hbm>>) dst(%arg8 : memref<128xi32, #tpu.memory_space<vmem>>)
        %dma_wait3A_172 = tpu.memref_slice %arg5[%mul3A_167] : memref<320000xi32, #tpu.memory_space<hbm>> -> memref<128xi32, #tpu.memory_space<hbm>>
        %dma_wait3A_173 = tpu.memref_slice %arg5[%mul3A_167] : memref<320000xi32, #tpu.memory_space<hbm>> -> memref<128xi32, #tpu.memory_space<hbm>>
        tpu.wait_dma2 semaphore(%arg15 : memref<!tpu.dma_semaphore, #tpu.memory_space<semaphore_mem>>) src(%dma_wait3A_173 : memref<128xi32, #tpu.memory_space<hbm>>) dst(%arg9 : memref<128xi32, #tpu.memory_space<vmem>>)
        %dma_start3A_174 = arith.constant 0 : i32
        %dma_start3A_175 = arith.constant 0 : i32
        %dma_start3A_176 = tpu.memref_slice %arg2[%dma_start3A_174, %dma_start3A_175] : memref<10000x128xf32, #tpu.memory_space<hbm>> -> memref<10000x128xf32, #tpu.memory_space<hbm>>
        tpu.enqueue_indirect_dma source(%dma_start3A_176 : memref<10000x128xf32, #tpu.memory_space<hbm>>) target(%arg12 : memref<128x128xf32, #tpu.memory_space<vmem>>) offsets(%arg8 : memref<128xi32, #tpu.memory_space<vmem>>) semaphore(%arg14 : memref<!tpu.dma_semaphore, #tpu.memory_space<semaphore_mem>>)
        %dma_start3A_177 = arith.constant 0 : i32
        %dma_start3A_178 = arith.constant 0 : i32
        %dma_start3A_179 = tpu.memref_slice %arg3[%dma_start3A_177, %dma_start3A_178] : memref<10000x128xf32, #tpu.memory_space<hbm>> -> memref<10000x128xf32, #tpu.memory_space<hbm>>
        tpu.enqueue_indirect_dma source(%dma_start3A_179 : memref<10000x128xf32, #tpu.memory_space<hbm>>) target(%arg13 : memref<128x128xf32, #tpu.memory_space<vmem>>) offsets(%arg9 : memref<128xi32, #tpu.memory_space<vmem>>) semaphore(%arg15 : memref<!tpu.dma_semaphore, #tpu.memory_space<semaphore_mem>>)
        %dma_wait3A_180 = arith.constant 0 : i32
        %dma_wait3A_181 = arith.constant 0 : i32
        %dma_wait3A_182 = tpu.memref_slice %arg2[%dma_wait3A_180, %dma_wait3A_181] : memref<10000x128xf32, #tpu.memory_space<hbm>> -> memref<10000x128xf32, #tpu.memory_space<hbm>>
        tpu.wait_indirect_dma semaphore(%arg14 : memref<!tpu.dma_semaphore, #tpu.memory_space<semaphore_mem>>) src(%dma_wait3A_182 : memref<10000x128xf32, #tpu.memory_space<hbm>>) dst(%arg12 : memref<128x128xf32, #tpu.memory_space<vmem>>)
        %dma_wait3A_183 = arith.constant 0 : i32
        %dma_wait3A_184 = arith.constant 0 : i32
        %dma_wait3A_185 = tpu.memref_slice %arg3[%dma_wait3A_183, %dma_wait3A_184] : memref<10000x128xf32, #tpu.memory_space<hbm>> -> memref<10000x128xf32, #tpu.memory_space<hbm>>
        tpu.wait_indirect_dma semaphore(%arg15 : memref<!tpu.dma_semaphore, #tpu.memory_space<semaphore_mem>>) src(%dma_wait3A_185 : memref<10000x128xf32, #tpu.memory_space<hbm>>) dst(%arg13 : memref<128x128xf32, #tpu.memory_space<vmem>>)
        %dma_start3A_186 = arith.constant 0 : i32
        %dma_start3A_187 = tpu.memref_slice %arg6[%mul3A_167, %dma_start3A_186] : memref<320000x128xf32, #tpu.memory_space<hbm>> -> memref<128x128xf32, #tpu.memory_space<hbm>>
        %dma_start3A_188 = arith.constant 0 : i32
        %dma_start3A_189 = tpu.memref_slice %arg6[%mul3A_167, %dma_start3A_188] : memref<320000x128xf32, #tpu.memory_space<hbm>> -> memref<128x128xf32, #tpu.memory_space<hbm>>
        tpu.enqueue_dma source(%arg12 : memref<128x128xf32, #tpu.memory_space<vmem>>) target(%dma_start3A_189 : memref<128x128xf32, #tpu.memory_space<hbm>>) target_semaphore(%arg18 : memref<!tpu.dma_semaphore, #tpu.memory_space<semaphore_mem>>)
        %dma_start3A_190 = arith.constant 0 : i32
        %dma_start3A_191 = tpu.memref_slice %arg7[%mul3A_167, %dma_start3A_190] : memref<320000x128xf32, #tpu.memory_space<hbm>> -> memref<128x128xf32, #tpu.memory_space<hbm>>
        %dma_start3A_192 = arith.constant 0 : i32
        %dma_start3A_193 = tpu.memref_slice %arg7[%mul3A_167, %dma_start3A_192] : memref<320000x128xf32, #tpu.memory_space<hbm>> -> memref<128x128xf32, #tpu.memory_space<hbm>>
        tpu.enqueue_dma source(%arg13 : memref<128x128xf32, #tpu.memory_space<vmem>>) target(%dma_start3A_193 : memref<128x128xf32, #tpu.memory_space<hbm>>) target_semaphore(%arg19 : memref<!tpu.dma_semaphore, #tpu.memory_space<semaphore_mem>>)
      } else {
      }
    }
    %scan3A_12 = arith.constant 79 : i32
    %ge3A = arith.constant 1 : i32
    %ge3A_13 = arith.cmpi sge, %add3A_8, %ge3A : i32
    %sub3A = arith.constant 1 : i32
    %sub3A_14 = arith.subi %add3A_8, %sub3A : i32
    %jit3A_15 = arith.constant 2 : i32
    %eq3A = arith.constant 0 : i32
    %eq3A_16 = arith.cmpi eq, %jit3A_15, %eq3A : i32
    %jit3A_17 = arith.constant 1 : i32
    %select_n3A_18 = arith.select %eq3A_16, %jit3A_17, %jit3A_15 : i32
    %rem3A = arith.remsi %sub3A_14, %select_n3A_18 : i32
    %ne3A = arith.constant 0 : i32
    %ne3A_19 = arith.cmpi ne, %rem3A, %ne3A : i32
    %lt3A_20 = arith.constant 0 : i32
    %lt3A_21 = arith.cmpi slt, %rem3A, %lt3A_20 : i32
    %lt3A_22 = arith.constant 0 : i32
    %lt3A_23 = arith.cmpi slt, %select_n3A_18, %lt3A_22 : i32
    %ne3A_24 = arith.xori %lt3A_21, %lt3A_23 : i1
    %and3A = arith.andi %ne3A_24, %ne3A_19 : i1
    %add3A_25 = arith.addi %rem3A, %select_n3A_18 : i32
    %select_n3A_26 = arith.select %and3A, %add3A_25, %rem3A : i32
    %eq3A_27 = arith.constant 0 : i32
    %eq3A_28 = arith.cmpi eq, %select_n3A_26, %eq3A_27 : i32
    %and3A_29 = arith.andi %ge3A_13, %eq3A_28 : i1
    %convert_element_type3A = arith.extui %and3A_29 : i1 to i32
    %cond3A = arith.constant 0 : i32
    %cond3A_30 = arith.cmpi ne, %convert_element_type3A, %cond3A : i32
    scf.if %cond3A_30 {
      %dma_wait3A = arith.constant 0 : i32
      %dma_wait3A_109 = arith.constant 0 : i32
      %dma_wait3A_110 = tpu.memref_slice %arg6[%dma_wait3A, %dma_wait3A_109] : memref<320000x128xf32, #tpu.memory_space<hbm>> -> memref<128x128xf32, #tpu.memory_space<hbm>>
      %dma_wait3A_111 = arith.constant 0 : i32
      %dma_wait3A_112 = arith.constant 0 : i32
      %dma_wait3A_113 = tpu.memref_slice %arg6[%dma_wait3A_111, %dma_wait3A_112] : memref<320000x128xf32, #tpu.memory_space<hbm>> -> memref<128x128xf32, #tpu.memory_space<hbm>>
      tpu.wait_dma2 semaphore(%arg16 : memref<!tpu.dma_semaphore, #tpu.memory_space<semaphore_mem>>) src(%arg10 : memref<128x128xf32, #tpu.memory_space<vmem>>) dst(%dma_wait3A_113 : memref<128x128xf32, #tpu.memory_space<hbm>>)
      %dma_wait3A_114 = arith.constant 0 : i32
      %dma_wait3A_115 = arith.constant 0 : i32
      %dma_wait3A_116 = tpu.memref_slice %arg7[%dma_wait3A_114, %dma_wait3A_115] : memref<320000x128xf32, #tpu.memory_space<hbm>> -> memref<128x128xf32, #tpu.memory_space<hbm>>
      %dma_wait3A_117 = arith.constant 0 : i32
      %dma_wait3A_118 = arith.constant 0 : i32
      %dma_wait3A_119 = tpu.memref_slice %arg7[%dma_wait3A_117, %dma_wait3A_118] : memref<320000x128xf32, #tpu.memory_space<hbm>> -> memref<128x128xf32, #tpu.memory_space<hbm>>
      tpu.wait_dma2 semaphore(%arg17 : memref<!tpu.dma_semaphore, #tpu.memory_space<semaphore_mem>>) src(%arg11 : memref<128x128xf32, #tpu.memory_space<vmem>>) dst(%dma_wait3A_119 : memref<128x128xf32, #tpu.memory_space<hbm>>)
    } else {
    }
    %ge3A_31 = arith.constant 1 : i32
    %ge3A_32 = arith.cmpi sge, %add3A_8, %ge3A_31 : i32
    %sub3A_33 = arith.constant 1 : i32
    %sub3A_34 = arith.subi %add3A_8, %sub3A_33 : i32
    %jit3A_35 = arith.constant 2 : i32
    %eq3A_36 = arith.constant 0 : i32
    %eq3A_37 = arith.cmpi eq, %jit3A_35, %eq3A_36 : i32
    %jit3A_38 = arith.constant 1 : i32
    %select_n3A_39 = arith.select %eq3A_37, %jit3A_38, %jit3A_35 : i32
    %rem3A_40 = arith.remsi %sub3A_34, %select_n3A_39 : i32
    %ne3A_41 = arith.constant 0 : i32
    %ne3A_42 = arith.cmpi ne, %rem3A_40, %ne3A_41 : i32
    %lt3A_43 = arith.constant 0 : i32
    %lt3A_44 = arith.cmpi slt, %rem3A_40, %lt3A_43 : i32
    %lt3A_45 = arith.constant 0 : i32
    %lt3A_46 = arith.cmpi slt, %select_n3A_39, %lt3A_45 : i32
    %ne3A_47 = arith.xori %lt3A_44, %lt3A_46 : i1
    %and3A_48 = arith.andi %ne3A_47, %ne3A_42 : i1
    %add3A_49 = arith.addi %rem3A_40, %select_n3A_39 : i32
    %select_n3A_50 = arith.select %and3A_48, %add3A_49, %rem3A_40 : i32
    %eq3A_51 = arith.constant 1 : i32
    %eq3A_52 = arith.cmpi eq, %select_n3A_50, %eq3A_51 : i32
    %and3A_53 = arith.andi %ge3A_32, %eq3A_52 : i1
    %convert_element_type3A_54 = arith.extui %and3A_53 : i1 to i32
    %cond3A_55 = arith.constant 0 : i32
    %cond3A_56 = arith.cmpi ne, %convert_element_type3A_54, %cond3A_55 : i32
    scf.if %cond3A_56 {
      %dma_wait3A = arith.constant 0 : i32
      %dma_wait3A_109 = arith.constant 0 : i32
      %dma_wait3A_110 = tpu.memref_slice %arg6[%dma_wait3A, %dma_wait3A_109] : memref<320000x128xf32, #tpu.memory_space<hbm>> -> memref<128x128xf32, #tpu.memory_space<hbm>>
      %dma_wait3A_111 = arith.constant 0 : i32
      %dma_wait3A_112 = arith.constant 0 : i32
      %dma_wait3A_113 = tpu.memref_slice %arg6[%dma_wait3A_111, %dma_wait3A_112] : memref<320000x128xf32, #tpu.memory_space<hbm>> -> memref<128x128xf32, #tpu.memory_space<hbm>>
      tpu.wait_dma2 semaphore(%arg18 : memref<!tpu.dma_semaphore, #tpu.memory_space<semaphore_mem>>) src(%arg12 : memref<128x128xf32, #tpu.memory_space<vmem>>) dst(%dma_wait3A_113 : memref<128x128xf32, #tpu.memory_space<hbm>>)
      %dma_wait3A_114 = arith.constant 0 : i32
      %dma_wait3A_115 = arith.constant 0 : i32
      %dma_wait3A_116 = tpu.memref_slice %arg7[%dma_wait3A_114, %dma_wait3A_115] : memref<320000x128xf32, #tpu.memory_space<hbm>> -> memref<128x128xf32, #tpu.memory_space<hbm>>
      %dma_wait3A_117 = arith.constant 0 : i32
      %dma_wait3A_118 = arith.constant 0 : i32
      %dma_wait3A_119 = tpu.memref_slice %arg7[%dma_wait3A_117, %dma_wait3A_118] : memref<320000x128xf32, #tpu.memory_space<hbm>> -> memref<128x128xf32, #tpu.memory_space<hbm>>
      tpu.wait_dma2 semaphore(%arg19 : memref<!tpu.dma_semaphore, #tpu.memory_space<semaphore_mem>>) src(%arg13 : memref<128x128xf32, #tpu.memory_space<vmem>>) dst(%dma_wait3A_119 : memref<128x128xf32, #tpu.memory_space<hbm>>)
    } else {
    }
    %ge3A_57 = arith.constant 2 : i32
    %ge3A_58 = arith.cmpi sge, %add3A_8, %ge3A_57 : i32
    %sub3A_59 = arith.constant 2 : i32
    %sub3A_60 = arith.subi %add3A_8, %sub3A_59 : i32
    %jit3A_61 = arith.constant 2 : i32
    %eq3A_62 = arith.constant 0 : i32
    %eq3A_63 = arith.cmpi eq, %jit3A_61, %eq3A_62 : i32
    %jit3A_64 = arith.constant 1 : i32
    %select_n3A_65 = arith.select %eq3A_63, %jit3A_64, %jit3A_61 : i32
    %rem3A_66 = arith.remsi %sub3A_60, %select_n3A_65 : i32
    %ne3A_67 = arith.constant 0 : i32
    %ne3A_68 = arith.cmpi ne, %rem3A_66, %ne3A_67 : i32
    %lt3A_69 = arith.constant 0 : i32
    %lt3A_70 = arith.cmpi slt, %rem3A_66, %lt3A_69 : i32
    %lt3A_71 = arith.constant 0 : i32
    %lt3A_72 = arith.cmpi slt, %select_n3A_65, %lt3A_71 : i32
    %ne3A_73 = arith.xori %lt3A_70, %lt3A_72 : i1
    %and3A_74 = arith.andi %ne3A_73, %ne3A_68 : i1
    %add3A_75 = arith.addi %rem3A_66, %select_n3A_65 : i32
    %select_n3A_76 = arith.select %and3A_74, %add3A_75, %rem3A_66 : i32
    %eq3A_77 = arith.constant 0 : i32
    %eq3A_78 = arith.cmpi eq, %select_n3A_76, %eq3A_77 : i32
    %and3A_79 = arith.andi %ge3A_58, %eq3A_78 : i1
    %convert_element_type3A_80 = arith.extui %and3A_79 : i1 to i32
    %cond3A_81 = arith.constant 0 : i32
    %cond3A_82 = arith.cmpi ne, %convert_element_type3A_80, %cond3A_81 : i32
    scf.if %cond3A_82 {
      %dma_wait3A = arith.constant 0 : i32
      %dma_wait3A_109 = arith.constant 0 : i32
      %dma_wait3A_110 = tpu.memref_slice %arg6[%dma_wait3A, %dma_wait3A_109] : memref<320000x128xf32, #tpu.memory_space<hbm>> -> memref<128x128xf32, #tpu.memory_space<hbm>>
      %dma_wait3A_111 = arith.constant 0 : i32
      %dma_wait3A_112 = arith.constant 0 : i32
      %dma_wait3A_113 = tpu.memref_slice %arg6[%dma_wait3A_111, %dma_wait3A_112] : memref<320000x128xf32, #tpu.memory_space<hbm>> -> memref<128x128xf32, #tpu.memory_space<hbm>>
      tpu.wait_dma2 semaphore(%arg16 : memref<!tpu.dma_semaphore, #tpu.memory_space<semaphore_mem>>) src(%arg10 : memref<128x128xf32, #tpu.memory_space<vmem>>) dst(%dma_wait3A_113 : memref<128x128xf32, #tpu.memory_space<hbm>>)
      %dma_wait3A_114 = arith.constant 0 : i32
      %dma_wait3A_115 = arith.constant 0 : i32
      %dma_wait3A_116 = tpu.memref_slice %arg7[%dma_wait3A_114, %dma_wait3A_115] : memref<320000x128xf32, #tpu.memory_space<hbm>> -> memref<128x128xf32, #tpu.memory_space<hbm>>
      %dma_wait3A_117 = arith.constant 0 : i32
      %dma_wait3A_118 = arith.constant 0 : i32
      %dma_wait3A_119 = tpu.memref_slice %arg7[%dma_wait3A_117, %dma_wait3A_118] : memref<320000x128xf32, #tpu.memory_space<hbm>> -> memref<128x128xf32, #tpu.memory_space<hbm>>
      tpu.wait_dma2 semaphore(%arg17 : memref<!tpu.dma_semaphore, #tpu.memory_space<semaphore_mem>>) src(%arg11 : memref<128x128xf32, #tpu.memory_space<vmem>>) dst(%dma_wait3A_119 : memref<128x128xf32, #tpu.memory_space<hbm>>)
    } else {
    }
    %ge3A_83 = arith.constant 2 : i32
    %ge3A_84 = arith.cmpi sge, %add3A_8, %ge3A_83 : i32
    %sub3A_85 = arith.constant 2 : i32
    %sub3A_86 = arith.subi %add3A_8, %sub3A_85 : i32
    %jit3A_87 = arith.constant 2 : i32
    %eq3A_88 = arith.constant 0 : i32
    %eq3A_89 = arith.cmpi eq, %jit3A_87, %eq3A_88 : i32
    %jit3A_90 = arith.constant 1 : i32
    %select_n3A_91 = arith.select %eq3A_89, %jit3A_90, %jit3A_87 : i32
    %rem3A_92 = arith.remsi %sub3A_86, %select_n3A_91 : i32
    %ne3A_93 = arith.constant 0 : i32
    %ne3A_94 = arith.cmpi ne, %rem3A_92, %ne3A_93 : i32
    %lt3A_95 = arith.constant 0 : i32
    %lt3A_96 = arith.cmpi slt, %rem3A_92, %lt3A_95 : i32
    %lt3A_97 = arith.constant 0 : i32
    %lt3A_98 = arith.cmpi slt, %select_n3A_91, %lt3A_97 : i32
    %ne3A_99 = arith.xori %lt3A_96, %lt3A_98 : i1
    %and3A_100 = arith.andi %ne3A_99, %ne3A_94 : i1
    %add3A_101 = arith.addi %rem3A_92, %select_n3A_91 : i32
    %select_n3A_102 = arith.select %and3A_100, %add3A_101, %rem3A_92 : i32
    %eq3A_103 = arith.constant 1 : i32
    %eq3A_104 = arith.cmpi eq, %select_n3A_102, %eq3A_103 : i32
    %and3A_105 = arith.andi %ge3A_84, %eq3A_104 : i1
    %convert_element_type3A_106 = arith.extui %and3A_105 : i1 to i32
    %cond3A_107 = arith.constant 0 : i32
    %cond3A_108 = arith.cmpi ne, %convert_element_type3A_106, %cond3A_107 : i32
    scf.if %cond3A_108 {
      %dma_wait3A = arith.constant 0 : i32
      %dma_wait3A_109 = arith.constant 0 : i32
      %dma_wait3A_110 = tpu.memref_slice %arg6[%dma_wait3A, %dma_wait3A_109] : memref<320000x128xf32, #tpu.memory_space<hbm>> -> memref<128x128xf32, #tpu.memory_space<hbm>>
      %dma_wait3A_111 = arith.constant 0 : i32
      %dma_wait3A_112 = arith.constant 0 : i32
      %dma_wait3A_113 = tpu.memref_slice %arg6[%dma_wait3A_111, %dma_wait3A_112] : memref<320000x128xf32, #tpu.memory_space<hbm>> -> memref<128x128xf32, #tpu.memory_space<hbm>>
      tpu.wait_dma2 semaphore(%arg18 : memref<!tpu.dma_semaphore, #tpu.memory_space<semaphore_mem>>) src(%arg12 : memref<128x128xf32, #tpu.memory_space<vmem>>) dst(%dma_wait3A_113 : memref<128x128xf32, #tpu.memory_space<hbm>>)
      %dma_wait3A_114 = arith.constant 0 : i32
      %dma_wait3A_115 = arith.constant 0 : i32
      %dma_wait3A_116 = tpu.memref_slice %arg7[%dma_wait3A_114, %dma_wait3A_115] : memref<320000x128xf32, #tpu.memory_space<hbm>> -> memref<128x128xf32, #tpu.memory_space<hbm>>
      %dma_wait3A_117 = arith.constant 0 : i32
      %dma_wait3A_118 = arith.constant 0 : i32
      %dma_wait3A_119 = tpu.memref_slice %arg7[%dma_wait3A_117, %dma_wait3A_118] : memref<320000x128xf32, #tpu.memory_space<hbm>> -> memref<128x128xf32, #tpu.memory_space<hbm>>
      tpu.wait_dma2 semaphore(%arg19 : memref<!tpu.dma_semaphore, #tpu.memory_space<semaphore_mem>>) src(%arg13 : memref<128x128xf32, #tpu.memory_space<vmem>>) dst(%dma_wait3A_119 : memref<128x128xf32, #tpu.memory_space<hbm>>)
    } else {
    }
    return
  }
}

#map = affine_map<(d0, d1) -> (0, 0)>
#map1 = affine_map<(d0, d1) -> (0)>
module attributes {stable_mosaic.version = 14 : i64} {
  func.func @k(%arg0: i32, %arg1: i32, %arg2: memref<320000x128xf32, #tpu.memory_space<hbm>>, %arg3: memref<2560000xf32, #tpu.memory_space<hbm>>, %arg4: memref<320000xi32, #tpu.memory_space<hbm>>, %arg5: memref<10640x128xf32, #tpu.memory_space<hbm>>, %arg6: memref<21280x128xf32, #tpu.memory_space<hbm>>, %arg7: memref<128xi32, #tpu.memory_space<vmem>>, %arg8: memref<128xi32, #tpu.memory_space<vmem>>, %arg9: memref<128x128xf32, #tpu.memory_space<vmem>>, %arg10: memref<128x128xf32, #tpu.memory_space<vmem>>, %arg11: memref<1024xf32, #tpu.memory_space<vmem>>, %arg12: memref<10640x128xf32, #tpu.memory_space<vmem_shared>>, %arg13: memref<!tpu.dma_semaphore, #tpu.memory_space<semaphore_mem>>, %arg14: memref<!tpu.dma_semaphore, #tpu.memory_space<semaphore_mem>>) attributes {dimension_semantics = [#tpu.dimension_semantics<core_parallel>, #tpu.dimension_semantics<subcore_parallel>], iteration_bounds = array<i64: 2, 16>, scalar_prefetch = 0 : i64, scratch_operands = 8 : i64, tpu.core_type = #tpu.core_type<sc_vector_subcore>, window_params = [{transform_indices = #map}, {transform_indices = #map1}, {transform_indices = #map1}, {transform_indices = #map}, {transform_indices = #map}]} {
    %mul3A = arith.constant 2 : i32
    %mul3A_0 = arith.muli %arg1, %mul3A : i32
    %add3A = arith.addi %mul3A_0, %arg0 : i32
    %mul3A_1 = arith.constant 78 : i32
    %mul3A_2 = arith.muli %add3A, %mul3A_1 : i32
    %min3A = arith.constant 4 : i32
    %min3A_3 = arith.minsi %add3A, %min3A : i32
    %add3A_4 = arith.addi %mul3A_2, %min3A_3 : i32
    %lt3A = arith.constant 4 : i32
    %lt3A_5 = arith.cmpi slt, %add3A, %lt3A : i32
    %jit3A = arith.constant 1 : i32
    %jit3A_6 = arith.constant 0 : i32
    %select_n3A = arith.select %lt3A_5, %jit3A, %jit3A_6 : i32
    %add3A_7 = arith.constant 78 : i32
    %add3A_8 = arith.addi %add3A_7, %select_n3A : i32
    %broadcast_in_dim3A = arith.constant 0.000000e+00 : f32
    %broadcast_in_dim3A_9 = vector.broadcast %broadcast_in_dim3A : f32 to vector<16xf32>
    %iota3A = tpu.iota {dimensions = array<i32: 0>} : vector<16xi32>
    %scan3A = arith.constant 0 : i32
    %scan3A_10 = arith.constant 128 : i32
    %scan3A_11 = arith.addi %scan3A, %scan3A_10 : i32
    %scan3A_12 = arith.constant 1 : i32
    scf.for %scan3A_30 = %scan3A to %scan3A_11 step %scan3A_12  : i32 {
      %mul3A_31 = arith.constant 1 : i32
      %mul3A_32 = arith.muli %scan3A_30, %mul3A_31 : i32
      %add3A_33 = arith.constant 0 : i32
      %add3A_34 = arith.addi %add3A_33, %mul3A_32 : i32
      %scan3A_35 = arith.constant 0 : i32
      %scan3A_36 = arith.constant 8 : i32
      %scan3A_37 = arith.addi %scan3A_35, %scan3A_36 : i32
      %scan3A_38 = arith.constant 1 : i32
      scf.for %scan3A_40 = %scan3A_35 to %scan3A_37 step %scan3A_38  : i32 {
        %mul3A_41 = arith.constant 1 : i32
        %mul3A_42 = arith.muli %scan3A_40, %mul3A_41 : i32
        %add3A_43 = arith.constant 0 : i32
        %add3A_44 = arith.addi %add3A_43, %mul3A_42 : i32
        %mul3A_45 = arith.constant 16 : i32
        %mul3A_46 = arith.muli %add3A_44, %mul3A_45 : i32
        %swap3A = arith.index_cast %add3A_34 : i32 to index
        %swap3A_47 = arith.index_cast %mul3A_46 : i32 to index
        %swap3A_48 = tpu.vector_load %arg10[%swap3A, %swap3A_47] {strides = array<i32>} : memref<128x128xf32, #tpu.memory_space<vmem>>, vector<16xf32>,
        tpu.vector_store %arg10[%swap3A, %swap3A_47], %broadcast_in_dim3A_9 {strides = array<i32>} : memref<128x128xf32, #tpu.memory_space<vmem>>, vector<16xf32>,
      }
      %scan3A_39 = arith.constant 8 : i32
    }
    %scan3A_13 = arith.constant 128 : i32
    %scan3A_14 = arith.constant 0 : i32
    %scan3A_15 = arith.constant 9 : i32
    %scan3A_16 = arith.addi %scan3A_14, %scan3A_15 : i32
    %scan3A_17 = arith.constant 1 : i32
    scf.for %scan3A_30 = %scan3A_14 to %scan3A_16 step %scan3A_17  : i32 {
      %mul3A_31 = arith.constant 1 : i32
      %mul3A_32 = arith.muli %scan3A_30, %mul3A_31 : i32
      %add3A_33 = arith.constant 0 : i32
      %add3A_34 = arith.addi %add3A_33, %mul3A_32 : i32
      %mul3A_35 = arith.constant 16 : i32
      %mul3A_36 = arith.muli %add3A_34, %mul3A_35 : i32
      %add3A_37 = arith.addi %mul3A_36, %arg1 : i32
      %lt3A_38 = arith.constant 133 : i32
      %lt3A_39 = arith.cmpi slt, %add3A_37, %lt3A_38 : i32
      %convert_element_type3A = arith.extui %lt3A_39 : i1 to i32
      %cond3A = arith.constant 0 : i32
      %cond3A_40 = arith.cmpi ne, %convert_element_type3A, %cond3A : i32
      scf.if %cond3A_40 {
        %mul3A_41 = arith.constant 80 : i32
        %mul3A_42 = arith.muli %add3A_37, %mul3A_41 : i32
        "tpu.region"() ({
          %run_scoped3A = tpu.sem_alloc : memref<!tpu.dma_semaphore, #tpu.memory_space<semaphore_mem>>
          %dma_start3A = arith.constant 0 : i32
          %dma_start3A_45 = arith.constant 0 : i32
          %dma_start3A_46 = tpu.memref_slice %arg9[%dma_start3A, %dma_start3A_45] : memref<128x128xf32, #tpu.memory_space<vmem>> -> memref<80x128xf32, #tpu.memory_space<vmem>>
          %dma_start3A_47 = arith.constant 0 : i32
          %dma_start3A_48 = tpu.memref_slice %arg5[%mul3A_42, %dma_start3A_47] : memref<10640x128xf32, #tpu.memory_space<hbm>> -> memref<80x128xf32, #tpu.memory_space<hbm>>
          %dma_start3A_49 = arith.constant 0 : i32
          %dma_start3A_50 = arith.constant 0 : i32
          %dma_start3A_51 = tpu.memref_slice %arg9[%dma_start3A_49, %dma_start3A_50] : memref<128x128xf32, #tpu.memory_space<vmem>> -> memref<80x128xf32, #tpu.memory_space<vmem>>
          %dma_start3A_52 = arith.constant 0 : i32
          %dma_start3A_53 = tpu.memref_slice %arg5[%mul3A_42, %dma_start3A_52] : memref<10640x128xf32, #tpu.memory_space<hbm>> -> memref<80x128xf32, #tpu.memory_space<hbm>>
          tpu.enqueue_dma source(%dma_start3A_53 : memref<80x128xf32, #tpu.memory_space<hbm>>) target(%dma_start3A_51 : memref<80x128xf32, #tpu.memory_space<vmem>>) target_semaphore(%run_scoped3A : memref<!tpu.dma_semaphore, #tpu.memory_space<semaphore_mem>>)
          %dma_wait3A = arith.constant 0 : i32
          %dma_wait3A_54 = arith.constant 0 : i32
          %dma_wait3A_55 = tpu.memref_slice %arg9[%dma_wait3A, %dma_wait3A_54] : memref<128x128xf32, #tpu.memory_space<vmem>> -> memref<80x128xf32, #tpu.memory_space<vmem>>
          %dma_wait3A_56 = arith.constant 0 : i32
          %dma_wait3A_57 = tpu.memref_slice %arg5[%mul3A_42, %dma_wait3A_56] : memref<10640x128xf32, #tpu.memory_space<hbm>> -> memref<80x128xf32, #tpu.memory_space<hbm>>
          %dma_wait3A_58 = arith.constant 0 : i32
          %dma_wait3A_59 = arith.constant 0 : i32
          %dma_wait3A_60 = tpu.memref_slice %arg9[%dma_wait3A_58, %dma_wait3A_59] : memref<128x128xf32, #tpu.memory_space<vmem>> -> memref<80x128xf32, #tpu.memory_space<vmem>>
          %dma_wait3A_61 = arith.constant 0 : i32
          %dma_wait3A_62 = tpu.memref_slice %arg5[%mul3A_42, %dma_wait3A_61] : memref<10640x128xf32, #tpu.memory_space<hbm>> -> memref<80x128xf32, #tpu.memory_space<hbm>>
          tpu.wait_dma2 semaphore(%run_scoped3A : memref<!tpu.dma_semaphore, #tpu.memory_space<semaphore_mem>>) src(%dma_wait3A_62 : memref<80x128xf32, #tpu.memory_space<hbm>>) dst(%dma_wait3A_60 : memref<80x128xf32, #tpu.memory_space<vmem>>)
          tpu.yield
        }) : () -> ()
        %mul3A_43 = arith.constant 80 : i32
        %mul3A_44 = arith.muli %add3A_37, %mul3A_43 : i32
        "tpu.region"() ({
          %run_scoped3A = tpu.sem_alloc : memref<!tpu.dma_semaphore, #tpu.memory_space<semaphore_mem>>
          %dma_start3A = arith.constant 0 : i32
          %dma_start3A_45 = arith.constant 0 : i32
          %dma_start3A_46 = tpu.memref_slice %arg9[%dma_start3A, %dma_start3A_45] : memref<128x128xf32, #tpu.memory_space<vmem>> -> memref<80x128xf32, #tpu.memory_space<vmem>>
          %dma_start3A_47 = arith.constant 0 : i32
          %dma_start3A_48 = tpu.memref_slice %arg12[%mul3A_44, %dma_start3A_47] : memref<10640x128xf32, #tpu.memory_space<vmem_shared>> -> memref<80x128xf32, #tpu.memory_space<vmem_shared>>
          %dma_start3A_49 = arith.constant 0 : i32
          %dma_start3A_50 = tpu.memref_slice %arg12[%mul3A_44, %dma_start3A_49] : memref<10640x128xf32, #tpu.memory_space<vmem_shared>> -> memref<80x128xf32, #tpu.memory_space<vmem_shared>>
          %dma_start3A_51 = arith.constant 0 : i32
          %dma_start3A_52 = arith.constant 0 : i32
          %dma_start3A_53 = tpu.memref_slice %arg9[%dma_start3A_51, %dma_start3A_52] : memref<128x128xf32, #tpu.memory_space<vmem>> -> memref<80x128xf32, #tpu.memory_space<vmem>>
          tpu.enqueue_dma source(%dma_start3A_53 : memref<80x128xf32, #tpu.memory_space<vmem>>) target(%dma_start3A_50 : memref<80x128xf32, #tpu.memory_space<vmem_shared>>) target_semaphore(%run_scoped3A : memref<!tpu.dma_semaphore, #tpu.memory_space<semaphore_mem>>)
          %dma_wait3A = arith.constant 0 : i32
          %dma_wait3A_54 = arith.constant 0 : i32
          %dma_wait3A_55 = tpu.memref_slice %arg9[%dma_wait3A, %dma_wait3A_54] : memref<128x128xf32, #tpu.memory_space<vmem>> -> memref<80x128xf32, #tpu.memory_space<vmem>>
          %dma_wait3A_56 = arith.constant 0 : i32
          %dma_wait3A_57 = tpu.memref_slice %arg12[%mul3A_44, %dma_wait3A_56] : memref<10640x128xf32, #tpu.memory_space<vmem_shared>> -> memref<80x128xf32, #tpu.memory_space<vmem_shared>>
          %dma_wait3A_58 = arith.constant 0 : i32
          %dma_wait3A_59 = tpu.memref_slice %arg12[%mul3A_44, %dma_wait3A_58] : memref<10640x128xf32, #tpu.memory_space<vmem_shared>> -> memref<80x128xf32, #tpu.memory_space<vmem_shared>>
          %dma_wait3A_60 = arith.constant 0 : i32
          %dma_wait3A_61 = arith.constant 0 : i32
          %dma_wait3A_62 = tpu.memref_slice %arg9[%dma_wait3A_60, %dma_wait3A_61] : memref<128x128xf32, #tpu.memory_space<vmem>> -> memref<80x128xf32, #tpu.memory_space<vmem>>
          tpu.wait_dma2 semaphore(%run_scoped3A : memref<!tpu.dma_semaphore, #tpu.memory_space<semaphore_mem>>) src(%dma_wait3A_62 : memref<80x128xf32, #tpu.memory_space<vmem>>) dst(%dma_wait3A_59 : memref<80x128xf32, #tpu.memory_space<vmem_shared>>)
          tpu.yield
        }) : () -> ()
      } else {
      }
    }
    %scan3A_18 = arith.constant 9 : i32
    %barrier3A = arith.constant 0 : index
    tpu.barrier barrier_id(%barrier3A)
    %scan3A_19 = arith.constant 0 : i32
    %scan3A_20 = arith.constant 79 : i32
    %scan3A_21 = arith.addi %scan3A_19, %scan3A_20 : i32
    %scan3A_22 = arith.constant 1 : i32
    scf.for %scan3A_30 = %scan3A_19 to %scan3A_21 step %scan3A_22  : i32 {
      %mul3A_31 = arith.constant 1 : i32
      %mul3A_32 = arith.muli %scan3A_30, %mul3A_31 : i32
      %add3A_33 = arith.constant 0 : i32
      %add3A_34 = arith.addi %add3A_33, %mul3A_32 : i32
      %lt3A_35 = arith.cmpi slt, %add3A_34, %add3A_8 : i32
      %convert_element_type3A = arith.extui %lt3A_35 : i1 to i32
      %cond3A = arith.constant 0 : i32
      %cond3A_36 = arith.cmpi ne, %convert_element_type3A, %cond3A : i32
      scf.if %cond3A_36 {
        %add3A_37 = arith.addi %add3A_4, %add3A_34 : i32
        %mul3A_38 = arith.constant 128 : i32
        %mul3A_39 = arith.muli %add3A_37, %mul3A_38 : i32
        %dma_start3A = tpu.memref_slice %arg4[%mul3A_39] : memref<320000xi32, #tpu.memory_space<hbm>> -> memref<128xi32, #tpu.memory_space<hbm>>
        %dma_start3A_40 = tpu.memref_slice %arg4[%mul3A_39] : memref<320000xi32, #tpu.memory_space<hbm>> -> memref<128xi32, #tpu.memory_space<hbm>>
        tpu.enqueue_dma source(%dma_start3A_40 : memref<128xi32, #tpu.memory_space<hbm>>) target(%arg7 : memref<128xi32, #tpu.memory_space<vmem>>) target_semaphore(%arg13 : memref<!tpu.dma_semaphore, #tpu.memory_space<semaphore_mem>>)
        %dma_start3A_41 = arith.constant 0 : i32
        %dma_start3A_42 = tpu.memref_slice %arg2[%mul3A_39, %dma_start3A_41] : memref<320000x128xf32, #tpu.memory_space<hbm>> -> memref<128x128xf32, #tpu.memory_space<hbm>>
        %dma_start3A_43 = arith.constant 0 : i32
        %dma_start3A_44 = tpu.memref_slice %arg2[%mul3A_39, %dma_start3A_43] : memref<320000x128xf32, #tpu.memory_space<hbm>> -> memref<128x128xf32, #tpu.memory_space<hbm>>
        tpu.enqueue_dma source(%dma_start3A_44 : memref<128x128xf32, #tpu.memory_space<hbm>>) target(%arg9 : memref<128x128xf32, #tpu.memory_space<vmem>>) target_semaphore(%arg14 : memref<!tpu.dma_semaphore, #tpu.memory_space<semaphore_mem>>)
        %mul3A_45 = arith.constant 8 : i32
        %mul3A_46 = arith.muli %mul3A_39, %mul3A_45 : i32
        %dma_start3A_47 = tpu.memref_slice %arg3[%mul3A_46] : memref<2560000xf32, #tpu.memory_space<hbm>> -> memref<1024xf32, #tpu.memory_space<hbm>>
        %dma_start3A_48 = tpu.memref_slice %arg3[%mul3A_46] : memref<2560000xf32, #tpu.memory_space<hbm>> -> memref<1024xf32, #tpu.memory_space<hbm>>
        tpu.enqueue_dma source(%dma_start3A_48 : memref<1024xf32, #tpu.memory_space<hbm>>) target(%arg11 : memref<1024xf32, #tpu.memory_space<vmem>>) target_semaphore(%arg13 : memref<!tpu.dma_semaphore, #tpu.memory_space<semaphore_mem>>)
        %dma_wait3A = tpu.memref_slice %arg4[%mul3A_39] : memref<320000xi32, #tpu.memory_space<hbm>> -> memref<128xi32, #tpu.memory_space<hbm>>
        %dma_wait3A_49 = tpu.memref_slice %arg4[%mul3A_39] : memref<320000xi32, #tpu.memory_space<hbm>> -> memref<128xi32, #tpu.memory_space<hbm>>
        tpu.wait_dma2 semaphore(%arg13 : memref<!tpu.dma_semaphore, #tpu.memory_space<semaphore_mem>>) src(%dma_wait3A_49 : memref<128xi32, #tpu.memory_space<hbm>>) dst(%arg7 : memref<128xi32, #tpu.memory_space<vmem>>)
        %dma_wait3A_50 = arith.constant 0 : i32
        %dma_wait3A_51 = tpu.memref_slice %arg2[%mul3A_39, %dma_wait3A_50] : memref<320000x128xf32, #tpu.memory_space<hbm>> -> memref<128x128xf32, #tpu.memory_space<hbm>>
        %dma_wait3A_52 = arith.constant 0 : i32
        %dma_wait3A_53 = tpu.memref_slice %arg2[%mul3A_39, %dma_wait3A_52] : memref<320000x128xf32, #tpu.memory_space<hbm>> -> memref<128x128xf32, #tpu.memory_space<hbm>>
        tpu.wait_dma2 semaphore(%arg14 : memref<!tpu.dma_semaphore, #tpu.memory_space<semaphore_mem>>) src(%dma_wait3A_53 : memref<128x128xf32, #tpu.memory_space<hbm>>) dst(%arg9 : memref<128x128xf32, #tpu.memory_space<vmem>>)
        %dma_wait3A_54 = tpu.memref_slice %arg3[%mul3A_46] : memref<2560000xf32, #tpu.memory_space<hbm>> -> memref<1024xf32, #tpu.memory_space<hbm>>
        %dma_wait3A_55 = tpu.memref_slice %arg3[%mul3A_46] : memref<2560000xf32, #tpu.memory_space<hbm>> -> memref<1024xf32, #tpu.memory_space<hbm>>
        tpu.wait_dma2 semaphore(%arg13 : memref<!tpu.dma_semaphore, #tpu.memory_space<semaphore_mem>>) src(%dma_wait3A_55 : memref<1024xf32, #tpu.memory_space<hbm>>) dst(%arg11 : memref<1024xf32, #tpu.memory_space<vmem>>)
        %dma_start3A_56 = arith.constant 0 : i32
        %dma_start3A_57 = arith.constant 0 : i32
        %dma_start3A_58 = tpu.memref_slice %arg12[%dma_start3A_56, %dma_start3A_57] : memref<10640x128xf32, #tpu.memory_space<vmem_shared>> -> memref<10640x128xf32, #tpu.memory_space<vmem_shared>>
        tpu.enqueue_indirect_dma source(%arg9 : memref<128x128xf32, #tpu.memory_space<vmem>>) target(%dma_start3A_58 : memref<10640x128xf32, #tpu.memory_space<vmem_shared>>) offsets(%arg7 : memref<128xi32, #tpu.memory_space<vmem>>) semaphore(%arg13 : memref<!tpu.dma_semaphore, #tpu.memory_space<semaphore_mem>>) {add = true}
        %scan3A_59 = arith.constant 0 : i32
        %scan3A_60 = arith.constant 8 : i32
        %scan3A_61 = arith.addi %scan3A_59, %scan3A_60 : i32
        %scan3A_62 = arith.constant 1 : i32
        scf.for %scan3A_78 = %scan3A_59 to %scan3A_61 step %scan3A_62  : i32 {
          %mul3A_79 = arith.constant 1 : i32
          %mul3A_80 = arith.muli %scan3A_78, %mul3A_79 : i32
          %add3A_81 = arith.constant 0 : i32
          %add3A_82 = arith.addi %add3A_81, %mul3A_80 : i32
          %mul3A_83 = arith.constant 16 : i32
          %mul3A_84 = arith.muli %add3A_82, %mul3A_83 : i32
          %add3A_85 = vector.broadcast %mul3A_84 : i32 to vector<16xi32>
          %add3A_86 = arith.addi %iota3A, %add3A_85 : vector<16xi32>
          %mul3A_87 = arith.constant 16 : i32
          %mul3A_88 = arith.muli %add3A_82, %mul3A_87 : i32
          %get3A = arith.index_cast %mul3A_88 : i32 to index
          %get3A_89 = tpu.vector_load %arg7[%get3A] {strides = array<i32>} : memref<128xi32, #tpu.memory_space<vmem>>, vector<16xi32>,
          %jit3A_90 = arith.constant 16 : i32
          %div3A = vector.broadcast %jit3A_90 : i32 to vector<16xi32>
          %div3A_91 = arith.divsi %get3A_89, %div3A : vector<16xi32>
          %sign3A = arith.constant 0 : i32
          %sign3A_92 = vector.broadcast %sign3A : i32 to vector<16xi32>
          %sign3A_93 = arith.cmpi sgt, %get3A_89, %sign3A_92 : vector<16xi32>
          %sign3A_94 = arith.extui %sign3A_93 : vector<16xi1> to vector<16xi32>
          %sign3A_95 = arith.constant 0 : i32
          %sign3A_96 = vector.broadcast %sign3A_95 : i32 to vector<16xi32>
          %sign3A_97 = arith.cmpi slt, %get3A_89, %sign3A_96 : vector<16xi32>
          %sign3A_98 = arith.extui %sign3A_97 : vector<16xi1> to vector<16xi32>
          %sign3A_99 = arith.subi %sign3A_94, %sign3A_98 : vector<16xi32>
          %sign3A_100 = arith.constant 0 : i32
          %sign3A_101 = arith.cmpi sgt, %jit3A_90, %sign3A_100 : i32
          %sign3A_102 = arith.extui %sign3A_101 : i1 to i32
          %sign3A_103 = arith.constant 0 : i32
          %sign3A_104 = arith.cmpi slt, %jit3A_90, %sign3A_103 : i32
          %sign3A_105 = arith.extui %sign3A_104 : i1 to i32
          %sign3A_106 = arith.subi %sign3A_102, %sign3A_105 : i32
          %ne3A = vector.broadcast %sign3A_106 : i32 to vector<16xi32>
          %ne3A_107 = arith.cmpi ne, %sign3A_99, %ne3A : vector<16xi32>
          %rem3A = vector.broadcast %jit3A_90 : i32 to vector<16xi32>
          %rem3A_108 = arith.remsi %get3A_89, %rem3A : vector<16xi32>
          %ne3A_109 = arith.constant 0 : i32
          %ne3A_110 = vector.broadcast %ne3A_109 : i32 to vector<16xi32>
          %ne3A_111 = arith.cmpi ne, %rem3A_108, %ne3A_110 : vector<16xi32>
          %and3A = arith.andi %ne3A_107, %ne3A_111 : vector<16xi1>
          %sub3A = arith.constant 1 : i32
          %sub3A_112 = vector.broadcast %sub3A : i32 to vector<16xi32>
          %sub3A_113 = arith.subi %div3A_91, %sub3A_112 : vector<16xi32>
          %select_n3A_114 = arith.select %and3A, %sub3A_113, %div3A_91 : vector<16xi1>, vector<16xi32>
          %add3A_115 = arith.constant 10000 : i32
          %add3A_116 = vector.broadcast %add3A_115 : i32 to vector<16xi32>
          %add3A_117 = arith.addi %add3A_116, %select_n3A_114 : vector<16xi32>
          %mul3A_118 = arith.constant 16 : i32
          %mul3A_119 = arith.muli %add3A_82, %mul3A_118 : i32
          %swap3A = arith.index_cast %mul3A_119 : i32 to index
          %swap3A_120 = tpu.vector_load %arg8[%swap3A] {strides = array<i32>} : memref<128xi32, #tpu.memory_space<vmem>>, vector<16xi32>,
          tpu.vector_store %arg8[%swap3A], %add3A_117 {strides = array<i32>} : memref<128xi32, #tpu.memory_space<vmem>>, vector<16xi32>,
          %rem3A_121 = arith.constant 16 : i32
          %rem3A_122 = vector.broadcast %rem3A_121 : i32 to vector<16xi32>
          %rem3A_123 = arith.remsi %get3A_89, %rem3A_122 : vector<16xi32>
          %mul3A_124 = arith.constant 8 : i32
          %mul3A_125 = vector.broadcast %mul3A_124 : i32 to vector<16xi32>
          %mul3A_126 = arith.muli %rem3A_123, %mul3A_125 : vector<16xi32>
          %mul3A_127 = arith.constant 8 : i32
          %mul3A_128 = vector.broadcast %mul3A_127 : i32 to vector<16xi32>
          %mul3A_129 = arith.muli %add3A_86, %mul3A_128 : vector<16xi32>
          %add3A_130 = arith.constant 0 : i32
          %add3A_131 = vector.broadcast %add3A_130 : i32 to vector<16xi32>
          %add3A_132 = arith.addi %mul3A_129, %add3A_131 : vector<16xi32>
          %gather3A = tpu.vector_load_idx %arg11[%add3A_132] : memref<1024xf32, #tpu.memory_space<vmem>>[vector<16xi32>], vector<16xf32>,
          %add3A_133 = arith.constant 0 : i32
          %add3A_134 = vector.broadcast %add3A_133 : i32 to vector<16xi32>
          %add3A_135 = arith.addi %mul3A_126, %add3A_134 : vector<16xi32>
          tpu.vector_store_idx %arg10[%add3A_86, %add3A_135], %gather3A : memref<128x128xf32, #tpu.memory_space<vmem>>[vector<16xi32>, vector<16xi32>], vector<16xf32>,
          %mul3A_136 = arith.constant 8 : i32
          %mul3A_137 = vector.broadcast %mul3A_136 : i32 to vector<16xi32>
          %mul3A_138 = arith.muli %add3A_86, %mul3A_137 : vector<16xi32>
          %add3A_139 = arith.constant 1 : i32
          %add3A_140 = vector.broadcast %add3A_139 : i32 to vector<16xi32>
          %add3A_141 = arith.addi %mul3A_138, %add3A_140 : vector<16xi32>
          %gather3A_142 = tpu.vector_load_idx %arg11[%add3A_141] : memref<1024xf32, #tpu.memory_space<vmem>>[vector<16xi32>], vector<16xf32>,
          %add3A_143 = arith.constant 1 : i32
          %add3A_144 = vector.broadcast %add3A_143 : i32 to vector<16xi32>
          %add3A_145 = arith.addi %mul3A_126, %add3A_144 : vector<16xi32>
          tpu.vector_store_idx %arg10[%add3A_86, %add3A_145], %gather3A_142 : memref<128x128xf32, #tpu.memory_space<vmem>>[vector<16xi32>, vector<16xi32>], vector<16xf32>,
          %mul3A_146 = arith.constant 8 : i32
          %mul3A_147 = vector.broadcast %mul3A_146 : i32 to vector<16xi32>
          %mul3A_148 = arith.muli %add3A_86, %mul3A_147 : vector<16xi32>
          %add3A_149 = arith.constant 2 : i32
          %add3A_150 = vector.broadcast %add3A_149 : i32 to vector<16xi32>
          %add3A_151 = arith.addi %mul3A_148, %add3A_150 : vector<16xi32>
          %gather3A_152 = tpu.vector_load_idx %arg11[%add3A_151] : memref<1024xf32, #tpu.memory_space<vmem>>[vector<16xi32>], vector<16xf32>,
          %add3A_153 = arith.constant 2 : i32
          %add3A_154 = vector.broadcast %add3A_153 : i32 to vector<16xi32>
          %add3A_155 = arith.addi %mul3A_126, %add3A_154 : vector<16xi32>
          tpu.vector_store_idx %arg10[%add3A_86, %add3A_155], %gather3A_152 : memref<128x128xf32, #tpu.memory_space<vmem>>[vector<16xi32>, vector<16xi32>], vector<16xf32>,
          %mul3A_156 = arith.constant 8 : i32
          %mul3A_157 = vector.broadcast %mul3A_156 : i32 to vector<16xi32>
          %mul3A_158 = arith.muli %add3A_86, %mul3A_157 : vector<16xi32>
          %add3A_159 = arith.constant 3 : i32
          %add3A_160 = vector.broadcast %add3A_159 : i32 to vector<16xi32>
          %add3A_161 = arith.addi %mul3A_158, %add3A_160 : vector<16xi32>
          %gather3A_162 = tpu.vector_load_idx %arg11[%add3A_161] : memref<1024xf32, #tpu.memory_space<vmem>>[vector<16xi32>], vector<16xf32>,
          %add3A_163 = arith.constant 3 : i32
          %add3A_164 = vector.broadcast %add3A_163 : i32 to vector<16xi32>
          %add3A_165 = arith.addi %mul3A_126, %add3A_164 : vector<16xi32>
          tpu.vector_store_idx %arg10[%add3A_86, %add3A_165], %gather3A_162 : memref<128x128xf32, #tpu.memory_space<vmem>>[vector<16xi32>, vector<16xi32>], vector<16xf32>,
          %mul3A_166 = arith.constant 8 : i32
          %mul3A_167 = vector.broadcast %mul3A_166 : i32 to vector<16xi32>
          %mul3A_168 = arith.muli %add3A_86, %mul3A_167 : vector<16xi32>
          %add3A_169 = arith.constant 4 : i32
          %add3A_170 = vector.broadcast %add3A_169 : i32 to vector<16xi32>
          %add3A_171 = arith.addi %mul3A_168, %add3A_170 : vector<16xi32>
          %gather3A_172 = tpu.vector_load_idx %arg11[%add3A_171] : memref<1024xf32, #tpu.memory_space<vmem>>[vector<16xi32>], vector<16xf32>,
          %add3A_173 = arith.constant 4 : i32
          %add3A_174 = vector.broadcast %add3A_173 : i32 to vector<16xi32>
          %add3A_175 = arith.addi %mul3A_126, %add3A_174 : vector<16xi32>
          tpu.vector_store_idx %arg10[%add3A_86, %add3A_175], %gather3A_172 : memref<128x128xf32, #tpu.memory_space<vmem>>[vector<16xi32>, vector<16xi32>], vector<16xf32>,
          %mul3A_176 = arith.constant 8 : i32
          %mul3A_177 = vector.broadcast %mul3A_176 : i32 to vector<16xi32>
          %mul3A_178 = arith.muli %add3A_86, %mul3A_177 : vector<16xi32>
          %add3A_179 = arith.constant 5 : i32
          %add3A_180 = vector.broadcast %add3A_179 : i32 to vector<16xi32>
          %add3A_181 = arith.addi %mul3A_178, %add3A_180 : vector<16xi32>
          %gather3A_182 = tpu.vector_load_idx %arg11[%add3A_181] : memref<1024xf32, #tpu.memory_space<vmem>>[vector<16xi32>], vector<16xf32>,
          %add3A_183 = arith.constant 5 : i32
          %add3A_184 = vector.broadcast %add3A_183 : i32 to vector<16xi32>
          %add3A_185 = arith.addi %mul3A_126, %add3A_184 : vector<16xi32>
          tpu.vector_store_idx %arg10[%add3A_86, %add3A_185], %gather3A_182 : memref<128x128xf32, #tpu.memory_space<vmem>>[vector<16xi32>, vector<16xi32>], vector<16xf32>,
          %mul3A_186 = arith.constant 8 : i32
          %mul3A_187 = vector.broadcast %mul3A_186 : i32 to vector<16xi32>
          %mul3A_188 = arith.muli %add3A_86, %mul3A_187 : vector<16xi32>
          %add3A_189 = arith.constant 6 : i32
          %add3A_190 = vector.broadcast %add3A_189 : i32 to vector<16xi32>
          %add3A_191 = arith.addi %mul3A_188, %add3A_190 : vector<16xi32>
          %gather3A_192 = tpu.vector_load_idx %arg11[%add3A_191] : memref<1024xf32, #tpu.memory_space<vmem>>[vector<16xi32>], vector<16xf32>,
          %add3A_193 = arith.constant 6 : i32
          %add3A_194 = vector.broadcast %add3A_193 : i32 to vector<16xi32>
          %add3A_195 = arith.addi %mul3A_126, %add3A_194 : vector<16xi32>
          tpu.vector_store_idx %arg10[%add3A_86, %add3A_195], %gather3A_192 : memref<128x128xf32, #tpu.memory_space<vmem>>[vector<16xi32>, vector<16xi32>], vector<16xf32>,
          %mul3A_196 = arith.constant 8 : i32
          %mul3A_197 = vector.broadcast %mul3A_196 : i32 to vector<16xi32>
          %mul3A_198 = arith.muli %add3A_86, %mul3A_197 : vector<16xi32>
          %add3A_199 = arith.constant 7 : i32
          %add3A_200 = vector.broadcast %add3A_199 : i32 to vector<16xi32>
          %add3A_201 = arith.addi %mul3A_198, %add3A_200 : vector<16xi32>
          %gather3A_202 = tpu.vector_load_idx %arg11[%add3A_201] : memref<1024xf32, #tpu.memory_space<vmem>>[vector<16xi32>], vector<16xf32>,
          %add3A_203 = arith.constant 7 : i32
          %add3A_204 = vector.broadcast %add3A_203 : i32 to vector<16xi32>
          %add3A_205 = arith.addi %mul3A_126, %add3A_204 : vector<16xi32>
          tpu.vector_store_idx %arg10[%add3A_86, %add3A_205], %gather3A_202 : memref<128x128xf32, #tpu.memory_space<vmem>>[vector<16xi32>, vector<16xi32>], vector<16xf32>,
        }
        %scan3A_63 = arith.constant 8 : i32
        %dma_start3A_64 = arith.constant 0 : i32
        %dma_start3A_65 = arith.constant 0 : i32
        %dma_start3A_66 = tpu.memref_slice %arg12[%dma_start3A_64, %dma_start3A_65] : memref<10640x128xf32, #tpu.memory_space<vmem_shared>> -> memref<10640x128xf32, #tpu.memory_space<vmem_shared>>
        tpu.enqueue_indirect_dma source(%arg10 : memref<128x128xf32, #tpu.memory_space<vmem>>) target(%dma_start3A_66 : memref<10640x128xf32, #tpu.memory_space<vmem_shared>>) offsets(%arg8 : memref<128xi32, #tpu.memory_space<vmem>>) semaphore(%arg14 : memref<!tpu.dma_semaphore, #tpu.memory_space<semaphore_mem>>) {add = true}
        %dma_wait3A_67 = arith.constant 0 : i32
        %dma_wait3A_68 = arith.constant 0 : i32
        %dma_wait3A_69 = tpu.memref_slice %arg12[%dma_wait3A_67, %dma_wait3A_68] : memref<10640x128xf32, #tpu.memory_space<vmem_shared>> -> memref<10640x128xf32, #tpu.memory_space<vmem_shared>>
        tpu.wait_indirect_dma semaphore(%arg13 : memref<!tpu.dma_semaphore, #tpu.memory_space<semaphore_mem>>) src(%arg9 : memref<128x128xf32, #tpu.memory_space<vmem>>) dst(%dma_wait3A_69 : memref<10640x128xf32, #tpu.memory_space<vmem_shared>>)
        %dma_wait3A_70 = arith.constant 0 : i32
        %dma_wait3A_71 = arith.constant 0 : i32
        %dma_wait3A_72 = tpu.memref_slice %arg12[%dma_wait3A_70, %dma_wait3A_71] : memref<10640x128xf32, #tpu.memory_space<vmem_shared>> -> memref<10640x128xf32, #tpu.memory_space<vmem_shared>>
        tpu.wait_indirect_dma semaphore(%arg14 : memref<!tpu.dma_semaphore, #tpu.memory_space<semaphore_mem>>) src(%arg10 : memref<128x128xf32, #tpu.memory_space<vmem>>) dst(%dma_wait3A_72 : memref<10640x128xf32, #tpu.memory_space<vmem_shared>>)
        %scan3A_73 = arith.constant 0 : i32
        %scan3A_74 = arith.constant 8 : i32
        %scan3A_75 = arith.addi %scan3A_73, %scan3A_74 : i32
        %scan3A_76 = arith.constant 1 : i32
        scf.for %scan3A_78 = %scan3A_73 to %scan3A_75 step %scan3A_76  : i32 {
          %mul3A_79 = arith.constant 1 : i32
          %mul3A_80 = arith.muli %scan3A_78, %mul3A_79 : i32
          %add3A_81 = arith.constant 0 : i32
          %add3A_82 = arith.addi %add3A_81, %mul3A_80 : i32
          %mul3A_83 = arith.constant 16 : i32
          %mul3A_84 = arith.muli %add3A_82, %mul3A_83 : i32
          %add3A_85 = vector.broadcast %mul3A_84 : i32 to vector<16xi32>
          %add3A_86 = arith.addi %iota3A, %add3A_85 : vector<16xi32>
          %mul3A_87 = arith.constant 16 : i32
          %mul3A_88 = arith.muli %add3A_82, %mul3A_87 : i32
          %get3A = arith.index_cast %mul3A_88 : i32 to index
          %get3A_89 = tpu.vector_load %arg7[%get3A] {strides = array<i32>} : memref<128xi32, #tpu.memory_space<vmem>>, vector<16xi32>,
          %rem3A = arith.constant 16 : i32
          %rem3A_90 = vector.broadcast %rem3A : i32 to vector<16xi32>
          %rem3A_91 = arith.remsi %get3A_89, %rem3A_90 : vector<16xi32>
          %mul3A_92 = arith.constant 8 : i32
          %mul3A_93 = vector.broadcast %mul3A_92 : i32 to vector<16xi32>
          %mul3A_94 = arith.muli %rem3A_91, %mul3A_93 : vector<16xi32>
          %add3A_95 = arith.constant 0 : i32
          %add3A_96 = vector.broadcast %add3A_95 : i32 to vector<16xi32>
          %add3A_97 = arith.addi %mul3A_94, %add3A_96 : vector<16xi32>
          tpu.vector_store_idx %arg10[%add3A_86, %add3A_97], %broadcast_in_dim3A_9 : memref<128x128xf32, #tpu.memory_space<vmem>>[vector<16xi32>, vector<16xi32>], vector<16xf32>,
          %add3A_98 = arith.constant 1 : i32
          %add3A_99 = vector.broadcast %add3A_98 : i32 to vector<16xi32>
          %add3A_100 = arith.addi %mul3A_94, %add3A_99 : vector<16xi32>
          tpu.vector_store_idx %arg10[%add3A_86, %add3A_100], %broadcast_in_dim3A_9 : memref<128x128xf32, #tpu.memory_space<vmem>>[vector<16xi32>, vector<16xi32>], vector<16xf32>,
          %add3A_101 = arith.constant 2 : i32
          %add3A_102 = vector.broadcast %add3A_101 : i32 to vector<16xi32>
          %add3A_103 = arith.addi %mul3A_94, %add3A_102 : vector<16xi32>
          tpu.vector_store_idx %arg10[%add3A_86, %add3A_103], %broadcast_in_dim3A_9 : memref<128x128xf32, #tpu.memory_space<vmem>>[vector<16xi32>, vector<16xi32>], vector<16xf32>,
          %add3A_104 = arith.constant 3 : i32
          %add3A_105 = vector.broadcast %add3A_104 : i32 to vector<16xi32>
          %add3A_106 = arith.addi %mul3A_94, %add3A_105 : vector<16xi32>
          tpu.vector_store_idx %arg10[%add3A_86, %add3A_106], %broadcast_in_dim3A_9 : memref<128x128xf32, #tpu.memory_space<vmem>>[vector<16xi32>, vector<16xi32>], vector<16xf32>,
          %add3A_107 = arith.constant 4 : i32
          %add3A_108 = vector.broadcast %add3A_107 : i32 to vector<16xi32>
          %add3A_109 = arith.addi %mul3A_94, %add3A_108 : vector<16xi32>
          tpu.vector_store_idx %arg10[%add3A_86, %add3A_109], %broadcast_in_dim3A_9 : memref<128x128xf32, #tpu.memory_space<vmem>>[vector<16xi32>, vector<16xi32>], vector<16xf32>,
          %add3A_110 = arith.constant 5 : i32
          %add3A_111 = vector.broadcast %add3A_110 : i32 to vector<16xi32>
          %add3A_112 = arith.addi %mul3A_94, %add3A_111 : vector<16xi32>
          tpu.vector_store_idx %arg10[%add3A_86, %add3A_112], %broadcast_in_dim3A_9 : memref<128x128xf32, #tpu.memory_space<vmem>>[vector<16xi32>, vector<16xi32>], vector<16xf32>,
          %add3A_113 = arith.constant 6 : i32
          %add3A_114 = vector.broadcast %add3A_113 : i32 to vector<16xi32>
          %add3A_115 = arith.addi %mul3A_94, %add3A_114 : vector<16xi32>
          tpu.vector_store_idx %arg10[%add3A_86, %add3A_115], %broadcast_in_dim3A_9 : memref<128x128xf32, #tpu.memory_space<vmem>>[vector<16xi32>, vector<16xi32>], vector<16xf32>,
          %add3A_116 = arith.constant 7 : i32
          %add3A_117 = vector.broadcast %add3A_116 : i32 to vector<16xi32>
          %add3A_118 = arith.addi %mul3A_94, %add3A_117 : vector<16xi32>
          tpu.vector_store_idx %arg10[%add3A_86, %add3A_118], %broadcast_in_dim3A_9 : memref<128x128xf32, #tpu.memory_space<vmem>>[vector<16xi32>, vector<16xi32>], vector<16xf32>,
        }
        %scan3A_77 = arith.constant 8 : i32
      } else {
      }
    }
    %scan3A_23 = arith.constant 79 : i32
    %barrier3A_24 = arith.constant 0 : index
    tpu.barrier barrier_id(%barrier3A_24)
    %scan3A_25 = arith.constant 0 : i32
    %scan3A_26 = arith.constant 9 : i32
    %scan3A_27 = arith.addi %scan3A_25, %scan3A_26 : i32
    %scan3A_28 = arith.constant 1 : i32
    scf.for %scan3A_30 = %scan3A_25 to %scan3A_27 step %scan3A_28  : i32 {
      %mul3A_31 = arith.constant 1 : i32
      %mul3A_32 = arith.muli %scan3A_30, %mul3A_31 : i32
      %add3A_33 = arith.constant 0 : i32
      %add3A_34 = arith.addi %add3A_33, %mul3A_32 : i32
      %mul3A_35 = arith.constant 16 : i32
      %mul3A_36 = arith.muli %add3A_34, %mul3A_35 : i32
      %add3A_37 = arith.addi %mul3A_36, %arg1 : i32
      %lt3A_38 = arith.constant 133 : i32
      %lt3A_39 = arith.cmpi slt, %add3A_37, %lt3A_38 : i32
      %convert_element_type3A = arith.extui %lt3A_39 : i1 to i32
      %cond3A = arith.constant 0 : i32
      %cond3A_40 = arith.cmpi ne, %convert_element_type3A, %cond3A : i32
      scf.if %cond3A_40 {
        %mul3A_41 = arith.constant 80 : i32
        %mul3A_42 = arith.muli %add3A_37, %mul3A_41 : i32
        "tpu.region"() ({
          %run_scoped3A = tpu.sem_alloc : memref<!tpu.dma_semaphore, #tpu.memory_space<semaphore_mem>>
          %dma_start3A = arith.constant 0 : i32
          %dma_start3A_48 = arith.constant 0 : i32
          %dma_start3A_49 = tpu.memref_slice %arg9[%dma_start3A, %dma_start3A_48] : memref<128x128xf32, #tpu.memory_space<vmem>> -> memref<80x128xf32, #tpu.memory_space<vmem>>
          %dma_start3A_50 = arith.constant 0 : i32
          %dma_start3A_51 = tpu.memref_slice %arg12[%mul3A_42, %dma_start3A_50] : memref<10640x128xf32, #tpu.memory_space<vmem_shared>> -> memref<80x128xf32, #tpu.memory_space<vmem_shared>>
          %dma_start3A_52 = arith.constant 0 : i32
          %dma_start3A_53 = arith.constant 0 : i32
          %dma_start3A_54 = tpu.memref_slice %arg9[%dma_start3A_52, %dma_start3A_53] : memref<128x128xf32, #tpu.memory_space<vmem>> -> memref<80x128xf32, #tpu.memory_space<vmem>>
          %dma_start3A_55 = arith.constant 0 : i32
          %dma_start3A_56 = tpu.memref_slice %arg12[%mul3A_42, %dma_start3A_55] : memref<10640x128xf32, #tpu.memory_space<vmem_shared>> -> memref<80x128xf32, #tpu.memory_space<vmem_shared>>
          tpu.enqueue_dma source(%dma_start3A_56 : memref<80x128xf32, #tpu.memory_space<vmem_shared>>) target(%dma_start3A_54 : memref<80x128xf32, #tpu.memory_space<vmem>>) target_semaphore(%run_scoped3A : memref<!tpu.dma_semaphore, #tpu.memory_space<semaphore_mem>>)
          %dma_wait3A = arith.constant 0 : i32
          %dma_wait3A_57 = arith.constant 0 : i32
          %dma_wait3A_58 = tpu.memref_slice %arg9[%dma_wait3A, %dma_wait3A_57] : memref<128x128xf32, #tpu.memory_space<vmem>> -> memref<80x128xf32, #tpu.memory_space<vmem>>
          %dma_wait3A_59 = arith.constant 0 : i32
          %dma_wait3A_60 = tpu.memref_slice %arg12[%mul3A_42, %dma_wait3A_59] : memref<10640x128xf32, #tpu.memory_space<vmem_shared>> -> memref<80x128xf32, #tpu.memory_space<vmem_shared>>
          %dma_wait3A_61 = arith.constant 0 : i32
          %dma_wait3A_62 = arith.constant 0 : i32
          %dma_wait3A_63 = tpu.memref_slice %arg9[%dma_wait3A_61, %dma_wait3A_62] : memref<128x128xf32, #tpu.memory_space<vmem>> -> memref<80x128xf32, #tpu.memory_space<vmem>>
          %dma_wait3A_64 = arith.constant 0 : i32
          %dma_wait3A_65 = tpu.memref_slice %arg12[%mul3A_42, %dma_wait3A_64] : memref<10640x128xf32, #tpu.memory_space<vmem_shared>> -> memref<80x128xf32, #tpu.memory_space<vmem_shared>>
          tpu.wait_dma2 semaphore(%run_scoped3A : memref<!tpu.dma_semaphore, #tpu.memory_space<semaphore_mem>>) src(%dma_wait3A_65 : memref<80x128xf32, #tpu.memory_space<vmem_shared>>) dst(%dma_wait3A_63 : memref<80x128xf32, #tpu.memory_space<vmem>>)
          tpu.yield
        }) : () -> ()
        %mul3A_43 = arith.constant 10640 : i32
        %mul3A_44 = arith.muli %arg0, %mul3A_43 : i32
        %mul3A_45 = arith.constant 80 : i32
        %mul3A_46 = arith.muli %add3A_37, %mul3A_45 : i32
        %add3A_47 = arith.addi %mul3A_44, %mul3A_46 : i32
        "tpu.region"() ({
          %run_scoped3A = tpu.sem_alloc : memref<!tpu.dma_semaphore, #tpu.memory_space<semaphore_mem>>
          %dma_start3A = arith.constant 0 : i32
          %dma_start3A_48 = arith.constant 0 : i32
          %dma_start3A_49 = tpu.memref_slice %arg9[%dma_start3A, %dma_start3A_48] : memref<128x128xf32, #tpu.memory_space<vmem>> -> memref<80x128xf32, #tpu.memory_space<vmem>>
          %dma_start3A_50 = arith.constant 0 : i32
          %dma_start3A_51 = tpu.memref_slice %arg6[%add3A_47, %dma_start3A_50] : memref<21280x128xf32, #tpu.memory_space<hbm>> -> memref<80x128xf32, #tpu.memory_space<hbm>>
          %dma_start3A_52 = arith.constant 0 : i32
          %dma_start3A_53 = tpu.memref_slice %arg6[%add3A_47, %dma_start3A_52] : memref<21280x128xf32, #tpu.memory_space<hbm>> -> memref<80x128xf32, #tpu.memory_space<hbm>>
          %dma_start3A_54 = arith.constant 0 : i32
          %dma_start3A_55 = arith.constant 0 : i32
          %dma_start3A_56 = tpu.memref_slice %arg9[%dma_start3A_54, %dma_start3A_55] : memref<128x128xf32, #tpu.memory_space<vmem>> -> memref<80x128xf32, #tpu.memory_space<vmem>>
          tpu.enqueue_dma source(%dma_start3A_56 : memref<80x128xf32, #tpu.memory_space<vmem>>) target(%dma_start3A_53 : memref<80x128xf32, #tpu.memory_space<hbm>>) target_semaphore(%run_scoped3A : memref<!tpu.dma_semaphore, #tpu.memory_space<semaphore_mem>>)
          %dma_wait3A = arith.constant 0 : i32
          %dma_wait3A_57 = arith.constant 0 : i32
          %dma_wait3A_58 = tpu.memref_slice %arg9[%dma_wait3A, %dma_wait3A_57] : memref<128x128xf32, #tpu.memory_space<vmem>> -> memref<80x128xf32, #tpu.memory_space<vmem>>
          %dma_wait3A_59 = arith.constant 0 : i32
          %dma_wait3A_60 = tpu.memref_slice %arg6[%add3A_47, %dma_wait3A_59] : memref<21280x128xf32, #tpu.memory_space<hbm>> -> memref<80x128xf32, #tpu.memory_space<hbm>>
          %dma_wait3A_61 = arith.constant 0 : i32
          %dma_wait3A_62 = tpu.memref_slice %arg6[%add3A_47, %dma_wait3A_61] : memref<21280x128xf32, #tpu.memory_space<hbm>> -> memref<80x128xf32, #tpu.memory_space<hbm>>
          %dma_wait3A_63 = arith.constant 0 : i32
          %dma_wait3A_64 = arith.constant 0 : i32
          %dma_wait3A_65 = tpu.memref_slice %arg9[%dma_wait3A_63, %dma_wait3A_64] : memref<128x128xf32, #tpu.memory_space<vmem>> -> memref<80x128xf32, #tpu.memory_space<vmem>>
          tpu.wait_dma2 semaphore(%run_scoped3A : memref<!tpu.dma_semaphore, #tpu.memory_space<semaphore_mem>>) src(%dma_wait3A_65 : memref<80x128xf32, #tpu.memory_space<vmem>>) dst(%dma_wait3A_62 : memref<80x128xf32, #tpu.memory_space<hbm>>)
          tpu.yield
        }) : () -> ()
      } else {
      }
    }
    %scan3A_29 = arith.constant 9 : i32
    return
  }
}

#map = affine_map<(d0, d1) -> (0, 0)>
#map1 = affine_map<(d0, d1) -> (0)>
module attributes {stable_mosaic.version = 14 : i64} {
  func.func @k(%arg0: i32, %arg1: i32, %arg2: memref<320000x128xf32, #tpu.memory_space<hbm>>, %arg3: memref<2560000xf32, #tpu.memory_space<hbm>>, %arg4: memref<320000xi32, #tpu.memory_space<hbm>>, %arg5: memref<10640x128xf32, #tpu.memory_space<hbm>>, %arg6: memref<21280x128xf32, #tpu.memory_space<hbm>>, %arg7: memref<128xi32, #tpu.memory_space<vmem>>, %arg8: memref<128xi32, #tpu.memory_space<vmem>>, %arg9: memref<128x128xf32, #tpu.memory_space<vmem>>, %arg10: memref<128x128xf32, #tpu.memory_space<vmem>>, %arg11: memref<1024xf32, #tpu.memory_space<vmem>>, %arg12: memref<10640x128xf32, #tpu.memory_space<vmem_shared>>, %arg13: memref<!tpu.dma_semaphore, #tpu.memory_space<semaphore_mem>>, %arg14: memref<!tpu.dma_semaphore, #tpu.memory_space<semaphore_mem>>) attributes {dimension_semantics = [#tpu.dimension_semantics<core_parallel>, #tpu.dimension_semantics<subcore_parallel>], iteration_bounds = array<i64: 2, 16>, scalar_prefetch = 0 : i64, scratch_operands = 8 : i64, tpu.core_type = #tpu.core_type<sc_vector_subcore>, window_params = [{transform_indices = #map}, {transform_indices = #map1}, {transform_indices = #map1}, {transform_indices = #map}, {transform_indices = #map}]} {
    %mul3A = arith.constant 2 : i32
    %mul3A_0 = arith.muli %arg1, %mul3A : i32
    %add3A = arith.addi %mul3A_0, %arg0 : i32
    %mul3A_1 = arith.constant 78 : i32
    %mul3A_2 = arith.muli %add3A, %mul3A_1 : i32
    %min3A = arith.constant 4 : i32
    %min3A_3 = arith.minsi %add3A, %min3A : i32
    %add3A_4 = arith.addi %mul3A_2, %min3A_3 : i32
    %lt3A = arith.constant 4 : i32
    %lt3A_5 = arith.cmpi slt, %add3A, %lt3A : i32
    %jit3A = arith.constant 1 : i32
    %jit3A_6 = arith.constant 0 : i32
    %select_n3A = arith.select %lt3A_5, %jit3A, %jit3A_6 : i32
    %add3A_7 = arith.constant 78 : i32
    %add3A_8 = arith.addi %add3A_7, %select_n3A : i32
    %broadcast_in_dim3A = arith.constant 0.000000e+00 : f32
    %broadcast_in_dim3A_9 = vector.broadcast %broadcast_in_dim3A : f32 to vector<16xf32>
    %iota3A = tpu.iota {dimensions = array<i32: 0>} : vector<16xi32>
    %scan3A = arith.constant 0 : i32
    %scan3A_10 = arith.constant 128 : i32
    %scan3A_11 = arith.addi %scan3A, %scan3A_10 : i32
    %scan3A_12 = arith.constant 1 : i32
    scf.for %scan3A_30 = %scan3A to %scan3A_11 step %scan3A_12  : i32 {
      %mul3A_31 = arith.constant 1 : i32
      %mul3A_32 = arith.muli %scan3A_30, %mul3A_31 : i32
      %add3A_33 = arith.constant 0 : i32
      %add3A_34 = arith.addi %add3A_33, %mul3A_32 : i32
      %scan3A_35 = arith.constant 0 : i32
      %scan3A_36 = arith.constant 8 : i32
      %scan3A_37 = arith.addi %scan3A_35, %scan3A_36 : i32
      %scan3A_38 = arith.constant 1 : i32
      scf.for %scan3A_40 = %scan3A_35 to %scan3A_37 step %scan3A_38  : i32 {
        %mul3A_41 = arith.constant 1 : i32
        %mul3A_42 = arith.muli %scan3A_40, %mul3A_41 : i32
        %add3A_43 = arith.constant 0 : i32
        %add3A_44 = arith.addi %add3A_43, %mul3A_42 : i32
        %mul3A_45 = arith.constant 16 : i32
        %mul3A_46 = arith.muli %add3A_44, %mul3A_45 : i32
        %swap3A = arith.index_cast %add3A_34 : i32 to index
        %swap3A_47 = arith.index_cast %mul3A_46 : i32 to index
        %swap3A_48 = tpu.vector_load %arg10[%swap3A, %swap3A_47] {strides = array<i32>} : memref<128x128xf32, #tpu.memory_space<vmem>>, vector<16xf32>,
        tpu.vector_store %arg10[%swap3A, %swap3A_47], %broadcast_in_dim3A_9 {strides = array<i32>} : memref<128x128xf32, #tpu.memory_space<vmem>>, vector<16xf32>,
      }
      %scan3A_39 = arith.constant 8 : i32
    }
    %scan3A_13 = arith.constant 128 : i32
    %scan3A_14 = arith.constant 0 : i32
    %scan3A_15 = arith.constant 9 : i32
    %scan3A_16 = arith.addi %scan3A_14, %scan3A_15 : i32
    %scan3A_17 = arith.constant 1 : i32
    scf.for %scan3A_30 = %scan3A_14 to %scan3A_16 step %scan3A_17  : i32 {
      %mul3A_31 = arith.constant 1 : i32
      %mul3A_32 = arith.muli %scan3A_30, %mul3A_31 : i32
      %add3A_33 = arith.constant 0 : i32
      %add3A_34 = arith.addi %add3A_33, %mul3A_32 : i32
      %mul3A_35 = arith.constant 16 : i32
      %mul3A_36 = arith.muli %add3A_34, %mul3A_35 : i32
      %add3A_37 = arith.addi %mul3A_36, %arg1 : i32
      %lt3A_38 = arith.constant 133 : i32
      %lt3A_39 = arith.cmpi slt, %add3A_37, %lt3A_38 : i32
      %convert_element_type3A = arith.extui %lt3A_39 : i1 to i32
      %cond3A = arith.constant 0 : i32
      %cond3A_40 = arith.cmpi ne, %convert_element_type3A, %cond3A : i32
      scf.if %cond3A_40 {
        %mul3A_41 = arith.constant 80 : i32
        %mul3A_42 = arith.muli %add3A_37, %mul3A_41 : i32
        "tpu.region"() ({
          %run_scoped3A = tpu.sem_alloc : memref<!tpu.dma_semaphore, #tpu.memory_space<semaphore_mem>>
          %dma_start3A = arith.constant 0 : i32
          %dma_start3A_45 = arith.constant 0 : i32
          %dma_start3A_46 = tpu.memref_slice %arg9[%dma_start3A, %dma_start3A_45] : memref<128x128xf32, #tpu.memory_space<vmem>> -> memref<80x128xf32, #tpu.memory_space<vmem>>
          %dma_start3A_47 = arith.constant 0 : i32
          %dma_start3A_48 = tpu.memref_slice %arg5[%mul3A_42, %dma_start3A_47] : memref<10640x128xf32, #tpu.memory_space<hbm>> -> memref<80x128xf32, #tpu.memory_space<hbm>>
          %dma_start3A_49 = arith.constant 0 : i32
          %dma_start3A_50 = arith.constant 0 : i32
          %dma_start3A_51 = tpu.memref_slice %arg9[%dma_start3A_49, %dma_start3A_50] : memref<128x128xf32, #tpu.memory_space<vmem>> -> memref<80x128xf32, #tpu.memory_space<vmem>>
          %dma_start3A_52 = arith.constant 0 : i32
          %dma_start3A_53 = tpu.memref_slice %arg5[%mul3A_42, %dma_start3A_52] : memref<10640x128xf32, #tpu.memory_space<hbm>> -> memref<80x128xf32, #tpu.memory_space<hbm>>
          tpu.enqueue_dma source(%dma_start3A_53 : memref<80x128xf32, #tpu.memory_space<hbm>>) target(%dma_start3A_51 : memref<80x128xf32, #tpu.memory_space<vmem>>) target_semaphore(%run_scoped3A : memref<!tpu.dma_semaphore, #tpu.memory_space<semaphore_mem>>)
          %dma_wait3A = arith.constant 0 : i32
          %dma_wait3A_54 = arith.constant 0 : i32
          %dma_wait3A_55 = tpu.memref_slice %arg9[%dma_wait3A, %dma_wait3A_54] : memref<128x128xf32, #tpu.memory_space<vmem>> -> memref<80x128xf32, #tpu.memory_space<vmem>>
          %dma_wait3A_56 = arith.constant 0 : i32
          %dma_wait3A_57 = tpu.memref_slice %arg5[%mul3A_42, %dma_wait3A_56] : memref<10640x128xf32, #tpu.memory_space<hbm>> -> memref<80x128xf32, #tpu.memory_space<hbm>>
          %dma_wait3A_58 = arith.constant 0 : i32
          %dma_wait3A_59 = arith.constant 0 : i32
          %dma_wait3A_60 = tpu.memref_slice %arg9[%dma_wait3A_58, %dma_wait3A_59] : memref<128x128xf32, #tpu.memory_space<vmem>> -> memref<80x128xf32, #tpu.memory_space<vmem>>
          %dma_wait3A_61 = arith.constant 0 : i32
          %dma_wait3A_62 = tpu.memref_slice %arg5[%mul3A_42, %dma_wait3A_61] : memref<10640x128xf32, #tpu.memory_space<hbm>> -> memref<80x128xf32, #tpu.memory_space<hbm>>
          tpu.wait_dma2 semaphore(%run_scoped3A : memref<!tpu.dma_semaphore, #tpu.memory_space<semaphore_mem>>) src(%dma_wait3A_62 : memref<80x128xf32, #tpu.memory_space<hbm>>) dst(%dma_wait3A_60 : memref<80x128xf32, #tpu.memory_space<vmem>>)
          tpu.yield
        }) : () -> ()
        %mul3A_43 = arith.constant 80 : i32
        %mul3A_44 = arith.muli %add3A_37, %mul3A_43 : i32
        "tpu.region"() ({
          %run_scoped3A = tpu.sem_alloc : memref<!tpu.dma_semaphore, #tpu.memory_space<semaphore_mem>>
          %dma_start3A = arith.constant 0 : i32
          %dma_start3A_45 = arith.constant 0 : i32
          %dma_start3A_46 = tpu.memref_slice %arg9[%dma_start3A, %dma_start3A_45] : memref<128x128xf32, #tpu.memory_space<vmem>> -> memref<80x128xf32, #tpu.memory_space<vmem>>
          %dma_start3A_47 = arith.constant 0 : i32
          %dma_start3A_48 = tpu.memref_slice %arg12[%mul3A_44, %dma_start3A_47] : memref<10640x128xf32, #tpu.memory_space<vmem_shared>> -> memref<80x128xf32, #tpu.memory_space<vmem_shared>>
          %dma_start3A_49 = arith.constant 0 : i32
          %dma_start3A_50 = tpu.memref_slice %arg12[%mul3A_44, %dma_start3A_49] : memref<10640x128xf32, #tpu.memory_space<vmem_shared>> -> memref<80x128xf32, #tpu.memory_space<vmem_shared>>
          %dma_start3A_51 = arith.constant 0 : i32
          %dma_start3A_52 = arith.constant 0 : i32
          %dma_start3A_53 = tpu.memref_slice %arg9[%dma_start3A_51, %dma_start3A_52] : memref<128x128xf32, #tpu.memory_space<vmem>> -> memref<80x128xf32, #tpu.memory_space<vmem>>
          tpu.enqueue_dma source(%dma_start3A_53 : memref<80x128xf32, #tpu.memory_space<vmem>>) target(%dma_start3A_50 : memref<80x128xf32, #tpu.memory_space<vmem_shared>>) target_semaphore(%run_scoped3A : memref<!tpu.dma_semaphore, #tpu.memory_space<semaphore_mem>>)
          %dma_wait3A = arith.constant 0 : i32
          %dma_wait3A_54 = arith.constant 0 : i32
          %dma_wait3A_55 = tpu.memref_slice %arg9[%dma_wait3A, %dma_wait3A_54] : memref<128x128xf32, #tpu.memory_space<vmem>> -> memref<80x128xf32, #tpu.memory_space<vmem>>
          %dma_wait3A_56 = arith.constant 0 : i32
          %dma_wait3A_57 = tpu.memref_slice %arg12[%mul3A_44, %dma_wait3A_56] : memref<10640x128xf32, #tpu.memory_space<vmem_shared>> -> memref<80x128xf32, #tpu.memory_space<vmem_shared>>
          %dma_wait3A_58 = arith.constant 0 : i32
          %dma_wait3A_59 = tpu.memref_slice %arg12[%mul3A_44, %dma_wait3A_58] : memref<10640x128xf32, #tpu.memory_space<vmem_shared>> -> memref<80x128xf32, #tpu.memory_space<vmem_shared>>
          %dma_wait3A_60 = arith.constant 0 : i32
          %dma_wait3A_61 = arith.constant 0 : i32
          %dma_wait3A_62 = tpu.memref_slice %arg9[%dma_wait3A_60, %dma_wait3A_61] : memref<128x128xf32, #tpu.memory_space<vmem>> -> memref<80x128xf32, #tpu.memory_space<vmem>>
          tpu.wait_dma2 semaphore(%run_scoped3A : memref<!tpu.dma_semaphore, #tpu.memory_space<semaphore_mem>>) src(%dma_wait3A_62 : memref<80x128xf32, #tpu.memory_space<vmem>>) dst(%dma_wait3A_59 : memref<80x128xf32, #tpu.memory_space<vmem_shared>>)
          tpu.yield
        }) : () -> ()
      } else {
      }
    }
    %scan3A_18 = arith.constant 9 : i32
    %barrier3A = arith.constant 0 : index
    tpu.barrier barrier_id(%barrier3A)
    %scan3A_19 = arith.constant 0 : i32
    %scan3A_20 = arith.constant 79 : i32
    %scan3A_21 = arith.addi %scan3A_19, %scan3A_20 : i32
    %scan3A_22 = arith.constant 1 : i32
    scf.for %scan3A_30 = %scan3A_19 to %scan3A_21 step %scan3A_22  : i32 {
      %mul3A_31 = arith.constant 1 : i32
      %mul3A_32 = arith.muli %scan3A_30, %mul3A_31 : i32
      %add3A_33 = arith.constant 0 : i32
      %add3A_34 = arith.addi %add3A_33, %mul3A_32 : i32
      %lt3A_35 = arith.cmpi slt, %add3A_34, %add3A_8 : i32
      %convert_element_type3A = arith.extui %lt3A_35 : i1 to i32
      %cond3A = arith.constant 0 : i32
      %cond3A_36 = arith.cmpi ne, %convert_element_type3A, %cond3A : i32
      scf.if %cond3A_36 {
        %add3A_37 = arith.addi %add3A_4, %add3A_34 : i32
        %mul3A_38 = arith.constant 128 : i32
        %mul3A_39 = arith.muli %add3A_37, %mul3A_38 : i32
        %dma_start3A = tpu.memref_slice %arg4[%mul3A_39] : memref<320000xi32, #tpu.memory_space<hbm>> -> memref<128xi32, #tpu.memory_space<hbm>>
        %dma_start3A_40 = tpu.memref_slice %arg4[%mul3A_39] : memref<320000xi32, #tpu.memory_space<hbm>> -> memref<128xi32, #tpu.memory_space<hbm>>
        tpu.enqueue_dma source(%dma_start3A_40 : memref<128xi32, #tpu.memory_space<hbm>>) target(%arg7 : memref<128xi32, #tpu.memory_space<vmem>>) target_semaphore(%arg13 : memref<!tpu.dma_semaphore, #tpu.memory_space<semaphore_mem>>)
        %dma_start3A_41 = arith.constant 0 : i32
        %dma_start3A_42 = tpu.memref_slice %arg2[%mul3A_39, %dma_start3A_41] : memref<320000x128xf32, #tpu.memory_space<hbm>> -> memref<128x128xf32, #tpu.memory_space<hbm>>
        %dma_start3A_43 = arith.constant 0 : i32
        %dma_start3A_44 = tpu.memref_slice %arg2[%mul3A_39, %dma_start3A_43] : memref<320000x128xf32, #tpu.memory_space<hbm>> -> memref<128x128xf32, #tpu.memory_space<hbm>>
        tpu.enqueue_dma source(%dma_start3A_44 : memref<128x128xf32, #tpu.memory_space<hbm>>) target(%arg9 : memref<128x128xf32, #tpu.memory_space<vmem>>) target_semaphore(%arg14 : memref<!tpu.dma_semaphore, #tpu.memory_space<semaphore_mem>>)
        %mul3A_45 = arith.constant 8 : i32
        %mul3A_46 = arith.muli %mul3A_39, %mul3A_45 : i32
        %dma_start3A_47 = tpu.memref_slice %arg3[%mul3A_46] : memref<2560000xf32, #tpu.memory_space<hbm>> -> memref<1024xf32, #tpu.memory_space<hbm>>
        %dma_start3A_48 = tpu.memref_slice %arg3[%mul3A_46] : memref<2560000xf32, #tpu.memory_space<hbm>> -> memref<1024xf32, #tpu.memory_space<hbm>>
        tpu.enqueue_dma source(%dma_start3A_48 : memref<1024xf32, #tpu.memory_space<hbm>>) target(%arg11 : memref<1024xf32, #tpu.memory_space<vmem>>) target_semaphore(%arg13 : memref<!tpu.dma_semaphore, #tpu.memory_space<semaphore_mem>>)
        %dma_wait3A = tpu.memref_slice %arg4[%mul3A_39] : memref<320000xi32, #tpu.memory_space<hbm>> -> memref<128xi32, #tpu.memory_space<hbm>>
        %dma_wait3A_49 = tpu.memref_slice %arg4[%mul3A_39] : memref<320000xi32, #tpu.memory_space<hbm>> -> memref<128xi32, #tpu.memory_space<hbm>>
        tpu.wait_dma2 semaphore(%arg13 : memref<!tpu.dma_semaphore, #tpu.memory_space<semaphore_mem>>) src(%dma_wait3A_49 : memref<128xi32, #tpu.memory_space<hbm>>) dst(%arg7 : memref<128xi32, #tpu.memory_space<vmem>>)
        %dma_wait3A_50 = arith.constant 0 : i32
        %dma_wait3A_51 = tpu.memref_slice %arg2[%mul3A_39, %dma_wait3A_50] : memref<320000x128xf32, #tpu.memory_space<hbm>> -> memref<128x128xf32, #tpu.memory_space<hbm>>
        %dma_wait3A_52 = arith.constant 0 : i32
        %dma_wait3A_53 = tpu.memref_slice %arg2[%mul3A_39, %dma_wait3A_52] : memref<320000x128xf32, #tpu.memory_space<hbm>> -> memref<128x128xf32, #tpu.memory_space<hbm>>
        tpu.wait_dma2 semaphore(%arg14 : memref<!tpu.dma_semaphore, #tpu.memory_space<semaphore_mem>>) src(%dma_wait3A_53 : memref<128x128xf32, #tpu.memory_space<hbm>>) dst(%arg9 : memref<128x128xf32, #tpu.memory_space<vmem>>)
        %dma_wait3A_54 = tpu.memref_slice %arg3[%mul3A_46] : memref<2560000xf32, #tpu.memory_space<hbm>> -> memref<1024xf32, #tpu.memory_space<hbm>>
        %dma_wait3A_55 = tpu.memref_slice %arg3[%mul3A_46] : memref<2560000xf32, #tpu.memory_space<hbm>> -> memref<1024xf32, #tpu.memory_space<hbm>>
        tpu.wait_dma2 semaphore(%arg13 : memref<!tpu.dma_semaphore, #tpu.memory_space<semaphore_mem>>) src(%dma_wait3A_55 : memref<1024xf32, #tpu.memory_space<hbm>>) dst(%arg11 : memref<1024xf32, #tpu.memory_space<vmem>>)
        %dma_start3A_56 = arith.constant 0 : i32
        %dma_start3A_57 = arith.constant 0 : i32
        %dma_start3A_58 = tpu.memref_slice %arg12[%dma_start3A_56, %dma_start3A_57] : memref<10640x128xf32, #tpu.memory_space<vmem_shared>> -> memref<10640x128xf32, #tpu.memory_space<vmem_shared>>
        tpu.enqueue_indirect_dma source(%arg9 : memref<128x128xf32, #tpu.memory_space<vmem>>) target(%dma_start3A_58 : memref<10640x128xf32, #tpu.memory_space<vmem_shared>>) offsets(%arg7 : memref<128xi32, #tpu.memory_space<vmem>>) semaphore(%arg13 : memref<!tpu.dma_semaphore, #tpu.memory_space<semaphore_mem>>) {add = true}
        %scan3A_59 = arith.constant 0 : i32
        %scan3A_60 = arith.constant 8 : i32
        %scan3A_61 = arith.addi %scan3A_59, %scan3A_60 : i32
        %scan3A_62 = arith.constant 1 : i32
        scf.for %scan3A_78 = %scan3A_59 to %scan3A_61 step %scan3A_62  : i32 {
          %mul3A_79 = arith.constant 1 : i32
          %mul3A_80 = arith.muli %scan3A_78, %mul3A_79 : i32
          %add3A_81 = arith.constant 0 : i32
          %add3A_82 = arith.addi %add3A_81, %mul3A_80 : i32
          %mul3A_83 = arith.constant 16 : i32
          %mul3A_84 = arith.muli %add3A_82, %mul3A_83 : i32
          %add3A_85 = vector.broadcast %mul3A_84 : i32 to vector<16xi32>
          %add3A_86 = arith.addi %iota3A, %add3A_85 : vector<16xi32>
          %mul3A_87 = arith.constant 16 : i32
          %mul3A_88 = arith.muli %add3A_82, %mul3A_87 : i32
          %get3A = arith.index_cast %mul3A_88 : i32 to index
          %get3A_89 = tpu.vector_load %arg7[%get3A] {strides = array<i32>} : memref<128xi32, #tpu.memory_space<vmem>>, vector<16xi32>,
          %jit3A_90 = arith.constant 16 : i32
          %div3A = vector.broadcast %jit3A_90 : i32 to vector<16xi32>
          %div3A_91 = arith.divsi %get3A_89, %div3A : vector<16xi32>
          %sign3A = arith.constant 0 : i32
          %sign3A_92 = vector.broadcast %sign3A : i32 to vector<16xi32>
          %sign3A_93 = arith.cmpi sgt, %get3A_89, %sign3A_92 : vector<16xi32>
          %sign3A_94 = arith.extui %sign3A_93 : vector<16xi1> to vector<16xi32>
          %sign3A_95 = arith.constant 0 : i32
          %sign3A_96 = vector.broadcast %sign3A_95 : i32 to vector<16xi32>
          %sign3A_97 = arith.cmpi slt, %get3A_89, %sign3A_96 : vector<16xi32>
          %sign3A_98 = arith.extui %sign3A_97 : vector<16xi1> to vector<16xi32>
          %sign3A_99 = arith.subi %sign3A_94, %sign3A_98 : vector<16xi32>
          %sign3A_100 = arith.constant 0 : i32
          %sign3A_101 = arith.cmpi sgt, %jit3A_90, %sign3A_100 : i32
          %sign3A_102 = arith.extui %sign3A_101 : i1 to i32
          %sign3A_103 = arith.constant 0 : i32
          %sign3A_104 = arith.cmpi slt, %jit3A_90, %sign3A_103 : i32
          %sign3A_105 = arith.extui %sign3A_104 : i1 to i32
          %sign3A_106 = arith.subi %sign3A_102, %sign3A_105 : i32
          %ne3A = vector.broadcast %sign3A_106 : i32 to vector<16xi32>
          %ne3A_107 = arith.cmpi ne, %sign3A_99, %ne3A : vector<16xi32>
          %rem3A = vector.broadcast %jit3A_90 : i32 to vector<16xi32>
          %rem3A_108 = arith.remsi %get3A_89, %rem3A : vector<16xi32>
          %ne3A_109 = arith.constant 0 : i32
          %ne3A_110 = vector.broadcast %ne3A_109 : i32 to vector<16xi32>
          %ne3A_111 = arith.cmpi ne, %rem3A_108, %ne3A_110 : vector<16xi32>
          %and3A = arith.andi %ne3A_107, %ne3A_111 : vector<16xi1>
          %sub3A = arith.constant 1 : i32
          %sub3A_112 = vector.broadcast %sub3A : i32 to vector<16xi32>
          %sub3A_113 = arith.subi %div3A_91, %sub3A_112 : vector<16xi32>
          %select_n3A_114 = arith.select %and3A, %sub3A_113, %div3A_91 : vector<16xi1>, vector<16xi32>
          %add3A_115 = arith.constant 10000 : i32
          %add3A_116 = vector.broadcast %add3A_115 : i32 to vector<16xi32>
          %add3A_117 = arith.addi %add3A_116, %select_n3A_114 : vector<16xi32>
          %mul3A_118 = arith.constant 16 : i32
          %mul3A_119 = arith.muli %add3A_82, %mul3A_118 : i32
          %swap3A = arith.index_cast %mul3A_119 : i32 to index
          %swap3A_120 = tpu.vector_load %arg8[%swap3A] {strides = array<i32>} : memref<128xi32, #tpu.memory_space<vmem>>, vector<16xi32>,
          tpu.vector_store %arg8[%swap3A], %add3A_117 {strides = array<i32>} : memref<128xi32, #tpu.memory_space<vmem>>, vector<16xi32>,
          %rem3A_121 = arith.constant 16 : i32
          %rem3A_122 = vector.broadcast %rem3A_121 : i32 to vector<16xi32>
          %rem3A_123 = arith.remsi %get3A_89, %rem3A_122 : vector<16xi32>
          %mul3A_124 = arith.constant 8 : i32
          %mul3A_125 = vector.broadcast %mul3A_124 : i32 to vector<16xi32>
          %mul3A_126 = arith.muli %rem3A_123, %mul3A_125 : vector<16xi32>
          %mul3A_127 = arith.constant 8 : i32
          %mul3A_128 = vector.broadcast %mul3A_127 : i32 to vector<16xi32>
          %mul3A_129 = arith.muli %add3A_86, %mul3A_128 : vector<16xi32>
          %add3A_130 = arith.constant 0 : i32
          %add3A_131 = vector.broadcast %add3A_130 : i32 to vector<16xi32>
          %add3A_132 = arith.addi %mul3A_129, %add3A_131 : vector<16xi32>
          %gather3A = tpu.vector_load_idx %arg11[%add3A_132] : memref<1024xf32, #tpu.memory_space<vmem>>[vector<16xi32>], vector<16xf32>,
          %add3A_133 = arith.constant 0 : i32
          %add3A_134 = vector.broadcast %add3A_133 : i32 to vector<16xi32>
          %add3A_135 = arith.addi %mul3A_126, %add3A_134 : vector<16xi32>
          tpu.vector_store_idx %arg10[%add3A_86, %add3A_135], %gather3A : memref<128x128xf32, #tpu.memory_space<vmem>>[vector<16xi32>, vector<16xi32>], vector<16xf32>,
          %mul3A_136 = arith.constant 8 : i32
          %mul3A_137 = vector.broadcast %mul3A_136 : i32 to vector<16xi32>
          %mul3A_138 = arith.muli %add3A_86, %mul3A_137 : vector<16xi32>
          %add3A_139 = arith.constant 1 : i32
          %add3A_140 = vector.broadcast %add3A_139 : i32 to vector<16xi32>
          %add3A_141 = arith.addi %mul3A_138, %add3A_140 : vector<16xi32>
          %gather3A_142 = tpu.vector_load_idx %arg11[%add3A_141] : memref<1024xf32, #tpu.memory_space<vmem>>[vector<16xi32>], vector<16xf32>,
          %add3A_143 = arith.constant 1 : i32
          %add3A_144 = vector.broadcast %add3A_143 : i32 to vector<16xi32>
          %add3A_145 = arith.addi %mul3A_126, %add3A_144 : vector<16xi32>
          tpu.vector_store_idx %arg10[%add3A_86, %add3A_145], %gather3A_142 : memref<128x128xf32, #tpu.memory_space<vmem>>[vector<16xi32>, vector<16xi32>], vector<16xf32>,
          %mul3A_146 = arith.constant 8 : i32
          %mul3A_147 = vector.broadcast %mul3A_146 : i32 to vector<16xi32>
          %mul3A_148 = arith.muli %add3A_86, %mul3A_147 : vector<16xi32>
          %add3A_149 = arith.constant 2 : i32
          %add3A_150 = vector.broadcast %add3A_149 : i32 to vector<16xi32>
          %add3A_151 = arith.addi %mul3A_148, %add3A_150 : vector<16xi32>
          %gather3A_152 = tpu.vector_load_idx %arg11[%add3A_151] : memref<1024xf32, #tpu.memory_space<vmem>>[vector<16xi32>], vector<16xf32>,
          %add3A_153 = arith.constant 2 : i32
          %add3A_154 = vector.broadcast %add3A_153 : i32 to vector<16xi32>
          %add3A_155 = arith.addi %mul3A_126, %add3A_154 : vector<16xi32>
          tpu.vector_store_idx %arg10[%add3A_86, %add3A_155], %gather3A_152 : memref<128x128xf32, #tpu.memory_space<vmem>>[vector<16xi32>, vector<16xi32>], vector<16xf32>,
          %mul3A_156 = arith.constant 8 : i32
          %mul3A_157 = vector.broadcast %mul3A_156 : i32 to vector<16xi32>
          %mul3A_158 = arith.muli %add3A_86, %mul3A_157 : vector<16xi32>
          %add3A_159 = arith.constant 3 : i32
          %add3A_160 = vector.broadcast %add3A_159 : i32 to vector<16xi32>
          %add3A_161 = arith.addi %mul3A_158, %add3A_160 : vector<16xi32>
          %gather3A_162 = tpu.vector_load_idx %arg11[%add3A_161] : memref<1024xf32, #tpu.memory_space<vmem>>[vector<16xi32>], vector<16xf32>,
          %add3A_163 = arith.constant 3 : i32
          %add3A_164 = vector.broadcast %add3A_163 : i32 to vector<16xi32>
          %add3A_165 = arith.addi %mul3A_126, %add3A_164 : vector<16xi32>
          tpu.vector_store_idx %arg10[%add3A_86, %add3A_165], %gather3A_162 : memref<128x128xf32, #tpu.memory_space<vmem>>[vector<16xi32>, vector<16xi32>], vector<16xf32>,
          %mul3A_166 = arith.constant 8 : i32
          %mul3A_167 = vector.broadcast %mul3A_166 : i32 to vector<16xi32>
          %mul3A_168 = arith.muli %add3A_86, %mul3A_167 : vector<16xi32>
          %add3A_169 = arith.constant 4 : i32
          %add3A_170 = vector.broadcast %add3A_169 : i32 to vector<16xi32>
          %add3A_171 = arith.addi %mul3A_168, %add3A_170 : vector<16xi32>
          %gather3A_172 = tpu.vector_load_idx %arg11[%add3A_171] : memref<1024xf32, #tpu.memory_space<vmem>>[vector<16xi32>], vector<16xf32>,
          %add3A_173 = arith.constant 4 : i32
          %add3A_174 = vector.broadcast %add3A_173 : i32 to vector<16xi32>
          %add3A_175 = arith.addi %mul3A_126, %add3A_174 : vector<16xi32>
          tpu.vector_store_idx %arg10[%add3A_86, %add3A_175], %gather3A_172 : memref<128x128xf32, #tpu.memory_space<vmem>>[vector<16xi32>, vector<16xi32>], vector<16xf32>,
          %mul3A_176 = arith.constant 8 : i32
          %mul3A_177 = vector.broadcast %mul3A_176 : i32 to vector<16xi32>
          %mul3A_178 = arith.muli %add3A_86, %mul3A_177 : vector<16xi32>
          %add3A_179 = arith.constant 5 : i32
          %add3A_180 = vector.broadcast %add3A_179 : i32 to vector<16xi32>
          %add3A_181 = arith.addi %mul3A_178, %add3A_180 : vector<16xi32>
          %gather3A_182 = tpu.vector_load_idx %arg11[%add3A_181] : memref<1024xf32, #tpu.memory_space<vmem>>[vector<16xi32>], vector<16xf32>,
          %add3A_183 = arith.constant 5 : i32
          %add3A_184 = vector.broadcast %add3A_183 : i32 to vector<16xi32>
          %add3A_185 = arith.addi %mul3A_126, %add3A_184 : vector<16xi32>
          tpu.vector_store_idx %arg10[%add3A_86, %add3A_185], %gather3A_182 : memref<128x128xf32, #tpu.memory_space<vmem>>[vector<16xi32>, vector<16xi32>], vector<16xf32>,
          %mul3A_186 = arith.constant 8 : i32
          %mul3A_187 = vector.broadcast %mul3A_186 : i32 to vector<16xi32>
          %mul3A_188 = arith.muli %add3A_86, %mul3A_187 : vector<16xi32>
          %add3A_189 = arith.constant 6 : i32
          %add3A_190 = vector.broadcast %add3A_189 : i32 to vector<16xi32>
          %add3A_191 = arith.addi %mul3A_188, %add3A_190 : vector<16xi32>
          %gather3A_192 = tpu.vector_load_idx %arg11[%add3A_191] : memref<1024xf32, #tpu.memory_space<vmem>>[vector<16xi32>], vector<16xf32>,
          %add3A_193 = arith.constant 6 : i32
          %add3A_194 = vector.broadcast %add3A_193 : i32 to vector<16xi32>
          %add3A_195 = arith.addi %mul3A_126, %add3A_194 : vector<16xi32>
          tpu.vector_store_idx %arg10[%add3A_86, %add3A_195], %gather3A_192 : memref<128x128xf32, #tpu.memory_space<vmem>>[vector<16xi32>, vector<16xi32>], vector<16xf32>,
          %mul3A_196 = arith.constant 8 : i32
          %mul3A_197 = vector.broadcast %mul3A_196 : i32 to vector<16xi32>
          %mul3A_198 = arith.muli %add3A_86, %mul3A_197 : vector<16xi32>
          %add3A_199 = arith.constant 7 : i32
          %add3A_200 = vector.broadcast %add3A_199 : i32 to vector<16xi32>
          %add3A_201 = arith.addi %mul3A_198, %add3A_200 : vector<16xi32>
          %gather3A_202 = tpu.vector_load_idx %arg11[%add3A_201] : memref<1024xf32, #tpu.memory_space<vmem>>[vector<16xi32>], vector<16xf32>,
          %add3A_203 = arith.constant 7 : i32
          %add3A_204 = vector.broadcast %add3A_203 : i32 to vector<16xi32>
          %add3A_205 = arith.addi %mul3A_126, %add3A_204 : vector<16xi32>
          tpu.vector_store_idx %arg10[%add3A_86, %add3A_205], %gather3A_202 : memref<128x128xf32, #tpu.memory_space<vmem>>[vector<16xi32>, vector<16xi32>], vector<16xf32>,
        }
        %scan3A_63 = arith.constant 8 : i32
        %dma_start3A_64 = arith.constant 0 : i32
        %dma_start3A_65 = arith.constant 0 : i32
        %dma_start3A_66 = tpu.memref_slice %arg12[%dma_start3A_64, %dma_start3A_65] : memref<10640x128xf32, #tpu.memory_space<vmem_shared>> -> memref<10640x128xf32, #tpu.memory_space<vmem_shared>>
        tpu.enqueue_indirect_dma source(%arg10 : memref<128x128xf32, #tpu.memory_space<vmem>>) target(%dma_start3A_66 : memref<10640x128xf32, #tpu.memory_space<vmem_shared>>) offsets(%arg8 : memref<128xi32, #tpu.memory_space<vmem>>) semaphore(%arg14 : memref<!tpu.dma_semaphore, #tpu.memory_space<semaphore_mem>>) {add = true}
        %dma_wait3A_67 = arith.constant 0 : i32
        %dma_wait3A_68 = arith.constant 0 : i32
        %dma_wait3A_69 = tpu.memref_slice %arg12[%dma_wait3A_67, %dma_wait3A_68] : memref<10640x128xf32, #tpu.memory_space<vmem_shared>> -> memref<10640x128xf32, #tpu.memory_space<vmem_shared>>
        tpu.wait_indirect_dma semaphore(%arg13 : memref<!tpu.dma_semaphore, #tpu.memory_space<semaphore_mem>>) src(%arg9 : memref<128x128xf32, #tpu.memory_space<vmem>>) dst(%dma_wait3A_69 : memref<10640x128xf32, #tpu.memory_space<vmem_shared>>)
        %dma_wait3A_70 = arith.constant 0 : i32
        %dma_wait3A_71 = arith.constant 0 : i32
        %dma_wait3A_72 = tpu.memref_slice %arg12[%dma_wait3A_70, %dma_wait3A_71] : memref<10640x128xf32, #tpu.memory_space<vmem_shared>> -> memref<10640x128xf32, #tpu.memory_space<vmem_shared>>
        tpu.wait_indirect_dma semaphore(%arg14 : memref<!tpu.dma_semaphore, #tpu.memory_space<semaphore_mem>>) src(%arg10 : memref<128x128xf32, #tpu.memory_space<vmem>>) dst(%dma_wait3A_72 : memref<10640x128xf32, #tpu.memory_space<vmem_shared>>)
        %scan3A_73 = arith.constant 0 : i32
        %scan3A_74 = arith.constant 8 : i32
        %scan3A_75 = arith.addi %scan3A_73, %scan3A_74 : i32
        %scan3A_76 = arith.constant 1 : i32
        scf.for %scan3A_78 = %scan3A_73 to %scan3A_75 step %scan3A_76  : i32 {
          %mul3A_79 = arith.constant 1 : i32
          %mul3A_80 = arith.muli %scan3A_78, %mul3A_79 : i32
          %add3A_81 = arith.constant 0 : i32
          %add3A_82 = arith.addi %add3A_81, %mul3A_80 : i32
          %mul3A_83 = arith.constant 16 : i32
          %mul3A_84 = arith.muli %add3A_82, %mul3A_83 : i32
          %add3A_85 = vector.broadcast %mul3A_84 : i32 to vector<16xi32>
          %add3A_86 = arith.addi %iota3A, %add3A_85 : vector<16xi32>
          %mul3A_87 = arith.constant 16 : i32
          %mul3A_88 = arith.muli %add3A_82, %mul3A_87 : i32
          %get3A = arith.index_cast %mul3A_88 : i32 to index
          %get3A_89 = tpu.vector_load %arg7[%get3A] {strides = array<i32>} : memref<128xi32, #tpu.memory_space<vmem>>, vector<16xi32>,
          %rem3A = arith.constant 16 : i32
          %rem3A_90 = vector.broadcast %rem3A : i32 to vector<16xi32>
          %rem3A_91 = arith.remsi %get3A_89, %rem3A_90 : vector<16xi32>
          %mul3A_92 = arith.constant 8 : i32
          %mul3A_93 = vector.broadcast %mul3A_92 : i32 to vector<16xi32>
          %mul3A_94 = arith.muli %rem3A_91, %mul3A_93 : vector<16xi32>
          %add3A_95 = arith.constant 0 : i32
          %add3A_96 = vector.broadcast %add3A_95 : i32 to vector<16xi32>
          %add3A_97 = arith.addi %mul3A_94, %add3A_96 : vector<16xi32>
          tpu.vector_store_idx %arg10[%add3A_86, %add3A_97], %broadcast_in_dim3A_9 : memref<128x128xf32, #tpu.memory_space<vmem>>[vector<16xi32>, vector<16xi32>], vector<16xf32>,
          %add3A_98 = arith.constant 1 : i32
          %add3A_99 = vector.broadcast %add3A_98 : i32 to vector<16xi32>
          %add3A_100 = arith.addi %mul3A_94, %add3A_99 : vector<16xi32>
          tpu.vector_store_idx %arg10[%add3A_86, %add3A_100], %broadcast_in_dim3A_9 : memref<128x128xf32, #tpu.memory_space<vmem>>[vector<16xi32>, vector<16xi32>], vector<16xf32>,
          %add3A_101 = arith.constant 2 : i32
          %add3A_102 = vector.broadcast %add3A_101 : i32 to vector<16xi32>
          %add3A_103 = arith.addi %mul3A_94, %add3A_102 : vector<16xi32>
          tpu.vector_store_idx %arg10[%add3A_86, %add3A_103], %broadcast_in_dim3A_9 : memref<128x128xf32, #tpu.memory_space<vmem>>[vector<16xi32>, vector<16xi32>], vector<16xf32>,
          %add3A_104 = arith.constant 3 : i32
          %add3A_105 = vector.broadcast %add3A_104 : i32 to vector<16xi32>
          %add3A_106 = arith.addi %mul3A_94, %add3A_105 : vector<16xi32>
          tpu.vector_store_idx %arg10[%add3A_86, %add3A_106], %broadcast_in_dim3A_9 : memref<128x128xf32, #tpu.memory_space<vmem>>[vector<16xi32>, vector<16xi32>], vector<16xf32>,
          %add3A_107 = arith.constant 4 : i32
          %add3A_108 = vector.broadcast %add3A_107 : i32 to vector<16xi32>
          %add3A_109 = arith.addi %mul3A_94, %add3A_108 : vector<16xi32>
          tpu.vector_store_idx %arg10[%add3A_86, %add3A_109], %broadcast_in_dim3A_9 : memref<128x128xf32, #tpu.memory_space<vmem>>[vector<16xi32>, vector<16xi32>], vector<16xf32>,
          %add3A_110 = arith.constant 5 : i32
          %add3A_111 = vector.broadcast %add3A_110 : i32 to vector<16xi32>
          %add3A_112 = arith.addi %mul3A_94, %add3A_111 : vector<16xi32>
          tpu.vector_store_idx %arg10[%add3A_86, %add3A_112], %broadcast_in_dim3A_9 : memref<128x128xf32, #tpu.memory_space<vmem>>[vector<16xi32>, vector<16xi32>], vector<16xf32>,
          %add3A_113 = arith.constant 6 : i32
          %add3A_114 = vector.broadcast %add3A_113 : i32 to vector<16xi32>
          %add3A_115 = arith.addi %mul3A_94, %add3A_114 : vector<16xi32>
          tpu.vector_store_idx %arg10[%add3A_86, %add3A_115], %broadcast_in_dim3A_9 : memref<128x128xf32, #tpu.memory_space<vmem>>[vector<16xi32>, vector<16xi32>], vector<16xf32>,
          %add3A_116 = arith.constant 7 : i32
          %add3A_117 = vector.broadcast %add3A_116 : i32 to vector<16xi32>
          %add3A_118 = arith.addi %mul3A_94, %add3A_117 : vector<16xi32>
          tpu.vector_store_idx %arg10[%add3A_86, %add3A_118], %broadcast_in_dim3A_9 : memref<128x128xf32, #tpu.memory_space<vmem>>[vector<16xi32>, vector<16xi32>], vector<16xf32>,
        }
        %scan3A_77 = arith.constant 8 : i32
      } else {
      }
    }
    %scan3A_23 = arith.constant 79 : i32
    %barrier3A_24 = arith.constant 0 : index
    tpu.barrier barrier_id(%barrier3A_24)
    %scan3A_25 = arith.constant 0 : i32
    %scan3A_26 = arith.constant 9 : i32
    %scan3A_27 = arith.addi %scan3A_25, %scan3A_26 : i32
    %scan3A_28 = arith.constant 1 : i32
    scf.for %scan3A_30 = %scan3A_25 to %scan3A_27 step %scan3A_28  : i32 {
      %mul3A_31 = arith.constant 1 : i32
      %mul3A_32 = arith.muli %scan3A_30, %mul3A_31 : i32
      %add3A_33 = arith.constant 0 : i32
      %add3A_34 = arith.addi %add3A_33, %mul3A_32 : i32
      %mul3A_35 = arith.constant 16 : i32
      %mul3A_36 = arith.muli %add3A_34, %mul3A_35 : i32
      %add3A_37 = arith.addi %mul3A_36, %arg1 : i32
      %lt3A_38 = arith.constant 133 : i32
      %lt3A_39 = arith.cmpi slt, %add3A_37, %lt3A_38 : i32
      %convert_element_type3A = arith.extui %lt3A_39 : i1 to i32
      %cond3A = arith.constant 0 : i32
      %cond3A_40 = arith.cmpi ne, %convert_element_type3A, %cond3A : i32
      scf.if %cond3A_40 {
        %mul3A_41 = arith.constant 80 : i32
        %mul3A_42 = arith.muli %add3A_37, %mul3A_41 : i32
        "tpu.region"() ({
          %run_scoped3A = tpu.sem_alloc : memref<!tpu.dma_semaphore, #tpu.memory_space<semaphore_mem>>
          %dma_start3A = arith.constant 0 : i32
          %dma_start3A_48 = arith.constant 0 : i32
          %dma_start3A_49 = tpu.memref_slice %arg9[%dma_start3A, %dma_start3A_48] : memref<128x128xf32, #tpu.memory_space<vmem>> -> memref<80x128xf32, #tpu.memory_space<vmem>>
          %dma_start3A_50 = arith.constant 0 : i32
          %dma_start3A_51 = tpu.memref_slice %arg12[%mul3A_42, %dma_start3A_50] : memref<10640x128xf32, #tpu.memory_space<vmem_shared>> -> memref<80x128xf32, #tpu.memory_space<vmem_shared>>
          %dma_start3A_52 = arith.constant 0 : i32
          %dma_start3A_53 = arith.constant 0 : i32
          %dma_start3A_54 = tpu.memref_slice %arg9[%dma_start3A_52, %dma_start3A_53] : memref<128x128xf32, #tpu.memory_space<vmem>> -> memref<80x128xf32, #tpu.memory_space<vmem>>
          %dma_start3A_55 = arith.constant 0 : i32
          %dma_start3A_56 = tpu.memref_slice %arg12[%mul3A_42, %dma_start3A_55] : memref<10640x128xf32, #tpu.memory_space<vmem_shared>> -> memref<80x128xf32, #tpu.memory_space<vmem_shared>>
          tpu.enqueue_dma source(%dma_start3A_56 : memref<80x128xf32, #tpu.memory_space<vmem_shared>>) target(%dma_start3A_54 : memref<80x128xf32, #tpu.memory_space<vmem>>) target_semaphore(%run_scoped3A : memref<!tpu.dma_semaphore, #tpu.memory_space<semaphore_mem>>)
          %dma_wait3A = arith.constant 0 : i32
          %dma_wait3A_57 = arith.constant 0 : i32
          %dma_wait3A_58 = tpu.memref_slice %arg9[%dma_wait3A, %dma_wait3A_57] : memref<128x128xf32, #tpu.memory_space<vmem>> -> memref<80x128xf32, #tpu.memory_space<vmem>>
          %dma_wait3A_59 = arith.constant 0 : i32
          %dma_wait3A_60 = tpu.memref_slice %arg12[%mul3A_42, %dma_wait3A_59] : memref<10640x128xf32, #tpu.memory_space<vmem_shared>> -> memref<80x128xf32, #tpu.memory_space<vmem_shared>>
          %dma_wait3A_61 = arith.constant 0 : i32
          %dma_wait3A_62 = arith.constant 0 : i32
          %dma_wait3A_63 = tpu.memref_slice %arg9[%dma_wait3A_61, %dma_wait3A_62] : memref<128x128xf32, #tpu.memory_space<vmem>> -> memref<80x128xf32, #tpu.memory_space<vmem>>
          %dma_wait3A_64 = arith.constant 0 : i32
          %dma_wait3A_65 = tpu.memref_slice %arg12[%mul3A_42, %dma_wait3A_64] : memref<10640x128xf32, #tpu.memory_space<vmem_shared>> -> memref<80x128xf32, #tpu.memory_space<vmem_shared>>
          tpu.wait_dma2 semaphore(%run_scoped3A : memref<!tpu.dma_semaphore, #tpu.memory_space<semaphore_mem>>) src(%dma_wait3A_65 : memref<80x128xf32, #tpu.memory_space<vmem_shared>>) dst(%dma_wait3A_63 : memref<80x128xf32, #tpu.memory_space<vmem>>)
          tpu.yield
        }) : () -> ()
        %mul3A_43 = arith.constant 10640 : i32
        %mul3A_44 = arith.muli %arg0, %mul3A_43 : i32
        %mul3A_45 = arith.constant 80 : i32
        %mul3A_46 = arith.muli %add3A_37, %mul3A_45 : i32
        %add3A_47 = arith.addi %mul3A_44, %mul3A_46 : i32
        "tpu.region"() ({
          %run_scoped3A = tpu.sem_alloc : memref<!tpu.dma_semaphore, #tpu.memory_space<semaphore_mem>>
          %dma_start3A = arith.constant 0 : i32
          %dma_start3A_48 = arith.constant 0 : i32
          %dma_start3A_49 = tpu.memref_slice %arg9[%dma_start3A, %dma_start3A_48] : memref<128x128xf32, #tpu.memory_space<vmem>> -> memref<80x128xf32, #tpu.memory_space<vmem>>
          %dma_start3A_50 = arith.constant 0 : i32
          %dma_start3A_51 = tpu.memref_slice %arg6[%add3A_47, %dma_start3A_50] : memref<21280x128xf32, #tpu.memory_space<hbm>> -> memref<80x128xf32, #tpu.memory_space<hbm>>
          %dma_start3A_52 = arith.constant 0 : i32
          %dma_start3A_53 = tpu.memref_slice %arg6[%add3A_47, %dma_start3A_52] : memref<21280x128xf32, #tpu.memory_space<hbm>> -> memref<80x128xf32, #tpu.memory_space<hbm>>
          %dma_start3A_54 = arith.constant 0 : i32
          %dma_start3A_55 = arith.constant 0 : i32
          %dma_start3A_56 = tpu.memref_slice %arg9[%dma_start3A_54, %dma_start3A_55] : memref<128x128xf32, #tpu.memory_space<vmem>> -> memref<80x128xf32, #tpu.memory_space<vmem>>
          tpu.enqueue_dma source(%dma_start3A_56 : memref<80x128xf32, #tpu.memory_space<vmem>>) target(%dma_start3A_53 : memref<80x128xf32, #tpu.memory_space<hbm>>) target_semaphore(%run_scoped3A : memref<!tpu.dma_semaphore, #tpu.memory_space<semaphore_mem>>)
          %dma_wait3A = arith.constant 0 : i32
          %dma_wait3A_57 = arith.constant 0 : i32
          %dma_wait3A_58 = tpu.memref_slice %arg9[%dma_wait3A, %dma_wait3A_57] : memref<128x128xf32, #tpu.memory_space<vmem>> -> memref<80x128xf32, #tpu.memory_space<vmem>>
          %dma_wait3A_59 = arith.constant 0 : i32
          %dma_wait3A_60 = tpu.memref_slice %arg6[%add3A_47, %dma_wait3A_59] : memref<21280x128xf32, #tpu.memory_space<hbm>> -> memref<80x128xf32, #tpu.memory_space<hbm>>
          %dma_wait3A_61 = arith.constant 0 : i32
          %dma_wait3A_62 = tpu.memref_slice %arg6[%add3A_47, %dma_wait3A_61] : memref<21280x128xf32, #tpu.memory_space<hbm>> -> memref<80x128xf32, #tpu.memory_space<hbm>>
          %dma_wait3A_63 = arith.constant 0 : i32
          %dma_wait3A_64 = arith.constant 0 : i32
          %dma_wait3A_65 = tpu.memref_slice %arg9[%dma_wait3A_63, %dma_wait3A_64] : memref<128x128xf32, #tpu.memory_space<vmem>> -> memref<80x128xf32, #tpu.memory_space<vmem>>
          tpu.wait_dma2 semaphore(%run_scoped3A : memref<!tpu.dma_semaphore, #tpu.memory_space<semaphore_mem>>) src(%dma_wait3A_65 : memref<80x128xf32, #tpu.memory_space<vmem>>) dst(%dma_wait3A_62 : memref<80x128xf32, #tpu.memory_space<hbm>>)
          tpu.yield
        }) : () -> ()
      } else {
      }
    }
    %scan3A_29 = arith.constant 9 : i32
    return
  }
}

#map = affine_map<(d0, d1) -> (0, 0)>
#map1 = affine_map<(d0, d1) -> (0)>
module attributes {stable_mosaic.version = 14 : i64} {
  func.func @k(%arg0: i32, %arg1: i32, %arg2: memref<10000x128xf32, #tpu.memory_space<hbm>>, %arg3: memref<10000x128xf32, #tpu.memory_space<hbm>>, %arg4: memref<320000xi32, #tpu.memory_space<hbm>>, %arg5: memref<320000xi32, #tpu.memory_space<hbm>>, %arg6: memref<320000x128xf32, #tpu.memory_space<hbm>>, %arg7: memref<320000x128xf32, #tpu.memory_space<hbm>>, %arg8: memref<128xi32, #tpu.memory_space<vmem>>, %arg9: memref<128xi32, #tpu.memory_space<vmem>>, %arg10: memref<128x128xf32, #tpu.memory_space<vmem>>, %arg11: memref<128x128xf32, #tpu.memory_space<vmem>>, %arg12: memref<128x128xf32, #tpu.memory_space<vmem>>, %arg13: memref<128x128xf32, #tpu.memory_space<vmem>>, %arg14: memref<!tpu.dma_semaphore, #tpu.memory_space<semaphore_mem>>, %arg15: memref<!tpu.dma_semaphore, #tpu.memory_space<semaphore_mem>>, %arg16: memref<!tpu.dma_semaphore, #tpu.memory_space<semaphore_mem>>, %arg17: memref<!tpu.dma_semaphore, #tpu.memory_space<semaphore_mem>>, %arg18: memref<!tpu.dma_semaphore, #tpu.memory_space<semaphore_mem>>, %arg19: memref<!tpu.dma_semaphore, #tpu.memory_space<semaphore_mem>>) attributes {dimension_semantics = [#tpu.dimension_semantics<core_parallel>, #tpu.dimension_semantics<subcore_parallel>], iteration_bounds = array<i64: 2, 16>, scalar_prefetch = 0 : i64, scratch_operands = 12 : i64, tpu.core_type = #tpu.core_type<sc_vector_subcore>, window_params = [{transform_indices = #map}, {transform_indices = #map}, {transform_indices = #map1}, {transform_indices = #map1}, {transform_indices = #map}, {transform_indices = #map}]} {
    %mul3A = arith.constant 2 : i32
    %mul3A_0 = arith.muli %arg1, %mul3A : i32
    %add3A = arith.addi %mul3A_0, %arg0 : i32
    %mul3A_1 = arith.constant 78 : i32
    %mul3A_2 = arith.muli %add3A, %mul3A_1 : i32
    %min3A = arith.constant 4 : i32
    %min3A_3 = arith.minsi %add3A, %min3A : i32
    %add3A_4 = arith.addi %mul3A_2, %min3A_3 : i32
    %lt3A = arith.constant 4 : i32
    %lt3A_5 = arith.cmpi slt, %add3A, %lt3A : i32
    %jit3A = arith.constant 1 : i32
    %jit3A_6 = arith.constant 0 : i32
    %select_n3A = arith.select %lt3A_5, %jit3A, %jit3A_6 : i32
    %add3A_7 = arith.constant 78 : i32
    %add3A_8 = arith.addi %add3A_7, %select_n3A : i32
    %scan3A = arith.constant 0 : i32
    %scan3A_9 = arith.constant 79 : i32
    %scan3A_10 = arith.addi %scan3A, %scan3A_9 : i32
    %scan3A_11 = arith.constant 1 : i32
    scf.for %scan3A_109 = %scan3A to %scan3A_10 step %scan3A_11  : i32 {
      %mul3A_110 = arith.constant 1 : i32
      %mul3A_111 = arith.muli %scan3A_109, %mul3A_110 : i32
      %add3A_112 = arith.constant 0 : i32
      %add3A_113 = arith.addi %add3A_112, %mul3A_111 : i32
      %lt3A_114 = arith.cmpi slt, %add3A_113, %add3A_8 : i32
      %jit3A_115 = arith.constant 2 : i32
      %eq3A_116 = arith.constant 0 : i32
      %eq3A_117 = arith.cmpi eq, %jit3A_115, %eq3A_116 : i32
      %jit3A_118 = arith.constant 1 : i32
      %select_n3A_119 = arith.select %eq3A_117, %jit3A_118, %jit3A_115 : i32
      %rem3A_120 = arith.remsi %add3A_113, %select_n3A_119 : i32
      %ne3A_121 = arith.constant 0 : i32
      %ne3A_122 = arith.cmpi ne, %rem3A_120, %ne3A_121 : i32
      %lt3A_123 = arith.constant 0 : i32
      %lt3A_124 = arith.cmpi slt, %rem3A_120, %lt3A_123 : i32
      %lt3A_125 = arith.constant 0 : i32
      %lt3A_126 = arith.cmpi slt, %select_n3A_119, %lt3A_125 : i32
      %ne3A_127 = arith.xori %lt3A_124, %lt3A_126 : i1
      %and3A_128 = arith.andi %ne3A_127, %ne3A_122 : i1
      %add3A_129 = arith.addi %rem3A_120, %select_n3A_119 : i32
      %select_n3A_130 = arith.select %and3A_128, %add3A_129, %rem3A_120 : i32
      %eq3A_131 = arith.constant 0 : i32
      %eq3A_132 = arith.cmpi eq, %select_n3A_130, %eq3A_131 : i32
      %and3A_133 = arith.andi %lt3A_114, %eq3A_132 : i1
      %convert_element_type3A_134 = arith.extui %and3A_133 : i1 to i32
      %cond3A_135 = arith.constant 0 : i32
      %cond3A_136 = arith.cmpi ne, %convert_element_type3A_134, %cond3A_135 : i32
      scf.if %cond3A_136 {
        %ge3A_160 = arith.constant 2 : i32
        %ge3A_161 = arith.cmpi sge, %add3A_113, %ge3A_160 : i32
        %convert_element_type3A_162 = arith.extui %ge3A_161 : i1 to i32
        %cond3A_163 = arith.constant 0 : i32
        %cond3A_164 = arith.cmpi ne, %convert_element_type3A_162, %cond3A_163 : i32
        scf.if %cond3A_164 {
          %dma_wait3A_194 = arith.constant 0 : i32
          %dma_wait3A_195 = arith.constant 0 : i32
          %dma_wait3A_196 = tpu.memref_slice %arg6[%dma_wait3A_194, %dma_wait3A_195] : memref<320000x128xf32, #tpu.memory_space<hbm>> -> memref<128x128xf32, #tpu.memory_space<hbm>>
          %dma_wait3A_197 = arith.constant 0 : i32
          %dma_wait3A_198 = arith.constant 0 : i32
          %dma_wait3A_199 = tpu.memref_slice %arg6[%dma_wait3A_197, %dma_wait3A_198] : memref<320000x128xf32, #tpu.memory_space<hbm>> -> memref<128x128xf32, #tpu.memory_space<hbm>>
          tpu.wait_dma2 semaphore(%arg16 : memref<!tpu.dma_semaphore, #tpu.memory_space<semaphore_mem>>) src(%arg10 : memref<128x128xf32, #tpu.memory_space<vmem>>) dst(%dma_wait3A_199 : memref<128x128xf32, #tpu.memory_space<hbm>>)
          %dma_wait3A_200 = arith.constant 0 : i32
          %dma_wait3A_201 = arith.constant 0 : i32
          %dma_wait3A_202 = tpu.memref_slice %arg7[%dma_wait3A_200, %dma_wait3A_201] : memref<320000x128xf32, #tpu.memory_space<hbm>> -> memref<128x128xf32, #tpu.memory_space<hbm>>
          %dma_wait3A_203 = arith.constant 0 : i32
          %dma_wait3A_204 = arith.constant 0 : i32
          %dma_wait3A_205 = tpu.memref_slice %arg7[%dma_wait3A_203, %dma_wait3A_204] : memref<320000x128xf32, #tpu.memory_space<hbm>> -> memref<128x128xf32, #tpu.memory_space<hbm>>
          tpu.wait_dma2 semaphore(%arg17 : memref<!tpu.dma_semaphore, #tpu.memory_space<semaphore_mem>>) src(%arg11 : memref<128x128xf32, #tpu.memory_space<vmem>>) dst(%dma_wait3A_205 : memref<128x128xf32, #tpu.memory_space<hbm>>)
        } else {
        }
        %add3A_165 = arith.addi %add3A_4, %add3A_113 : i32
        %mul3A_166 = arith.constant 128 : i32
        %mul3A_167 = arith.muli %add3A_165, %mul3A_166 : i32
        %dma_start3A = tpu.memref_slice %arg4[%mul3A_167] : memref<320000xi32, #tpu.memory_space<hbm>> -> memref<128xi32, #tpu.memory_space<hbm>>
        %dma_start3A_168 = tpu.memref_slice %arg4[%mul3A_167] : memref<320000xi32, #tpu.memory_space<hbm>> -> memref<128xi32, #tpu.memory_space<hbm>>
        tpu.enqueue_dma source(%dma_start3A_168 : memref<128xi32, #tpu.memory_space<hbm>>) target(%arg8 : memref<128xi32, #tpu.memory_space<vmem>>) target_semaphore(%arg14 : memref<!tpu.dma_semaphore, #tpu.memory_space<semaphore_mem>>)
        %dma_start3A_169 = tpu.memref_slice %arg5[%mul3A_167] : memref<320000xi32, #tpu.memory_space<hbm>> -> memref<128xi32, #tpu.memory_space<hbm>>
        %dma_start3A_170 = tpu.memref_slice %arg5[%mul3A_167] : memref<320000xi32, #tpu.memory_space<hbm>> -> memref<128xi32, #tpu.memory_space<hbm>>
        tpu.enqueue_dma source(%dma_start3A_170 : memref<128xi32, #tpu.memory_space<hbm>>) target(%arg9 : memref<128xi32, #tpu.memory_space<vmem>>) target_semaphore(%arg15 : memref<!tpu.dma_semaphore, #tpu.memory_space<semaphore_mem>>)
        %dma_wait3A = tpu.memref_slice %arg4[%mul3A_167] : memref<320000xi32, #tpu.memory_space<hbm>> -> memref<128xi32, #tpu.memory_space<hbm>>
        %dma_wait3A_171 = tpu.memref_slice %arg4[%mul3A_167] : memref<320000xi32, #tpu.memory_space<hbm>> -> memref<128xi32, #tpu.memory_space<hbm>>
        tpu.wait_dma2 semaphore(%arg14 : memref<!tpu.dma_semaphore, #tpu.memory_space<semaphore_mem>>) src(%dma_wait3A_171 : memref<128xi32, #tpu.memory_space<hbm>>) dst(%arg8 : memref<128xi32, #tpu.memory_space<vmem>>)
        %dma_wait3A_172 = tpu.memref_slice %arg5[%mul3A_167] : memref<320000xi32, #tpu.memory_space<hbm>> -> memref<128xi32, #tpu.memory_space<hbm>>
        %dma_wait3A_173 = tpu.memref_slice %arg5[%mul3A_167] : memref<320000xi32, #tpu.memory_space<hbm>> -> memref<128xi32, #tpu.memory_space<hbm>>
        tpu.wait_dma2 semaphore(%arg15 : memref<!tpu.dma_semaphore, #tpu.memory_space<semaphore_mem>>) src(%dma_wait3A_173 : memref<128xi32, #tpu.memory_space<hbm>>) dst(%arg9 : memref<128xi32, #tpu.memory_space<vmem>>)
        %dma_start3A_174 = arith.constant 0 : i32
        %dma_start3A_175 = arith.constant 0 : i32
        %dma_start3A_176 = tpu.memref_slice %arg2[%dma_start3A_174, %dma_start3A_175] : memref<10000x128xf32, #tpu.memory_space<hbm>> -> memref<10000x128xf32, #tpu.memory_space<hbm>>
        tpu.enqueue_indirect_dma source(%dma_start3A_176 : memref<10000x128xf32, #tpu.memory_space<hbm>>) target(%arg10 : memref<128x128xf32, #tpu.memory_space<vmem>>) offsets(%arg8 : memref<128xi32, #tpu.memory_space<vmem>>) semaphore(%arg14 : memref<!tpu.dma_semaphore, #tpu.memory_space<semaphore_mem>>)
        %dma_start3A_177 = arith.constant 0 : i32
        %dma_start3A_178 = arith.constant 0 : i32
        %dma_start3A_179 = tpu.memref_slice %arg3[%dma_start3A_177, %dma_start3A_178] : memref<10000x128xf32, #tpu.memory_space<hbm>> -> memref<10000x128xf32, #tpu.memory_space<hbm>>
        tpu.enqueue_indirect_dma source(%dma_start3A_179 : memref<10000x128xf32, #tpu.memory_space<hbm>>) target(%arg11 : memref<128x128xf32, #tpu.memory_space<vmem>>) offsets(%arg9 : memref<128xi32, #tpu.memory_space<vmem>>) semaphore(%arg15 : memref<!tpu.dma_semaphore, #tpu.memory_space<semaphore_mem>>)
        %dma_wait3A_180 = arith.constant 0 : i32
        %dma_wait3A_181 = arith.constant 0 : i32
        %dma_wait3A_182 = tpu.memref_slice %arg2[%dma_wait3A_180, %dma_wait3A_181] : memref<10000x128xf32, #tpu.memory_space<hbm>> -> memref<10000x128xf32, #tpu.memory_space<hbm>>
        tpu.wait_indirect_dma semaphore(%arg14 : memref<!tpu.dma_semaphore, #tpu.memory_space<semaphore_mem>>) src(%dma_wait3A_182 : memref<10000x128xf32, #tpu.memory_space<hbm>>) dst(%arg10 : memref<128x128xf32, #tpu.memory_space<vmem>>)
        %dma_wait3A_183 = arith.constant 0 : i32
        %dma_wait3A_184 = arith.constant 0 : i32
        %dma_wait3A_185 = tpu.memref_slice %arg3[%dma_wait3A_183, %dma_wait3A_184] : memref<10000x128xf32, #tpu.memory_space<hbm>> -> memref<10000x128xf32, #tpu.memory_space<hbm>>
        tpu.wait_indirect_dma semaphore(%arg15 : memref<!tpu.dma_semaphore, #tpu.memory_space<semaphore_mem>>) src(%dma_wait3A_185 : memref<10000x128xf32, #tpu.memory_space<hbm>>) dst(%arg11 : memref<128x128xf32, #tpu.memory_space<vmem>>)
        %dma_start3A_186 = arith.constant 0 : i32
        %dma_start3A_187 = tpu.memref_slice %arg6[%mul3A_167, %dma_start3A_186] : memref<320000x128xf32, #tpu.memory_space<hbm>> -> memref<128x128xf32, #tpu.memory_space<hbm>>
        %dma_start3A_188 = arith.constant 0 : i32
        %dma_start3A_189 = tpu.memref_slice %arg6[%mul3A_167, %dma_start3A_188] : memref<320000x128xf32, #tpu.memory_space<hbm>> -> memref<128x128xf32, #tpu.memory_space<hbm>>
        tpu.enqueue_dma source(%arg10 : memref<128x128xf32, #tpu.memory_space<vmem>>) target(%dma_start3A_189 : memref<128x128xf32, #tpu.memory_space<hbm>>) target_semaphore(%arg16 : memref<!tpu.dma_semaphore, #tpu.memory_space<semaphore_mem>>)
        %dma_start3A_190 = arith.constant 0 : i32
        %dma_start3A_191 = tpu.memref_slice %arg7[%mul3A_167, %dma_start3A_190] : memref<320000x128xf32, #tpu.memory_space<hbm>> -> memref<128x128xf32, #tpu.memory_space<hbm>>
        %dma_start3A_192 = arith.constant 0 : i32
        %dma_start3A_193 = tpu.memref_slice %arg7[%mul3A_167, %dma_start3A_192] : memref<320000x128xf32, #tpu.memory_space<hbm>> -> memref<128x128xf32, #tpu.memory_space<hbm>>
        tpu.enqueue_dma source(%arg11 : memref<128x128xf32, #tpu.memory_space<vmem>>) target(%dma_start3A_193 : memref<128x128xf32, #tpu.memory_space<hbm>>) target_semaphore(%arg17 : memref<!tpu.dma_semaphore, #tpu.memory_space<semaphore_mem>>)
      } else {
      }
      %lt3A_137 = arith.cmpi slt, %add3A_113, %add3A_8 : i32
      %jit3A_138 = arith.constant 2 : i32
      %eq3A_139 = arith.constant 0 : i32
      %eq3A_140 = arith.cmpi eq, %jit3A_138, %eq3A_139 : i32
      %jit3A_141 = arith.constant 1 : i32
      %select_n3A_142 = arith.select %eq3A_140, %jit3A_141, %jit3A_138 : i32
      %rem3A_143 = arith.remsi %add3A_113, %select_n3A_142 : i32
      %ne3A_144 = arith.constant 0 : i32
      %ne3A_145 = arith.cmpi ne, %rem3A_143, %ne3A_144 : i32
      %lt3A_146 = arith.constant 0 : i32
      %lt3A_147 = arith.cmpi slt, %rem3A_143, %lt3A_146 : i32
      %lt3A_148 = arith.constant 0 : i32
      %lt3A_149 = arith.cmpi slt, %select_n3A_142, %lt3A_148 : i32
      %ne3A_150 = arith.xori %lt3A_147, %lt3A_149 : i1
      %and3A_151 = arith.andi %ne3A_150, %ne3A_145 : i1
      %add3A_152 = arith.addi %rem3A_143, %select_n3A_142 : i32
      %select_n3A_153 = arith.select %and3A_151, %add3A_152, %rem3A_143 : i32
      %eq3A_154 = arith.constant 1 : i32
      %eq3A_155 = arith.cmpi eq, %select_n3A_153, %eq3A_154 : i32
      %and3A_156 = arith.andi %lt3A_137, %eq3A_155 : i1
      %convert_element_type3A_157 = arith.extui %and3A_156 : i1 to i32
      %cond3A_158 = arith.constant 0 : i32
      %cond3A_159 = arith.cmpi ne, %convert_element_type3A_157, %cond3A_158 : i32
      scf.if %cond3A_159 {
        %ge3A_160 = arith.constant 2 : i32
        %ge3A_161 = arith.cmpi sge, %add3A_113, %ge3A_160 : i32
        %convert_element_type3A_162 = arith.extui %ge3A_161 : i1 to i32
        %cond3A_163 = arith.constant 0 : i32
        %cond3A_164 = arith.cmpi ne, %convert_element_type3A_162, %cond3A_163 : i32
        scf.if %cond3A_164 {
          %dma_wait3A_194 = arith.constant 0 : i32
          %dma_wait3A_195 = arith.constant 0 : i32
          %dma_wait3A_196 = tpu.memref_slice %arg6[%dma_wait3A_194, %dma_wait3A_195] : memref<320000x128xf32, #tpu.memory_space<hbm>> -> memref<128x128xf32, #tpu.memory_space<hbm>>
          %dma_wait3A_197 = arith.constant 0 : i32
          %dma_wait3A_198 = arith.constant 0 : i32
          %dma_wait3A_199 = tpu.memref_slice %arg6[%dma_wait3A_197, %dma_wait3A_198] : memref<320000x128xf32, #tpu.memory_space<hbm>> -> memref<128x128xf32, #tpu.memory_space<hbm>>
          tpu.wait_dma2 semaphore(%arg18 : memref<!tpu.dma_semaphore, #tpu.memory_space<semaphore_mem>>) src(%arg12 : memref<128x128xf32, #tpu.memory_space<vmem>>) dst(%dma_wait3A_199 : memref<128x128xf32, #tpu.memory_space<hbm>>)
          %dma_wait3A_200 = arith.constant 0 : i32
          %dma_wait3A_201 = arith.constant 0 : i32
          %dma_wait3A_202 = tpu.memref_slice %arg7[%dma_wait3A_200, %dma_wait3A_201] : memref<320000x128xf32, #tpu.memory_space<hbm>> -> memref<128x128xf32, #tpu.memory_space<hbm>>
          %dma_wait3A_203 = arith.constant 0 : i32
          %dma_wait3A_204 = arith.constant 0 : i32
          %dma_wait3A_205 = tpu.memref_slice %arg7[%dma_wait3A_203, %dma_wait3A_204] : memref<320000x128xf32, #tpu.memory_space<hbm>> -> memref<128x128xf32, #tpu.memory_space<hbm>>
          tpu.wait_dma2 semaphore(%arg19 : memref<!tpu.dma_semaphore, #tpu.memory_space<semaphore_mem>>) src(%arg13 : memref<128x128xf32, #tpu.memory_space<vmem>>) dst(%dma_wait3A_205 : memref<128x128xf32, #tpu.memory_space<hbm>>)
        } else {
        }
        %add3A_165 = arith.addi %add3A_4, %add3A_113 : i32
        %mul3A_166 = arith.constant 128 : i32
        %mul3A_167 = arith.muli %add3A_165, %mul3A_166 : i32
        %dma_start3A = tpu.memref_slice %arg4[%mul3A_167] : memref<320000xi32, #tpu.memory_space<hbm>> -> memref<128xi32, #tpu.memory_space<hbm>>
        %dma_start3A_168 = tpu.memref_slice %arg4[%mul3A_167] : memref<320000xi32, #tpu.memory_space<hbm>> -> memref<128xi32, #tpu.memory_space<hbm>>
        tpu.enqueue_dma source(%dma_start3A_168 : memref<128xi32, #tpu.memory_space<hbm>>) target(%arg8 : memref<128xi32, #tpu.memory_space<vmem>>) target_semaphore(%arg14 : memref<!tpu.dma_semaphore, #tpu.memory_space<semaphore_mem>>)
        %dma_start3A_169 = tpu.memref_slice %arg5[%mul3A_167] : memref<320000xi32, #tpu.memory_space<hbm>> -> memref<128xi32, #tpu.memory_space<hbm>>
        %dma_start3A_170 = tpu.memref_slice %arg5[%mul3A_167] : memref<320000xi32, #tpu.memory_space<hbm>> -> memref<128xi32, #tpu.memory_space<hbm>>
        tpu.enqueue_dma source(%dma_start3A_170 : memref<128xi32, #tpu.memory_space<hbm>>) target(%arg9 : memref<128xi32, #tpu.memory_space<vmem>>) target_semaphore(%arg15 : memref<!tpu.dma_semaphore, #tpu.memory_space<semaphore_mem>>)
        %dma_wait3A = tpu.memref_slice %arg4[%mul3A_167] : memref<320000xi32, #tpu.memory_space<hbm>> -> memref<128xi32, #tpu.memory_space<hbm>>
        %dma_wait3A_171 = tpu.memref_slice %arg4[%mul3A_167] : memref<320000xi32, #tpu.memory_space<hbm>> -> memref<128xi32, #tpu.memory_space<hbm>>
        tpu.wait_dma2 semaphore(%arg14 : memref<!tpu.dma_semaphore, #tpu.memory_space<semaphore_mem>>) src(%dma_wait3A_171 : memref<128xi32, #tpu.memory_space<hbm>>) dst(%arg8 : memref<128xi32, #tpu.memory_space<vmem>>)
        %dma_wait3A_172 = tpu.memref_slice %arg5[%mul3A_167] : memref<320000xi32, #tpu.memory_space<hbm>> -> memref<128xi32, #tpu.memory_space<hbm>>
        %dma_wait3A_173 = tpu.memref_slice %arg5[%mul3A_167] : memref<320000xi32, #tpu.memory_space<hbm>> -> memref<128xi32, #tpu.memory_space<hbm>>
        tpu.wait_dma2 semaphore(%arg15 : memref<!tpu.dma_semaphore, #tpu.memory_space<semaphore_mem>>) src(%dma_wait3A_173 : memref<128xi32, #tpu.memory_space<hbm>>) dst(%arg9 : memref<128xi32, #tpu.memory_space<vmem>>)
        %dma_start3A_174 = arith.constant 0 : i32
        %dma_start3A_175 = arith.constant 0 : i32
        %dma_start3A_176 = tpu.memref_slice %arg2[%dma_start3A_174, %dma_start3A_175] : memref<10000x128xf32, #tpu.memory_space<hbm>> -> memref<10000x128xf32, #tpu.memory_space<hbm>>
        tpu.enqueue_indirect_dma source(%dma_start3A_176 : memref<10000x128xf32, #tpu.memory_space<hbm>>) target(%arg12 : memref<128x128xf32, #tpu.memory_space<vmem>>) offsets(%arg8 : memref<128xi32, #tpu.memory_space<vmem>>) semaphore(%arg14 : memref<!tpu.dma_semaphore, #tpu.memory_space<semaphore_mem>>)
        %dma_start3A_177 = arith.constant 0 : i32
        %dma_start3A_178 = arith.constant 0 : i32
        %dma_start3A_179 = tpu.memref_slice %arg3[%dma_start3A_177, %dma_start3A_178] : memref<10000x128xf32, #tpu.memory_space<hbm>> -> memref<10000x128xf32, #tpu.memory_space<hbm>>
        tpu.enqueue_indirect_dma source(%dma_start3A_179 : memref<10000x128xf32, #tpu.memory_space<hbm>>) target(%arg13 : memref<128x128xf32, #tpu.memory_space<vmem>>) offsets(%arg9 : memref<128xi32, #tpu.memory_space<vmem>>) semaphore(%arg15 : memref<!tpu.dma_semaphore, #tpu.memory_space<semaphore_mem>>)
        %dma_wait3A_180 = arith.constant 0 : i32
        %dma_wait3A_181 = arith.constant 0 : i32
        %dma_wait3A_182 = tpu.memref_slice %arg2[%dma_wait3A_180, %dma_wait3A_181] : memref<10000x128xf32, #tpu.memory_space<hbm>> -> memref<10000x128xf32, #tpu.memory_space<hbm>>
        tpu.wait_indirect_dma semaphore(%arg14 : memref<!tpu.dma_semaphore, #tpu.memory_space<semaphore_mem>>) src(%dma_wait3A_182 : memref<10000x128xf32, #tpu.memory_space<hbm>>) dst(%arg12 : memref<128x128xf32, #tpu.memory_space<vmem>>)
        %dma_wait3A_183 = arith.constant 0 : i32
        %dma_wait3A_184 = arith.constant 0 : i32
        %dma_wait3A_185 = tpu.memref_slice %arg3[%dma_wait3A_183, %dma_wait3A_184] : memref<10000x128xf32, #tpu.memory_space<hbm>> -> memref<10000x128xf32, #tpu.memory_space<hbm>>
        tpu.wait_indirect_dma semaphore(%arg15 : memref<!tpu.dma_semaphore, #tpu.memory_space<semaphore_mem>>) src(%dma_wait3A_185 : memref<10000x128xf32, #tpu.memory_space<hbm>>) dst(%arg13 : memref<128x128xf32, #tpu.memory_space<vmem>>)
        %dma_start3A_186 = arith.constant 0 : i32
        %dma_start3A_187 = tpu.memref_slice %arg6[%mul3A_167, %dma_start3A_186] : memref<320000x128xf32, #tpu.memory_space<hbm>> -> memref<128x128xf32, #tpu.memory_space<hbm>>
        %dma_start3A_188 = arith.constant 0 : i32
        %dma_start3A_189 = tpu.memref_slice %arg6[%mul3A_167, %dma_start3A_188] : memref<320000x128xf32, #tpu.memory_space<hbm>> -> memref<128x128xf32, #tpu.memory_space<hbm>>
        tpu.enqueue_dma source(%arg12 : memref<128x128xf32, #tpu.memory_space<vmem>>) target(%dma_start3A_189 : memref<128x128xf32, #tpu.memory_space<hbm>>) target_semaphore(%arg18 : memref<!tpu.dma_semaphore, #tpu.memory_space<semaphore_mem>>)
        %dma_start3A_190 = arith.constant 0 : i32
        %dma_start3A_191 = tpu.memref_slice %arg7[%mul3A_167, %dma_start3A_190] : memref<320000x128xf32, #tpu.memory_space<hbm>> -> memref<128x128xf32, #tpu.memory_space<hbm>>
        %dma_start3A_192 = arith.constant 0 : i32
        %dma_start3A_193 = tpu.memref_slice %arg7[%mul3A_167, %dma_start3A_192] : memref<320000x128xf32, #tpu.memory_space<hbm>> -> memref<128x128xf32, #tpu.memory_space<hbm>>
        tpu.enqueue_dma source(%arg13 : memref<128x128xf32, #tpu.memory_space<vmem>>) target(%dma_start3A_193 : memref<128x128xf32, #tpu.memory_space<hbm>>) target_semaphore(%arg19 : memref<!tpu.dma_semaphore, #tpu.memory_space<semaphore_mem>>)
      } else {
      }
    }
    %scan3A_12 = arith.constant 79 : i32
    %ge3A = arith.constant 1 : i32
    %ge3A_13 = arith.cmpi sge, %add3A_8, %ge3A : i32
    %sub3A = arith.constant 1 : i32
    %sub3A_14 = arith.subi %add3A_8, %sub3A : i32
    %jit3A_15 = arith.constant 2 : i32
    %eq3A = arith.constant 0 : i32
    %eq3A_16 = arith.cmpi eq, %jit3A_15, %eq3A : i32
    %jit3A_17 = arith.constant 1 : i32
    %select_n3A_18 = arith.select %eq3A_16, %jit3A_17, %jit3A_15 : i32
    %rem3A = arith.remsi %sub3A_14, %select_n3A_18 : i32
    %ne3A = arith.constant 0 : i32
    %ne3A_19 = arith.cmpi ne, %rem3A, %ne3A : i32
    %lt3A_20 = arith.constant 0 : i32
    %lt3A_21 = arith.cmpi slt, %rem3A, %lt3A_20 : i32
    %lt3A_22 = arith.constant 0 : i32
    %lt3A_23 = arith.cmpi slt, %select_n3A_18, %lt3A_22 : i32
    %ne3A_24 = arith.xori %lt3A_21, %lt3A_23 : i1
    %and3A = arith.andi %ne3A_24, %ne3A_19 : i1
    %add3A_25 = arith.addi %rem3A, %select_n3A_18 : i32
    %select_n3A_26 = arith.select %and3A, %add3A_25, %rem3A : i32
    %eq3A_27 = arith.constant 0 : i32
    %eq3A_28 = arith.cmpi eq, %select_n3A_26, %eq3A_27 : i32
    %and3A_29 = arith.andi %ge3A_13, %eq3A_28 : i1
    %convert_element_type3A = arith.extui %and3A_29 : i1 to i32
    %cond3A = arith.constant 0 : i32
    %cond3A_30 = arith.cmpi ne, %convert_element_type3A, %cond3A : i32
    scf.if %cond3A_30 {
      %dma_wait3A = arith.constant 0 : i32
      %dma_wait3A_109 = arith.constant 0 : i32
      %dma_wait3A_110 = tpu.memref_slice %arg6[%dma_wait3A, %dma_wait3A_109] : memref<320000x128xf32, #tpu.memory_space<hbm>> -> memref<128x128xf32, #tpu.memory_space<hbm>>
      %dma_wait3A_111 = arith.constant 0 : i32
      %dma_wait3A_112 = arith.constant 0 : i32
      %dma_wait3A_113 = tpu.memref_slice %arg6[%dma_wait3A_111, %dma_wait3A_112] : memref<320000x128xf32, #tpu.memory_space<hbm>> -> memref<128x128xf32, #tpu.memory_space<hbm>>
      tpu.wait_dma2 semaphore(%arg16 : memref<!tpu.dma_semaphore, #tpu.memory_space<semaphore_mem>>) src(%arg10 : memref<128x128xf32, #tpu.memory_space<vmem>>) dst(%dma_wait3A_113 : memref<128x128xf32, #tpu.memory_space<hbm>>)
      %dma_wait3A_114 = arith.constant 0 : i32
      %dma_wait3A_115 = arith.constant 0 : i32
      %dma_wait3A_116 = tpu.memref_slice %arg7[%dma_wait3A_114, %dma_wait3A_115] : memref<320000x128xf32, #tpu.memory_space<hbm>> -> memref<128x128xf32, #tpu.memory_space<hbm>>
      %dma_wait3A_117 = arith.constant 0 : i32
      %dma_wait3A_118 = arith.constant 0 : i32
      %dma_wait3A_119 = tpu.memref_slice %arg7[%dma_wait3A_117, %dma_wait3A_118] : memref<320000x128xf32, #tpu.memory_space<hbm>> -> memref<128x128xf32, #tpu.memory_space<hbm>>
      tpu.wait_dma2 semaphore(%arg17 : memref<!tpu.dma_semaphore, #tpu.memory_space<semaphore_mem>>) src(%arg11 : memref<128x128xf32, #tpu.memory_space<vmem>>) dst(%dma_wait3A_119 : memref<128x128xf32, #tpu.memory_space<hbm>>)
    } else {
    }
    %ge3A_31 = arith.constant 1 : i32
    %ge3A_32 = arith.cmpi sge, %add3A_8, %ge3A_31 : i32
    %sub3A_33 = arith.constant 1 : i32
    %sub3A_34 = arith.subi %add3A_8, %sub3A_33 : i32
    %jit3A_35 = arith.constant 2 : i32
    %eq3A_36 = arith.constant 0 : i32
    %eq3A_37 = arith.cmpi eq, %jit3A_35, %eq3A_36 : i32
    %jit3A_38 = arith.constant 1 : i32
    %select_n3A_39 = arith.select %eq3A_37, %jit3A_38, %jit3A_35 : i32
    %rem3A_40 = arith.remsi %sub3A_34, %select_n3A_39 : i32
    %ne3A_41 = arith.constant 0 : i32
    %ne3A_42 = arith.cmpi ne, %rem3A_40, %ne3A_41 : i32
    %lt3A_43 = arith.constant 0 : i32
    %lt3A_44 = arith.cmpi slt, %rem3A_40, %lt3A_43 : i32
    %lt3A_45 = arith.constant 0 : i32
    %lt3A_46 = arith.cmpi slt, %select_n3A_39, %lt3A_45 : i32
    %ne3A_47 = arith.xori %lt3A_44, %lt3A_46 : i1
    %and3A_48 = arith.andi %ne3A_47, %ne3A_42 : i1
    %add3A_49 = arith.addi %rem3A_40, %select_n3A_39 : i32
    %select_n3A_50 = arith.select %and3A_48, %add3A_49, %rem3A_40 : i32
    %eq3A_51 = arith.constant 1 : i32
    %eq3A_52 = arith.cmpi eq, %select_n3A_50, %eq3A_51 : i32
    %and3A_53 = arith.andi %ge3A_32, %eq3A_52 : i1
    %convert_element_type3A_54 = arith.extui %and3A_53 : i1 to i32
    %cond3A_55 = arith.constant 0 : i32
    %cond3A_56 = arith.cmpi ne, %convert_element_type3A_54, %cond3A_55 : i32
    scf.if %cond3A_56 {
      %dma_wait3A = arith.constant 0 : i32
      %dma_wait3A_109 = arith.constant 0 : i32
      %dma_wait3A_110 = tpu.memref_slice %arg6[%dma_wait3A, %dma_wait3A_109] : memref<320000x128xf32, #tpu.memory_space<hbm>> -> memref<128x128xf32, #tpu.memory_space<hbm>>
      %dma_wait3A_111 = arith.constant 0 : i32
      %dma_wait3A_112 = arith.constant 0 : i32
      %dma_wait3A_113 = tpu.memref_slice %arg6[%dma_wait3A_111, %dma_wait3A_112] : memref<320000x128xf32, #tpu.memory_space<hbm>> -> memref<128x128xf32, #tpu.memory_space<hbm>>
      tpu.wait_dma2 semaphore(%arg18 : memref<!tpu.dma_semaphore, #tpu.memory_space<semaphore_mem>>) src(%arg12 : memref<128x128xf32, #tpu.memory_space<vmem>>) dst(%dma_wait3A_113 : memref<128x128xf32, #tpu.memory_space<hbm>>)
      %dma_wait3A_114 = arith.constant 0 : i32
      %dma_wait3A_115 = arith.constant 0 : i32
      %dma_wait3A_116 = tpu.memref_slice %arg7[%dma_wait3A_114, %dma_wait3A_115] : memref<320000x128xf32, #tpu.memory_space<hbm>> -> memref<128x128xf32, #tpu.memory_space<hbm>>
      %dma_wait3A_117 = arith.constant 0 : i32
      %dma_wait3A_118 = arith.constant 0 : i32
      %dma_wait3A_119 = tpu.memref_slice %arg7[%dma_wait3A_117, %dma_wait3A_118] : memref<320000x128xf32, #tpu.memory_space<hbm>> -> memref<128x128xf32, #tpu.memory_space<hbm>>
      tpu.wait_dma2 semaphore(%arg19 : memref<!tpu.dma_semaphore, #tpu.memory_space<semaphore_mem>>) src(%arg13 : memref<128x128xf32, #tpu.memory_space<vmem>>) dst(%dma_wait3A_119 : memref<128x128xf32, #tpu.memory_space<hbm>>)
    } else {
    }
    %ge3A_57 = arith.constant 2 : i32
    %ge3A_58 = arith.cmpi sge, %add3A_8, %ge3A_57 : i32
    %sub3A_59 = arith.constant 2 : i32
    %sub3A_60 = arith.subi %add3A_8, %sub3A_59 : i32
    %jit3A_61 = arith.constant 2 : i32
    %eq3A_62 = arith.constant 0 : i32
    %eq3A_63 = arith.cmpi eq, %jit3A_61, %eq3A_62 : i32
    %jit3A_64 = arith.constant 1 : i32
    %select_n3A_65 = arith.select %eq3A_63, %jit3A_64, %jit3A_61 : i32
    %rem3A_66 = arith.remsi %sub3A_60, %select_n3A_65 : i32
    %ne3A_67 = arith.constant 0 : i32
    %ne3A_68 = arith.cmpi ne, %rem3A_66, %ne3A_67 : i32
    %lt3A_69 = arith.constant 0 : i32
    %lt3A_70 = arith.cmpi slt, %rem3A_66, %lt3A_69 : i32
    %lt3A_71 = arith.constant 0 : i32
    %lt3A_72 = arith.cmpi slt, %select_n3A_65, %lt3A_71 : i32
    %ne3A_73 = arith.xori %lt3A_70, %lt3A_72 : i1
    %and3A_74 = arith.andi %ne3A_73, %ne3A_68 : i1
    %add3A_75 = arith.addi %rem3A_66, %select_n3A_65 : i32
    %select_n3A_76 = arith.select %and3A_74, %add3A_75, %rem3A_66 : i32
    %eq3A_77 = arith.constant 0 : i32
    %eq3A_78 = arith.cmpi eq, %select_n3A_76, %eq3A_77 : i32
    %and3A_79 = arith.andi %ge3A_58, %eq3A_78 : i1
    %convert_element_type3A_80 = arith.extui %and3A_79 : i1 to i32
    %cond3A_81 = arith.constant 0 : i32
    %cond3A_82 = arith.cmpi ne, %convert_element_type3A_80, %cond3A_81 : i32
    scf.if %cond3A_82 {
      %dma_wait3A = arith.constant 0 : i32
      %dma_wait3A_109 = arith.constant 0 : i32
      %dma_wait3A_110 = tpu.memref_slice %arg6[%dma_wait3A, %dma_wait3A_109] : memref<320000x128xf32, #tpu.memory_space<hbm>> -> memref<128x128xf32, #tpu.memory_space<hbm>>
      %dma_wait3A_111 = arith.constant 0 : i32
      %dma_wait3A_112 = arith.constant 0 : i32
      %dma_wait3A_113 = tpu.memref_slice %arg6[%dma_wait3A_111, %dma_wait3A_112] : memref<320000x128xf32, #tpu.memory_space<hbm>> -> memref<128x128xf32, #tpu.memory_space<hbm>>
      tpu.wait_dma2 semaphore(%arg16 : memref<!tpu.dma_semaphore, #tpu.memory_space<semaphore_mem>>) src(%arg10 : memref<128x128xf32, #tpu.memory_space<vmem>>) dst(%dma_wait3A_113 : memref<128x128xf32, #tpu.memory_space<hbm>>)
      %dma_wait3A_114 = arith.constant 0 : i32
      %dma_wait3A_115 = arith.constant 0 : i32
      %dma_wait3A_116 = tpu.memref_slice %arg7[%dma_wait3A_114, %dma_wait3A_115] : memref<320000x128xf32, #tpu.memory_space<hbm>> -> memref<128x128xf32, #tpu.memory_space<hbm>>
      %dma_wait3A_117 = arith.constant 0 : i32
      %dma_wait3A_118 = arith.constant 0 : i32
      %dma_wait3A_119 = tpu.memref_slice %arg7[%dma_wait3A_117, %dma_wait3A_118] : memref<320000x128xf32, #tpu.memory_space<hbm>> -> memref<128x128xf32, #tpu.memory_space<hbm>>
      tpu.wait_dma2 semaphore(%arg17 : memref<!tpu.dma_semaphore, #tpu.memory_space<semaphore_mem>>) src(%arg11 : memref<128x128xf32, #tpu.memory_space<vmem>>) dst(%dma_wait3A_119 : memref<128x128xf32, #tpu.memory_space<hbm>>)
    } else {
    }
    %ge3A_83 = arith.constant 2 : i32
    %ge3A_84 = arith.cmpi sge, %add3A_8, %ge3A_83 : i32
    %sub3A_85 = arith.constant 2 : i32
    %sub3A_86 = arith.subi %add3A_8, %sub3A_85 : i32
    %jit3A_87 = arith.constant 2 : i32
    %eq3A_88 = arith.constant 0 : i32
    %eq3A_89 = arith.cmpi eq, %jit3A_87, %eq3A_88 : i32
    %jit3A_90 = arith.constant 1 : i32
    %select_n3A_91 = arith.select %eq3A_89, %jit3A_90, %jit3A_87 : i32
    %rem3A_92 = arith.remsi %sub3A_86, %select_n3A_91 : i32
    %ne3A_93 = arith.constant 0 : i32
    %ne3A_94 = arith.cmpi ne, %rem3A_92, %ne3A_93 : i32
    %lt3A_95 = arith.constant 0 : i32
    %lt3A_96 = arith.cmpi slt, %rem3A_92, %lt3A_95 : i32
    %lt3A_97 = arith.constant 0 : i32
    %lt3A_98 = arith.cmpi slt, %select_n3A_91, %lt3A_97 : i32
    %ne3A_99 = arith.xori %lt3A_96, %lt3A_98 : i1
    %and3A_100 = arith.andi %ne3A_99, %ne3A_94 : i1
    %add3A_101 = arith.addi %rem3A_92, %select_n3A_91 : i32
    %select_n3A_102 = arith.select %and3A_100, %add3A_101, %rem3A_92 : i32
    %eq3A_103 = arith.constant 1 : i32
    %eq3A_104 = arith.cmpi eq, %select_n3A_102, %eq3A_103 : i32
    %and3A_105 = arith.andi %ge3A_84, %eq3A_104 : i1
    %convert_element_type3A_106 = arith.extui %and3A_105 : i1 to i32
    %cond3A_107 = arith.constant 0 : i32
    %cond3A_108 = arith.cmpi ne, %convert_element_type3A_106, %cond3A_107 : i32
    scf.if %cond3A_108 {
      %dma_wait3A = arith.constant 0 : i32
      %dma_wait3A_109 = arith.constant 0 : i32
      %dma_wait3A_110 = tpu.memref_slice %arg6[%dma_wait3A, %dma_wait3A_109] : memref<320000x128xf32, #tpu.memory_space<hbm>> -> memref<128x128xf32, #tpu.memory_space<hbm>>
      %dma_wait3A_111 = arith.constant 0 : i32
      %dma_wait3A_112 = arith.constant 0 : i32
      %dma_wait3A_113 = tpu.memref_slice %arg6[%dma_wait3A_111, %dma_wait3A_112] : memref<320000x128xf32, #tpu.memory_space<hbm>> -> memref<128x128xf32, #tpu.memory_space<hbm>>
      tpu.wait_dma2 semaphore(%arg18 : memref<!tpu.dma_semaphore, #tpu.memory_space<semaphore_mem>>) src(%arg12 : memref<128x128xf32, #tpu.memory_space<vmem>>) dst(%dma_wait3A_113 : memref<128x128xf32, #tpu.memory_space<hbm>>)
      %dma_wait3A_114 = arith.constant 0 : i32
      %dma_wait3A_115 = arith.constant 0 : i32
      %dma_wait3A_116 = tpu.memref_slice %arg7[%dma_wait3A_114, %dma_wait3A_115] : memref<320000x128xf32, #tpu.memory_space<hbm>> -> memref<128x128xf32, #tpu.memory_space<hbm>>
      %dma_wait3A_117 = arith.constant 0 : i32
      %dma_wait3A_118 = arith.constant 0 : i32
      %dma_wait3A_119 = tpu.memref_slice %arg7[%dma_wait3A_117, %dma_wait3A_118] : memref<320000x128xf32, #tpu.memory_space<hbm>> -> memref<128x128xf32, #tpu.memory_space<hbm>>
      tpu.wait_dma2 semaphore(%arg19 : memref<!tpu.dma_semaphore, #tpu.memory_space<semaphore_mem>>) src(%arg13 : memref<128x128xf32, #tpu.memory_space<vmem>>) dst(%dma_wait3A_119 : memref<128x128xf32, #tpu.memory_space<hbm>>)
    } else {
    }
    return
  }
}

#map = affine_map<(d0, d1) -> (0, 0)>
#map1 = affine_map<(d0, d1) -> (0)>
module attributes {stable_mosaic.version = 14 : i64} {
  func.func @k(%arg0: i32, %arg1: i32, %arg2: memref<10000x128xf32, #tpu.memory_space<hbm>>, %arg3: memref<10000x128xf32, #tpu.memory_space<hbm>>, %arg4: memref<320000xi32, #tpu.memory_space<hbm>>, %arg5: memref<320000xi32, #tpu.memory_space<hbm>>, %arg6: memref<320000x128xf32, #tpu.memory_space<hbm>>, %arg7: memref<320000x128xf32, #tpu.memory_space<hbm>>, %arg8: memref<128xi32, #tpu.memory_space<vmem>>, %arg9: memref<128xi32, #tpu.memory_space<vmem>>, %arg10: memref<128x128xf32, #tpu.memory_space<vmem>>, %arg11: memref<128x128xf32, #tpu.memory_space<vmem>>, %arg12: memref<128x128xf32, #tpu.memory_space<vmem>>, %arg13: memref<128x128xf32, #tpu.memory_space<vmem>>, %arg14: memref<!tpu.dma_semaphore, #tpu.memory_space<semaphore_mem>>, %arg15: memref<!tpu.dma_semaphore, #tpu.memory_space<semaphore_mem>>, %arg16: memref<!tpu.dma_semaphore, #tpu.memory_space<semaphore_mem>>, %arg17: memref<!tpu.dma_semaphore, #tpu.memory_space<semaphore_mem>>, %arg18: memref<!tpu.dma_semaphore, #tpu.memory_space<semaphore_mem>>, %arg19: memref<!tpu.dma_semaphore, #tpu.memory_space<semaphore_mem>>) attributes {dimension_semantics = [#tpu.dimension_semantics<core_parallel>, #tpu.dimension_semantics<subcore_parallel>], iteration_bounds = array<i64: 2, 16>, scalar_prefetch = 0 : i64, scratch_operands = 12 : i64, tpu.core_type = #tpu.core_type<sc_vector_subcore>, window_params = [{transform_indices = #map}, {transform_indices = #map}, {transform_indices = #map1}, {transform_indices = #map1}, {transform_indices = #map}, {transform_indices = #map}]} {
    %mul3A = arith.constant 2 : i32
    %mul3A_0 = arith.muli %arg1, %mul3A : i32
    %add3A = arith.addi %mul3A_0, %arg0 : i32
    %mul3A_1 = arith.constant 78 : i32
    %mul3A_2 = arith.muli %add3A, %mul3A_1 : i32
    %min3A = arith.constant 4 : i32
    %min3A_3 = arith.minsi %add3A, %min3A : i32
    %add3A_4 = arith.addi %mul3A_2, %min3A_3 : i32
    %lt3A = arith.constant 4 : i32
    %lt3A_5 = arith.cmpi slt, %add3A, %lt3A : i32
    %jit3A = arith.constant 1 : i32
    %jit3A_6 = arith.constant 0 : i32
    %select_n3A = arith.select %lt3A_5, %jit3A, %jit3A_6 : i32
    %add3A_7 = arith.constant 78 : i32
    %add3A_8 = arith.addi %add3A_7, %select_n3A : i32
    %scan3A = arith.constant 0 : i32
    %scan3A_9 = arith.constant 79 : i32
    %scan3A_10 = arith.addi %scan3A, %scan3A_9 : i32
    %scan3A_11 = arith.constant 1 : i32
    scf.for %scan3A_109 = %scan3A to %scan3A_10 step %scan3A_11  : i32 {
      %mul3A_110 = arith.constant 1 : i32
      %mul3A_111 = arith.muli %scan3A_109, %mul3A_110 : i32
      %add3A_112 = arith.constant 0 : i32
      %add3A_113 = arith.addi %add3A_112, %mul3A_111 : i32
      %lt3A_114 = arith.cmpi slt, %add3A_113, %add3A_8 : i32
      %jit3A_115 = arith.constant 2 : i32
      %eq3A_116 = arith.constant 0 : i32
      %eq3A_117 = arith.cmpi eq, %jit3A_115, %eq3A_116 : i32
      %jit3A_118 = arith.constant 1 : i32
      %select_n3A_119 = arith.select %eq3A_117, %jit3A_118, %jit3A_115 : i32
      %rem3A_120 = arith.remsi %add3A_113, %select_n3A_119 : i32
      %ne3A_121 = arith.constant 0 : i32
      %ne3A_122 = arith.cmpi ne, %rem3A_120, %ne3A_121 : i32
      %lt3A_123 = arith.constant 0 : i32
      %lt3A_124 = arith.cmpi slt, %rem3A_120, %lt3A_123 : i32
      %lt3A_125 = arith.constant 0 : i32
      %lt3A_126 = arith.cmpi slt, %select_n3A_119, %lt3A_125 : i32
      %ne3A_127 = arith.xori %lt3A_124, %lt3A_126 : i1
      %and3A_128 = arith.andi %ne3A_127, %ne3A_122 : i1
      %add3A_129 = arith.addi %rem3A_120, %select_n3A_119 : i32
      %select_n3A_130 = arith.select %and3A_128, %add3A_129, %rem3A_120 : i32
      %eq3A_131 = arith.constant 0 : i32
      %eq3A_132 = arith.cmpi eq, %select_n3A_130, %eq3A_131 : i32
      %and3A_133 = arith.andi %lt3A_114, %eq3A_132 : i1
      %convert_element_type3A_134 = arith.extui %and3A_133 : i1 to i32
      %cond3A_135 = arith.constant 0 : i32
      %cond3A_136 = arith.cmpi ne, %convert_element_type3A_134, %cond3A_135 : i32
      scf.if %cond3A_136 {
        %ge3A_160 = arith.constant 2 : i32
        %ge3A_161 = arith.cmpi sge, %add3A_113, %ge3A_160 : i32
        %convert_element_type3A_162 = arith.extui %ge3A_161 : i1 to i32
        %cond3A_163 = arith.constant 0 : i32
        %cond3A_164 = arith.cmpi ne, %convert_element_type3A_162, %cond3A_163 : i32
        scf.if %cond3A_164 {
          %dma_wait3A_194 = arith.constant 0 : i32
          %dma_wait3A_195 = arith.constant 0 : i32
          %dma_wait3A_196 = tpu.memref_slice %arg6[%dma_wait3A_194, %dma_wait3A_195] : memref<320000x128xf32, #tpu.memory_space<hbm>> -> memref<128x128xf32, #tpu.memory_space<hbm>>
          %dma_wait3A_197 = arith.constant 0 : i32
          %dma_wait3A_198 = arith.constant 0 : i32
          %dma_wait3A_199 = tpu.memref_slice %arg6[%dma_wait3A_197, %dma_wait3A_198] : memref<320000x128xf32, #tpu.memory_space<hbm>> -> memref<128x128xf32, #tpu.memory_space<hbm>>
          tpu.wait_dma2 semaphore(%arg16 : memref<!tpu.dma_semaphore, #tpu.memory_space<semaphore_mem>>) src(%arg10 : memref<128x128xf32, #tpu.memory_space<vmem>>) dst(%dma_wait3A_199 : memref<128x128xf32, #tpu.memory_space<hbm>>)
          %dma_wait3A_200 = arith.constant 0 : i32
          %dma_wait3A_201 = arith.constant 0 : i32
          %dma_wait3A_202 = tpu.memref_slice %arg7[%dma_wait3A_200, %dma_wait3A_201] : memref<320000x128xf32, #tpu.memory_space<hbm>> -> memref<128x128xf32, #tpu.memory_space<hbm>>
          %dma_wait3A_203 = arith.constant 0 : i32
          %dma_wait3A_204 = arith.constant 0 : i32
          %dma_wait3A_205 = tpu.memref_slice %arg7[%dma_wait3A_203, %dma_wait3A_204] : memref<320000x128xf32, #tpu.memory_space<hbm>> -> memref<128x128xf32, #tpu.memory_space<hbm>>
          tpu.wait_dma2 semaphore(%arg17 : memref<!tpu.dma_semaphore, #tpu.memory_space<semaphore_mem>>) src(%arg11 : memref<128x128xf32, #tpu.memory_space<vmem>>) dst(%dma_wait3A_205 : memref<128x128xf32, #tpu.memory_space<hbm>>)
        } else {
        }
        %add3A_165 = arith.addi %add3A_4, %add3A_113 : i32
        %mul3A_166 = arith.constant 128 : i32
        %mul3A_167 = arith.muli %add3A_165, %mul3A_166 : i32
        %dma_start3A = tpu.memref_slice %arg4[%mul3A_167] : memref<320000xi32, #tpu.memory_space<hbm>> -> memref<128xi32, #tpu.memory_space<hbm>>
        %dma_start3A_168 = tpu.memref_slice %arg4[%mul3A_167] : memref<320000xi32, #tpu.memory_space<hbm>> -> memref<128xi32, #tpu.memory_space<hbm>>
        tpu.enqueue_dma source(%dma_start3A_168 : memref<128xi32, #tpu.memory_space<hbm>>) target(%arg8 : memref<128xi32, #tpu.memory_space<vmem>>) target_semaphore(%arg14 : memref<!tpu.dma_semaphore, #tpu.memory_space<semaphore_mem>>)
        %dma_start3A_169 = tpu.memref_slice %arg5[%mul3A_167] : memref<320000xi32, #tpu.memory_space<hbm>> -> memref<128xi32, #tpu.memory_space<hbm>>
        %dma_start3A_170 = tpu.memref_slice %arg5[%mul3A_167] : memref<320000xi32, #tpu.memory_space<hbm>> -> memref<128xi32, #tpu.memory_space<hbm>>
        tpu.enqueue_dma source(%dma_start3A_170 : memref<128xi32, #tpu.memory_space<hbm>>) target(%arg9 : memref<128xi32, #tpu.memory_space<vmem>>) target_semaphore(%arg15 : memref<!tpu.dma_semaphore, #tpu.memory_space<semaphore_mem>>)
        %dma_wait3A = tpu.memref_slice %arg4[%mul3A_167] : memref<320000xi32, #tpu.memory_space<hbm>> -> memref<128xi32, #tpu.memory_space<hbm>>
        %dma_wait3A_171 = tpu.memref_slice %arg4[%mul3A_167] : memref<320000xi32, #tpu.memory_space<hbm>> -> memref<128xi32, #tpu.memory_space<hbm>>
        tpu.wait_dma2 semaphore(%arg14 : memref<!tpu.dma_semaphore, #tpu.memory_space<semaphore_mem>>) src(%dma_wait3A_171 : memref<128xi32, #tpu.memory_space<hbm>>) dst(%arg8 : memref<128xi32, #tpu.memory_space<vmem>>)
        %dma_wait3A_172 = tpu.memref_slice %arg5[%mul3A_167] : memref<320000xi32, #tpu.memory_space<hbm>> -> memref<128xi32, #tpu.memory_space<hbm>>
        %dma_wait3A_173 = tpu.memref_slice %arg5[%mul3A_167] : memref<320000xi32, #tpu.memory_space<hbm>> -> memref<128xi32, #tpu.memory_space<hbm>>
        tpu.wait_dma2 semaphore(%arg15 : memref<!tpu.dma_semaphore, #tpu.memory_space<semaphore_mem>>) src(%dma_wait3A_173 : memref<128xi32, #tpu.memory_space<hbm>>) dst(%arg9 : memref<128xi32, #tpu.memory_space<vmem>>)
        %dma_start3A_174 = arith.constant 0 : i32
        %dma_start3A_175 = arith.constant 0 : i32
        %dma_start3A_176 = tpu.memref_slice %arg2[%dma_start3A_174, %dma_start3A_175] : memref<10000x128xf32, #tpu.memory_space<hbm>> -> memref<10000x128xf32, #tpu.memory_space<hbm>>
        tpu.enqueue_indirect_dma source(%dma_start3A_176 : memref<10000x128xf32, #tpu.memory_space<hbm>>) target(%arg10 : memref<128x128xf32, #tpu.memory_space<vmem>>) offsets(%arg8 : memref<128xi32, #tpu.memory_space<vmem>>) semaphore(%arg14 : memref<!tpu.dma_semaphore, #tpu.memory_space<semaphore_mem>>)
        %dma_start3A_177 = arith.constant 0 : i32
        %dma_start3A_178 = arith.constant 0 : i32
        %dma_start3A_179 = tpu.memref_slice %arg3[%dma_start3A_177, %dma_start3A_178] : memref<10000x128xf32, #tpu.memory_space<hbm>> -> memref<10000x128xf32, #tpu.memory_space<hbm>>
        tpu.enqueue_indirect_dma source(%dma_start3A_179 : memref<10000x128xf32, #tpu.memory_space<hbm>>) target(%arg11 : memref<128x128xf32, #tpu.memory_space<vmem>>) offsets(%arg9 : memref<128xi32, #tpu.memory_space<vmem>>) semaphore(%arg15 : memref<!tpu.dma_semaphore, #tpu.memory_space<semaphore_mem>>)
        %dma_wait3A_180 = arith.constant 0 : i32
        %dma_wait3A_181 = arith.constant 0 : i32
        %dma_wait3A_182 = tpu.memref_slice %arg2[%dma_wait3A_180, %dma_wait3A_181] : memref<10000x128xf32, #tpu.memory_space<hbm>> -> memref<10000x128xf32, #tpu.memory_space<hbm>>
        tpu.wait_indirect_dma semaphore(%arg14 : memref<!tpu.dma_semaphore, #tpu.memory_space<semaphore_mem>>) src(%dma_wait3A_182 : memref<10000x128xf32, #tpu.memory_space<hbm>>) dst(%arg10 : memref<128x128xf32, #tpu.memory_space<vmem>>)
        %dma_wait3A_183 = arith.constant 0 : i32
        %dma_wait3A_184 = arith.constant 0 : i32
        %dma_wait3A_185 = tpu.memref_slice %arg3[%dma_wait3A_183, %dma_wait3A_184] : memref<10000x128xf32, #tpu.memory_space<hbm>> -> memref<10000x128xf32, #tpu.memory_space<hbm>>
        tpu.wait_indirect_dma semaphore(%arg15 : memref<!tpu.dma_semaphore, #tpu.memory_space<semaphore_mem>>) src(%dma_wait3A_185 : memref<10000x128xf32, #tpu.memory_space<hbm>>) dst(%arg11 : memref<128x128xf32, #tpu.memory_space<vmem>>)
        %dma_start3A_186 = arith.constant 0 : i32
        %dma_start3A_187 = tpu.memref_slice %arg6[%mul3A_167, %dma_start3A_186] : memref<320000x128xf32, #tpu.memory_space<hbm>> -> memref<128x128xf32, #tpu.memory_space<hbm>>
        %dma_start3A_188 = arith.constant 0 : i32
        %dma_start3A_189 = tpu.memref_slice %arg6[%mul3A_167, %dma_start3A_188] : memref<320000x128xf32, #tpu.memory_space<hbm>> -> memref<128x128xf32, #tpu.memory_space<hbm>>
        tpu.enqueue_dma source(%arg10 : memref<128x128xf32, #tpu.memory_space<vmem>>) target(%dma_start3A_189 : memref<128x128xf32, #tpu.memory_space<hbm>>) target_semaphore(%arg16 : memref<!tpu.dma_semaphore, #tpu.memory_space<semaphore_mem>>)
        %dma_start3A_190 = arith.constant 0 : i32
        %dma_start3A_191 = tpu.memref_slice %arg7[%mul3A_167, %dma_start3A_190] : memref<320000x128xf32, #tpu.memory_space<hbm>> -> memref<128x128xf32, #tpu.memory_space<hbm>>
        %dma_start3A_192 = arith.constant 0 : i32
        %dma_start3A_193 = tpu.memref_slice %arg7[%mul3A_167, %dma_start3A_192] : memref<320000x128xf32, #tpu.memory_space<hbm>> -> memref<128x128xf32, #tpu.memory_space<hbm>>
        tpu.enqueue_dma source(%arg11 : memref<128x128xf32, #tpu.memory_space<vmem>>) target(%dma_start3A_193 : memref<128x128xf32, #tpu.memory_space<hbm>>) target_semaphore(%arg17 : memref<!tpu.dma_semaphore, #tpu.memory_space<semaphore_mem>>)
      } else {
      }
      %lt3A_137 = arith.cmpi slt, %add3A_113, %add3A_8 : i32
      %jit3A_138 = arith.constant 2 : i32
      %eq3A_139 = arith.constant 0 : i32
      %eq3A_140 = arith.cmpi eq, %jit3A_138, %eq3A_139 : i32
      %jit3A_141 = arith.constant 1 : i32
      %select_n3A_142 = arith.select %eq3A_140, %jit3A_141, %jit3A_138 : i32
      %rem3A_143 = arith.remsi %add3A_113, %select_n3A_142 : i32
      %ne3A_144 = arith.constant 0 : i32
      %ne3A_145 = arith.cmpi ne, %rem3A_143, %ne3A_144 : i32
      %lt3A_146 = arith.constant 0 : i32
      %lt3A_147 = arith.cmpi slt, %rem3A_143, %lt3A_146 : i32
      %lt3A_148 = arith.constant 0 : i32
      %lt3A_149 = arith.cmpi slt, %select_n3A_142, %lt3A_148 : i32
      %ne3A_150 = arith.xori %lt3A_147, %lt3A_149 : i1
      %and3A_151 = arith.andi %ne3A_150, %ne3A_145 : i1
      %add3A_152 = arith.addi %rem3A_143, %select_n3A_142 : i32
      %select_n3A_153 = arith.select %and3A_151, %add3A_152, %rem3A_143 : i32
      %eq3A_154 = arith.constant 1 : i32
      %eq3A_155 = arith.cmpi eq, %select_n3A_153, %eq3A_154 : i32
      %and3A_156 = arith.andi %lt3A_137, %eq3A_155 : i1
      %convert_element_type3A_157 = arith.extui %and3A_156 : i1 to i32
      %cond3A_158 = arith.constant 0 : i32
      %cond3A_159 = arith.cmpi ne, %convert_element_type3A_157, %cond3A_158 : i32
      scf.if %cond3A_159 {
        %ge3A_160 = arith.constant 2 : i32
        %ge3A_161 = arith.cmpi sge, %add3A_113, %ge3A_160 : i32
        %convert_element_type3A_162 = arith.extui %ge3A_161 : i1 to i32
        %cond3A_163 = arith.constant 0 : i32
        %cond3A_164 = arith.cmpi ne, %convert_element_type3A_162, %cond3A_163 : i32
        scf.if %cond3A_164 {
          %dma_wait3A_194 = arith.constant 0 : i32
          %dma_wait3A_195 = arith.constant 0 : i32
          %dma_wait3A_196 = tpu.memref_slice %arg6[%dma_wait3A_194, %dma_wait3A_195] : memref<320000x128xf32, #tpu.memory_space<hbm>> -> memref<128x128xf32, #tpu.memory_space<hbm>>
          %dma_wait3A_197 = arith.constant 0 : i32
          %dma_wait3A_198 = arith.constant 0 : i32
          %dma_wait3A_199 = tpu.memref_slice %arg6[%dma_wait3A_197, %dma_wait3A_198] : memref<320000x128xf32, #tpu.memory_space<hbm>> -> memref<128x128xf32, #tpu.memory_space<hbm>>
          tpu.wait_dma2 semaphore(%arg18 : memref<!tpu.dma_semaphore, #tpu.memory_space<semaphore_mem>>) src(%arg12 : memref<128x128xf32, #tpu.memory_space<vmem>>) dst(%dma_wait3A_199 : memref<128x128xf32, #tpu.memory_space<hbm>>)
          %dma_wait3A_200 = arith.constant 0 : i32
          %dma_wait3A_201 = arith.constant 0 : i32
          %dma_wait3A_202 = tpu.memref_slice %arg7[%dma_wait3A_200, %dma_wait3A_201] : memref<320000x128xf32, #tpu.memory_space<hbm>> -> memref<128x128xf32, #tpu.memory_space<hbm>>
          %dma_wait3A_203 = arith.constant 0 : i32
          %dma_wait3A_204 = arith.constant 0 : i32
          %dma_wait3A_205 = tpu.memref_slice %arg7[%dma_wait3A_203, %dma_wait3A_204] : memref<320000x128xf32, #tpu.memory_space<hbm>> -> memref<128x128xf32, #tpu.memory_space<hbm>>
          tpu.wait_dma2 semaphore(%arg19 : memref<!tpu.dma_semaphore, #tpu.memory_space<semaphore_mem>>) src(%arg13 : memref<128x128xf32, #tpu.memory_space<vmem>>) dst(%dma_wait3A_205 : memref<128x128xf32, #tpu.memory_space<hbm>>)
        } else {
        }
        %add3A_165 = arith.addi %add3A_4, %add3A_113 : i32
        %mul3A_166 = arith.constant 128 : i32
        %mul3A_167 = arith.muli %add3A_165, %mul3A_166 : i32
        %dma_start3A = tpu.memref_slice %arg4[%mul3A_167] : memref<320000xi32, #tpu.memory_space<hbm>> -> memref<128xi32, #tpu.memory_space<hbm>>
        %dma_start3A_168 = tpu.memref_slice %arg4[%mul3A_167] : memref<320000xi32, #tpu.memory_space<hbm>> -> memref<128xi32, #tpu.memory_space<hbm>>
        tpu.enqueue_dma source(%dma_start3A_168 : memref<128xi32, #tpu.memory_space<hbm>>) target(%arg8 : memref<128xi32, #tpu.memory_space<vmem>>) target_semaphore(%arg14 : memref<!tpu.dma_semaphore, #tpu.memory_space<semaphore_mem>>)
        %dma_start3A_169 = tpu.memref_slice %arg5[%mul3A_167] : memref<320000xi32, #tpu.memory_space<hbm>> -> memref<128xi32, #tpu.memory_space<hbm>>
        %dma_start3A_170 = tpu.memref_slice %arg5[%mul3A_167] : memref<320000xi32, #tpu.memory_space<hbm>> -> memref<128xi32, #tpu.memory_space<hbm>>
        tpu.enqueue_dma source(%dma_start3A_170 : memref<128xi32, #tpu.memory_space<hbm>>) target(%arg9 : memref<128xi32, #tpu.memory_space<vmem>>) target_semaphore(%arg15 : memref<!tpu.dma_semaphore, #tpu.memory_space<semaphore_mem>>)
        %dma_wait3A = tpu.memref_slice %arg4[%mul3A_167] : memref<320000xi32, #tpu.memory_space<hbm>> -> memref<128xi32, #tpu.memory_space<hbm>>
        %dma_wait3A_171 = tpu.memref_slice %arg4[%mul3A_167] : memref<320000xi32, #tpu.memory_space<hbm>> -> memref<128xi32, #tpu.memory_space<hbm>>
        tpu.wait_dma2 semaphore(%arg14 : memref<!tpu.dma_semaphore, #tpu.memory_space<semaphore_mem>>) src(%dma_wait3A_171 : memref<128xi32, #tpu.memory_space<hbm>>) dst(%arg8 : memref<128xi32, #tpu.memory_space<vmem>>)
        %dma_wait3A_172 = tpu.memref_slice %arg5[%mul3A_167] : memref<320000xi32, #tpu.memory_space<hbm>> -> memref<128xi32, #tpu.memory_space<hbm>>
        %dma_wait3A_173 = tpu.memref_slice %arg5[%mul3A_167] : memref<320000xi32, #tpu.memory_space<hbm>> -> memref<128xi32, #tpu.memory_space<hbm>>
        tpu.wait_dma2 semaphore(%arg15 : memref<!tpu.dma_semaphore, #tpu.memory_space<semaphore_mem>>) src(%dma_wait3A_173 : memref<128xi32, #tpu.memory_space<hbm>>) dst(%arg9 : memref<128xi32, #tpu.memory_space<vmem>>)
        %dma_start3A_174 = arith.constant 0 : i32
        %dma_start3A_175 = arith.constant 0 : i32
        %dma_start3A_176 = tpu.memref_slice %arg2[%dma_start3A_174, %dma_start3A_175] : memref<10000x128xf32, #tpu.memory_space<hbm>> -> memref<10000x128xf32, #tpu.memory_space<hbm>>
        tpu.enqueue_indirect_dma source(%dma_start3A_176 : memref<10000x128xf32, #tpu.memory_space<hbm>>) target(%arg12 : memref<128x128xf32, #tpu.memory_space<vmem>>) offsets(%arg8 : memref<128xi32, #tpu.memory_space<vmem>>) semaphore(%arg14 : memref<!tpu.dma_semaphore, #tpu.memory_space<semaphore_mem>>)
        %dma_start3A_177 = arith.constant 0 : i32
        %dma_start3A_178 = arith.constant 0 : i32
        %dma_start3A_179 = tpu.memref_slice %arg3[%dma_start3A_177, %dma_start3A_178] : memref<10000x128xf32, #tpu.memory_space<hbm>> -> memref<10000x128xf32, #tpu.memory_space<hbm>>
        tpu.enqueue_indirect_dma source(%dma_start3A_179 : memref<10000x128xf32, #tpu.memory_space<hbm>>) target(%arg13 : memref<128x128xf32, #tpu.memory_space<vmem>>) offsets(%arg9 : memref<128xi32, #tpu.memory_space<vmem>>) semaphore(%arg15 : memref<!tpu.dma_semaphore, #tpu.memory_space<semaphore_mem>>)
        %dma_wait3A_180 = arith.constant 0 : i32
        %dma_wait3A_181 = arith.constant 0 : i32
        %dma_wait3A_182 = tpu.memref_slice %arg2[%dma_wait3A_180, %dma_wait3A_181] : memref<10000x128xf32, #tpu.memory_space<hbm>> -> memref<10000x128xf32, #tpu.memory_space<hbm>>
        tpu.wait_indirect_dma semaphore(%arg14 : memref<!tpu.dma_semaphore, #tpu.memory_space<semaphore_mem>>) src(%dma_wait3A_182 : memref<10000x128xf32, #tpu.memory_space<hbm>>) dst(%arg12 : memref<128x128xf32, #tpu.memory_space<vmem>>)
        %dma_wait3A_183 = arith.constant 0 : i32
        %dma_wait3A_184 = arith.constant 0 : i32
        %dma_wait3A_185 = tpu.memref_slice %arg3[%dma_wait3A_183, %dma_wait3A_184] : memref<10000x128xf32, #tpu.memory_space<hbm>> -> memref<10000x128xf32, #tpu.memory_space<hbm>>
        tpu.wait_indirect_dma semaphore(%arg15 : memref<!tpu.dma_semaphore, #tpu.memory_space<semaphore_mem>>) src(%dma_wait3A_185 : memref<10000x128xf32, #tpu.memory_space<hbm>>) dst(%arg13 : memref<128x128xf32, #tpu.memory_space<vmem>>)
        %dma_start3A_186 = arith.constant 0 : i32
        %dma_start3A_187 = tpu.memref_slice %arg6[%mul3A_167, %dma_start3A_186] : memref<320000x128xf32, #tpu.memory_space<hbm>> -> memref<128x128xf32, #tpu.memory_space<hbm>>
        %dma_start3A_188 = arith.constant 0 : i32
        %dma_start3A_189 = tpu.memref_slice %arg6[%mul3A_167, %dma_start3A_188] : memref<320000x128xf32, #tpu.memory_space<hbm>> -> memref<128x128xf32, #tpu.memory_space<hbm>>
        tpu.enqueue_dma source(%arg12 : memref<128x128xf32, #tpu.memory_space<vmem>>) target(%dma_start3A_189 : memref<128x128xf32, #tpu.memory_space<hbm>>) target_semaphore(%arg18 : memref<!tpu.dma_semaphore, #tpu.memory_space<semaphore_mem>>)
        %dma_start3A_190 = arith.constant 0 : i32
        %dma_start3A_191 = tpu.memref_slice %arg7[%mul3A_167, %dma_start3A_190] : memref<320000x128xf32, #tpu.memory_space<hbm>> -> memref<128x128xf32, #tpu.memory_space<hbm>>
        %dma_start3A_192 = arith.constant 0 : i32
        %dma_start3A_193 = tpu.memref_slice %arg7[%mul3A_167, %dma_start3A_192] : memref<320000x128xf32, #tpu.memory_space<hbm>> -> memref<128x128xf32, #tpu.memory_space<hbm>>
        tpu.enqueue_dma source(%arg13 : memref<128x128xf32, #tpu.memory_space<vmem>>) target(%dma_start3A_193 : memref<128x128xf32, #tpu.memory_space<hbm>>) target_semaphore(%arg19 : memref<!tpu.dma_semaphore, #tpu.memory_space<semaphore_mem>>)
      } else {
      }
    }
    %scan3A_12 = arith.constant 79 : i32
    %ge3A = arith.constant 1 : i32
    %ge3A_13 = arith.cmpi sge, %add3A_8, %ge3A : i32
    %sub3A = arith.constant 1 : i32
    %sub3A_14 = arith.subi %add3A_8, %sub3A : i32
    %jit3A_15 = arith.constant 2 : i32
    %eq3A = arith.constant 0 : i32
    %eq3A_16 = arith.cmpi eq, %jit3A_15, %eq3A : i32
    %jit3A_17 = arith.constant 1 : i32
    %select_n3A_18 = arith.select %eq3A_16, %jit3A_17, %jit3A_15 : i32
    %rem3A = arith.remsi %sub3A_14, %select_n3A_18 : i32
    %ne3A = arith.constant 0 : i32
    %ne3A_19 = arith.cmpi ne, %rem3A, %ne3A : i32
    %lt3A_20 = arith.constant 0 : i32
    %lt3A_21 = arith.cmpi slt, %rem3A, %lt3A_20 : i32
    %lt3A_22 = arith.constant 0 : i32
    %lt3A_23 = arith.cmpi slt, %select_n3A_18, %lt3A_22 : i32
    %ne3A_24 = arith.xori %lt3A_21, %lt3A_23 : i1
    %and3A = arith.andi %ne3A_24, %ne3A_19 : i1
    %add3A_25 = arith.addi %rem3A, %select_n3A_18 : i32
    %select_n3A_26 = arith.select %and3A, %add3A_25, %rem3A : i32
    %eq3A_27 = arith.constant 0 : i32
    %eq3A_28 = arith.cmpi eq, %select_n3A_26, %eq3A_27 : i32
    %and3A_29 = arith.andi %ge3A_13, %eq3A_28 : i1
    %convert_element_type3A = arith.extui %and3A_29 : i1 to i32
    %cond3A = arith.constant 0 : i32
    %cond3A_30 = arith.cmpi ne, %convert_element_type3A, %cond3A : i32
    scf.if %cond3A_30 {
      %dma_wait3A = arith.constant 0 : i32
      %dma_wait3A_109 = arith.constant 0 : i32
      %dma_wait3A_110 = tpu.memref_slice %arg6[%dma_wait3A, %dma_wait3A_109] : memref<320000x128xf32, #tpu.memory_space<hbm>> -> memref<128x128xf32, #tpu.memory_space<hbm>>
      %dma_wait3A_111 = arith.constant 0 : i32
      %dma_wait3A_112 = arith.constant 0 : i32
      %dma_wait3A_113 = tpu.memref_slice %arg6[%dma_wait3A_111, %dma_wait3A_112] : memref<320000x128xf32, #tpu.memory_space<hbm>> -> memref<128x128xf32, #tpu.memory_space<hbm>>
      tpu.wait_dma2 semaphore(%arg16 : memref<!tpu.dma_semaphore, #tpu.memory_space<semaphore_mem>>) src(%arg10 : memref<128x128xf32, #tpu.memory_space<vmem>>) dst(%dma_wait3A_113 : memref<128x128xf32, #tpu.memory_space<hbm>>)
      %dma_wait3A_114 = arith.constant 0 : i32
      %dma_wait3A_115 = arith.constant 0 : i32
      %dma_wait3A_116 = tpu.memref_slice %arg7[%dma_wait3A_114, %dma_wait3A_115] : memref<320000x128xf32, #tpu.memory_space<hbm>> -> memref<128x128xf32, #tpu.memory_space<hbm>>
      %dma_wait3A_117 = arith.constant 0 : i32
      %dma_wait3A_118 = arith.constant 0 : i32
      %dma_wait3A_119 = tpu.memref_slice %arg7[%dma_wait3A_117, %dma_wait3A_118] : memref<320000x128xf32, #tpu.memory_space<hbm>> -> memref<128x128xf32, #tpu.memory_space<hbm>>
      tpu.wait_dma2 semaphore(%arg17 : memref<!tpu.dma_semaphore, #tpu.memory_space<semaphore_mem>>) src(%arg11 : memref<128x128xf32, #tpu.memory_space<vmem>>) dst(%dma_wait3A_119 : memref<128x128xf32, #tpu.memory_space<hbm>>)
    } else {
    }
    %ge3A_31 = arith.constant 1 : i32
    %ge3A_32 = arith.cmpi sge, %add3A_8, %ge3A_31 : i32
    %sub3A_33 = arith.constant 1 : i32
    %sub3A_34 = arith.subi %add3A_8, %sub3A_33 : i32
    %jit3A_35 = arith.constant 2 : i32
    %eq3A_36 = arith.constant 0 : i32
    %eq3A_37 = arith.cmpi eq, %jit3A_35, %eq3A_36 : i32
    %jit3A_38 = arith.constant 1 : i32
    %select_n3A_39 = arith.select %eq3A_37, %jit3A_38, %jit3A_35 : i32
    %rem3A_40 = arith.remsi %sub3A_34, %select_n3A_39 : i32
    %ne3A_41 = arith.constant 0 : i32
    %ne3A_42 = arith.cmpi ne, %rem3A_40, %ne3A_41 : i32
    %lt3A_43 = arith.constant 0 : i32
    %lt3A_44 = arith.cmpi slt, %rem3A_40, %lt3A_43 : i32
    %lt3A_45 = arith.constant 0 : i32
    %lt3A_46 = arith.cmpi slt, %select_n3A_39, %lt3A_45 : i32
    %ne3A_47 = arith.xori %lt3A_44, %lt3A_46 : i1
    %and3A_48 = arith.andi %ne3A_47, %ne3A_42 : i1
    %add3A_49 = arith.addi %rem3A_40, %select_n3A_39 : i32
    %select_n3A_50 = arith.select %and3A_48, %add3A_49, %rem3A_40 : i32
    %eq3A_51 = arith.constant 1 : i32
    %eq3A_52 = arith.cmpi eq, %select_n3A_50, %eq3A_51 : i32
    %and3A_53 = arith.andi %ge3A_32, %eq3A_52 : i1
    %convert_element_type3A_54 = arith.extui %and3A_53 : i1 to i32
    %cond3A_55 = arith.constant 0 : i32
    %cond3A_56 = arith.cmpi ne, %convert_element_type3A_54, %cond3A_55 : i32
    scf.if %cond3A_56 {
      %dma_wait3A = arith.constant 0 : i32
      %dma_wait3A_109 = arith.constant 0 : i32
      %dma_wait3A_110 = tpu.memref_slice %arg6[%dma_wait3A, %dma_wait3A_109] : memref<320000x128xf32, #tpu.memory_space<hbm>> -> memref<128x128xf32, #tpu.memory_space<hbm>>
      %dma_wait3A_111 = arith.constant 0 : i32
      %dma_wait3A_112 = arith.constant 0 : i32
      %dma_wait3A_113 = tpu.memref_slice %arg6[%dma_wait3A_111, %dma_wait3A_112] : memref<320000x128xf32, #tpu.memory_space<hbm>> -> memref<128x128xf32, #tpu.memory_space<hbm>>
      tpu.wait_dma2 semaphore(%arg18 : memref<!tpu.dma_semaphore, #tpu.memory_space<semaphore_mem>>) src(%arg12 : memref<128x128xf32, #tpu.memory_space<vmem>>) dst(%dma_wait3A_113 : memref<128x128xf32, #tpu.memory_space<hbm>>)
      %dma_wait3A_114 = arith.constant 0 : i32
      %dma_wait3A_115 = arith.constant 0 : i32
      %dma_wait3A_116 = tpu.memref_slice %arg7[%dma_wait3A_114, %dma_wait3A_115] : memref<320000x128xf32, #tpu.memory_space<hbm>> -> memref<128x128xf32, #tpu.memory_space<hbm>>
      %dma_wait3A_117 = arith.constant 0 : i32
      %dma_wait3A_118 = arith.constant 0 : i32
      %dma_wait3A_119 = tpu.memref_slice %arg7[%dma_wait3A_117, %dma_wait3A_118] : memref<320000x128xf32, #tpu.memory_space<hbm>> -> memref<128x128xf32, #tpu.memory_space<hbm>>
      tpu.wait_dma2 semaphore(%arg19 : memref<!tpu.dma_semaphore, #tpu.memory_space<semaphore_mem>>) src(%arg13 : memref<128x128xf32, #tpu.memory_space<vmem>>) dst(%dma_wait3A_119 : memref<128x128xf32, #tpu.memory_space<hbm>>)
    } else {
    }
    %ge3A_57 = arith.constant 2 : i32
    %ge3A_58 = arith.cmpi sge, %add3A_8, %ge3A_57 : i32
    %sub3A_59 = arith.constant 2 : i32
    %sub3A_60 = arith.subi %add3A_8, %sub3A_59 : i32
    %jit3A_61 = arith.constant 2 : i32
    %eq3A_62 = arith.constant 0 : i32
    %eq3A_63 = arith.cmpi eq, %jit3A_61, %eq3A_62 : i32
    %jit3A_64 = arith.constant 1 : i32
    %select_n3A_65 = arith.select %eq3A_63, %jit3A_64, %jit3A_61 : i32
    %rem3A_66 = arith.remsi %sub3A_60, %select_n3A_65 : i32
    %ne3A_67 = arith.constant 0 : i32
    %ne3A_68 = arith.cmpi ne, %rem3A_66, %ne3A_67 : i32
    %lt3A_69 = arith.constant 0 : i32
    %lt3A_70 = arith.cmpi slt, %rem3A_66, %lt3A_69 : i32
    %lt3A_71 = arith.constant 0 : i32
    %lt3A_72 = arith.cmpi slt, %select_n3A_65, %lt3A_71 : i32
    %ne3A_73 = arith.xori %lt3A_70, %lt3A_72 : i1
    %and3A_74 = arith.andi %ne3A_73, %ne3A_68 : i1
    %add3A_75 = arith.addi %rem3A_66, %select_n3A_65 : i32
    %select_n3A_76 = arith.select %and3A_74, %add3A_75, %rem3A_66 : i32
    %eq3A_77 = arith.constant 0 : i32
    %eq3A_78 = arith.cmpi eq, %select_n3A_76, %eq3A_77 : i32
    %and3A_79 = arith.andi %ge3A_58, %eq3A_78 : i1
    %convert_element_type3A_80 = arith.extui %and3A_79 : i1 to i32
    %cond3A_81 = arith.constant 0 : i32
    %cond3A_82 = arith.cmpi ne, %convert_element_type3A_80, %cond3A_81 : i32
    scf.if %cond3A_82 {
      %dma_wait3A = arith.constant 0 : i32
      %dma_wait3A_109 = arith.constant 0 : i32
      %dma_wait3A_110 = tpu.memref_slice %arg6[%dma_wait3A, %dma_wait3A_109] : memref<320000x128xf32, #tpu.memory_space<hbm>> -> memref<128x128xf32, #tpu.memory_space<hbm>>
      %dma_wait3A_111 = arith.constant 0 : i32
      %dma_wait3A_112 = arith.constant 0 : i32
      %dma_wait3A_113 = tpu.memref_slice %arg6[%dma_wait3A_111, %dma_wait3A_112] : memref<320000x128xf32, #tpu.memory_space<hbm>> -> memref<128x128xf32, #tpu.memory_space<hbm>>
      tpu.wait_dma2 semaphore(%arg16 : memref<!tpu.dma_semaphore, #tpu.memory_space<semaphore_mem>>) src(%arg10 : memref<128x128xf32, #tpu.memory_space<vmem>>) dst(%dma_wait3A_113 : memref<128x128xf32, #tpu.memory_space<hbm>>)
      %dma_wait3A_114 = arith.constant 0 : i32
      %dma_wait3A_115 = arith.constant 0 : i32
      %dma_wait3A_116 = tpu.memref_slice %arg7[%dma_wait3A_114, %dma_wait3A_115] : memref<320000x128xf32, #tpu.memory_space<hbm>> -> memref<128x128xf32, #tpu.memory_space<hbm>>
      %dma_wait3A_117 = arith.constant 0 : i32
      %dma_wait3A_118 = arith.constant 0 : i32
      %dma_wait3A_119 = tpu.memref_slice %arg7[%dma_wait3A_117, %dma_wait3A_118] : memref<320000x128xf32, #tpu.memory_space<hbm>> -> memref<128x128xf32, #tpu.memory_space<hbm>>
      tpu.wait_dma2 semaphore(%arg17 : memref<!tpu.dma_semaphore, #tpu.memory_space<semaphore_mem>>) src(%arg11 : memref<128x128xf32, #tpu.memory_space<vmem>>) dst(%dma_wait3A_119 : memref<128x128xf32, #tpu.memory_space<hbm>>)
    } else {
    }
    %ge3A_83 = arith.constant 2 : i32
    %ge3A_84 = arith.cmpi sge, %add3A_8, %ge3A_83 : i32
    %sub3A_85 = arith.constant 2 : i32
    %sub3A_86 = arith.subi %add3A_8, %sub3A_85 : i32
    %jit3A_87 = arith.constant 2 : i32
    %eq3A_88 = arith.constant 0 : i32
    %eq3A_89 = arith.cmpi eq, %jit3A_87, %eq3A_88 : i32
    %jit3A_90 = arith.constant 1 : i32
    %select_n3A_91 = arith.select %eq3A_89, %jit3A_90, %jit3A_87 : i32
    %rem3A_92 = arith.remsi %sub3A_86, %select_n3A_91 : i32
    %ne3A_93 = arith.constant 0 : i32
    %ne3A_94 = arith.cmpi ne, %rem3A_92, %ne3A_93 : i32
    %lt3A_95 = arith.constant 0 : i32
    %lt3A_96 = arith.cmpi slt, %rem3A_92, %lt3A_95 : i32
    %lt3A_97 = arith.constant 0 : i32
    %lt3A_98 = arith.cmpi slt, %select_n3A_91, %lt3A_97 : i32
    %ne3A_99 = arith.xori %lt3A_96, %lt3A_98 : i1
    %and3A_100 = arith.andi %ne3A_99, %ne3A_94 : i1
    %add3A_101 = arith.addi %rem3A_92, %select_n3A_91 : i32
    %select_n3A_102 = arith.select %and3A_100, %add3A_101, %rem3A_92 : i32
    %eq3A_103 = arith.constant 1 : i32
    %eq3A_104 = arith.cmpi eq, %select_n3A_102, %eq3A_103 : i32
    %and3A_105 = arith.andi %ge3A_84, %eq3A_104 : i1
    %convert_element_type3A_106 = arith.extui %and3A_105 : i1 to i32
    %cond3A_107 = arith.constant 0 : i32
    %cond3A_108 = arith.cmpi ne, %convert_element_type3A_106, %cond3A_107 : i32
    scf.if %cond3A_108 {
      %dma_wait3A = arith.constant 0 : i32
      %dma_wait3A_109 = arith.constant 0 : i32
      %dma_wait3A_110 = tpu.memref_slice %arg6[%dma_wait3A, %dma_wait3A_109] : memref<320000x128xf32, #tpu.memory_space<hbm>> -> memref<128x128xf32, #tpu.memory_space<hbm>>
      %dma_wait3A_111 = arith.constant 0 : i32
      %dma_wait3A_112 = arith.constant 0 : i32
      %dma_wait3A_113 = tpu.memref_slice %arg6[%dma_wait3A_111, %dma_wait3A_112] : memref<320000x128xf32, #tpu.memory_space<hbm>> -> memref<128x128xf32, #tpu.memory_space<hbm>>
      tpu.wait_dma2 semaphore(%arg18 : memref<!tpu.dma_semaphore, #tpu.memory_space<semaphore_mem>>) src(%arg12 : memref<128x128xf32, #tpu.memory_space<vmem>>) dst(%dma_wait3A_113 : memref<128x128xf32, #tpu.memory_space<hbm>>)
      %dma_wait3A_114 = arith.constant 0 : i32
      %dma_wait3A_115 = arith.constant 0 : i32
      %dma_wait3A_116 = tpu.memref_slice %arg7[%dma_wait3A_114, %dma_wait3A_115] : memref<320000x128xf32, #tpu.memory_space<hbm>> -> memref<128x128xf32, #tpu.memory_space<hbm>>
      %dma_wait3A_117 = arith.constant 0 : i32
      %dma_wait3A_118 = arith.constant 0 : i32
      %dma_wait3A_119 = tpu.memref_slice %arg7[%dma_wait3A_117, %dma_wait3A_118] : memref<320000x128xf32, #tpu.memory_space<hbm>> -> memref<128x128xf32, #tpu.memory_space<hbm>>
      tpu.wait_dma2 semaphore(%arg19 : memref<!tpu.dma_semaphore, #tpu.memory_space<semaphore_mem>>) src(%arg13 : memref<128x128xf32, #tpu.memory_space<vmem>>) dst(%dma_wait3A_119 : memref<128x128xf32, #tpu.memory_space<hbm>>)
    } else {
    }
    return
  }
}

#map = affine_map<(d0, d1) -> (0, 0)>
#map1 = affine_map<(d0, d1) -> (0)>
module attributes {stable_mosaic.version = 14 : i64} {
  func.func @k(%arg0: i32, %arg1: i32, %arg2: memref<320000x128xf32, #tpu.memory_space<hbm>>, %arg3: memref<2560000xf32, #tpu.memory_space<hbm>>, %arg4: memref<320000xi32, #tpu.memory_space<hbm>>, %arg5: memref<10640x128xf32, #tpu.memory_space<hbm>>, %arg6: memref<21280x128xf32, #tpu.memory_space<hbm>>, %arg7: memref<128xi32, #tpu.memory_space<vmem>>, %arg8: memref<128xi32, #tpu.memory_space<vmem>>, %arg9: memref<128x128xf32, #tpu.memory_space<vmem>>, %arg10: memref<128x128xf32, #tpu.memory_space<vmem>>, %arg11: memref<1024xf32, #tpu.memory_space<vmem>>, %arg12: memref<10640x128xf32, #tpu.memory_space<vmem_shared>>, %arg13: memref<!tpu.dma_semaphore, #tpu.memory_space<semaphore_mem>>, %arg14: memref<!tpu.dma_semaphore, #tpu.memory_space<semaphore_mem>>) attributes {dimension_semantics = [#tpu.dimension_semantics<core_parallel>, #tpu.dimension_semantics<subcore_parallel>], iteration_bounds = array<i64: 2, 16>, scalar_prefetch = 0 : i64, scratch_operands = 8 : i64, tpu.core_type = #tpu.core_type<sc_vector_subcore>, window_params = [{transform_indices = #map}, {transform_indices = #map1}, {transform_indices = #map1}, {transform_indices = #map}, {transform_indices = #map}]} {
    %mul3A = arith.constant 2 : i32
    %mul3A_0 = arith.muli %arg1, %mul3A : i32
    %add3A = arith.addi %mul3A_0, %arg0 : i32
    %mul3A_1 = arith.constant 78 : i32
    %mul3A_2 = arith.muli %add3A, %mul3A_1 : i32
    %min3A = arith.constant 4 : i32
    %min3A_3 = arith.minsi %add3A, %min3A : i32
    %add3A_4 = arith.addi %mul3A_2, %min3A_3 : i32
    %lt3A = arith.constant 4 : i32
    %lt3A_5 = arith.cmpi slt, %add3A, %lt3A : i32
    %jit3A = arith.constant 1 : i32
    %jit3A_6 = arith.constant 0 : i32
    %select_n3A = arith.select %lt3A_5, %jit3A, %jit3A_6 : i32
    %add3A_7 = arith.constant 78 : i32
    %add3A_8 = arith.addi %add3A_7, %select_n3A : i32
    %broadcast_in_dim3A = arith.constant 0.000000e+00 : f32
    %broadcast_in_dim3A_9 = vector.broadcast %broadcast_in_dim3A : f32 to vector<16xf32>
    %iota3A = tpu.iota {dimensions = array<i32: 0>} : vector<16xi32>
    %scan3A = arith.constant 0 : i32
    %scan3A_10 = arith.constant 128 : i32
    %scan3A_11 = arith.addi %scan3A, %scan3A_10 : i32
    %scan3A_12 = arith.constant 1 : i32
    scf.for %scan3A_30 = %scan3A to %scan3A_11 step %scan3A_12  : i32 {
      %mul3A_31 = arith.constant 1 : i32
      %mul3A_32 = arith.muli %scan3A_30, %mul3A_31 : i32
      %add3A_33 = arith.constant 0 : i32
      %add3A_34 = arith.addi %add3A_33, %mul3A_32 : i32
      %scan3A_35 = arith.constant 0 : i32
      %scan3A_36 = arith.constant 8 : i32
      %scan3A_37 = arith.addi %scan3A_35, %scan3A_36 : i32
      %scan3A_38 = arith.constant 1 : i32
      scf.for %scan3A_40 = %scan3A_35 to %scan3A_37 step %scan3A_38  : i32 {
        %mul3A_41 = arith.constant 1 : i32
        %mul3A_42 = arith.muli %scan3A_40, %mul3A_41 : i32
        %add3A_43 = arith.constant 0 : i32
        %add3A_44 = arith.addi %add3A_43, %mul3A_42 : i32
        %mul3A_45 = arith.constant 16 : i32
        %mul3A_46 = arith.muli %add3A_44, %mul3A_45 : i32
        %swap3A = arith.index_cast %add3A_34 : i32 to index
        %swap3A_47 = arith.index_cast %mul3A_46 : i32 to index
        %swap3A_48 = tpu.vector_load %arg10[%swap3A, %swap3A_47] {strides = array<i32>} : memref<128x128xf32, #tpu.memory_space<vmem>>, vector<16xf32>,
        tpu.vector_store %arg10[%swap3A, %swap3A_47], %broadcast_in_dim3A_9 {strides = array<i32>} : memref<128x128xf32, #tpu.memory_space<vmem>>, vector<16xf32>,
      }
      %scan3A_39 = arith.constant 8 : i32
    }
    %scan3A_13 = arith.constant 128 : i32
    %scan3A_14 = arith.constant 0 : i32
    %scan3A_15 = arith.constant 9 : i32
    %scan3A_16 = arith.addi %scan3A_14, %scan3A_15 : i32
    %scan3A_17 = arith.constant 1 : i32
    scf.for %scan3A_30 = %scan3A_14 to %scan3A_16 step %scan3A_17  : i32 {
      %mul3A_31 = arith.constant 1 : i32
      %mul3A_32 = arith.muli %scan3A_30, %mul3A_31 : i32
      %add3A_33 = arith.constant 0 : i32
      %add3A_34 = arith.addi %add3A_33, %mul3A_32 : i32
      %mul3A_35 = arith.constant 16 : i32
      %mul3A_36 = arith.muli %add3A_34, %mul3A_35 : i32
      %add3A_37 = arith.addi %mul3A_36, %arg1 : i32
      %lt3A_38 = arith.constant 133 : i32
      %lt3A_39 = arith.cmpi slt, %add3A_37, %lt3A_38 : i32
      %convert_element_type3A = arith.extui %lt3A_39 : i1 to i32
      %cond3A = arith.constant 0 : i32
      %cond3A_40 = arith.cmpi ne, %convert_element_type3A, %cond3A : i32
      scf.if %cond3A_40 {
        %mul3A_41 = arith.constant 80 : i32
        %mul3A_42 = arith.muli %add3A_37, %mul3A_41 : i32
        "tpu.region"() ({
          %run_scoped3A = tpu.sem_alloc : memref<!tpu.dma_semaphore, #tpu.memory_space<semaphore_mem>>
          %dma_start3A = arith.constant 0 : i32
          %dma_start3A_45 = arith.constant 0 : i32
          %dma_start3A_46 = tpu.memref_slice %arg9[%dma_start3A, %dma_start3A_45] : memref<128x128xf32, #tpu.memory_space<vmem>> -> memref<80x128xf32, #tpu.memory_space<vmem>>
          %dma_start3A_47 = arith.constant 0 : i32
          %dma_start3A_48 = tpu.memref_slice %arg5[%mul3A_42, %dma_start3A_47] : memref<10640x128xf32, #tpu.memory_space<hbm>> -> memref<80x128xf32, #tpu.memory_space<hbm>>
          %dma_start3A_49 = arith.constant 0 : i32
          %dma_start3A_50 = arith.constant 0 : i32
          %dma_start3A_51 = tpu.memref_slice %arg9[%dma_start3A_49, %dma_start3A_50] : memref<128x128xf32, #tpu.memory_space<vmem>> -> memref<80x128xf32, #tpu.memory_space<vmem>>
          %dma_start3A_52 = arith.constant 0 : i32
          %dma_start3A_53 = tpu.memref_slice %arg5[%mul3A_42, %dma_start3A_52] : memref<10640x128xf32, #tpu.memory_space<hbm>> -> memref<80x128xf32, #tpu.memory_space<hbm>>
          tpu.enqueue_dma source(%dma_start3A_53 : memref<80x128xf32, #tpu.memory_space<hbm>>) target(%dma_start3A_51 : memref<80x128xf32, #tpu.memory_space<vmem>>) target_semaphore(%run_scoped3A : memref<!tpu.dma_semaphore, #tpu.memory_space<semaphore_mem>>)
          %dma_wait3A = arith.constant 0 : i32
          %dma_wait3A_54 = arith.constant 0 : i32
          %dma_wait3A_55 = tpu.memref_slice %arg9[%dma_wait3A, %dma_wait3A_54] : memref<128x128xf32, #tpu.memory_space<vmem>> -> memref<80x128xf32, #tpu.memory_space<vmem>>
          %dma_wait3A_56 = arith.constant 0 : i32
          %dma_wait3A_57 = tpu.memref_slice %arg5[%mul3A_42, %dma_wait3A_56] : memref<10640x128xf32, #tpu.memory_space<hbm>> -> memref<80x128xf32, #tpu.memory_space<hbm>>
          %dma_wait3A_58 = arith.constant 0 : i32
          %dma_wait3A_59 = arith.constant 0 : i32
          %dma_wait3A_60 = tpu.memref_slice %arg9[%dma_wait3A_58, %dma_wait3A_59] : memref<128x128xf32, #tpu.memory_space<vmem>> -> memref<80x128xf32, #tpu.memory_space<vmem>>
          %dma_wait3A_61 = arith.constant 0 : i32
          %dma_wait3A_62 = tpu.memref_slice %arg5[%mul3A_42, %dma_wait3A_61] : memref<10640x128xf32, #tpu.memory_space<hbm>> -> memref<80x128xf32, #tpu.memory_space<hbm>>
          tpu.wait_dma2 semaphore(%run_scoped3A : memref<!tpu.dma_semaphore, #tpu.memory_space<semaphore_mem>>) src(%dma_wait3A_62 : memref<80x128xf32, #tpu.memory_space<hbm>>) dst(%dma_wait3A_60 : memref<80x128xf32, #tpu.memory_space<vmem>>)
          tpu.yield
        }) : () -> ()
        %mul3A_43 = arith.constant 80 : i32
        %mul3A_44 = arith.muli %add3A_37, %mul3A_43 : i32
        "tpu.region"() ({
          %run_scoped3A = tpu.sem_alloc : memref<!tpu.dma_semaphore, #tpu.memory_space<semaphore_mem>>
          %dma_start3A = arith.constant 0 : i32
          %dma_start3A_45 = arith.constant 0 : i32
          %dma_start3A_46 = tpu.memref_slice %arg9[%dma_start3A, %dma_start3A_45] : memref<128x128xf32, #tpu.memory_space<vmem>> -> memref<80x128xf32, #tpu.memory_space<vmem>>
          %dma_start3A_47 = arith.constant 0 : i32
          %dma_start3A_48 = tpu.memref_slice %arg12[%mul3A_44, %dma_start3A_47] : memref<10640x128xf32, #tpu.memory_space<vmem_shared>> -> memref<80x128xf32, #tpu.memory_space<vmem_shared>>
          %dma_start3A_49 = arith.constant 0 : i32
          %dma_start3A_50 = tpu.memref_slice %arg12[%mul3A_44, %dma_start3A_49] : memref<10640x128xf32, #tpu.memory_space<vmem_shared>> -> memref<80x128xf32, #tpu.memory_space<vmem_shared>>
          %dma_start3A_51 = arith.constant 0 : i32
          %dma_start3A_52 = arith.constant 0 : i32
          %dma_start3A_53 = tpu.memref_slice %arg9[%dma_start3A_51, %dma_start3A_52] : memref<128x128xf32, #tpu.memory_space<vmem>> -> memref<80x128xf32, #tpu.memory_space<vmem>>
          tpu.enqueue_dma source(%dma_start3A_53 : memref<80x128xf32, #tpu.memory_space<vmem>>) target(%dma_start3A_50 : memref<80x128xf32, #tpu.memory_space<vmem_shared>>) target_semaphore(%run_scoped3A : memref<!tpu.dma_semaphore, #tpu.memory_space<semaphore_mem>>)
          %dma_wait3A = arith.constant 0 : i32
          %dma_wait3A_54 = arith.constant 0 : i32
          %dma_wait3A_55 = tpu.memref_slice %arg9[%dma_wait3A, %dma_wait3A_54] : memref<128x128xf32, #tpu.memory_space<vmem>> -> memref<80x128xf32, #tpu.memory_space<vmem>>
          %dma_wait3A_56 = arith.constant 0 : i32
          %dma_wait3A_57 = tpu.memref_slice %arg12[%mul3A_44, %dma_wait3A_56] : memref<10640x128xf32, #tpu.memory_space<vmem_shared>> -> memref<80x128xf32, #tpu.memory_space<vmem_shared>>
          %dma_wait3A_58 = arith.constant 0 : i32
          %dma_wait3A_59 = tpu.memref_slice %arg12[%mul3A_44, %dma_wait3A_58] : memref<10640x128xf32, #tpu.memory_space<vmem_shared>> -> memref<80x128xf32, #tpu.memory_space<vmem_shared>>
          %dma_wait3A_60 = arith.constant 0 : i32
          %dma_wait3A_61 = arith.constant 0 : i32
          %dma_wait3A_62 = tpu.memref_slice %arg9[%dma_wait3A_60, %dma_wait3A_61] : memref<128x128xf32, #tpu.memory_space<vmem>> -> memref<80x128xf32, #tpu.memory_space<vmem>>
          tpu.wait_dma2 semaphore(%run_scoped3A : memref<!tpu.dma_semaphore, #tpu.memory_space<semaphore_mem>>) src(%dma_wait3A_62 : memref<80x128xf32, #tpu.memory_space<vmem>>) dst(%dma_wait3A_59 : memref<80x128xf32, #tpu.memory_space<vmem_shared>>)
          tpu.yield
        }) : () -> ()
      } else {
      }
    }
    %scan3A_18 = arith.constant 9 : i32
    %barrier3A = arith.constant 0 : index
    tpu.barrier barrier_id(%barrier3A)
    %scan3A_19 = arith.constant 0 : i32
    %scan3A_20 = arith.constant 79 : i32
    %scan3A_21 = arith.addi %scan3A_19, %scan3A_20 : i32
    %scan3A_22 = arith.constant 1 : i32
    scf.for %scan3A_30 = %scan3A_19 to %scan3A_21 step %scan3A_22  : i32 {
      %mul3A_31 = arith.constant 1 : i32
      %mul3A_32 = arith.muli %scan3A_30, %mul3A_31 : i32
      %add3A_33 = arith.constant 0 : i32
      %add3A_34 = arith.addi %add3A_33, %mul3A_32 : i32
      %lt3A_35 = arith.cmpi slt, %add3A_34, %add3A_8 : i32
      %convert_element_type3A = arith.extui %lt3A_35 : i1 to i32
      %cond3A = arith.constant 0 : i32
      %cond3A_36 = arith.cmpi ne, %convert_element_type3A, %cond3A : i32
      scf.if %cond3A_36 {
        %add3A_37 = arith.addi %add3A_4, %add3A_34 : i32
        %mul3A_38 = arith.constant 128 : i32
        %mul3A_39 = arith.muli %add3A_37, %mul3A_38 : i32
        %dma_start3A = tpu.memref_slice %arg4[%mul3A_39] : memref<320000xi32, #tpu.memory_space<hbm>> -> memref<128xi32, #tpu.memory_space<hbm>>
        %dma_start3A_40 = tpu.memref_slice %arg4[%mul3A_39] : memref<320000xi32, #tpu.memory_space<hbm>> -> memref<128xi32, #tpu.memory_space<hbm>>
        tpu.enqueue_dma source(%dma_start3A_40 : memref<128xi32, #tpu.memory_space<hbm>>) target(%arg7 : memref<128xi32, #tpu.memory_space<vmem>>) target_semaphore(%arg13 : memref<!tpu.dma_semaphore, #tpu.memory_space<semaphore_mem>>)
        %dma_start3A_41 = arith.constant 0 : i32
        %dma_start3A_42 = tpu.memref_slice %arg2[%mul3A_39, %dma_start3A_41] : memref<320000x128xf32, #tpu.memory_space<hbm>> -> memref<128x128xf32, #tpu.memory_space<hbm>>
        %dma_start3A_43 = arith.constant 0 : i32
        %dma_start3A_44 = tpu.memref_slice %arg2[%mul3A_39, %dma_start3A_43] : memref<320000x128xf32, #tpu.memory_space<hbm>> -> memref<128x128xf32, #tpu.memory_space<hbm>>
        tpu.enqueue_dma source(%dma_start3A_44 : memref<128x128xf32, #tpu.memory_space<hbm>>) target(%arg9 : memref<128x128xf32, #tpu.memory_space<vmem>>) target_semaphore(%arg14 : memref<!tpu.dma_semaphore, #tpu.memory_space<semaphore_mem>>)
        %mul3A_45 = arith.constant 8 : i32
        %mul3A_46 = arith.muli %mul3A_39, %mul3A_45 : i32
        %dma_start3A_47 = tpu.memref_slice %arg3[%mul3A_46] : memref<2560000xf32, #tpu.memory_space<hbm>> -> memref<1024xf32, #tpu.memory_space<hbm>>
        %dma_start3A_48 = tpu.memref_slice %arg3[%mul3A_46] : memref<2560000xf32, #tpu.memory_space<hbm>> -> memref<1024xf32, #tpu.memory_space<hbm>>
        tpu.enqueue_dma source(%dma_start3A_48 : memref<1024xf32, #tpu.memory_space<hbm>>) target(%arg11 : memref<1024xf32, #tpu.memory_space<vmem>>) target_semaphore(%arg13 : memref<!tpu.dma_semaphore, #tpu.memory_space<semaphore_mem>>)
        %dma_wait3A = tpu.memref_slice %arg4[%mul3A_39] : memref<320000xi32, #tpu.memory_space<hbm>> -> memref<128xi32, #tpu.memory_space<hbm>>
        %dma_wait3A_49 = tpu.memref_slice %arg4[%mul3A_39] : memref<320000xi32, #tpu.memory_space<hbm>> -> memref<128xi32, #tpu.memory_space<hbm>>
        tpu.wait_dma2 semaphore(%arg13 : memref<!tpu.dma_semaphore, #tpu.memory_space<semaphore_mem>>) src(%dma_wait3A_49 : memref<128xi32, #tpu.memory_space<hbm>>) dst(%arg7 : memref<128xi32, #tpu.memory_space<vmem>>)
        %dma_wait3A_50 = arith.constant 0 : i32
        %dma_wait3A_51 = tpu.memref_slice %arg2[%mul3A_39, %dma_wait3A_50] : memref<320000x128xf32, #tpu.memory_space<hbm>> -> memref<128x128xf32, #tpu.memory_space<hbm>>
        %dma_wait3A_52 = arith.constant 0 : i32
        %dma_wait3A_53 = tpu.memref_slice %arg2[%mul3A_39, %dma_wait3A_52] : memref<320000x128xf32, #tpu.memory_space<hbm>> -> memref<128x128xf32, #tpu.memory_space<hbm>>
        tpu.wait_dma2 semaphore(%arg14 : memref<!tpu.dma_semaphore, #tpu.memory_space<semaphore_mem>>) src(%dma_wait3A_53 : memref<128x128xf32, #tpu.memory_space<hbm>>) dst(%arg9 : memref<128x128xf32, #tpu.memory_space<vmem>>)
        %dma_wait3A_54 = tpu.memref_slice %arg3[%mul3A_46] : memref<2560000xf32, #tpu.memory_space<hbm>> -> memref<1024xf32, #tpu.memory_space<hbm>>
        %dma_wait3A_55 = tpu.memref_slice %arg3[%mul3A_46] : memref<2560000xf32, #tpu.memory_space<hbm>> -> memref<1024xf32, #tpu.memory_space<hbm>>
        tpu.wait_dma2 semaphore(%arg13 : memref<!tpu.dma_semaphore, #tpu.memory_space<semaphore_mem>>) src(%dma_wait3A_55 : memref<1024xf32, #tpu.memory_space<hbm>>) dst(%arg11 : memref<1024xf32, #tpu.memory_space<vmem>>)
        %dma_start3A_56 = arith.constant 0 : i32
        %dma_start3A_57 = arith.constant 0 : i32
        %dma_start3A_58 = tpu.memref_slice %arg12[%dma_start3A_56, %dma_start3A_57] : memref<10640x128xf32, #tpu.memory_space<vmem_shared>> -> memref<10640x128xf32, #tpu.memory_space<vmem_shared>>
        tpu.enqueue_indirect_dma source(%arg9 : memref<128x128xf32, #tpu.memory_space<vmem>>) target(%dma_start3A_58 : memref<10640x128xf32, #tpu.memory_space<vmem_shared>>) offsets(%arg7 : memref<128xi32, #tpu.memory_space<vmem>>) semaphore(%arg13 : memref<!tpu.dma_semaphore, #tpu.memory_space<semaphore_mem>>) {add = true}
        %scan3A_59 = arith.constant 0 : i32
        %scan3A_60 = arith.constant 8 : i32
        %scan3A_61 = arith.addi %scan3A_59, %scan3A_60 : i32
        %scan3A_62 = arith.constant 1 : i32
        scf.for %scan3A_78 = %scan3A_59 to %scan3A_61 step %scan3A_62  : i32 {
          %mul3A_79 = arith.constant 1 : i32
          %mul3A_80 = arith.muli %scan3A_78, %mul3A_79 : i32
          %add3A_81 = arith.constant 0 : i32
          %add3A_82 = arith.addi %add3A_81, %mul3A_80 : i32
          %mul3A_83 = arith.constant 16 : i32
          %mul3A_84 = arith.muli %add3A_82, %mul3A_83 : i32
          %add3A_85 = vector.broadcast %mul3A_84 : i32 to vector<16xi32>
          %add3A_86 = arith.addi %iota3A, %add3A_85 : vector<16xi32>
          %mul3A_87 = arith.constant 16 : i32
          %mul3A_88 = arith.muli %add3A_82, %mul3A_87 : i32
          %get3A = arith.index_cast %mul3A_88 : i32 to index
          %get3A_89 = tpu.vector_load %arg7[%get3A] {strides = array<i32>} : memref<128xi32, #tpu.memory_space<vmem>>, vector<16xi32>,
          %jit3A_90 = arith.constant 16 : i32
          %div3A = vector.broadcast %jit3A_90 : i32 to vector<16xi32>
          %div3A_91 = arith.divsi %get3A_89, %div3A : vector<16xi32>
          %sign3A = arith.constant 0 : i32
          %sign3A_92 = vector.broadcast %sign3A : i32 to vector<16xi32>
          %sign3A_93 = arith.cmpi sgt, %get3A_89, %sign3A_92 : vector<16xi32>
          %sign3A_94 = arith.extui %sign3A_93 : vector<16xi1> to vector<16xi32>
          %sign3A_95 = arith.constant 0 : i32
          %sign3A_96 = vector.broadcast %sign3A_95 : i32 to vector<16xi32>
          %sign3A_97 = arith.cmpi slt, %get3A_89, %sign3A_96 : vector<16xi32>
          %sign3A_98 = arith.extui %sign3A_97 : vector<16xi1> to vector<16xi32>
          %sign3A_99 = arith.subi %sign3A_94, %sign3A_98 : vector<16xi32>
          %sign3A_100 = arith.constant 0 : i32
          %sign3A_101 = arith.cmpi sgt, %jit3A_90, %sign3A_100 : i32
          %sign3A_102 = arith.extui %sign3A_101 : i1 to i32
          %sign3A_103 = arith.constant 0 : i32
          %sign3A_104 = arith.cmpi slt, %jit3A_90, %sign3A_103 : i32
          %sign3A_105 = arith.extui %sign3A_104 : i1 to i32
          %sign3A_106 = arith.subi %sign3A_102, %sign3A_105 : i32
          %ne3A = vector.broadcast %sign3A_106 : i32 to vector<16xi32>
          %ne3A_107 = arith.cmpi ne, %sign3A_99, %ne3A : vector<16xi32>
          %rem3A = vector.broadcast %jit3A_90 : i32 to vector<16xi32>
          %rem3A_108 = arith.remsi %get3A_89, %rem3A : vector<16xi32>
          %ne3A_109 = arith.constant 0 : i32
          %ne3A_110 = vector.broadcast %ne3A_109 : i32 to vector<16xi32>
          %ne3A_111 = arith.cmpi ne, %rem3A_108, %ne3A_110 : vector<16xi32>
          %and3A = arith.andi %ne3A_107, %ne3A_111 : vector<16xi1>
          %sub3A = arith.constant 1 : i32
          %sub3A_112 = vector.broadcast %sub3A : i32 to vector<16xi32>
          %sub3A_113 = arith.subi %div3A_91, %sub3A_112 : vector<16xi32>
          %select_n3A_114 = arith.select %and3A, %sub3A_113, %div3A_91 : vector<16xi1>, vector<16xi32>
          %add3A_115 = arith.constant 10000 : i32
          %add3A_116 = vector.broadcast %add3A_115 : i32 to vector<16xi32>
          %add3A_117 = arith.addi %add3A_116, %select_n3A_114 : vector<16xi32>
          %mul3A_118 = arith.constant 16 : i32
          %mul3A_119 = arith.muli %add3A_82, %mul3A_118 : i32
          %swap3A = arith.index_cast %mul3A_119 : i32 to index
          %swap3A_120 = tpu.vector_load %arg8[%swap3A] {strides = array<i32>} : memref<128xi32, #tpu.memory_space<vmem>>, vector<16xi32>,
          tpu.vector_store %arg8[%swap3A], %add3A_117 {strides = array<i32>} : memref<128xi32, #tpu.memory_space<vmem>>, vector<16xi32>,
          %rem3A_121 = arith.constant 16 : i32
          %rem3A_122 = vector.broadcast %rem3A_121 : i32 to vector<16xi32>
          %rem3A_123 = arith.remsi %get3A_89, %rem3A_122 : vector<16xi32>
          %mul3A_124 = arith.constant 8 : i32
          %mul3A_125 = vector.broadcast %mul3A_124 : i32 to vector<16xi32>
          %mul3A_126 = arith.muli %rem3A_123, %mul3A_125 : vector<16xi32>
          %mul3A_127 = arith.constant 8 : i32
          %mul3A_128 = vector.broadcast %mul3A_127 : i32 to vector<16xi32>
          %mul3A_129 = arith.muli %add3A_86, %mul3A_128 : vector<16xi32>
          %add3A_130 = arith.constant 0 : i32
          %add3A_131 = vector.broadcast %add3A_130 : i32 to vector<16xi32>
          %add3A_132 = arith.addi %mul3A_129, %add3A_131 : vector<16xi32>
          %gather3A = tpu.vector_load_idx %arg11[%add3A_132] : memref<1024xf32, #tpu.memory_space<vmem>>[vector<16xi32>], vector<16xf32>,
          %add3A_133 = arith.constant 0 : i32
          %add3A_134 = vector.broadcast %add3A_133 : i32 to vector<16xi32>
          %add3A_135 = arith.addi %mul3A_126, %add3A_134 : vector<16xi32>
          tpu.vector_store_idx %arg10[%add3A_86, %add3A_135], %gather3A : memref<128x128xf32, #tpu.memory_space<vmem>>[vector<16xi32>, vector<16xi32>], vector<16xf32>,
          %mul3A_136 = arith.constant 8 : i32
          %mul3A_137 = vector.broadcast %mul3A_136 : i32 to vector<16xi32>
          %mul3A_138 = arith.muli %add3A_86, %mul3A_137 : vector<16xi32>
          %add3A_139 = arith.constant 1 : i32
          %add3A_140 = vector.broadcast %add3A_139 : i32 to vector<16xi32>
          %add3A_141 = arith.addi %mul3A_138, %add3A_140 : vector<16xi32>
          %gather3A_142 = tpu.vector_load_idx %arg11[%add3A_141] : memref<1024xf32, #tpu.memory_space<vmem>>[vector<16xi32>], vector<16xf32>,
          %add3A_143 = arith.constant 1 : i32
          %add3A_144 = vector.broadcast %add3A_143 : i32 to vector<16xi32>
          %add3A_145 = arith.addi %mul3A_126, %add3A_144 : vector<16xi32>
          tpu.vector_store_idx %arg10[%add3A_86, %add3A_145], %gather3A_142 : memref<128x128xf32, #tpu.memory_space<vmem>>[vector<16xi32>, vector<16xi32>], vector<16xf32>,
          %mul3A_146 = arith.constant 8 : i32
          %mul3A_147 = vector.broadcast %mul3A_146 : i32 to vector<16xi32>
          %mul3A_148 = arith.muli %add3A_86, %mul3A_147 : vector<16xi32>
          %add3A_149 = arith.constant 2 : i32
          %add3A_150 = vector.broadcast %add3A_149 : i32 to vector<16xi32>
          %add3A_151 = arith.addi %mul3A_148, %add3A_150 : vector<16xi32>
          %gather3A_152 = tpu.vector_load_idx %arg11[%add3A_151] : memref<1024xf32, #tpu.memory_space<vmem>>[vector<16xi32>], vector<16xf32>,
          %add3A_153 = arith.constant 2 : i32
          %add3A_154 = vector.broadcast %add3A_153 : i32 to vector<16xi32>
          %add3A_155 = arith.addi %mul3A_126, %add3A_154 : vector<16xi32>
          tpu.vector_store_idx %arg10[%add3A_86, %add3A_155], %gather3A_152 : memref<128x128xf32, #tpu.memory_space<vmem>>[vector<16xi32>, vector<16xi32>], vector<16xf32>,
          %mul3A_156 = arith.constant 8 : i32
          %mul3A_157 = vector.broadcast %mul3A_156 : i32 to vector<16xi32>
          %mul3A_158 = arith.muli %add3A_86, %mul3A_157 : vector<16xi32>
          %add3A_159 = arith.constant 3 : i32
          %add3A_160 = vector.broadcast %add3A_159 : i32 to vector<16xi32>
          %add3A_161 = arith.addi %mul3A_158, %add3A_160 : vector<16xi32>
          %gather3A_162 = tpu.vector_load_idx %arg11[%add3A_161] : memref<1024xf32, #tpu.memory_space<vmem>>[vector<16xi32>], vector<16xf32>,
          %add3A_163 = arith.constant 3 : i32
          %add3A_164 = vector.broadcast %add3A_163 : i32 to vector<16xi32>
          %add3A_165 = arith.addi %mul3A_126, %add3A_164 : vector<16xi32>
          tpu.vector_store_idx %arg10[%add3A_86, %add3A_165], %gather3A_162 : memref<128x128xf32, #tpu.memory_space<vmem>>[vector<16xi32>, vector<16xi32>], vector<16xf32>,
          %mul3A_166 = arith.constant 8 : i32
          %mul3A_167 = vector.broadcast %mul3A_166 : i32 to vector<16xi32>
          %mul3A_168 = arith.muli %add3A_86, %mul3A_167 : vector<16xi32>
          %add3A_169 = arith.constant 4 : i32
          %add3A_170 = vector.broadcast %add3A_169 : i32 to vector<16xi32>
          %add3A_171 = arith.addi %mul3A_168, %add3A_170 : vector<16xi32>
          %gather3A_172 = tpu.vector_load_idx %arg11[%add3A_171] : memref<1024xf32, #tpu.memory_space<vmem>>[vector<16xi32>], vector<16xf32>,
          %add3A_173 = arith.constant 4 : i32
          %add3A_174 = vector.broadcast %add3A_173 : i32 to vector<16xi32>
          %add3A_175 = arith.addi %mul3A_126, %add3A_174 : vector<16xi32>
          tpu.vector_store_idx %arg10[%add3A_86, %add3A_175], %gather3A_172 : memref<128x128xf32, #tpu.memory_space<vmem>>[vector<16xi32>, vector<16xi32>], vector<16xf32>,
          %mul3A_176 = arith.constant 8 : i32
          %mul3A_177 = vector.broadcast %mul3A_176 : i32 to vector<16xi32>
          %mul3A_178 = arith.muli %add3A_86, %mul3A_177 : vector<16xi32>
          %add3A_179 = arith.constant 5 : i32
          %add3A_180 = vector.broadcast %add3A_179 : i32 to vector<16xi32>
          %add3A_181 = arith.addi %mul3A_178, %add3A_180 : vector<16xi32>
          %gather3A_182 = tpu.vector_load_idx %arg11[%add3A_181] : memref<1024xf32, #tpu.memory_space<vmem>>[vector<16xi32>], vector<16xf32>,
          %add3A_183 = arith.constant 5 : i32
          %add3A_184 = vector.broadcast %add3A_183 : i32 to vector<16xi32>
          %add3A_185 = arith.addi %mul3A_126, %add3A_184 : vector<16xi32>
          tpu.vector_store_idx %arg10[%add3A_86, %add3A_185], %gather3A_182 : memref<128x128xf32, #tpu.memory_space<vmem>>[vector<16xi32>, vector<16xi32>], vector<16xf32>,
          %mul3A_186 = arith.constant 8 : i32
          %mul3A_187 = vector.broadcast %mul3A_186 : i32 to vector<16xi32>
          %mul3A_188 = arith.muli %add3A_86, %mul3A_187 : vector<16xi32>
          %add3A_189 = arith.constant 6 : i32
          %add3A_190 = vector.broadcast %add3A_189 : i32 to vector<16xi32>
          %add3A_191 = arith.addi %mul3A_188, %add3A_190 : vector<16xi32>
          %gather3A_192 = tpu.vector_load_idx %arg11[%add3A_191] : memref<1024xf32, #tpu.memory_space<vmem>>[vector<16xi32>], vector<16xf32>,
          %add3A_193 = arith.constant 6 : i32
          %add3A_194 = vector.broadcast %add3A_193 : i32 to vector<16xi32>
          %add3A_195 = arith.addi %mul3A_126, %add3A_194 : vector<16xi32>
          tpu.vector_store_idx %arg10[%add3A_86, %add3A_195], %gather3A_192 : memref<128x128xf32, #tpu.memory_space<vmem>>[vector<16xi32>, vector<16xi32>], vector<16xf32>,
          %mul3A_196 = arith.constant 8 : i32
          %mul3A_197 = vector.broadcast %mul3A_196 : i32 to vector<16xi32>
          %mul3A_198 = arith.muli %add3A_86, %mul3A_197 : vector<16xi32>
          %add3A_199 = arith.constant 7 : i32
          %add3A_200 = vector.broadcast %add3A_199 : i32 to vector<16xi32>
          %add3A_201 = arith.addi %mul3A_198, %add3A_200 : vector<16xi32>
          %gather3A_202 = tpu.vector_load_idx %arg11[%add3A_201] : memref<1024xf32, #tpu.memory_space<vmem>>[vector<16xi32>], vector<16xf32>,
          %add3A_203 = arith.constant 7 : i32
          %add3A_204 = vector.broadcast %add3A_203 : i32 to vector<16xi32>
          %add3A_205 = arith.addi %mul3A_126, %add3A_204 : vector<16xi32>
          tpu.vector_store_idx %arg10[%add3A_86, %add3A_205], %gather3A_202 : memref<128x128xf32, #tpu.memory_space<vmem>>[vector<16xi32>, vector<16xi32>], vector<16xf32>,
        }
        %scan3A_63 = arith.constant 8 : i32
        %dma_start3A_64 = arith.constant 0 : i32
        %dma_start3A_65 = arith.constant 0 : i32
        %dma_start3A_66 = tpu.memref_slice %arg12[%dma_start3A_64, %dma_start3A_65] : memref<10640x128xf32, #tpu.memory_space<vmem_shared>> -> memref<10640x128xf32, #tpu.memory_space<vmem_shared>>
        tpu.enqueue_indirect_dma source(%arg10 : memref<128x128xf32, #tpu.memory_space<vmem>>) target(%dma_start3A_66 : memref<10640x128xf32, #tpu.memory_space<vmem_shared>>) offsets(%arg8 : memref<128xi32, #tpu.memory_space<vmem>>) semaphore(%arg14 : memref<!tpu.dma_semaphore, #tpu.memory_space<semaphore_mem>>) {add = true}
        %dma_wait3A_67 = arith.constant 0 : i32
        %dma_wait3A_68 = arith.constant 0 : i32
        %dma_wait3A_69 = tpu.memref_slice %arg12[%dma_wait3A_67, %dma_wait3A_68] : memref<10640x128xf32, #tpu.memory_space<vmem_shared>> -> memref<10640x128xf32, #tpu.memory_space<vmem_shared>>
        tpu.wait_indirect_dma semaphore(%arg13 : memref<!tpu.dma_semaphore, #tpu.memory_space<semaphore_mem>>) src(%arg9 : memref<128x128xf32, #tpu.memory_space<vmem>>) dst(%dma_wait3A_69 : memref<10640x128xf32, #tpu.memory_space<vmem_shared>>)
        %dma_wait3A_70 = arith.constant 0 : i32
        %dma_wait3A_71 = arith.constant 0 : i32
        %dma_wait3A_72 = tpu.memref_slice %arg12[%dma_wait3A_70, %dma_wait3A_71] : memref<10640x128xf32, #tpu.memory_space<vmem_shared>> -> memref<10640x128xf32, #tpu.memory_space<vmem_shared>>
        tpu.wait_indirect_dma semaphore(%arg14 : memref<!tpu.dma_semaphore, #tpu.memory_space<semaphore_mem>>) src(%arg10 : memref<128x128xf32, #tpu.memory_space<vmem>>) dst(%dma_wait3A_72 : memref<10640x128xf32, #tpu.memory_space<vmem_shared>>)
        %scan3A_73 = arith.constant 0 : i32
        %scan3A_74 = arith.constant 8 : i32
        %scan3A_75 = arith.addi %scan3A_73, %scan3A_74 : i32
        %scan3A_76 = arith.constant 1 : i32
        scf.for %scan3A_78 = %scan3A_73 to %scan3A_75 step %scan3A_76  : i32 {
          %mul3A_79 = arith.constant 1 : i32
          %mul3A_80 = arith.muli %scan3A_78, %mul3A_79 : i32
          %add3A_81 = arith.constant 0 : i32
          %add3A_82 = arith.addi %add3A_81, %mul3A_80 : i32
          %mul3A_83 = arith.constant 16 : i32
          %mul3A_84 = arith.muli %add3A_82, %mul3A_83 : i32
          %add3A_85 = vector.broadcast %mul3A_84 : i32 to vector<16xi32>
          %add3A_86 = arith.addi %iota3A, %add3A_85 : vector<16xi32>
          %mul3A_87 = arith.constant 16 : i32
          %mul3A_88 = arith.muli %add3A_82, %mul3A_87 : i32
          %get3A = arith.index_cast %mul3A_88 : i32 to index
          %get3A_89 = tpu.vector_load %arg7[%get3A] {strides = array<i32>} : memref<128xi32, #tpu.memory_space<vmem>>, vector<16xi32>,
          %rem3A = arith.constant 16 : i32
          %rem3A_90 = vector.broadcast %rem3A : i32 to vector<16xi32>
          %rem3A_91 = arith.remsi %get3A_89, %rem3A_90 : vector<16xi32>
          %mul3A_92 = arith.constant 8 : i32
          %mul3A_93 = vector.broadcast %mul3A_92 : i32 to vector<16xi32>
          %mul3A_94 = arith.muli %rem3A_91, %mul3A_93 : vector<16xi32>
          %add3A_95 = arith.constant 0 : i32
          %add3A_96 = vector.broadcast %add3A_95 : i32 to vector<16xi32>
          %add3A_97 = arith.addi %mul3A_94, %add3A_96 : vector<16xi32>
          tpu.vector_store_idx %arg10[%add3A_86, %add3A_97], %broadcast_in_dim3A_9 : memref<128x128xf32, #tpu.memory_space<vmem>>[vector<16xi32>, vector<16xi32>], vector<16xf32>,
          %add3A_98 = arith.constant 1 : i32
          %add3A_99 = vector.broadcast %add3A_98 : i32 to vector<16xi32>
          %add3A_100 = arith.addi %mul3A_94, %add3A_99 : vector<16xi32>
          tpu.vector_store_idx %arg10[%add3A_86, %add3A_100], %broadcast_in_dim3A_9 : memref<128x128xf32, #tpu.memory_space<vmem>>[vector<16xi32>, vector<16xi32>], vector<16xf32>,
          %add3A_101 = arith.constant 2 : i32
          %add3A_102 = vector.broadcast %add3A_101 : i32 to vector<16xi32>
          %add3A_103 = arith.addi %mul3A_94, %add3A_102 : vector<16xi32>
          tpu.vector_store_idx %arg10[%add3A_86, %add3A_103], %broadcast_in_dim3A_9 : memref<128x128xf32, #tpu.memory_space<vmem>>[vector<16xi32>, vector<16xi32>], vector<16xf32>,
          %add3A_104 = arith.constant 3 : i32
          %add3A_105 = vector.broadcast %add3A_104 : i32 to vector<16xi32>
          %add3A_106 = arith.addi %mul3A_94, %add3A_105 : vector<16xi32>
          tpu.vector_store_idx %arg10[%add3A_86, %add3A_106], %broadcast_in_dim3A_9 : memref<128x128xf32, #tpu.memory_space<vmem>>[vector<16xi32>, vector<16xi32>], vector<16xf32>,
          %add3A_107 = arith.constant 4 : i32
          %add3A_108 = vector.broadcast %add3A_107 : i32 to vector<16xi32>
          %add3A_109 = arith.addi %mul3A_94, %add3A_108 : vector<16xi32>
          tpu.vector_store_idx %arg10[%add3A_86, %add3A_109], %broadcast_in_dim3A_9 : memref<128x128xf32, #tpu.memory_space<vmem>>[vector<16xi32>, vector<16xi32>], vector<16xf32>,
          %add3A_110 = arith.constant 5 : i32
          %add3A_111 = vector.broadcast %add3A_110 : i32 to vector<16xi32>
          %add3A_112 = arith.addi %mul3A_94, %add3A_111 : vector<16xi32>
          tpu.vector_store_idx %arg10[%add3A_86, %add3A_112], %broadcast_in_dim3A_9 : memref<128x128xf32, #tpu.memory_space<vmem>>[vector<16xi32>, vector<16xi32>], vector<16xf32>,
          %add3A_113 = arith.constant 6 : i32
          %add3A_114 = vector.broadcast %add3A_113 : i32 to vector<16xi32>
          %add3A_115 = arith.addi %mul3A_94, %add3A_114 : vector<16xi32>
          tpu.vector_store_idx %arg10[%add3A_86, %add3A_115], %broadcast_in_dim3A_9 : memref<128x128xf32, #tpu.memory_space<vmem>>[vector<16xi32>, vector<16xi32>], vector<16xf32>,
          %add3A_116 = arith.constant 7 : i32
          %add3A_117 = vector.broadcast %add3A_116 : i32 to vector<16xi32>
          %add3A_118 = arith.addi %mul3A_94, %add3A_117 : vector<16xi32>
          tpu.vector_store_idx %arg10[%add3A_86, %add3A_118], %broadcast_in_dim3A_9 : memref<128x128xf32, #tpu.memory_space<vmem>>[vector<16xi32>, vector<16xi32>], vector<16xf32>,
        }
        %scan3A_77 = arith.constant 8 : i32
      } else {
      }
    }
    %scan3A_23 = arith.constant 79 : i32
    %barrier3A_24 = arith.constant 0 : index
    tpu.barrier barrier_id(%barrier3A_24)
    %scan3A_25 = arith.constant 0 : i32
    %scan3A_26 = arith.constant 9 : i32
    %scan3A_27 = arith.addi %scan3A_25, %scan3A_26 : i32
    %scan3A_28 = arith.constant 1 : i32
    scf.for %scan3A_30 = %scan3A_25 to %scan3A_27 step %scan3A_28  : i32 {
      %mul3A_31 = arith.constant 1 : i32
      %mul3A_32 = arith.muli %scan3A_30, %mul3A_31 : i32
      %add3A_33 = arith.constant 0 : i32
      %add3A_34 = arith.addi %add3A_33, %mul3A_32 : i32
      %mul3A_35 = arith.constant 16 : i32
      %mul3A_36 = arith.muli %add3A_34, %mul3A_35 : i32
      %add3A_37 = arith.addi %mul3A_36, %arg1 : i32
      %lt3A_38 = arith.constant 133 : i32
      %lt3A_39 = arith.cmpi slt, %add3A_37, %lt3A_38 : i32
      %convert_element_type3A = arith.extui %lt3A_39 : i1 to i32
      %cond3A = arith.constant 0 : i32
      %cond3A_40 = arith.cmpi ne, %convert_element_type3A, %cond3A : i32
      scf.if %cond3A_40 {
        %mul3A_41 = arith.constant 80 : i32
        %mul3A_42 = arith.muli %add3A_37, %mul3A_41 : i32
        "tpu.region"() ({
          %run_scoped3A = tpu.sem_alloc : memref<!tpu.dma_semaphore, #tpu.memory_space<semaphore_mem>>
          %dma_start3A = arith.constant 0 : i32
          %dma_start3A_48 = arith.constant 0 : i32
          %dma_start3A_49 = tpu.memref_slice %arg9[%dma_start3A, %dma_start3A_48] : memref<128x128xf32, #tpu.memory_space<vmem>> -> memref<80x128xf32, #tpu.memory_space<vmem>>
          %dma_start3A_50 = arith.constant 0 : i32
          %dma_start3A_51 = tpu.memref_slice %arg12[%mul3A_42, %dma_start3A_50] : memref<10640x128xf32, #tpu.memory_space<vmem_shared>> -> memref<80x128xf32, #tpu.memory_space<vmem_shared>>
          %dma_start3A_52 = arith.constant 0 : i32
          %dma_start3A_53 = arith.constant 0 : i32
          %dma_start3A_54 = tpu.memref_slice %arg9[%dma_start3A_52, %dma_start3A_53] : memref<128x128xf32, #tpu.memory_space<vmem>> -> memref<80x128xf32, #tpu.memory_space<vmem>>
          %dma_start3A_55 = arith.constant 0 : i32
          %dma_start3A_56 = tpu.memref_slice %arg12[%mul3A_42, %dma_start3A_55] : memref<10640x128xf32, #tpu.memory_space<vmem_shared>> -> memref<80x128xf32, #tpu.memory_space<vmem_shared>>
          tpu.enqueue_dma source(%dma_start3A_56 : memref<80x128xf32, #tpu.memory_space<vmem_shared>>) target(%dma_start3A_54 : memref<80x128xf32, #tpu.memory_space<vmem>>) target_semaphore(%run_scoped3A : memref<!tpu.dma_semaphore, #tpu.memory_space<semaphore_mem>>)
          %dma_wait3A = arith.constant 0 : i32
          %dma_wait3A_57 = arith.constant 0 : i32
          %dma_wait3A_58 = tpu.memref_slice %arg9[%dma_wait3A, %dma_wait3A_57] : memref<128x128xf32, #tpu.memory_space<vmem>> -> memref<80x128xf32, #tpu.memory_space<vmem>>
          %dma_wait3A_59 = arith.constant 0 : i32
          %dma_wait3A_60 = tpu.memref_slice %arg12[%mul3A_42, %dma_wait3A_59] : memref<10640x128xf32, #tpu.memory_space<vmem_shared>> -> memref<80x128xf32, #tpu.memory_space<vmem_shared>>
          %dma_wait3A_61 = arith.constant 0 : i32
          %dma_wait3A_62 = arith.constant 0 : i32
          %dma_wait3A_63 = tpu.memref_slice %arg9[%dma_wait3A_61, %dma_wait3A_62] : memref<128x128xf32, #tpu.memory_space<vmem>> -> memref<80x128xf32, #tpu.memory_space<vmem>>
          %dma_wait3A_64 = arith.constant 0 : i32
          %dma_wait3A_65 = tpu.memref_slice %arg12[%mul3A_42, %dma_wait3A_64] : memref<10640x128xf32, #tpu.memory_space<vmem_shared>> -> memref<80x128xf32, #tpu.memory_space<vmem_shared>>
          tpu.wait_dma2 semaphore(%run_scoped3A : memref<!tpu.dma_semaphore, #tpu.memory_space<semaphore_mem>>) src(%dma_wait3A_65 : memref<80x128xf32, #tpu.memory_space<vmem_shared>>) dst(%dma_wait3A_63 : memref<80x128xf32, #tpu.memory_space<vmem>>)
          tpu.yield
        }) : () -> ()
        %mul3A_43 = arith.constant 10640 : i32
        %mul3A_44 = arith.muli %arg0, %mul3A_43 : i32
        %mul3A_45 = arith.constant 80 : i32
        %mul3A_46 = arith.muli %add3A_37, %mul3A_45 : i32
        %add3A_47 = arith.addi %mul3A_44, %mul3A_46 : i32
        "tpu.region"() ({
          %run_scoped3A = tpu.sem_alloc : memref<!tpu.dma_semaphore, #tpu.memory_space<semaphore_mem>>
          %dma_start3A = arith.constant 0 : i32
          %dma_start3A_48 = arith.constant 0 : i32
          %dma_start3A_49 = tpu.memref_slice %arg9[%dma_start3A, %dma_start3A_48] : memref<128x128xf32, #tpu.memory_space<vmem>> -> memref<80x128xf32, #tpu.memory_space<vmem>>
          %dma_start3A_50 = arith.constant 0 : i32
          %dma_start3A_51 = tpu.memref_slice %arg6[%add3A_47, %dma_start3A_50] : memref<21280x128xf32, #tpu.memory_space<hbm>> -> memref<80x128xf32, #tpu.memory_space<hbm>>
          %dma_start3A_52 = arith.constant 0 : i32
          %dma_start3A_53 = tpu.memref_slice %arg6[%add3A_47, %dma_start3A_52] : memref<21280x128xf32, #tpu.memory_space<hbm>> -> memref<80x128xf32, #tpu.memory_space<hbm>>
          %dma_start3A_54 = arith.constant 0 : i32
          %dma_start3A_55 = arith.constant 0 : i32
          %dma_start3A_56 = tpu.memref_slice %arg9[%dma_start3A_54, %dma_start3A_55] : memref<128x128xf32, #tpu.memory_space<vmem>> -> memref<80x128xf32, #tpu.memory_space<vmem>>
          tpu.enqueue_dma source(%dma_start3A_56 : memref<80x128xf32, #tpu.memory_space<vmem>>) target(%dma_start3A_53 : memref<80x128xf32, #tpu.memory_space<hbm>>) target_semaphore(%run_scoped3A : memref<!tpu.dma_semaphore, #tpu.memory_space<semaphore_mem>>)
          %dma_wait3A = arith.constant 0 : i32
          %dma_wait3A_57 = arith.constant 0 : i32
          %dma_wait3A_58 = tpu.memref_slice %arg9[%dma_wait3A, %dma_wait3A_57] : memref<128x128xf32, #tpu.memory_space<vmem>> -> memref<80x128xf32, #tpu.memory_space<vmem>>
          %dma_wait3A_59 = arith.constant 0 : i32
          %dma_wait3A_60 = tpu.memref_slice %arg6[%add3A_47, %dma_wait3A_59] : memref<21280x128xf32, #tpu.memory_space<hbm>> -> memref<80x128xf32, #tpu.memory_space<hbm>>
          %dma_wait3A_61 = arith.constant 0 : i32
          %dma_wait3A_62 = tpu.memref_slice %arg6[%add3A_47, %dma_wait3A_61] : memref<21280x128xf32, #tpu.memory_space<hbm>> -> memref<80x128xf32, #tpu.memory_space<hbm>>
          %dma_wait3A_63 = arith.constant 0 : i32
          %dma_wait3A_64 = arith.constant 0 : i32
          %dma_wait3A_65 = tpu.memref_slice %arg9[%dma_wait3A_63, %dma_wait3A_64] : memref<128x128xf32, #tpu.memory_space<vmem>> -> memref<80x128xf32, #tpu.memory_space<vmem>>
          tpu.wait_dma2 semaphore(%run_scoped3A : memref<!tpu.dma_semaphore, #tpu.memory_space<semaphore_mem>>) src(%dma_wait3A_65 : memref<80x128xf32, #tpu.memory_space<vmem>>) dst(%dma_wait3A_62 : memref<80x128xf32, #tpu.memory_space<hbm>>)
          tpu.yield
        }) : () -> ()
      } else {
      }
    }
    %scan3A_29 = arith.constant 9 : i32
    return
  }
}

module attributes {stable_mosaic.version = 14 : i64} {
  func.func @body(%arg0: memref<10000x128xf32, #tpu.memory_space<vmem>>, %arg1: memref<128x128xf32, #tpu.memory_space<vmem>>, %arg2: memref<128x128xf32, #tpu.memory_space<vmem>>, %arg3: memref<10000x128xf32, #tpu.memory_space<vmem>>, %arg4: memref<10000x128xf32, #tpu.memory_space<vmem>>) attributes {dimension_semantics = [], scalar_prefetch = 0 : i64, scratch_operands = 0 : i64, tpu.core_type = #tpu.core_type<tc>} {
    %get3A = arith.constant 0 : index
    %get3A_0 = arith.constant 0 : index
    %get3A_1 = vector.load %arg0[%get3A, %get3A_0] : memref<10000x128xf32, #tpu.memory_space<vmem>>, vector<10000x128xf32>
    %get3A_2 = arith.constant 0 : index
    %get3A_3 = arith.constant 0 : index
    %get3A_4 = vector.load %arg1[%get3A_2, %get3A_3] : memref<128x128xf32, #tpu.memory_space<vmem>>, vector<128x128xf32>
    %dot_general3A = arith.constant dense<0.000000e+00> : vector<10000x128xf32>
    %dot_general3A_5 = tpu.matmul %get3A_1, %get3A_4, %dot_general3A {dimension_numbers = #tpu.dot_dimension_numbers<[1], [0], [0], [1], [0, 0, 1, 1], [], []>, transpose_lhs_hint = false} : vector<10000x128xf32>, vector<128x128xf32>, vector<10000x128xf32> -> vector<10000x128xf32>
    %swap3A = arith.constant 0 : index
    %swap3A_6 = arith.constant 0 : index
    %swap3A_7 = vector.load %arg3[%swap3A, %swap3A_6] : memref<10000x128xf32, #tpu.memory_space<vmem>>, vector<10000x128xf32>
    tpu.vector_store %arg3[%swap3A, %swap3A_6], %dot_general3A_5 {strides = array<i32>} : memref<10000x128xf32, #tpu.memory_space<vmem>>, vector<10000x128xf32>,
    %get3A_8 = arith.constant 0 : index
    %get3A_9 = arith.constant 0 : index
    %get3A_10 = vector.load %arg2[%get3A_8, %get3A_9] : memref<128x128xf32, #tpu.memory_space<vmem>>, vector<128x128xf32>
    %dot_general3A_11 = arith.constant dense<0.000000e+00> : vector<10000x128xf32>
    %dot_general3A_12 = tpu.matmul %get3A_1, %get3A_10, %dot_general3A_11 {dimension_numbers = #tpu.dot_dimension_numbers<[1], [0], [0], [1], [0, 0, 1, 1], [], []>, transpose_lhs_hint = false} : vector<10000x128xf32>, vector<128x128xf32>, vector<10000x128xf32> -> vector<10000x128xf32>
    %swap3A_13 = arith.constant 0 : index
    %swap3A_14 = arith.constant 0 : index
    %swap3A_15 = vector.load %arg4[%swap3A_13, %swap3A_14] : memref<10000x128xf32, #tpu.memory_space<vmem>>, vector<10000x128xf32>
    tpu.vector_store %arg4[%swap3A_13, %swap3A_14], %dot_general3A_12 {strides = array<i32>} : memref<10000x128xf32, #tpu.memory_space<vmem>>, vector<10000x128xf32>,
    return
  }
}

module attributes {stable_mosaic.version = 14 : i64} {
  func.func @body(%arg0: i32, %arg1: memref<2000x16xf32, #tpu.memory_space<vmem>>, %arg2: memref<2000x128xf32, #tpu.memory_space<vmem>>, %arg3: memref<2000x128xf32, #tpu.memory_space<vmem>>, %arg4: memref<16x128xf32, #tpu.memory_space<vmem>>, %arg5: memref<1x128xf32, #tpu.memory_space<vmem>>, %arg6: memref<128x128xf32, #tpu.memory_space<vmem>>, %arg7: memref<1x128xf32, #tpu.memory_space<vmem>>, %arg8: memref<128x8xf32, #tpu.memory_space<vmem>>, %arg9: memref<128x128xf32, #tpu.memory_space<vmem>>, %arg10: memref<1x128xf32, #tpu.memory_space<vmem>>, %arg11: memref<2000x128xf32, #tpu.memory_space<vmem>>, %arg12: memref<2000x8xf32, #tpu.memory_space<vmem>>, %arg13: memref<1x8xf32, #tpu.memory_space<vmem>>) attributes {dimension_semantics = [#tpu.dimension_semantics<arbitrary>], iteration_bounds = array<i64: 160>, scalar_prefetch = 0 : i64, scratch_operands = 0 : i64, tpu.core_type = #tpu.core_type<tc>, window_params = [{transform_indices = @transform_0, window_bounds = array<i64: 2000, 16>}, {transform_indices = @transform_1, window_bounds = array<i64: 2000, 128>}, {transform_indices = @transform_2, window_bounds = array<i64: 2000, 128>}, {pipeline_mode = #tpu.pipeline_mode<synchronous>, transform_indices = @transform_3, window_bounds = array<i64: 16, 128>}, {pipeline_mode = #tpu.pipeline_mode<synchronous>, transform_indices = @transform_4, window_bounds = array<i64: 1, 128>}, {pipeline_mode = #tpu.pipeline_mode<synchronous>, transform_indices = @transform_5, window_bounds = array<i64: 128, 128>}, {pipeline_mode = #tpu.pipeline_mode<synchronous>, transform_indices = @transform_6, window_bounds = array<i64: 1, 128>}, {pipeline_mode = #tpu.pipeline_mode<synchronous>, transform_indices = @transform_7, window_bounds = array<i64: 128, 8>}, {pipeline_mode = #tpu.pipeline_mode<synchronous>, transform_indices = @transform_8, window_bounds = array<i64: 128, 128>}, {pipeline_mode = #tpu.pipeline_mode<synchronous>, transform_indices = @transform_9, window_bounds = array<i64: 1, 128>}, {transform_indices = @transform_10, window_bounds = array<i64: 2000, 128>}, {transform_indices = @transform_11, window_bounds = array<i64: 2000, 8>}, {pipeline_mode = #tpu.pipeline_mode<synchronous>, transform_indices = @transform_12, window_bounds = array<i64: 1, 8>}]} {
    %get3A = arith.constant 0 : index
    %get3A_0 = arith.constant 0 : index
    %get3A_1 = vector.load %arg1[%get3A, %get3A_0] : memref<2000x16xf32, #tpu.memory_space<vmem>>, vector<2000x16xf32>
    %get3A_2 = arith.constant 0 : index
    %get3A_3 = arith.constant 0 : index
    %get3A_4 = vector.load %arg4[%get3A_2, %get3A_3] : memref<16x128xf32, #tpu.memory_space<vmem>>, vector<16x128xf32>
    %dot_general3A = arith.constant dense<0.000000e+00> : vector<2000x128xf32>
    %dot_general3A_5 = tpu.matmul %get3A_1, %get3A_4, %dot_general3A {dimension_numbers = #tpu.dot_dimension_numbers<[1], [0], [0], [1], [0, 0, 1, 1], [], []>, transpose_lhs_hint = false} : vector<2000x16xf32>, vector<16x128xf32>, vector<2000x128xf32> -> vector<2000x128xf32>
    %get3A_6 = arith.constant 0 : index
    %get3A_7 = arith.constant 0 : index
    %get3A_8 = vector.load %arg5[%get3A_6, %get3A_7] : memref<1x128xf32, #tpu.memory_space<vmem>>, vector<1x128xf32>
    %add3A = vector.broadcast %get3A_8 : vector<1x128xf32> to vector<2000x128xf32>
    %add3A_9 = arith.addf %dot_general3A_5, %add3A : vector<2000x128xf32>
    %get3A_10 = arith.constant 0 : index
    %get3A_11 = arith.constant 0 : index
    %get3A_12 = vector.load %arg6[%get3A_10, %get3A_11] : memref<128x128xf32, #tpu.memory_space<vmem>>, vector<128x128xf32>
    %dot_general3A_13 = arith.constant dense<0.000000e+00> : vector<2000x128xf32>
    %dot_general3A_14 = tpu.matmul %add3A_9, %get3A_12, %dot_general3A_13 {dimension_numbers = #tpu.dot_dimension_numbers<[1], [0], [0], [1], [0, 0, 1, 1], [], []>, transpose_lhs_hint = false} : vector<2000x128xf32>, vector<128x128xf32>, vector<2000x128xf32> -> vector<2000x128xf32>
    %get3A_15 = arith.constant 0 : index
    %get3A_16 = arith.constant 0 : index
    %get3A_17 = vector.load %arg2[%get3A_15, %get3A_16] : memref<2000x128xf32, #tpu.memory_space<vmem>>, vector<2000x128xf32>
    %get3A_18 = arith.constant 0 : index
    %get3A_19 = arith.constant 0 : index
    %get3A_20 = vector.load %arg3[%get3A_18, %get3A_19] : memref<2000x128xf32, #tpu.memory_space<vmem>>, vector<2000x128xf32>
    %add3A_21 = arith.addf %get3A_17, %get3A_20 : vector<2000x128xf32>
    %add3A_22 = arith.addf %add3A_21, %dot_general3A_14 : vector<2000x128xf32>
    %ge3A = arith.constant 0.000000e+00 : f32
    %ge3A_23 = vector.broadcast %ge3A : f32 to vector<2000x128xf32>
    %ge3A_24 = arith.cmpf oge, %add3A_22, %ge3A_23 : vector<2000x128xf32>
    %mul3A = arith.constant 2.000000e-01 : f32
    %mul3A_25 = vector.broadcast %mul3A : f32 to vector<2000x128xf32>
    %mul3A_26 = arith.mulf %mul3A_25, %add3A_22 : vector<2000x128xf32>
    %select_n3A = arith.select %ge3A_24, %add3A_22, %mul3A_26 : vector<2000x128xi1>, vector<2000x128xf32>
    %get3A_27 = arith.constant 0 : index
    %get3A_28 = arith.constant 0 : index
    %get3A_29 = vector.load %arg7[%get3A_27, %get3A_28] : memref<1x128xf32, #tpu.memory_space<vmem>>, vector<1x128xf32>
    %mul3A_30 = vector.broadcast %get3A_29 : vector<1x128xf32> to vector<2000x128xf32>
    %mul3A_31 = arith.mulf %select_n3A, %mul3A_30 : vector<2000x128xf32>
    %get3A_32 = arith.constant 0 : index
    %get3A_33 = arith.constant 0 : index
    %get3A_34 = vector.load %arg8[%get3A_32, %get3A_33] : memref<128x8xf32, #tpu.memory_space<vmem>>, vector<128x8xf32>
    %dot_general3A_35 = arith.constant dense<0.000000e+00> : vector<2000x8xf32>
    %dot_general3A_36 = tpu.matmul %mul3A_31, %get3A_34, %dot_general3A_35 {dimension_numbers = #tpu.dot_dimension_numbers<[1], [0], [0], [1], [0, 0, 1, 1], [], []>, transpose_lhs_hint = false} : vector<2000x128xf32>, vector<128x8xf32>, vector<2000x8xf32> -> vector<2000x8xf32>
    %max3A = arith.constant 0.000000e+00 : f32
    %max3A_37 = vector.broadcast %max3A : f32 to vector<2000x128xf32>
    %max3A_38 = arith.maximumf %select_n3A, %max3A_37 : vector<2000x128xf32>
    %get3A_39 = arith.constant 0 : index
    %get3A_40 = arith.constant 0 : index
    %get3A_41 = vector.load %arg9[%get3A_39, %get3A_40] : memref<128x128xf32, #tpu.memory_space<vmem>>, vector<128x128xf32>
    %dot_general3A_42 = arith.constant dense<0.000000e+00> : vector<2000x128xf32>
    %dot_general3A_43 = tpu.matmul %max3A_38, %get3A_41, %dot_general3A_42 {dimension_numbers = #tpu.dot_dimension_numbers<[1], [0], [0], [1], [0, 0, 1, 1], [], []>, transpose_lhs_hint = false} : vector<2000x128xf32>, vector<128x128xf32>, vector<2000x128xf32> -> vector<2000x128xf32>
    %add3A_44 = arith.addf %add3A_9, %dot_general3A_43 : vector<2000x128xf32>
    %get3A_45 = arith.constant 0 : index
    %get3A_46 = arith.constant 0 : index
    %get3A_47 = vector.load %arg10[%get3A_45, %get3A_46] : memref<1x128xf32, #tpu.memory_space<vmem>>, vector<1x128xf32>
    %add3A_48 = vector.broadcast %get3A_47 : vector<1x128xf32> to vector<2000x128xf32>
    %add3A_49 = arith.addf %add3A_44, %add3A_48 : vector<2000x128xf32>
    %swap3A = arith.constant 0 : index
    %swap3A_50 = arith.constant 0 : index
    %swap3A_51 = vector.load %arg11[%swap3A, %swap3A_50] : memref<2000x128xf32, #tpu.memory_space<vmem>>, vector<2000x128xf32>
    tpu.vector_store %arg11[%swap3A, %swap3A_50], %add3A_49 {strides = array<i32>} : memref<2000x128xf32, #tpu.memory_space<vmem>>, vector<2000x128xf32>,
    %swap3A_52 = arith.constant 0 : index
    %swap3A_53 = arith.constant 0 : index
    %swap3A_54 = vector.load %arg12[%swap3A_52, %swap3A_53] : memref<2000x8xf32, #tpu.memory_space<vmem>>, vector<2000x8xf32>
    tpu.vector_store %arg12[%swap3A_52, %swap3A_53], %dot_general3A_36 {strides = array<i32>} : memref<2000x8xf32, #tpu.memory_space<vmem>>, vector<2000x8xf32>,
    %reduce_max3A = arith.constant dense<0xFF800000> : vector<8xf32>
    %reduce_max3A_55 = vector.multi_reduction <maximumf>, %dot_general3A_36, %reduce_max3A [0] : vector<2000x8xf32> to vector<8xf32>
    %broadcast_in_dim3A = vector.shape_cast %reduce_max3A_55 : vector<8xf32> to vector<1x8xf32>
    %eq3A = arith.constant 0 : i32
    %eq3A_56 = arith.cmpi eq, %arg0, %eq3A : i32
    %convert_element_type3A = arith.extui %eq3A_56 : i1 to i32
    %cond3A = arith.constant 0 : i32
    %cond3A_57 = arith.cmpi ne, %convert_element_type3A, %cond3A : i32
    scf.if %cond3A_57 {
      %swap3A_62 = arith.constant 0 : index
      %swap3A_63 = arith.constant 0 : index
      %swap3A_64 = vector.load %arg13[%swap3A_62, %swap3A_63] : memref<1x8xf32, #tpu.memory_space<vmem>>, vector<1x8xf32>
      tpu.vector_store %arg13[%swap3A_62, %swap3A_63], %broadcast_in_dim3A {strides = array<i32>} : memref<1x8xf32, #tpu.memory_space<vmem>>, vector<1x8xf32>,
    } else {
    }
    %ne3A = arith.constant 0 : i32
    %ne3A_58 = arith.cmpi ne, %arg0, %ne3A : i32
    %convert_element_type3A_59 = arith.extui %ne3A_58 : i1 to i32
    %cond3A_60 = arith.constant 0 : i32
    %cond3A_61 = arith.cmpi ne, %convert_element_type3A_59, %cond3A_60 : i32
    scf.if %cond3A_61 {
      %get3A_62 = arith.constant 0 : index
      %get3A_63 = arith.constant 0 : index
      %get3A_64 = vector.load %arg13[%get3A_62, %get3A_63] : memref<1x8xf32, #tpu.memory_space<vmem>>, vector<1x8xf32>
      %max3A_65 = arith.maximumf %get3A_64, %broadcast_in_dim3A : vector<1x8xf32>
      %swap3A_66 = arith.constant 0 : index
      %swap3A_67 = arith.constant 0 : index
      %swap3A_68 = vector.load %arg13[%swap3A_66, %swap3A_67] : memref<1x8xf32, #tpu.memory_space<vmem>>, vector<1x8xf32>
      tpu.vector_store %arg13[%swap3A_66, %swap3A_67], %max3A_65 {strides = array<i32>} : memref<1x8xf32, #tpu.memory_space<vmem>>, vector<1x8xf32>,
    } else {
    }
    return
  }
  func.func @transform_0(%arg0: i32) -> (i32, i32) {
    %c0_i32 = arith.constant 0 : i32
    %c0_i32_0 = arith.constant 0 : i32
    return %arg0, %c0_i32 : i32, i32
  }
  func.func @transform_1(%arg0: i32) -> (i32, i32) {
    %c0_i32 = arith.constant 0 : i32
    %c0_i32_0 = arith.constant 0 : i32
    return %arg0, %c0_i32 : i32, i32
  }
  func.func @transform_2(%arg0: i32) -> (i32, i32) {
    %c0_i32 = arith.constant 0 : i32
    %c0_i32_0 = arith.constant 0 : i32
    return %arg0, %c0_i32 : i32, i32
  }
  func.func @transform_3(%arg0: i32) -> (i32, i32) {
    %c0_i32 = arith.constant 0 : i32
    %c0_i32_0 = arith.constant 0 : i32
    %c0_i32_1 = arith.constant 0 : i32
    return %c0_i32, %c0_i32_0 : i32, i32
  }
  func.func @transform_4(%arg0: i32) -> (i32, i32) {
    %c0_i32 = arith.constant 0 : i32
    %c0_i32_0 = arith.constant 0 : i32
    %c0_i32_1 = arith.constant 0 : i32
    return %c0_i32, %c0_i32_0 : i32, i32
  }
  func.func @transform_5(%arg0: i32) -> (i32, i32) {
    %c0_i32 = arith.constant 0 : i32
    %c0_i32_0 = arith.constant 0 : i32
    %c0_i32_1 = arith.constant 0 : i32
    return %c0_i32, %c0_i32_0 : i32, i32
  }
  func.func @transform_6(%arg0: i32) -> (i32, i32) {
    %c0_i32 = arith.constant 0 : i32
    %c0_i32_0 = arith.constant 0 : i32
    %c0_i32_1 = arith.constant 0 : i32
    return %c0_i32, %c0_i32_0 : i32, i32
  }
  func.func @transform_7(%arg0: i32) -> (i32, i32) {
    %c0_i32 = arith.constant 0 : i32
    %c0_i32_0 = arith.constant 0 : i32
    %c0_i32_1 = arith.constant 0 : i32
    return %c0_i32, %c0_i32_0 : i32, i32
  }
  func.func @transform_8(%arg0: i32) -> (i32, i32) {
    %c0_i32 = arith.constant 0 : i32
    %c0_i32_0 = arith.constant 0 : i32
    %c0_i32_1 = arith.constant 0 : i32
    return %c0_i32, %c0_i32_0 : i32, i32
  }
  func.func @transform_9(%arg0: i32) -> (i32, i32) {
    %c0_i32 = arith.constant 0 : i32
    %c0_i32_0 = arith.constant 0 : i32
    %c0_i32_1 = arith.constant 0 : i32
    return %c0_i32, %c0_i32_0 : i32, i32
  }
  func.func @transform_10(%arg0: i32) -> (i32, i32) {
    %c0_i32 = arith.constant 0 : i32
    %c0_i32_0 = arith.constant 0 : i32
    return %arg0, %c0_i32 : i32, i32
  }
  func.func @transform_11(%arg0: i32) -> (i32, i32) {
    %c0_i32 = arith.constant 0 : i32
    %c0_i32_0 = arith.constant 0 : i32
    return %arg0, %c0_i32 : i32, i32
  }
  func.func @transform_12(%arg0: i32) -> (i32, i32) {
    %c0_i32 = arith.constant 0 : i32
    %c0_i32_0 = arith.constant 0 : i32
    %c0_i32_1 = arith.constant 0 : i32
    return %c0_i32, %c0_i32_0 : i32, i32
  }
}

module attributes {stable_mosaic.version = 14 : i64} {
  func.func @body(%arg0: i32, %arg1: memref<2000x8xf32, #tpu.memory_space<vmem>>, %arg2: memref<2000x128xf32, #tpu.memory_space<vmem>>, %arg3: memref<1x8xf32, #tpu.memory_space<vmem>>, %arg4: memref<8x128xf32, #tpu.memory_space<vmem>>, %arg5: memref<2000x128xf32, #tpu.memory_space<vmem>>, %arg6: memref<2000x8xf32, #tpu.memory_space<vmem>>) attributes {dimension_semantics = [#tpu.dimension_semantics<arbitrary>], iteration_bounds = array<i64: 160>, scalar_prefetch = 0 : i64, scratch_operands = 0 : i64, tpu.core_type = #tpu.core_type<tc>, window_params = [{transform_indices = @transform_0, window_bounds = array<i64: 2000, 8>}, {transform_indices = @transform_1, window_bounds = array<i64: 2000, 128>}, {pipeline_mode = #tpu.pipeline_mode<synchronous>, transform_indices = @transform_2, window_bounds = array<i64: 1, 8>}, {pipeline_mode = #tpu.pipeline_mode<synchronous>, transform_indices = @transform_3, window_bounds = array<i64: 8, 128>}, {transform_indices = @transform_4, window_bounds = array<i64: 2000, 128>}, {transform_indices = @transform_5, window_bounds = array<i64: 2000, 8>}]} {
    %get3A = arith.constant 0 : index
    %get3A_0 = arith.constant 0 : index
    %get3A_1 = vector.load %arg1[%get3A, %get3A_0] : memref<2000x8xf32, #tpu.memory_space<vmem>>, vector<2000x8xf32>
    %get3A_2 = arith.constant 0 : index
    %get3A_3 = arith.constant 0 : index
    %get3A_4 = vector.load %arg3[%get3A_2, %get3A_3] : memref<1x8xf32, #tpu.memory_space<vmem>>, vector<1x8xf32>
    %sub3A = vector.broadcast %get3A_4 : vector<1x8xf32> to vector<2000x8xf32>
    %sub3A_5 = arith.subf %get3A_1, %sub3A : vector<2000x8xf32>
    %exp3A = math.exp %sub3A_5 : vector<2000x8xf32>
    %get3A_6 = arith.constant 0 : index
    %get3A_7 = arith.constant 0 : index
    %get3A_8 = vector.load %arg4[%get3A_6, %get3A_7] : memref<8x128xf32, #tpu.memory_space<vmem>>, vector<8x128xf32>
    %dot_general3A = arith.constant dense<0.000000e+00> : vector<2000x128xf32>
    %dot_general3A_9 = tpu.matmul %exp3A, %get3A_8, %dot_general3A {dimension_numbers = #tpu.dot_dimension_numbers<[1], [0], [0], [1], [0, 0, 1, 1], [], []>, transpose_lhs_hint = false} : vector<2000x8xf32>, vector<8x128xf32>, vector<2000x128xf32> -> vector<2000x128xf32>
    %get3A_10 = arith.constant 0 : index
    %get3A_11 = arith.constant 0 : index
    %get3A_12 = vector.load %arg2[%get3A_10, %get3A_11] : memref<2000x128xf32, #tpu.memory_space<vmem>>, vector<2000x128xf32>
    %mul3A = arith.mulf %dot_general3A_9, %get3A_12 : vector<2000x128xf32>
    %swap3A = arith.constant 0 : index
    %swap3A_13 = arith.constant 0 : index
    %swap3A_14 = vector.load %arg5[%swap3A, %swap3A_13] : memref<2000x128xf32, #tpu.memory_space<vmem>>, vector<2000x128xf32>
    tpu.vector_store %arg5[%swap3A, %swap3A_13], %mul3A {strides = array<i32>} : memref<2000x128xf32, #tpu.memory_space<vmem>>, vector<2000x128xf32>,
    %swap3A_15 = arith.constant 0 : index
    %swap3A_16 = arith.constant 0 : index
    %swap3A_17 = vector.load %arg6[%swap3A_15, %swap3A_16] : memref<2000x8xf32, #tpu.memory_space<vmem>>, vector<2000x8xf32>
    tpu.vector_store %arg6[%swap3A_15, %swap3A_16], %exp3A {strides = array<i32>} : memref<2000x8xf32, #tpu.memory_space<vmem>>, vector<2000x8xf32>,
    return
  }
  func.func @transform_0(%arg0: i32) -> (i32, i32) {
    %c0_i32 = arith.constant 0 : i32
    %c0_i32_0 = arith.constant 0 : i32
    return %arg0, %c0_i32 : i32, i32
  }
  func.func @transform_1(%arg0: i32) -> (i32, i32) {
    %c0_i32 = arith.constant 0 : i32
    %c0_i32_0 = arith.constant 0 : i32
    return %arg0, %c0_i32 : i32, i32
  }
  func.func @transform_2(%arg0: i32) -> (i32, i32) {
    %c0_i32 = arith.constant 0 : i32
    %c0_i32_0 = arith.constant 0 : i32
    %c0_i32_1 = arith.constant 0 : i32
    return %c0_i32, %c0_i32_0 : i32, i32
  }
  func.func @transform_3(%arg0: i32) -> (i32, i32) {
    %c0_i32 = arith.constant 0 : i32
    %c0_i32_0 = arith.constant 0 : i32
    %c0_i32_1 = arith.constant 0 : i32
    return %c0_i32, %c0_i32_0 : i32, i32
  }
  func.func @transform_4(%arg0: i32) -> (i32, i32) {
    %c0_i32 = arith.constant 0 : i32
    %c0_i32_0 = arith.constant 0 : i32
    return %arg0, %c0_i32 : i32, i32
  }
  func.func @transform_5(%arg0: i32) -> (i32, i32) {
    %c0_i32 = arith.constant 0 : i32
    %c0_i32_0 = arith.constant 0 : i32
    return %arg0, %c0_i32 : i32, i32
  }
}

module attributes {stable_mosaic.version = 14 : i64} {
  func.func @body(%arg0: memref<21280x128xf32, #tpu.memory_space<vmem>>, %arg1: memref<20000x8xf32, #tpu.memory_space<vmem>>, %arg2: memref<10000x128xf32, #tpu.memory_space<vmem>>, %arg3: memref<128x16xf32, #tpu.memory_space<vmem>>, %arg4: memref<1x16xf32, #tpu.memory_space<vmem>>, %arg5: memref<16x128xf32, #tpu.memory_space<vmem>>, %arg6: memref<1x128xf32, #tpu.memory_space<vmem>>, %arg7: memref<128x16xf32, #tpu.memory_space<vmem>>, %arg8: memref<1x16xf32, #tpu.memory_space<vmem>>, %arg9: memref<8x128xf32, #tpu.memory_space<vmem>>, %arg10: memref<128x16xf32, #tpu.memory_space<vmem>>, %arg11: memref<1x16xf32, #tpu.memory_space<vmem>>, %arg12: memref<1x16xf32, #tpu.memory_space<vmem>>, %arg13: memref<10000x16xf32, #tpu.memory_space<vmem>>) attributes {dimension_semantics = [], scalar_prefetch = 0 : i64, scratch_operands = 0 : i64, tpu.core_type = #tpu.core_type<tc>} {
    %get3A = arith.constant 0 : index
    %get3A_0 = arith.constant 0 : index
    %get3A_1 = vector.load %arg0[%get3A, %get3A_0] : memref<21280x128xf32, #tpu.memory_space<vmem>>, vector<10000x128xf32>
    %get3A_2 = arith.constant 10640 : index
    %get3A_3 = arith.constant 0 : index
    %get3A_4 = vector.load %arg0[%get3A_2, %get3A_3] : memref<21280x128xf32, #tpu.memory_space<vmem>>, vector<10000x128xf32>
    %add3A = arith.addf %get3A_1, %get3A_4 : vector<10000x128xf32>
    %get3A_5 = arith.constant 0 : index
    %get3A_6 = arith.constant 0 : index
    %get3A_7 = vector.load %arg1[%get3A_5, %get3A_6] : memref<20000x8xf32, #tpu.memory_space<vmem>>, vector<10000x8xf32>
    %get3A_8 = arith.constant 10000 : index
    %get3A_9 = arith.constant 0 : index
    %get3A_10 = vector.load %arg1[%get3A_8, %get3A_9] : memref<20000x8xf32, #tpu.memory_space<vmem>>, vector<10000x8xf32>
    %add3A_11 = arith.addf %get3A_7, %get3A_10 : vector<10000x8xf32>
    %add3A_12 = arith.constant 1.000000e-16 : f32
    %add3A_13 = vector.broadcast %add3A_12 : f32 to vector<10000x8xf32>
    %add3A_14 = arith.addf %add3A_11, %add3A_13 : vector<10000x8xf32>
    %div3A = arith.constant 1.000000e+00 : f32
    %div3A_15 = vector.broadcast %div3A : f32 to vector<10000x8xf32>
    %div3A_16 = arith.divf %div3A_15, %add3A_14 : vector<10000x8xf32>
    %get3A_17 = arith.constant 0 : index
    %get3A_18 = arith.constant 0 : index
    %get3A_19 = vector.load %arg9[%get3A_17, %get3A_18] : memref<8x128xf32, #tpu.memory_space<vmem>>, vector<8x128xf32>
    %dot_general3A = arith.constant dense<0.000000e+00> : vector<10000x128xf32>
    %dot_general3A_20 = tpu.matmul %div3A_16, %get3A_19, %dot_general3A {dimension_numbers = #tpu.dot_dimension_numbers<[1], [0], [0], [1], [0, 0, 1, 1], [], []>, transpose_lhs_hint = false} : vector<10000x8xf32>, vector<8x128xf32>, vector<10000x128xf32> -> vector<10000x128xf32>
    %mul3A = arith.mulf %add3A, %dot_general3A_20 : vector<10000x128xf32>
    %get3A_21 = arith.constant 0 : index
    %get3A_22 = arith.constant 0 : index
    %get3A_23 = vector.load %arg10[%get3A_21, %get3A_22] : memref<128x16xf32, #tpu.memory_space<vmem>>, vector<128x16xf32>
    %dot_general3A_24 = arith.constant dense<0.000000e+00> : vector<10000x16xf32>
    %dot_general3A_25 = tpu.matmul %mul3A, %get3A_23, %dot_general3A_24 {dimension_numbers = #tpu.dot_dimension_numbers<[1], [0], [0], [1], [0, 0, 1, 1], [], []>, transpose_lhs_hint = false} : vector<10000x128xf32>, vector<128x16xf32>, vector<10000x16xf32> -> vector<10000x16xf32>
    %get3A_26 = arith.constant 0 : index
    %get3A_27 = arith.constant 0 : index
    %get3A_28 = vector.load %arg2[%get3A_26, %get3A_27] : memref<10000x128xf32, #tpu.memory_space<vmem>>, vector<10000x128xf32>
    %get3A_29 = arith.constant 0 : index
    %get3A_30 = arith.constant 0 : index
    %get3A_31 = vector.load %arg3[%get3A_29, %get3A_30] : memref<128x16xf32, #tpu.memory_space<vmem>>, vector<128x16xf32>
    %dot_general3A_32 = arith.constant dense<0.000000e+00> : vector<10000x16xf32>
    %dot_general3A_33 = tpu.matmul %get3A_28, %get3A_31, %dot_general3A_32 {dimension_numbers = #tpu.dot_dimension_numbers<[1], [0], [0], [1], [0, 0, 1, 1], [], []>, transpose_lhs_hint = false} : vector<10000x128xf32>, vector<128x16xf32>, vector<10000x16xf32> -> vector<10000x16xf32>
    %add3A_34 = arith.addf %dot_general3A_25, %dot_general3A_33 : vector<10000x16xf32>
    %get3A_35 = arith.constant 0 : index
    %get3A_36 = arith.constant 0 : index
    %get3A_37 = vector.load %arg4[%get3A_35, %get3A_36] : memref<1x16xf32, #tpu.memory_space<vmem>>, vector<1x16xf32>
    %add3A_38 = vector.broadcast %get3A_37 : vector<1x16xf32> to vector<10000x16xf32>
    %add3A_39 = arith.addf %add3A_34, %add3A_38 : vector<10000x16xf32>
    %get3A_40 = arith.constant 0 : index
    %get3A_41 = arith.constant 0 : index
    %get3A_42 = vector.load %arg5[%get3A_40, %get3A_41] : memref<16x128xf32, #tpu.memory_space<vmem>>, vector<16x128xf32>
    %dot_general3A_43 = arith.constant dense<0.000000e+00> : vector<10000x128xf32>
    %dot_general3A_44 = tpu.matmul %add3A_39, %get3A_42, %dot_general3A_43 {dimension_numbers = #tpu.dot_dimension_numbers<[1], [0], [0], [1], [0, 0, 1, 1], [], []>, transpose_lhs_hint = false} : vector<10000x16xf32>, vector<16x128xf32>, vector<10000x128xf32> -> vector<10000x128xf32>
    %get3A_45 = arith.constant 0 : index
    %get3A_46 = arith.constant 0 : index
    %get3A_47 = vector.load %arg6[%get3A_45, %get3A_46] : memref<1x128xf32, #tpu.memory_space<vmem>>, vector<1x128xf32>
    %add3A_48 = vector.broadcast %get3A_47 : vector<1x128xf32> to vector<10000x128xf32>
    %add3A_49 = arith.addf %dot_general3A_44, %add3A_48 : vector<10000x128xf32>
    %max3A = arith.constant 0.000000e+00 : f32
    %max3A_50 = vector.broadcast %max3A : f32 to vector<10000x128xf32>
    %max3A_51 = arith.maximumf %add3A_49, %max3A_50 : vector<10000x128xf32>
    %get3A_52 = arith.constant 0 : index
    %get3A_53 = arith.constant 0 : index
    %get3A_54 = vector.load %arg7[%get3A_52, %get3A_53] : memref<128x16xf32, #tpu.memory_space<vmem>>, vector<128x16xf32>
    %dot_general3A_55 = arith.constant dense<0.000000e+00> : vector<10000x16xf32>
    %dot_general3A_56 = tpu.matmul %max3A_51, %get3A_54, %dot_general3A_55 {dimension_numbers = #tpu.dot_dimension_numbers<[1], [0], [0], [1], [0, 0, 1, 1], [], []>, transpose_lhs_hint = false} : vector<10000x128xf32>, vector<128x16xf32>, vector<10000x16xf32> -> vector<10000x16xf32>
    %add3A_57 = arith.addf %add3A_39, %dot_general3A_56 : vector<10000x16xf32>
    %get3A_58 = arith.constant 0 : index
    %get3A_59 = arith.constant 0 : index
    %get3A_60 = vector.load %arg8[%get3A_58, %get3A_59] : memref<1x16xf32, #tpu.memory_space<vmem>>, vector<1x16xf32>
    %add3A_61 = vector.broadcast %get3A_60 : vector<1x16xf32> to vector<10000x16xf32>
    %add3A_62 = arith.addf %add3A_57, %add3A_61 : vector<10000x16xf32>
    %reduce_sum3A = arith.constant dense<0.000000e+00> : vector<10000xf32>
    %reduce_sum3A_63 = vector.multi_reduction <add>, %add3A_62, %reduce_sum3A [1] : vector<10000x16xf32> to vector<10000xf32>
    %broadcast_in_dim3A = vector.shape_cast %reduce_sum3A_63 : vector<10000xf32> to vector<10000x1xf32>
    %div3A_64 = arith.constant 1.600000e+01 : f32
    %div3A_65 = vector.broadcast %div3A_64 : f32 to vector<10000x1xf32>
    %div3A_66 = arith.divf %broadcast_in_dim3A, %div3A_65 : vector<10000x1xf32>
    %sub3A = vector.broadcast %div3A_66 : vector<10000x1xf32> to vector<10000x16xf32>
    %sub3A_67 = arith.subf %add3A_62, %sub3A : vector<10000x16xf32>
    %integer_pow3A = arith.mulf %sub3A_67, %sub3A_67 : vector<10000x16xf32>
    %reduce_sum3A_68 = arith.constant dense<0.000000e+00> : vector<10000xf32>
    %reduce_sum3A_69 = vector.multi_reduction <add>, %integer_pow3A, %reduce_sum3A_68 [1] : vector<10000x16xf32> to vector<10000xf32>
    %broadcast_in_dim3A_70 = vector.shape_cast %reduce_sum3A_69 : vector<10000xf32> to vector<10000x1xf32>
    %div3A_71 = arith.constant 1.600000e+01 : f32
    %div3A_72 = vector.broadcast %div3A_71 : f32 to vector<10000x1xf32>
    %div3A_73 = arith.divf %broadcast_in_dim3A_70, %div3A_72 : vector<10000x1xf32>
    %sub3A_74 = vector.broadcast %div3A_66 : vector<10000x1xf32> to vector<10000x16xf32>
    %sub3A_75 = arith.subf %add3A_62, %sub3A_74 : vector<10000x16xf32>
    %add3A_76 = arith.constant 9.99999974E-6 : f32
    %add3A_77 = vector.broadcast %add3A_76 : f32 to vector<10000x1xf32>
    %add3A_78 = arith.addf %div3A_73, %add3A_77 : vector<10000x1xf32>
    %sqrt3A = math.sqrt %add3A_78 : vector<10000x1xf32>
    %div3A_79 = vector.broadcast %sqrt3A : vector<10000x1xf32> to vector<10000x16xf32>
    %div3A_80 = arith.divf %sub3A_75, %div3A_79 : vector<10000x16xf32>
    %get3A_81 = arith.constant 0 : index
    %get3A_82 = arith.constant 0 : index
    %get3A_83 = vector.load %arg11[%get3A_81, %get3A_82] : memref<1x16xf32, #tpu.memory_space<vmem>>, vector<1x16xf32>
    %mul3A_84 = vector.broadcast %get3A_83 : vector<1x16xf32> to vector<10000x16xf32>
    %mul3A_85 = arith.mulf %div3A_80, %mul3A_84 : vector<10000x16xf32>
    %get3A_86 = arith.constant 0 : index
    %get3A_87 = arith.constant 0 : index
    %get3A_88 = vector.load %arg12[%get3A_86, %get3A_87] : memref<1x16xf32, #tpu.memory_space<vmem>>, vector<1x16xf32>
    %add3A_89 = vector.broadcast %get3A_88 : vector<1x16xf32> to vector<10000x16xf32>
    %add3A_90 = arith.addf %mul3A_85, %add3A_89 : vector<10000x16xf32>
    %swap3A = arith.constant 0 : index
    %swap3A_91 = arith.constant 0 : index
    %swap3A_92 = vector.load %arg13[%swap3A, %swap3A_91] : memref<10000x16xf32, #tpu.memory_space<vmem>>, vector<10000x16xf32>
    tpu.vector_store %arg13[%swap3A, %swap3A_91], %add3A_90 {strides = array<i32>} : memref<10000x16xf32, #tpu.memory_space<vmem>>, vector<10000x16xf32>,
    return
  }
}

module attributes {stable_mosaic.version = 14 : i64} {
  func.func @body(%arg0: memref<10000x16xf32, #tpu.memory_space<vmem>>, %arg1: memref<16x128xf32, #tpu.memory_space<vmem>>, %arg2: memref<16x128xf32, #tpu.memory_space<vmem>>, %arg3: memref<10000x128xf32, #tpu.memory_space<vmem>>, %arg4: memref<10000x128xf32, #tpu.memory_space<vmem>>) attributes {dimension_semantics = [], scalar_prefetch = 0 : i64, scratch_operands = 0 : i64, tpu.core_type = #tpu.core_type<tc>} {
    %get3A = arith.constant 0 : index
    %get3A_0 = arith.constant 0 : index
    %get3A_1 = vector.load %arg0[%get3A, %get3A_0] : memref<10000x16xf32, #tpu.memory_space<vmem>>, vector<10000x16xf32>
    %get3A_2 = arith.constant 0 : index
    %get3A_3 = arith.constant 0 : index
    %get3A_4 = vector.load %arg1[%get3A_2, %get3A_3] : memref<16x128xf32, #tpu.memory_space<vmem>>, vector<16x128xf32>
    %dot_general3A = arith.constant dense<0.000000e+00> : vector<10000x128xf32>
    %dot_general3A_5 = tpu.matmul %get3A_1, %get3A_4, %dot_general3A {dimension_numbers = #tpu.dot_dimension_numbers<[1], [0], [0], [1], [0, 0, 1, 1], [], []>, transpose_lhs_hint = false} : vector<10000x16xf32>, vector<16x128xf32>, vector<10000x128xf32> -> vector<10000x128xf32>
    %swap3A = arith.constant 0 : index
    %swap3A_6 = arith.constant 0 : index
    %swap3A_7 = vector.load %arg3[%swap3A, %swap3A_6] : memref<10000x128xf32, #tpu.memory_space<vmem>>, vector<10000x128xf32>
    tpu.vector_store %arg3[%swap3A, %swap3A_6], %dot_general3A_5 {strides = array<i32>} : memref<10000x128xf32, #tpu.memory_space<vmem>>, vector<10000x128xf32>,
    %get3A_8 = arith.constant 0 : index
    %get3A_9 = arith.constant 0 : index
    %get3A_10 = vector.load %arg2[%get3A_8, %get3A_9] : memref<16x128xf32, #tpu.memory_space<vmem>>, vector<16x128xf32>
    %dot_general3A_11 = arith.constant dense<0.000000e+00> : vector<10000x128xf32>
    %dot_general3A_12 = tpu.matmul %get3A_1, %get3A_10, %dot_general3A_11 {dimension_numbers = #tpu.dot_dimension_numbers<[1], [0], [0], [1], [0, 0, 1, 1], [], []>, transpose_lhs_hint = false} : vector<10000x16xf32>, vector<16x128xf32>, vector<10000x128xf32> -> vector<10000x128xf32>
    %swap3A_13 = arith.constant 0 : index
    %swap3A_14 = arith.constant 0 : index
    %swap3A_15 = vector.load %arg4[%swap3A_13, %swap3A_14] : memref<10000x128xf32, #tpu.memory_space<vmem>>, vector<10000x128xf32>
    tpu.vector_store %arg4[%swap3A_13, %swap3A_14], %dot_general3A_12 {strides = array<i32>} : memref<10000x128xf32, #tpu.memory_space<vmem>>, vector<10000x128xf32>,
    return
  }
}

module attributes {stable_mosaic.version = 14 : i64} {
  func.func @body(%arg0: i32, %arg1: memref<2000x128xf32, #tpu.memory_space<vmem>>, %arg2: memref<2000x128xf32, #tpu.memory_space<vmem>>, %arg3: memref<2000x128xf32, #tpu.memory_space<vmem>>, %arg4: memref<16x128xf32, #tpu.memory_space<vmem>>, %arg5: memref<1x128xf32, #tpu.memory_space<vmem>>, %arg6: memref<128x128xf32, #tpu.memory_space<vmem>>, %arg7: memref<1x128xf32, #tpu.memory_space<vmem>>, %arg8: memref<128x8xf32, #tpu.memory_space<vmem>>, %arg9: memref<128x128xf32, #tpu.memory_space<vmem>>, %arg10: memref<1x128xf32, #tpu.memory_space<vmem>>, %arg11: memref<2000x128xf32, #tpu.memory_space<vmem>>, %arg12: memref<2000x8xf32, #tpu.memory_space<vmem>>, %arg13: memref<1x8xf32, #tpu.memory_space<vmem>>) attributes {dimension_semantics = [#tpu.dimension_semantics<arbitrary>], iteration_bounds = array<i64: 160>, scalar_prefetch = 0 : i64, scratch_operands = 0 : i64, tpu.core_type = #tpu.core_type<tc>, window_params = [{transform_indices = @transform_0, window_bounds = array<i64: 2000, 128>}, {transform_indices = @transform_1, window_bounds = array<i64: 2000, 128>}, {transform_indices = @transform_2, window_bounds = array<i64: 2000, 128>}, {pipeline_mode = #tpu.pipeline_mode<synchronous>, transform_indices = @transform_3, window_bounds = array<i64: 16, 128>}, {pipeline_mode = #tpu.pipeline_mode<synchronous>, transform_indices = @transform_4, window_bounds = array<i64: 1, 128>}, {pipeline_mode = #tpu.pipeline_mode<synchronous>, transform_indices = @transform_5, window_bounds = array<i64: 128, 128>}, {pipeline_mode = #tpu.pipeline_mode<synchronous>, transform_indices = @transform_6, window_bounds = array<i64: 1, 128>}, {pipeline_mode = #tpu.pipeline_mode<synchronous>, transform_indices = @transform_7, window_bounds = array<i64: 128, 8>}, {pipeline_mode = #tpu.pipeline_mode<synchronous>, transform_indices = @transform_8, window_bounds = array<i64: 128, 128>}, {pipeline_mode = #tpu.pipeline_mode<synchronous>, transform_indices = @transform_9, window_bounds = array<i64: 1, 128>}, {transform_indices = @transform_10, window_bounds = array<i64: 2000, 128>}, {transform_indices = @transform_11, window_bounds = array<i64: 2000, 8>}, {pipeline_mode = #tpu.pipeline_mode<synchronous>, transform_indices = @transform_12, window_bounds = array<i64: 1, 8>}]} {
    %get3A = arith.constant 0 : index
    %get3A_0 = arith.constant 0 : index
    %get3A_1 = vector.load %arg1[%get3A, %get3A_0] : memref<2000x128xf32, #tpu.memory_space<vmem>>, vector<2000x128xf32>
    %get3A_2 = arith.constant 0 : index
    %get3A_3 = arith.constant 0 : index
    %get3A_4 = vector.load %arg6[%get3A_2, %get3A_3] : memref<128x128xf32, #tpu.memory_space<vmem>>, vector<128x128xf32>
    %dot_general3A = arith.constant dense<0.000000e+00> : vector<2000x128xf32>
    %dot_general3A_5 = tpu.matmul %get3A_1, %get3A_4, %dot_general3A {dimension_numbers = #tpu.dot_dimension_numbers<[1], [0], [0], [1], [0, 0, 1, 1], [], []>, transpose_lhs_hint = false} : vector<2000x128xf32>, vector<128x128xf32>, vector<2000x128xf32> -> vector<2000x128xf32>
    %get3A_6 = arith.constant 0 : index
    %get3A_7 = arith.constant 0 : index
    %get3A_8 = vector.load %arg2[%get3A_6, %get3A_7] : memref<2000x128xf32, #tpu.memory_space<vmem>>, vector<2000x128xf32>
    %get3A_9 = arith.constant 0 : index
    %get3A_10 = arith.constant 0 : index
    %get3A_11 = vector.load %arg3[%get3A_9, %get3A_10] : memref<2000x128xf32, #tpu.memory_space<vmem>>, vector<2000x128xf32>
    %add3A = arith.addf %get3A_8, %get3A_11 : vector<2000x128xf32>
    %add3A_12 = arith.addf %add3A, %dot_general3A_5 : vector<2000x128xf32>
    %ge3A = arith.constant 0.000000e+00 : f32
    %ge3A_13 = vector.broadcast %ge3A : f32 to vector<2000x128xf32>
    %ge3A_14 = arith.cmpf oge, %add3A_12, %ge3A_13 : vector<2000x128xf32>
    %mul3A = arith.constant 2.000000e-01 : f32
    %mul3A_15 = vector.broadcast %mul3A : f32 to vector<2000x128xf32>
    %mul3A_16 = arith.mulf %mul3A_15, %add3A_12 : vector<2000x128xf32>
    %select_n3A = arith.select %ge3A_14, %add3A_12, %mul3A_16 : vector<2000x128xi1>, vector<2000x128xf32>
    %get3A_17 = arith.constant 0 : index
    %get3A_18 = arith.constant 0 : index
    %get3A_19 = vector.load %arg7[%get3A_17, %get3A_18] : memref<1x128xf32, #tpu.memory_space<vmem>>, vector<1x128xf32>
    %mul3A_20 = vector.broadcast %get3A_19 : vector<1x128xf32> to vector<2000x128xf32>
    %mul3A_21 = arith.mulf %select_n3A, %mul3A_20 : vector<2000x128xf32>
    %get3A_22 = arith.constant 0 : index
    %get3A_23 = arith.constant 0 : index
    %get3A_24 = vector.load %arg8[%get3A_22, %get3A_23] : memref<128x8xf32, #tpu.memory_space<vmem>>, vector<128x8xf32>
    %dot_general3A_25 = arith.constant dense<0.000000e+00> : vector<2000x8xf32>
    %dot_general3A_26 = tpu.matmul %mul3A_21, %get3A_24, %dot_general3A_25 {dimension_numbers = #tpu.dot_dimension_numbers<[1], [0], [0], [1], [0, 0, 1, 1], [], []>, transpose_lhs_hint = false} : vector<2000x128xf32>, vector<128x8xf32>, vector<2000x8xf32> -> vector<2000x8xf32>
    %max3A = arith.constant 0.000000e+00 : f32
    %max3A_27 = vector.broadcast %max3A : f32 to vector<2000x128xf32>
    %max3A_28 = arith.maximumf %select_n3A, %max3A_27 : vector<2000x128xf32>
    %get3A_29 = arith.constant 0 : index
    %get3A_30 = arith.constant 0 : index
    %get3A_31 = vector.load %arg9[%get3A_29, %get3A_30] : memref<128x128xf32, #tpu.memory_space<vmem>>, vector<128x128xf32>
    %dot_general3A_32 = arith.constant dense<0.000000e+00> : vector<2000x128xf32>
    %dot_general3A_33 = tpu.matmul %max3A_28, %get3A_31, %dot_general3A_32 {dimension_numbers = #tpu.dot_dimension_numbers<[1], [0], [0], [1], [0, 0, 1, 1], [], []>, transpose_lhs_hint = false} : vector<2000x128xf32>, vector<128x128xf32>, vector<2000x128xf32> -> vector<2000x128xf32>
    %add3A_34 = arith.addf %get3A_1, %dot_general3A_33 : vector<2000x128xf32>
    %get3A_35 = arith.constant 0 : index
    %get3A_36 = arith.constant 0 : index
    %get3A_37 = vector.load %arg10[%get3A_35, %get3A_36] : memref<1x128xf32, #tpu.memory_space<vmem>>, vector<1x128xf32>
    %add3A_38 = vector.broadcast %get3A_37 : vector<1x128xf32> to vector<2000x128xf32>
    %add3A_39 = arith.addf %add3A_34, %add3A_38 : vector<2000x128xf32>
    %swap3A = arith.constant 0 : index
    %swap3A_40 = arith.constant 0 : index
    %swap3A_41 = vector.load %arg11[%swap3A, %swap3A_40] : memref<2000x128xf32, #tpu.memory_space<vmem>>, vector<2000x128xf32>
    tpu.vector_store %arg11[%swap3A, %swap3A_40], %add3A_39 {strides = array<i32>} : memref<2000x128xf32, #tpu.memory_space<vmem>>, vector<2000x128xf32>,
    %swap3A_42 = arith.constant 0 : index
    %swap3A_43 = arith.constant 0 : index
    %swap3A_44 = vector.load %arg12[%swap3A_42, %swap3A_43] : memref<2000x8xf32, #tpu.memory_space<vmem>>, vector<2000x8xf32>
    tpu.vector_store %arg12[%swap3A_42, %swap3A_43], %dot_general3A_26 {strides = array<i32>} : memref<2000x8xf32, #tpu.memory_space<vmem>>, vector<2000x8xf32>,
    %reduce_max3A = arith.constant dense<0xFF800000> : vector<8xf32>
    %reduce_max3A_45 = vector.multi_reduction <maximumf>, %dot_general3A_26, %reduce_max3A [0] : vector<2000x8xf32> to vector<8xf32>
    %broadcast_in_dim3A = vector.shape_cast %reduce_max3A_45 : vector<8xf32> to vector<1x8xf32>
    %eq3A = arith.constant 0 : i32
    %eq3A_46 = arith.cmpi eq, %arg0, %eq3A : i32
    %convert_element_type3A = arith.extui %eq3A_46 : i1 to i32
    %cond3A = arith.constant 0 : i32
    %cond3A_47 = arith.cmpi ne, %convert_element_type3A, %cond3A : i32
    scf.if %cond3A_47 {
      %swap3A_52 = arith.constant 0 : index
      %swap3A_53 = arith.constant 0 : index
      %swap3A_54 = vector.load %arg13[%swap3A_52, %swap3A_53] : memref<1x8xf32, #tpu.memory_space<vmem>>, vector<1x8xf32>
      tpu.vector_store %arg13[%swap3A_52, %swap3A_53], %broadcast_in_dim3A {strides = array<i32>} : memref<1x8xf32, #tpu.memory_space<vmem>>, vector<1x8xf32>,
    } else {
    }
    %ne3A = arith.constant 0 : i32
    %ne3A_48 = arith.cmpi ne, %arg0, %ne3A : i32
    %convert_element_type3A_49 = arith.extui %ne3A_48 : i1 to i32
    %cond3A_50 = arith.constant 0 : i32
    %cond3A_51 = arith.cmpi ne, %convert_element_type3A_49, %cond3A_50 : i32
    scf.if %cond3A_51 {
      %get3A_52 = arith.constant 0 : index
      %get3A_53 = arith.constant 0 : index
      %get3A_54 = vector.load %arg13[%get3A_52, %get3A_53] : memref<1x8xf32, #tpu.memory_space<vmem>>, vector<1x8xf32>
      %max3A_55 = arith.maximumf %get3A_54, %broadcast_in_dim3A : vector<1x8xf32>
      %swap3A_56 = arith.constant 0 : index
      %swap3A_57 = arith.constant 0 : index
      %swap3A_58 = vector.load %arg13[%swap3A_56, %swap3A_57] : memref<1x8xf32, #tpu.memory_space<vmem>>, vector<1x8xf32>
      tpu.vector_store %arg13[%swap3A_56, %swap3A_57], %max3A_55 {strides = array<i32>} : memref<1x8xf32, #tpu.memory_space<vmem>>, vector<1x8xf32>,
    } else {
    }
    return
  }
  func.func @transform_0(%arg0: i32) -> (i32, i32) {
    %c0_i32 = arith.constant 0 : i32
    %c0_i32_0 = arith.constant 0 : i32
    return %arg0, %c0_i32 : i32, i32
  }
  func.func @transform_1(%arg0: i32) -> (i32, i32) {
    %c0_i32 = arith.constant 0 : i32
    %c0_i32_0 = arith.constant 0 : i32
    return %arg0, %c0_i32 : i32, i32
  }
  func.func @transform_2(%arg0: i32) -> (i32, i32) {
    %c0_i32 = arith.constant 0 : i32
    %c0_i32_0 = arith.constant 0 : i32
    return %arg0, %c0_i32 : i32, i32
  }
  func.func @transform_3(%arg0: i32) -> (i32, i32) {
    %c0_i32 = arith.constant 0 : i32
    %c0_i32_0 = arith.constant 0 : i32
    %c0_i32_1 = arith.constant 0 : i32
    return %c0_i32, %c0_i32_0 : i32, i32
  }
  func.func @transform_4(%arg0: i32) -> (i32, i32) {
    %c0_i32 = arith.constant 0 : i32
    %c0_i32_0 = arith.constant 0 : i32
    %c0_i32_1 = arith.constant 0 : i32
    return %c0_i32, %c0_i32_0 : i32, i32
  }
  func.func @transform_5(%arg0: i32) -> (i32, i32) {
    %c0_i32 = arith.constant 0 : i32
    %c0_i32_0 = arith.constant 0 : i32
    %c0_i32_1 = arith.constant 0 : i32
    return %c0_i32, %c0_i32_0 : i32, i32
  }
  func.func @transform_6(%arg0: i32) -> (i32, i32) {
    %c0_i32 = arith.constant 0 : i32
    %c0_i32_0 = arith.constant 0 : i32
    %c0_i32_1 = arith.constant 0 : i32
    return %c0_i32, %c0_i32_0 : i32, i32
  }
  func.func @transform_7(%arg0: i32) -> (i32, i32) {
    %c0_i32 = arith.constant 0 : i32
    %c0_i32_0 = arith.constant 0 : i32
    %c0_i32_1 = arith.constant 0 : i32
    return %c0_i32, %c0_i32_0 : i32, i32
  }
  func.func @transform_8(%arg0: i32) -> (i32, i32) {
    %c0_i32 = arith.constant 0 : i32
    %c0_i32_0 = arith.constant 0 : i32
    %c0_i32_1 = arith.constant 0 : i32
    return %c0_i32, %c0_i32_0 : i32, i32
  }
  func.func @transform_9(%arg0: i32) -> (i32, i32) {
    %c0_i32 = arith.constant 0 : i32
    %c0_i32_0 = arith.constant 0 : i32
    %c0_i32_1 = arith.constant 0 : i32
    return %c0_i32, %c0_i32_0 : i32, i32
  }
  func.func @transform_10(%arg0: i32) -> (i32, i32) {
    %c0_i32 = arith.constant 0 : i32
    %c0_i32_0 = arith.constant 0 : i32
    return %arg0, %c0_i32 : i32, i32
  }
  func.func @transform_11(%arg0: i32) -> (i32, i32) {
    %c0_i32 = arith.constant 0 : i32
    %c0_i32_0 = arith.constant 0 : i32
    return %arg0, %c0_i32 : i32, i32
  }
  func.func @transform_12(%arg0: i32) -> (i32, i32) {
    %c0_i32 = arith.constant 0 : i32
    %c0_i32_0 = arith.constant 0 : i32
    %c0_i32_1 = arith.constant 0 : i32
    return %c0_i32, %c0_i32_0 : i32, i32
  }
}

module attributes {stable_mosaic.version = 14 : i64} {
  func.func @body(%arg0: memref<21280x128xf32, #tpu.memory_space<vmem>>, %arg1: memref<20000x8xf32, #tpu.memory_space<vmem>>, %arg2: memref<10000x16xf32, #tpu.memory_space<vmem>>, %arg3: memref<16x16xf32, #tpu.memory_space<vmem>>, %arg4: memref<1x16xf32, #tpu.memory_space<vmem>>, %arg5: memref<16x128xf32, #tpu.memory_space<vmem>>, %arg6: memref<1x128xf32, #tpu.memory_space<vmem>>, %arg7: memref<128x16xf32, #tpu.memory_space<vmem>>, %arg8: memref<1x16xf32, #tpu.memory_space<vmem>>, %arg9: memref<8x128xf32, #tpu.memory_space<vmem>>, %arg10: memref<128x16xf32, #tpu.memory_space<vmem>>, %arg11: memref<1x16xf32, #tpu.memory_space<vmem>>, %arg12: memref<1x16xf32, #tpu.memory_space<vmem>>, %arg13: memref<10000x16xf32, #tpu.memory_space<vmem>>) attributes {dimension_semantics = [], scalar_prefetch = 0 : i64, scratch_operands = 0 : i64, tpu.core_type = #tpu.core_type<tc>} {
    %get3A = arith.constant 0 : index
    %get3A_0 = arith.constant 0 : index
    %get3A_1 = vector.load %arg0[%get3A, %get3A_0] : memref<21280x128xf32, #tpu.memory_space<vmem>>, vector<10000x128xf32>
    %get3A_2 = arith.constant 10640 : index
    %get3A_3 = arith.constant 0 : index
    %get3A_4 = vector.load %arg0[%get3A_2, %get3A_3] : memref<21280x128xf32, #tpu.memory_space<vmem>>, vector<10000x128xf32>
    %add3A = arith.addf %get3A_1, %get3A_4 : vector<10000x128xf32>
    %get3A_5 = arith.constant 0 : index
    %get3A_6 = arith.constant 0 : index
    %get3A_7 = vector.load %arg1[%get3A_5, %get3A_6] : memref<20000x8xf32, #tpu.memory_space<vmem>>, vector<10000x8xf32>
    %get3A_8 = arith.constant 10000 : index
    %get3A_9 = arith.constant 0 : index
    %get3A_10 = vector.load %arg1[%get3A_8, %get3A_9] : memref<20000x8xf32, #tpu.memory_space<vmem>>, vector<10000x8xf32>
    %add3A_11 = arith.addf %get3A_7, %get3A_10 : vector<10000x8xf32>
    %add3A_12 = arith.constant 1.000000e-16 : f32
    %add3A_13 = vector.broadcast %add3A_12 : f32 to vector<10000x8xf32>
    %add3A_14 = arith.addf %add3A_11, %add3A_13 : vector<10000x8xf32>
    %div3A = arith.constant 1.000000e+00 : f32
    %div3A_15 = vector.broadcast %div3A : f32 to vector<10000x8xf32>
    %div3A_16 = arith.divf %div3A_15, %add3A_14 : vector<10000x8xf32>
    %get3A_17 = arith.constant 0 : index
    %get3A_18 = arith.constant 0 : index
    %get3A_19 = vector.load %arg9[%get3A_17, %get3A_18] : memref<8x128xf32, #tpu.memory_space<vmem>>, vector<8x128xf32>
    %dot_general3A = arith.constant dense<0.000000e+00> : vector<10000x128xf32>
    %dot_general3A_20 = tpu.matmul %div3A_16, %get3A_19, %dot_general3A {dimension_numbers = #tpu.dot_dimension_numbers<[1], [0], [0], [1], [0, 0, 1, 1], [], []>, transpose_lhs_hint = false} : vector<10000x8xf32>, vector<8x128xf32>, vector<10000x128xf32> -> vector<10000x128xf32>
    %mul3A = arith.mulf %add3A, %dot_general3A_20 : vector<10000x128xf32>
    %get3A_21 = arith.constant 0 : index
    %get3A_22 = arith.constant 0 : index
    %get3A_23 = vector.load %arg10[%get3A_21, %get3A_22] : memref<128x16xf32, #tpu.memory_space<vmem>>, vector<128x16xf32>
    %dot_general3A_24 = arith.constant dense<0.000000e+00> : vector<10000x16xf32>
    %dot_general3A_25 = tpu.matmul %mul3A, %get3A_23, %dot_general3A_24 {dimension_numbers = #tpu.dot_dimension_numbers<[1], [0], [0], [1], [0, 0, 1, 1], [], []>, transpose_lhs_hint = false} : vector<10000x128xf32>, vector<128x16xf32>, vector<10000x16xf32> -> vector<10000x16xf32>
    %get3A_26 = arith.constant 0 : index
    %get3A_27 = arith.constant 0 : index
    %get3A_28 = vector.load %arg2[%get3A_26, %get3A_27] : memref<10000x16xf32, #tpu.memory_space<vmem>>, vector<10000x16xf32>
    %get3A_29 = arith.constant 0 : index
    %get3A_30 = arith.constant 0 : index
    %get3A_31 = vector.load %arg3[%get3A_29, %get3A_30] : memref<16x16xf32, #tpu.memory_space<vmem>>, vector<16x16xf32>
    %dot_general3A_32 = arith.constant dense<0.000000e+00> : vector<10000x16xf32>
    %dot_general3A_33 = tpu.matmul %get3A_28, %get3A_31, %dot_general3A_32 {dimension_numbers = #tpu.dot_dimension_numbers<[1], [0], [0], [1], [0, 0, 1, 1], [], []>, transpose_lhs_hint = false} : vector<10000x16xf32>, vector<16x16xf32>, vector<10000x16xf32> -> vector<10000x16xf32>
    %add3A_34 = arith.addf %dot_general3A_25, %dot_general3A_33 : vector<10000x16xf32>
    %get3A_35 = arith.constant 0 : index
    %get3A_36 = arith.constant 0 : index
    %get3A_37 = vector.load %arg4[%get3A_35, %get3A_36] : memref<1x16xf32, #tpu.memory_space<vmem>>, vector<1x16xf32>
    %add3A_38 = vector.broadcast %get3A_37 : vector<1x16xf32> to vector<10000x16xf32>
    %add3A_39 = arith.addf %add3A_34, %add3A_38 : vector<10000x16xf32>
    %get3A_40 = arith.constant 0 : index
    %get3A_41 = arith.constant 0 : index
    %get3A_42 = vector.load %arg5[%get3A_40, %get3A_41] : memref<16x128xf32, #tpu.memory_space<vmem>>, vector<16x128xf32>
    %dot_general3A_43 = arith.constant dense<0.000000e+00> : vector<10000x128xf32>
    %dot_general3A_44 = tpu.matmul %add3A_39, %get3A_42, %dot_general3A_43 {dimension_numbers = #tpu.dot_dimension_numbers<[1], [0], [0], [1], [0, 0, 1, 1], [], []>, transpose_lhs_hint = false} : vector<10000x16xf32>, vector<16x128xf32>, vector<10000x128xf32> -> vector<10000x128xf32>
    %get3A_45 = arith.constant 0 : index
    %get3A_46 = arith.constant 0 : index
    %get3A_47 = vector.load %arg6[%get3A_45, %get3A_46] : memref<1x128xf32, #tpu.memory_space<vmem>>, vector<1x128xf32>
    %add3A_48 = vector.broadcast %get3A_47 : vector<1x128xf32> to vector<10000x128xf32>
    %add3A_49 = arith.addf %dot_general3A_44, %add3A_48 : vector<10000x128xf32>
    %max3A = arith.constant 0.000000e+00 : f32
    %max3A_50 = vector.broadcast %max3A : f32 to vector<10000x128xf32>
    %max3A_51 = arith.maximumf %add3A_49, %max3A_50 : vector<10000x128xf32>
    %get3A_52 = arith.constant 0 : index
    %get3A_53 = arith.constant 0 : index
    %get3A_54 = vector.load %arg7[%get3A_52, %get3A_53] : memref<128x16xf32, #tpu.memory_space<vmem>>, vector<128x16xf32>
    %dot_general3A_55 = arith.constant dense<0.000000e+00> : vector<10000x16xf32>
    %dot_general3A_56 = tpu.matmul %max3A_51, %get3A_54, %dot_general3A_55 {dimension_numbers = #tpu.dot_dimension_numbers<[1], [0], [0], [1], [0, 0, 1, 1], [], []>, transpose_lhs_hint = false} : vector<10000x128xf32>, vector<128x16xf32>, vector<10000x16xf32> -> vector<10000x16xf32>
    %add3A_57 = arith.addf %add3A_39, %dot_general3A_56 : vector<10000x16xf32>
    %get3A_58 = arith.constant 0 : index
    %get3A_59 = arith.constant 0 : index
    %get3A_60 = vector.load %arg8[%get3A_58, %get3A_59] : memref<1x16xf32, #tpu.memory_space<vmem>>, vector<1x16xf32>
    %add3A_61 = vector.broadcast %get3A_60 : vector<1x16xf32> to vector<10000x16xf32>
    %add3A_62 = arith.addf %add3A_57, %add3A_61 : vector<10000x16xf32>
    %reduce_sum3A = arith.constant dense<0.000000e+00> : vector<10000xf32>
    %reduce_sum3A_63 = vector.multi_reduction <add>, %add3A_62, %reduce_sum3A [1] : vector<10000x16xf32> to vector<10000xf32>
    %broadcast_in_dim3A = vector.shape_cast %reduce_sum3A_63 : vector<10000xf32> to vector<10000x1xf32>
    %div3A_64 = arith.constant 1.600000e+01 : f32
    %div3A_65 = vector.broadcast %div3A_64 : f32 to vector<10000x1xf32>
    %div3A_66 = arith.divf %broadcast_in_dim3A, %div3A_65 : vector<10000x1xf32>
    %sub3A = vector.broadcast %div3A_66 : vector<10000x1xf32> to vector<10000x16xf32>
    %sub3A_67 = arith.subf %add3A_62, %sub3A : vector<10000x16xf32>
    %integer_pow3A = arith.mulf %sub3A_67, %sub3A_67 : vector<10000x16xf32>
    %reduce_sum3A_68 = arith.constant dense<0.000000e+00> : vector<10000xf32>
    %reduce_sum3A_69 = vector.multi_reduction <add>, %integer_pow3A, %reduce_sum3A_68 [1] : vector<10000x16xf32> to vector<10000xf32>
    %broadcast_in_dim3A_70 = vector.shape_cast %reduce_sum3A_69 : vector<10000xf32> to vector<10000x1xf32>
    %div3A_71 = arith.constant 1.600000e+01 : f32
    %div3A_72 = vector.broadcast %div3A_71 : f32 to vector<10000x1xf32>
    %div3A_73 = arith.divf %broadcast_in_dim3A_70, %div3A_72 : vector<10000x1xf32>
    %sub3A_74 = vector.broadcast %div3A_66 : vector<10000x1xf32> to vector<10000x16xf32>
    %sub3A_75 = arith.subf %add3A_62, %sub3A_74 : vector<10000x16xf32>
    %add3A_76 = arith.constant 9.99999974E-6 : f32
    %add3A_77 = vector.broadcast %add3A_76 : f32 to vector<10000x1xf32>
    %add3A_78 = arith.addf %div3A_73, %add3A_77 : vector<10000x1xf32>
    %sqrt3A = math.sqrt %add3A_78 : vector<10000x1xf32>
    %div3A_79 = vector.broadcast %sqrt3A : vector<10000x1xf32> to vector<10000x16xf32>
    %div3A_80 = arith.divf %sub3A_75, %div3A_79 : vector<10000x16xf32>
    %get3A_81 = arith.constant 0 : index
    %get3A_82 = arith.constant 0 : index
    %get3A_83 = vector.load %arg11[%get3A_81, %get3A_82] : memref<1x16xf32, #tpu.memory_space<vmem>>, vector<1x16xf32>
    %mul3A_84 = vector.broadcast %get3A_83 : vector<1x16xf32> to vector<10000x16xf32>
    %mul3A_85 = arith.mulf %div3A_80, %mul3A_84 : vector<10000x16xf32>
    %get3A_86 = arith.constant 0 : index
    %get3A_87 = arith.constant 0 : index
    %get3A_88 = vector.load %arg12[%get3A_86, %get3A_87] : memref<1x16xf32, #tpu.memory_space<vmem>>, vector<1x16xf32>
    %add3A_89 = vector.broadcast %get3A_88 : vector<1x16xf32> to vector<10000x16xf32>
    %add3A_90 = arith.addf %mul3A_85, %add3A_89 : vector<10000x16xf32>
    %swap3A = arith.constant 0 : index
    %swap3A_91 = arith.constant 0 : index
    %swap3A_92 = vector.load %arg13[%swap3A, %swap3A_91] : memref<10000x16xf32, #tpu.memory_space<vmem>>, vector<10000x16xf32>
    tpu.vector_store %arg13[%swap3A, %swap3A_91], %add3A_90 {strides = array<i32>} : memref<10000x16xf32, #tpu.memory_space<vmem>>, vector<10000x16xf32>,
    return
  }
}

module attributes {stable_mosaic.version = 14 : i64} {
  func.func @body(%arg0: memref<21280x128xf32, #tpu.memory_space<vmem>>, %arg1: memref<20000x8xf32, #tpu.memory_space<vmem>>, %arg2: memref<10000x16xf32, #tpu.memory_space<vmem>>, %arg3: memref<16x16xf32, #tpu.memory_space<vmem>>, %arg4: memref<1x16xf32, #tpu.memory_space<vmem>>, %arg5: memref<16x128xf32, #tpu.memory_space<vmem>>, %arg6: memref<1x128xf32, #tpu.memory_space<vmem>>, %arg7: memref<128x16xf32, #tpu.memory_space<vmem>>, %arg8: memref<1x16xf32, #tpu.memory_space<vmem>>, %arg9: memref<8x128xf32, #tpu.memory_space<vmem>>, %arg10: memref<128x16xf32, #tpu.memory_space<vmem>>, %arg11: memref<10000x16xf32, #tpu.memory_space<vmem>>) attributes {dimension_semantics = [], scalar_prefetch = 0 : i64, scratch_operands = 0 : i64, tpu.core_type = #tpu.core_type<tc>} {
    %get3A = arith.constant 0 : index
    %get3A_0 = arith.constant 0 : index
    %get3A_1 = vector.load %arg0[%get3A, %get3A_0] : memref<21280x128xf32, #tpu.memory_space<vmem>>, vector<10000x128xf32>
    %get3A_2 = arith.constant 10640 : index
    %get3A_3 = arith.constant 0 : index
    %get3A_4 = vector.load %arg0[%get3A_2, %get3A_3] : memref<21280x128xf32, #tpu.memory_space<vmem>>, vector<10000x128xf32>
    %add3A = arith.addf %get3A_1, %get3A_4 : vector<10000x128xf32>
    %get3A_5 = arith.constant 0 : index
    %get3A_6 = arith.constant 0 : index
    %get3A_7 = vector.load %arg1[%get3A_5, %get3A_6] : memref<20000x8xf32, #tpu.memory_space<vmem>>, vector<10000x8xf32>
    %get3A_8 = arith.constant 10000 : index
    %get3A_9 = arith.constant 0 : index
    %get3A_10 = vector.load %arg1[%get3A_8, %get3A_9] : memref<20000x8xf32, #tpu.memory_space<vmem>>, vector<10000x8xf32>
    %add3A_11 = arith.addf %get3A_7, %get3A_10 : vector<10000x8xf32>
    %add3A_12 = arith.constant 1.000000e-16 : f32
    %add3A_13 = vector.broadcast %add3A_12 : f32 to vector<10000x8xf32>
    %add3A_14 = arith.addf %add3A_11, %add3A_13 : vector<10000x8xf32>
    %div3A = arith.constant 1.000000e+00 : f32
    %div3A_15 = vector.broadcast %div3A : f32 to vector<10000x8xf32>
    %div3A_16 = arith.divf %div3A_15, %add3A_14 : vector<10000x8xf32>
    %get3A_17 = arith.constant 0 : index
    %get3A_18 = arith.constant 0 : index
    %get3A_19 = vector.load %arg9[%get3A_17, %get3A_18] : memref<8x128xf32, #tpu.memory_space<vmem>>, vector<8x128xf32>
    %dot_general3A = arith.constant dense<0.000000e+00> : vector<10000x128xf32>
    %dot_general3A_20 = tpu.matmul %div3A_16, %get3A_19, %dot_general3A {dimension_numbers = #tpu.dot_dimension_numbers<[1], [0], [0], [1], [0, 0, 1, 1], [], []>, transpose_lhs_hint = false} : vector<10000x8xf32>, vector<8x128xf32>, vector<10000x128xf32> -> vector<10000x128xf32>
    %mul3A = arith.mulf %add3A, %dot_general3A_20 : vector<10000x128xf32>
    %get3A_21 = arith.constant 0 : index
    %get3A_22 = arith.constant 0 : index
    %get3A_23 = vector.load %arg10[%get3A_21, %get3A_22] : memref<128x16xf32, #tpu.memory_space<vmem>>, vector<128x16xf32>
    %dot_general3A_24 = arith.constant dense<0.000000e+00> : vector<10000x16xf32>
    %dot_general3A_25 = tpu.matmul %mul3A, %get3A_23, %dot_general3A_24 {dimension_numbers = #tpu.dot_dimension_numbers<[1], [0], [0], [1], [0, 0, 1, 1], [], []>, transpose_lhs_hint = false} : vector<10000x128xf32>, vector<128x16xf32>, vector<10000x16xf32> -> vector<10000x16xf32>
    %get3A_26 = arith.constant 0 : index
    %get3A_27 = arith.constant 0 : index
    %get3A_28 = vector.load %arg2[%get3A_26, %get3A_27] : memref<10000x16xf32, #tpu.memory_space<vmem>>, vector<10000x16xf32>
    %get3A_29 = arith.constant 0 : index
    %get3A_30 = arith.constant 0 : index
    %get3A_31 = vector.load %arg3[%get3A_29, %get3A_30] : memref<16x16xf32, #tpu.memory_space<vmem>>, vector<16x16xf32>
    %dot_general3A_32 = arith.constant dense<0.000000e+00> : vector<10000x16xf32>
    %dot_general3A_33 = tpu.matmul %get3A_28, %get3A_31, %dot_general3A_32 {dimension_numbers = #tpu.dot_dimension_numbers<[1], [0], [0], [1], [0, 0, 1, 1], [], []>, transpose_lhs_hint = false} : vector<10000x16xf32>, vector<16x16xf32>, vector<10000x16xf32> -> vector<10000x16xf32>
    %add3A_34 = arith.addf %dot_general3A_25, %dot_general3A_33 : vector<10000x16xf32>
    %get3A_35 = arith.constant 0 : index
    %get3A_36 = arith.constant 0 : index
    %get3A_37 = vector.load %arg4[%get3A_35, %get3A_36] : memref<1x16xf32, #tpu.memory_space<vmem>>, vector<1x16xf32>
    %add3A_38 = vector.broadcast %get3A_37 : vector<1x16xf32> to vector<10000x16xf32>
    %add3A_39 = arith.addf %add3A_34, %add3A_38 : vector<10000x16xf32>
    %get3A_40 = arith.constant 0 : index
    %get3A_41 = arith.constant 0 : index
    %get3A_42 = vector.load %arg5[%get3A_40, %get3A_41] : memref<16x128xf32, #tpu.memory_space<vmem>>, vector<16x128xf32>
    %dot_general3A_43 = arith.constant dense<0.000000e+00> : vector<10000x128xf32>
    %dot_general3A_44 = tpu.matmul %add3A_39, %get3A_42, %dot_general3A_43 {dimension_numbers = #tpu.dot_dimension_numbers<[1], [0], [0], [1], [0, 0, 1, 1], [], []>, transpose_lhs_hint = false} : vector<10000x16xf32>, vector<16x128xf32>, vector<10000x128xf32> -> vector<10000x128xf32>
    %get3A_45 = arith.constant 0 : index
    %get3A_46 = arith.constant 0 : index
    %get3A_47 = vector.load %arg6[%get3A_45, %get3A_46] : memref<1x128xf32, #tpu.memory_space<vmem>>, vector<1x128xf32>
    %add3A_48 = vector.broadcast %get3A_47 : vector<1x128xf32> to vector<10000x128xf32>
    %add3A_49 = arith.addf %dot_general3A_44, %add3A_48 : vector<10000x128xf32>
    %max3A = arith.constant 0.000000e+00 : f32
    %max3A_50 = vector.broadcast %max3A : f32 to vector<10000x128xf32>
    %max3A_51 = arith.maximumf %add3A_49, %max3A_50 : vector<10000x128xf32>
    %get3A_52 = arith.constant 0 : index
    %get3A_53 = arith.constant 0 : index
    %get3A_54 = vector.load %arg7[%get3A_52, %get3A_53] : memref<128x16xf32, #tpu.memory_space<vmem>>, vector<128x16xf32>
    %dot_general3A_55 = arith.constant dense<0.000000e+00> : vector<10000x16xf32>
    %dot_general3A_56 = tpu.matmul %max3A_51, %get3A_54, %dot_general3A_55 {dimension_numbers = #tpu.dot_dimension_numbers<[1], [0], [0], [1], [0, 0, 1, 1], [], []>, transpose_lhs_hint = false} : vector<10000x128xf32>, vector<128x16xf32>, vector<10000x16xf32> -> vector<10000x16xf32>
    %add3A_57 = arith.addf %add3A_39, %dot_general3A_56 : vector<10000x16xf32>
    %get3A_58 = arith.constant 0 : index
    %get3A_59 = arith.constant 0 : index
    %get3A_60 = vector.load %arg8[%get3A_58, %get3A_59] : memref<1x16xf32, #tpu.memory_space<vmem>>, vector<1x16xf32>
    %add3A_61 = vector.broadcast %get3A_60 : vector<1x16xf32> to vector<10000x16xf32>
    %add3A_62 = arith.addf %add3A_57, %add3A_61 : vector<10000x16xf32>
    %swap3A = arith.constant 0 : index
    %swap3A_63 = arith.constant 0 : index
    %swap3A_64 = vector.load %arg11[%swap3A, %swap3A_63] : memref<10000x16xf32, #tpu.memory_space<vmem>>, vector<10000x16xf32>
    tpu.vector_store %arg11[%swap3A, %swap3A_63], %add3A_62 {strides = array<i32>} : memref<10000x16xf32, #tpu.memory_space<vmem>>, vector<10000x16xf32>,
    return
  }
}

</mosaic_0001>

<sc_bundles>
// kernel: kernel.20.cloned.1.call-start
scs
__scs_entry_jumppad:
0x0: {  	(pc) =	sbr.rel $0x88, $3  }
0x1: {  	(tag) =	ssettag $0x0;
	lr =	simm.s32 $0x1  }
0x2: {  	[smem:$0x3F74] =	sst lr;
	_ =	strace $0xD0000000  }
0x3: {  	_ = 	snop  }
0x4: {  	_ = 	snop  }
0x5: {  	_ = 	snop  }
0x6: {  	_ = 	snop  }
0x7: {  	_ = 	snop  }
__scs_overlays_trampoline_lowered:
0x8: {  	[smem:$0x3F83] =	sst s0  }
0x9: {  	[smem:$0x3F84] =	sst s1  }
0xa: {  	[smem:$0x3F85] =	sst s2  }
0xb: {  	[smem:$0x3F86] =	sst s3  }
0xc: {  	[smem:$0x3F87] =	sst s4  }
0xd: {  	[smem:$0x3F88] =	sst s5  }
0xe: {  	[smem:$0x3F89] =	sst s6  }
0xf: {  	[smem:$0x3F8A] =	sst s7  }
0x10: {  	[smem:$0x3F8B] =	sst s8  }
0x11: {  	[smem:$0x3F8C] =	sst s9;
	s0 =	simm.s32 @!p0 $0x0  }
0x12: {  	s1 =	sld [smem:$0x3F72];
	s0 =	simm.s32 @p0 $0x1  }
0x13: {  	[smem:$0x3F8D] =	sst s0;
	s0 =	simm.s32 @!p1 $0x0  }
0x14: {  	s2 =	sld [smem:$0x3F71];
	s0 =	simm.s32 @p1 $0x1  }
0x15: {  	[smem:$0x3F8E] =	sst s0;
	s0 =	simm.s32 @!p2 $0x0  }
0x16: {  	s3 =	sld [smem:$0x3FDB];
	s0 =	simm.s32 @p2 $0x1  }
0x17: {  	s4 =	simm.s32 $0x1BF5;
	[smem:$0x3F90] =	sst s0  }
0x18: {  	s0 =	sld [smem:$0x3F73];
	_ =	swait.ge [sflag:s4], $0x0  }
0x19: {  	s7 =	sld [smem:$0x3F74]  }
0x1a: {  	s8 =	sadd.s32 $0xFFFFE003, lr  }
0x1b: {  	s9 =	sadd.s32 $0xFFFFFEF7, lr;
	s5 =	simm.s32 $0xFFFFFFFF;
	p2 =	slt.u32 s8, $0xFFFFF086  }
0x1c: {  	p1 =	slt.u32 s9, $0xF7A;
	s5 =	simm.s32 @!p2 $0x0  }
0x1d: {  	s5 =	simm.s32 @p1 $0x1;
	p0 =	seq.s32 s7, s2  }
0x1e: {  	s7 =	smul.u32 @!p0 $0xF7A, s2;
	p2 =	seq.s32 @!p0 s5, $0x0  }
0x1f: {  	s9 =	smul.u32 $0xF7A, s1;
	s8 =	simm.s32 @!p0 $0x1BF5;
	p2 =	por !p2, p0  }
0x20: {  	[sflag:s8] =	ssyncset.s32 @!p0 $0xFFFFF086;
	s6 =	sadd.s32 @!p0 s3, s7;
	s7 =	simm.s32 @!p0 $0x108  }
0x21: {  	s3 =	sadd.s32 s3, s9;
	s6 =	sadd.s32 @!p0 $0x88, s6;
	s7 =	simm.s32 @p2 $0x1082  }
0x22: {  	[simem:s7], [sflag:s8] =	dma.local @!p0 [hbm:s6], $0xF7A  }
0x23: {  	s9 =	sor.u32 $0xD0000000, s2;
	s6 =	simm.s32 $0x108;
	_ =	swait.ge @!p0 [sflag:s8], $0x0  }
0x24: {  	s3 =	sadd.s32 $0x88, s3;
	s6 =	simm.s32 @!p1 $0x1082;
	[sflag:s4] =	ssyncset.s32 $0xFFFFF086  }
0x25: {  	[simem:s6], [sflag:s4] =	dma.local [hbm:s3], $0xF7A  }
0x26: {  	[smem:$0x3F74] =	sst s1;
	(tag) =	ssettag s2;
	_ =	strace s9  }
0x27: {  	s1 =	sld [smem:$0x3F84]  }
0x28: {  	s2 =	sld [smem:$0x3F85]  }
0x29: {  	s4 =	sld [smem:$0x3F87]  }
0x2a: {  	p0 =	seq.s32 s5, $0x0;
	s5 =	sld [smem:$0x3F88]  }
0x2b: {  	s6 =	sld [smem:$0x3F89]  }
0x2c: {  	s7 =	sld [smem:$0x3F8A]  }
0x2d: {  	s3 =	simm.s32 $0x108;
	s8 =	sld [smem:$0x3F8B]  }
0x2e: {  	s3 =	simm.s32 @!p0 $0x1082;
	s9 =	sld [smem:$0x3F8C]  }
0x2f: {  	lr =	sadd.s32 s0, s3;
	s0 =	sld [smem:$0x3F83]  }
0x30: {  	s3 =	sld [smem:$0x3F86]  }
0x31: {  	[smem:$0x3F8F] =	sst s10  }
0x32: {  	s10 =	sld [smem:$0x3F8D];
	_ =	sdelay $0x3  }
0x33: {  	p0 =	seq.s32 s10, $0x1;
	s10 =	sld [smem:$0x3F8F];
	_ =	sdelay $0x3  }
0x34: {  	[smem:$0x3F8F] =	sst s10  }
0x35: {  	s10 =	sld [smem:$0x3F8E];
	_ =	sdelay $0x3  }
0x36: {  	p1 =	seq.s32 s10, $0x1;
	s10 =	sld [smem:$0x3F8F];
	_ =	sdelay $0x3  }
0x37: {  	[smem:$0x3F8F] =	sst s10  }
0x38: {  	s10 =	sld [smem:$0x3F90]  }
0x39: {  	_ = 	snop;
	(pc) =	sbr.ind lr, $3  }
0x3a: {  	_ = 	snop  }
0x3b: {  	_ = 	snop  }
0x3c: {  	p2 =	seq.s32 s10, $0x1;
	s10 =	sld [smem:$0x3F8F]  }
0x3d: {  	_ =	shalt  }
0x3e: {  	_ =	shalt  }
0x3f: {  	_ =	shalt  }
0x40: {  	_ =	shalt  }
0x41: {  	_ =	shalt  }
0x42: {  	_ =	shalt  }
0x43: {  	_ =	shalt  }
0x44: {  	_ =	shalt  }
0x45: {  	_ =	shalt  }
0x46: {  	_ =	shalt  }
0x47: {  	_ =	shalt  }
0x48: {  	_ =	shalt  }
0x49: {  	_ =	shalt  }
0x4a: {  	_ =	shalt  }
0x4b: {  	_ =	shalt  }
0x4c: {  	_ =	shalt  }
0x4d: {  	_ =	shalt  }
0x4e: {  	_ =	shalt  }
0x4f: {  	_ =	shalt  }
0x50: {  	_ =	shalt  }
0x51: {  	_ =	shalt  }
0x52: {  	_ =	shalt  }
0x53: {  	_ =	shalt  }
0x54: {  	_ =	shalt  }
0x55: {  	_ =	shalt  }
0x56: {  	_ =	shalt  }
0x57: {  	_ =	shalt  }
0x58: {  	_ =	shalt  }
0x59: {  	_ =	shalt  }
0x5a: {  	_ =	shalt  }
0x5b: {  	_ =	shalt  }
0x5c: {  	_ =	shalt  }
0x5d: {  	_ =	shalt  }
0x5e: {  	_ =	shalt  }
0x5f: {  	_ =	shalt  }
0x60: {  	_ =	shalt  }
0x61: {  	_ =	shalt  }
0x62: {  	_ =	shalt  }
0x63: {  	_ =	shalt  }
0x64: {  	_ =	shalt  }
0x65: {  	_ =	shalt  }
0x66: {  	_ =	shalt  }
0x67: {  	_ =	shalt  }
0x68: {  	_ =	shalt  }
0x69: {  	_ =	shalt  }
0x6a: {  	_ =	shalt  }
0x6b: {  	_ =	shalt  }
0x6c: {  	_ =	shalt  }
0x6d: {  	_ =	shalt  }
0x6e: {  	_ =	shalt  }
0x6f: {  	_ =	shalt  }
0x70: {  	_ =	shalt  }
0x71: {  	_ =	shalt  }
0x72: {  	_ =	shalt  }
0x73: {  	_ =	shalt  }
0x74: {  	_ =	shalt  }
0x75: {  	_ =	shalt  }
0x76: {  	_ =	shalt  }
0x77: {  	_ =	shalt  }
0x78: {  	_ =	shalt  }
0x79: {  	_ =	shalt  }
0x7a: {  	_ =	shalt  }
0x7b: {  	_ =	shalt  }
0x7c: {  	_ =	shalt  }
0x7d: {  	_ =	shalt  }
0x7e: {  	_ =	shalt  }
0x7f: {  	_ =	shalt  }
0x80: {  	_ =	shalt  }
0x81: {  	_ =	shalt  }
0x82: {  	_ =	shalt  }
0x83: {  	_ =	shalt  }
0x84: {  	_ =	shalt  }
0x85: {  	_ =	shalt  }
0x86: {  	_ =	shalt  }
0x87: {  	_ =	shalt  }
.Lfunc_end0:
.L_simem_size_0:
called_computation_lowered:
.L_overlay_start_0:
0x88: {  	s2 =	sld [smem:$0x3FD9]  }
0x89: {  	s3 =	sld [smem:$0x3FFE];
	_ =	sdelay $0x1  }
0x8a: {  	s1 =	srdreg.scid  }
0x8b: {  	s0 =	sand.u32 $0x1, s1  }
0x8c: {  	s16 =	sshll.u32 s0, $0xA;
	s2 =	sadd.s32 s3, s2  }
0x8d: {  	s2 =	sadd.s32 s2, s16  }
0x8e: {  	[smem:$0x3F9B] =	sst s2  }
0x8f: {  	_ = 	snop  }
0x90: {  	(tm) =	ssettm $0x1  }
0x91: {  	s17 =	sld [smem:$0x3FFB];
	_ =	sdelay $0x3  }
0x92: {  	_ =	strace s17  }
0x93: {  	s2 =	sld [smem:$0x3FFC];
	_ =	sdelay $0x3  }
0x94: {  	_ =	strace s2  }
0x95: {  	s2 =	sld [smem:$0x3FFD];
	_ =	sdelay $0x3  }
0x96: {  	_ =	strace s2  }
0x97: {  	_ =	strace $0x8FFFFFFF  }
0x98: {  	s18 =	sld [smem:$0x3FDB];
	_ =	sdelay $0x1  }
0x99: {  	s19 =	simm.s32 $_scs_section_size  }
0x9a: {  	s4 =	simm.s32 $_size__tile_overlayer_lowered;
	s5 =	simm.s32 $_tile_overlayer_lowered  }
0x9b: {  	s22 =	simm.s32 $0x1BFF;
	s21 =	sshll.u32 s5, $0x1;
	s2 =	sadd.s32 s19, s18  }
0x9c: {  	s6 =	simm.s32 $0x0;
	s20 =	sshll.u32 s4, $0x1;
	s4 =	sadd.s32 s21, s2  }
0x9d: {  	[timem:s6], [sflag:s22] =	dma.local [hbm:s4], s20  }
0x9e: {  	_ =	swait.ge [sflag:s22], s20  }
0x9f: {  	s3 =	ssub.s32 $0x0, s20;
	[sflag:s22] =	ssyncset.done $0x0  }
0xa0: {  	[sflag:s22] =	ssyncadd.s32 s3;
	_ =	sdelay $0x1  }
0xa1: {  	s23 =	simm.s32 $0x1B8B  }
0xa2: {  	_ =	swait.ge [sflag:s23], $0x1  }
0xa3: {  	[sflag:s23] =	ssyncset.done $0x0  }
0xa4: {  	s25 =	simm.s32 $0x1B8E;
	s24 =	sld [smem:$0x3FFE];
	[sflag:s23] =	ssyncadd.s32 $0xFFFFFFFF  }
0xa5: {  	s26 =	simm.s32 $execute0_lowered;
	[smem:$0x3FD2] =	sst s25  }
0xa6: {  	s4 =	sshll.u32 s26, $0x1;
	_ =	strace $0x80000046;
	[dreg:$0x1] =	wrdreg $0xFFFFFFFF  }
0xa7: {  	s28 =	simm.s32 $_size_execute0_lowered;
	s2 =	sadd.s32 s2, s4;
	[dreg:$0x0] =	wrdreg $0x0  }
0xa8: {  	s4 =	sshll.u32 s28, $0x1;
	[dreg:$0x2] =	wrdreg s2  }
0xa9: {  	[dreg:$0x3] =	wrdreg s4  }
0xaa: {  	[dreg:$0x4] =	wrdreg $0xC0  }
0xab: {  	_ =	task [dreg:s6], $0x5FFFF  }
0xac: {  	[dreg:$0x1] =	wrdreg $0xFFFFFFFF  }
0xad: {  	[dreg:$0x0] =	wrdreg $0x60  }
0xae: {  	[dreg:$0x2] =	wrdreg s24  }
0xaf: {  	[dreg:$0x3] =	wrdreg $0x9  }
0xb0: {  	_ =	task.clear_ibuf [dreg:s6], $0x4FFFF;
	_ =	strace $0x90000046  }
0xb1: {  	s29 =	simm.s32 $0x9;
	_ =	strace $0x80000048  }
0xb2: {  	_ =	swait.ge [sflag:s29], $0x1  }
0xb3: {  	[sflag:s29] =	ssyncadd.s32 $0xFFFFFFFF  }
0xb4: {  	_ =	strace $0x90000048  }
0xb5: {  	_ =	sfence  }
0xb6: {  	s30 =	sld [smem:$0x0];
	_ =	sdelay $0x2  }
0xb7: {  	s31 =	sshll.u32 s1, $0xD;
	s1 =	sshrl.u32 s1, $0x2  }
0xb8: {  	s3 =	sand.u32 $0x4000, s31;
	s1 =	sadd.s32 s1, s30  }
0xb9: {  	s0 =	sor.u32 s3, s0;
	s1 =	sshll.u32 s1, $0x11  }
0xba: {  	s0 =	sor.u32 s1, s0  }
0xbb: {  	s0 =	sadd.s32 $0x8F2B, s0  }
0xbc: {  	[sflag:s0] =	ssyncadd.remote.s32 $0x1  }
0xbd: {  	_ =	sfence.sel $0xFFFF  }
0xbe: {  	[dreg:$0x0] =	wrdreg $0xFFFFFFFF;
	(pc) =	sbr.abs _section_cstart, $3  }
0xbf: {  	[dreg:$0x1] =	wrdreg $0xFFFFFFFF  }
0xc0: {  	_ =	task.clear_ibuf [dreg:s6], $0x2FFFF;
	_ =	strace $0x9FFFFFFF  }
0xc1: {  	(tm) =	ssettm $0x7FFFFFFF  }
tec
execute0_lowered:
.L_overlay_start_1:
0x0: {  	(tag) =	ssettag $0x1  }
0x1: {  	s5 =	rddreg [dreg:$0x0]  }
0x2: {  	s2 =	srdreg.scid;
	s1 =	stileid.u32;
	s9 =	simm.s32 $0x5  }
0x3: {  	s10 =	simm.s32 $0x6;
	s15 =	simm.s32 $0x0;
	s6 =	sand.u32 $0x1, s2  }
0x4: {  	s3 =	smul.u32 $0x9C, s1;
	s2 =	simm.s32 $0x0;
	s4 =	sshll.u32 s1, $0x1  }
0x5: {  	p0 =	slt.u32 s1, $0x2;
	s7 =	smul.u32 $0x4E, s6;
	[smem:$0x7FF] =	sst s2  }
0x6: {  	s4 =	sor.u32 s6, s4;
	s6 =	ssub.s32 $0x2, s6;
	s9 =	simm.s32 @!p0 $0x3  }
0x7: {  	s10 =	simm.s32 @!p0 $0x4;
	_ =	strace $0x80000047;
	s8 =	smin.u32 s4, $0x4  }
0x8: {  	s4 =	sadd.s32 $0x49000, s5;
	s31 =	sshrl.u32 s6, $0x1;
	s7 =	sadd.s32 s7, s3  }
0x9: {  	s3 =	sadd.s32 $0x21E00, s5;
	s6 =	ssub.s32 s6, s31;
	s7 =	sadd.s32 s8, s7  }
0xa: {  	s6 =	smax.u32 s6, $0x1;
	s8 =	sshll.u32 s7, $0x4;
	s7 =	sshll.u32 s7, $0xB  }
0xb: {  	s14 =	sadd.s32 s8, s5;
	s12 =	sadd.s32 s7, s5;
	s5 =	simm.s32 $0x4F  }
0xc: {  	s7 =	simm.s32 $0x3;
	s8 =	simm.s32 $0x4;
	s5 =	simm.s32 @!p0 $0x4E  }
0xd: {  	s7 =	simm.s32 @!p0 $0x5;
	s8 =	simm.s32 @!p0 $0x6;
	s11 =	sadd.s32 $0x552200, s12  }
0xe: {  	s12 =	sadd.s32 $0x70200, s12;
	s13 =	sadd.s32 $0xE200, s14;
	s14 =	sadd.s32 $0x18000, s14  }
.LBB2_1:
0xf: {  	p0 =	sle.u32 s5, $0x0;
	s16 =	sand.u32 $0x1, s2  }
0x10: {  	p2 =	sne.s32 @!p0 s16, $0x0  }
0x11: {  	p1 =	por p2, p0  }
0x12: {  	p3 =	por @!p1 $0x1, $0x1  }
0x13: {  	p2 =	por @!p0 p3, p2  }
0x14: {  	p2 =	por p2, p0  }
0x15: {  	s17 =	simm.s32 @!p2 $0x3  }
0x16: {  	_ =	swait.ge @!p2 [sflag:s17], $0x4000  }
0x17: {  	[sflag:s17] =	ssyncset.done @!p2 $0x0  }
0x18: {  	s18 =	simm.s32 @!p2 $0x4;
	[sflag:s17] =	ssyncadd.s32 @!p2 $0xFFFFC000  }
0x19: {  	_ =	swait.ge @!p2 [sflag:s18], $0x4000  }
0x1a: {  	[sflag:s18] =	ssyncset.done @!p2 $0x0  }
0x1b: {  	s17 =	simm.s32 @!p1 $0x0;
	[sflag:s18] =	ssyncadd.s32 @!p2 $0xFFFFC000  }
0x1c: {  	[tilespmem:s17], [sflag:$0x1] =	stream.linear.gather @!p1 [hbm4b:s13+s17], $0x80, $0x38;
	[tilespmem:$0x10100] =	vst v63  }
0x1d: {  	s19 =	simm.s32 @!p1 $0x1;
	s18 =	simm.s32 @!p1 $0x80  }
0x1e: {  	[tilespmem:s18], [sflag:$0x2] =	stream.linear.gather @!p1 [hbm4b:s14+s17], $0x80, $0x38;
	[tilespmem:$0x10100] =	vst v63  }
0x1f: {  	_ =	swait.ge @!p1 [sflag:s19], $0x80  }
0x20: {  	[sflag:s19] =	ssyncset.done @!p1 $0x0  }
0x21: {  	s20 =	simm.s32 @!p1 $0x2;
	[sflag:s19] =	ssyncadd.s32 @!p1 $0xFFFFFF80  }
0x22: {  	_ =	swait.ge @!p1 [sflag:s20], $0x80  }
0x23: {  	[sflag:s20] =	ssyncset.done @!p1 $0x0  }
0x24: {  	s21 =	simm.s32 @!p1 $0x100;
	[sflag:s20] =	ssyncadd.s32 @!p1 $0xFFFFFF80  }
0x25: {  	[tilespmem:s21], [sflag:$0x1] =	stream.indirect.gather @!p1 [hbm4b:s3+s18], $0x80, s17, s18, $0xb8;
	[tilespmem:$0x10100] =	vst v63  }
0x26: {  	s22 =	simm.s32 @!p1 $0x4100  }
0x27: {  	[tilespmem:s22], [sflag:$0x2] =	stream.indirect.gather @!p1 [hbm4b:s4+s18], $0x80, s18, s18, $0xb8;
	[tilespmem:$0x10100] =	vst v63  }
0x28: {  	_ =	swait.ge @!p1 [sflag:s19], $0x4000  }
0x29: {  	p3 =	seq.s32 s16, $0x1;
	[sflag:s19] =	ssyncset.done @!p1 $0x0  }
0x2a: {  	p2 =	por !p3, p0;
	[sflag:s19] =	ssyncadd.s32 @!p1 $0xFFFFC000  }
0x2b: {  	p4 =	por @!p2 $0x1, $0x1;
	_ =	swait.ge @!p1 [sflag:s20], $0x4000  }
0x2c: {  	p3 =	por @!p0 p4, !p3;
	[sflag:s20] =	ssyncset.done @!p1 $0x0  }
0x2d: {  	p0 =	por p3, p0;
	[sflag:s20] =	ssyncadd.s32 @!p1 $0xFFFFC000  }
0x2e: {  	[hbm4b:s11+s17] =	stream.linear.scatter @!p1 [tilespmem:s21], [sflag:$0x3], $0x4000, $0x38;
	[tilespmem:$0x10100] =	vst v63  }
0x2f: {  	s16 =	simm.s32 @!p0 $0x5  }
0x30: {  	[hbm4b:s12+s17] =	stream.linear.scatter @!p1 [tilespmem:s22], [sflag:$0x4], $0x4000, $0x38;
	[tilespmem:$0x10100] =	vst v63  }
0x31: {  	_ =	swait.ge @!p0 [sflag:s16], $0x4000  }
0x32: {  	[sflag:s16] =	ssyncset.done @!p0 $0x0  }
0x33: {  	[sflag:s16] =	ssyncadd.s32 @!p0 $0xFFFFC000;
	s16 =	simm.s32 @!p0 $0x6  }
0x34: {  	_ =	swait.ge @!p0 [sflag:s16], $0x4000  }
0x35: {  	s23 =	smov.u32 s12;
	[sflag:s16] =	ssyncset.done @!p0 $0x0  }
0x36: {  	s25 =	simm.s32 @!p2 $0x0;
	s29 =	simm.s32 @!p2 $0x80;
	[sflag:s16] =	ssyncadd.s32 @!p0 $0xFFFFC000  }
0x37: {  	[tilespmem:s25], [sflag:$0x1] =	stream.linear.gather @!p2 [hbm4b:s13+s25], $0x80, $0x38;
	[tilespmem:$0x10100] =	vst v63  }
0x38: {  	s28 =	simm.s32 @!p2 $0x1;
	s30 =	simm.s32 @!p2 $0x2;
	s31 =	simm.s32 @!p2 $0x8100  }
0x39: {  	[tilespmem:s29], [sflag:$0x2] =	stream.linear.gather @!p2 [hbm4b:s14+s25], $0x80, $0x38;
	[tilespmem:$0x10100] =	vst v63  }
0x3a: {  	s18 =	sadd.s32 $0x10, s14;
	s19 =	sadd.s32 $0x10, s13;
	_ =	swait.ge @!p2 [sflag:s28], $0x80  }
0x3b: {  	s20 =	simm.s32 $0x1;
	s21 =	simm.s32 $0x2;
	[sflag:s28] =	ssyncset.done @!p2 $0x0  }
0x3c: {  	s24 =	sand.u32 $0x1, s20;
	p0 =	sle.u32 s5, $0x1;
	[sflag:s28] =	ssyncadd.s32 @!p2 $0xFFFFFF80  }
0x3d: {  	s17 =	sadd.s32 $0x800, s11;
	p4 =	sne.s32 @!p0 s24, $0x0;
	_ =	swait.ge @!p2 [sflag:s30], $0x80  }
0x3e: {  	s22 =	smov.u32 s11;
	p1 =	por p4, p0;
	[sflag:s30] =	ssyncset.done @!p2 $0x0  }
0x3f: {  	s16 =	sadd.s32 $0x800, s12;
	p5 =	por @!p1 $0x1, $0x1;
	[sflag:s30] =	ssyncadd.s32 @!p2 $0xFFFFFF80  }
.LBB2_2:
0x40: {  	[tilespmem:s31], [sflag:$0x1] =	stream.indirect.gather @!p2 [hbm4b:s3+s29], $0x80, s25, s29, $0xb8;
	[tilespmem:$0x10100] =	vst v63  }
0x41: {  	s0 =	simm.s32 @!p2 $0xC100;
	s26 =	smov.u32 s21;
	s21 =	sadd.s32 $0x1, s21  }
0x42: {  	[tilespmem:s0], [sflag:$0x2] =	stream.indirect.gather @!p2 [hbm4b:s4+s29], $0x80, s29, s29, $0xb8;
	[tilespmem:$0x10100] =	vst v63  }
0x43: {  	p3 =	sne.s32 s21, $0x4F;
	_ =	swait.ge @!p2 [sflag:s28], $0x4000  }
0x44: {  	[sflag:s28] =	ssyncset.done @!p2 $0x0  }
0x45: {  	[sflag:s28] =	ssyncadd.s32 @!p2 $0xFFFFC000  }
0x46: {  	p4 =	por @!p0 p5, p4;
	_ =	swait.ge @!p2 [sflag:s30], $0x4000  }
0x47: {  	p4 =	por p4, p0;
	[sflag:s30] =	ssyncset.done @!p2 $0x0  }
0x48: {  	[sflag:s30] =	ssyncadd.s32 @!p2 $0xFFFFC000  }
0x49: {  	[hbm4b:s22+s25] =	stream.linear.scatter @!p2 [tilespmem:s31], [sflag:$0x5], $0x4000, $0x38;
	[tilespmem:$0x10100] =	vst v63  }
0x4a: {  	s28 =	simm.s32 @!p4 $0x3;
	s22 =	smov.u32 s17  }
0x4b: {  	[hbm4b:s23+s25] =	stream.linear.scatter @!p2 [tilespmem:s0], [sflag:$0x6], $0x4000, $0x38;
	[tilespmem:$0x10100] =	vst v63  }
0x4c: {  	s0 =	simm.s32 @!p4 $0x4;
	s23 =	smov.u32 s16;
	_ =	swait.ge @!p4 [sflag:s28], $0x4000  }
0x4d: {  	[sflag:s28] =	ssyncset.done @!p4 $0x0  }
0x4e: {  	[sflag:s28] =	ssyncadd.s32 @!p4 $0xFFFFC000  }
0x4f: {  	_ =	swait.ge @!p4 [sflag:s0], $0x4000  }
0x50: {  	[sflag:s0] =	ssyncset.done @!p4 $0x0  }
0x51: {  	[sflag:s0] =	ssyncadd.s32 @!p4 $0xFFFFC000;
	s0 =	simm.s32 @!p1 $0x0  }
0x52: {  	[tilespmem:s0], [sflag:$0x1] =	stream.linear.gather @!p1 [hbm4b:s19+s0], $0x80, $0x38;
	[tilespmem:$0x10100] =	vst v63  }
0x53: {  	s25 =	simm.s32 @!p1 $0x80;
	s28 =	simm.s32 @!p1 $0x1  }
0x54: {  	[tilespmem:s25], [sflag:$0x2] =	stream.linear.gather @!p1 [hbm4b:s18+s0], $0x80, $0x38;
	[tilespmem:$0x10100] =	vst v63  }
0x55: {  	s29 =	simm.s32 @!p1 $0x2;
	_ =	swait.ge @!p1 [sflag:s28], $0x80  }
0x56: {  	[sflag:s28] =	ssyncset.done @!p1 $0x0  }
0x57: {  	[sflag:s28] =	ssyncadd.s32 @!p1 $0xFFFFFF80  }
0x58: {  	s30 =	simm.s32 @!p1 $0x100;
	_ =	swait.ge @!p1 [sflag:s29], $0x80  }
0x59: {  	[sflag:s29] =	ssyncset.done @!p1 $0x0  }
0x5a: {  	p4 =	seq.s32 s24, $0x1;
	[sflag:s29] =	ssyncadd.s32 @!p1 $0xFFFFFF80  }
0x5b: {  	[tilespmem:s30], [sflag:$0x1] =	stream.indirect.gather @!p1 [hbm4b:s3+s25], $0x80, s0, s25, $0xb8;
	[tilespmem:$0x10100] =	vst v63  }
0x5c: {  	s24 =	simm.s32 @!p1 $0x4100;
	p2 =	por !p4, p0  }
0x5d: {  	[tilespmem:s24], [sflag:$0x2] =	stream.indirect.gather @!p1 [hbm4b:s4+s25], $0x80, s25, s25, $0xb8;
	[tilespmem:$0x10100] =	vst v63  }
0x5e: {  	p5 =	slt.u32 @!p2 s20, $0x2;
	s20 =	smov.u32 s26;
	_ =	swait.ge @!p1 [sflag:s28], $0x4000  }
0x5f: {  	p4 =	por @!p0 p5, !p4;
	[sflag:s28] =	ssyncset.done @!p1 $0x0  }
0x60: {  	[sflag:s28] =	ssyncadd.s32 @!p1 $0xFFFFC000  }
0x61: {  	_ =	swait.ge @!p1 [sflag:s29], $0x4000  }
0x62: {  	[sflag:s29] =	ssyncset.done @!p1 $0x0  }
0x63: {  	[sflag:s29] =	ssyncadd.s32 @!p1 $0xFFFFC000  }
0x64: {  	[hbm4b:s17+s0] =	stream.linear.scatter @!p1 [tilespmem:s30], [sflag:$0x3], $0x4000, $0x38;
	[tilespmem:$0x10100] =	vst v63  }
0x65: {  	p0 =	por p4, p0  }
0x66: {  	[hbm4b:s16+s0] =	stream.linear.scatter @!p1 [tilespmem:s24], [sflag:$0x4], $0x4000, $0x38;
	[tilespmem:$0x10100] =	vst v63  }
0x67: {  	s0 =	simm.s32 @!p0 $0x5  }
0x68: {  	_ =	swait.ge @!p0 [sflag:s0], $0x4000  }
0x69: {  	[sflag:s0] =	ssyncset.done @!p0 $0x0  }
0x6a: {  	[sflag:s0] =	ssyncadd.s32 @!p0 $0xFFFFC000;
	s0 =	simm.s32 @!p0 $0x6  }
0x6b: {  	_ =	swait.ge @!p0 [sflag:s0], $0x4000  }
0x6c: {  	[sflag:s0] =	ssyncset.done @!p0 $0x0  }
0x6d: {  	s25 =	simm.s32 @!p2 $0x0;
	[sflag:s0] =	ssyncadd.s32 @!p0 $0xFFFFC000  }
0x6e: {  	[tilespmem:s25], [sflag:$0x1] =	stream.linear.gather @!p2 [hbm4b:s19+s25], $0x80, $0x38;
	[tilespmem:$0x10100] =	vst v63  }
0x6f: {  	s28 =	simm.s32 @!p2 $0x1;
	s29 =	simm.s32 @!p2 $0x80  }
0x70: {  	[tilespmem:s29], [sflag:$0x2] =	stream.linear.gather @!p2 [hbm4b:s18+s25], $0x80, $0x38;
	[tilespmem:$0x10100] =	vst v63  }
0x71: {  	s24 =	sand.u32 $0x1, s20;
	s18 =	sadd.s32 $0x10, s18;
	_ =	swait.ge @!p2 [sflag:s28], $0x80  }
.Ltmp0:
0x72: {  	p0 =	sge.u32 s20, s5;
	[sflag:s28] =	ssyncset.done @!p2 $0x0;
	(pc) =	sbr.rel @p3 .LBB2_2-.Ltmp0, $4  }
0x73: {  	s30 =	simm.s32 @!p2 $0x2;
	p4 =	sne.s32 @!p0 s24, $0x0;
	[sflag:s28] =	ssyncadd.s32 @!p2 $0xFFFFFF80  }
0x74: {  	s16 =	sadd.s32 $0x800, s16;
	s19 =	sadd.s32 $0x10, s19;
	_ =	swait.ge @!p2 [sflag:s30], $0x80  }
0x75: {  	s17 =	sadd.s32 $0x800, s17;
	p1 =	por p4, p0;
	[sflag:s30] =	ssyncset.done @!p2 $0x0  }
0x76: {  	s31 =	simm.s32 @!p2 $0x8100;
	p5 =	slt.u32 @!p1 s20, $0x2;
	[sflag:s30] =	ssyncadd.s32 @!p2 $0xFFFFFF80  }
0x77: {  	[tilespmem:s31], [sflag:$0x1] =	stream.indirect.gather @!p2 [hbm4b:s3+s29], $0x80, s25, s29, $0xb8;
	[tilespmem:$0x10100] =	vst v63  }
0x78: {  	s0 =	simm.s32 @!p2 $0xC100  }
0x79: {  	[tilespmem:s0], [sflag:$0x2] =	stream.indirect.gather @!p2 [hbm4b:s4+s29], $0x80, s29, s29, $0xb8;
	[tilespmem:$0x10100] =	vst v63  }
0x7a: {  	_ =	swait.ge @!p2 [sflag:s28], $0x4000  }
0x7b: {  	[sflag:s28] =	ssyncset.done @!p2 $0x0  }
0x7c: {  	[sflag:s28] =	ssyncadd.s32 @!p2 $0xFFFFC000  }
0x7d: {  	_ =	swait.ge @!p2 [sflag:s30], $0x4000  }
0x7e: {  	p3 =	por @!p0 p5, p4;
	[sflag:s30] =	ssyncset.done @!p2 $0x0  }
0x7f: {  	p3 =	por p3, p0;
	[sflag:s30] =	ssyncadd.s32 @!p2 $0xFFFFC000  }
0x80: {  	[hbm4b:s22+s25] =	stream.linear.scatter @!p2 [tilespmem:s31], [sflag:$0x5], $0x4000, $0x38;
	[tilespmem:$0x10100] =	vst v63  }
0x81: {  	s21 =	simm.s32 @!p3 $0x3  }
0x82: {  	[hbm4b:s23+s25] =	stream.linear.scatter @!p2 [tilespmem:s0], [sflag:$0x6], $0x4000, $0x38;
	[tilespmem:$0x10100] =	vst v63  }
0x83: {  	_ =	swait.ge @!p3 [sflag:s21], $0x4000  }
0x84: {  	[sflag:s21] =	ssyncset.done @!p3 $0x0  }
0x85: {  	s0 =	simm.s32 @!p3 $0x4;
	[sflag:s21] =	ssyncadd.s32 @!p3 $0xFFFFC000  }
0x86: {  	_ =	swait.ge @!p3 [sflag:s0], $0x4000  }
0x87: {  	[sflag:s0] =	ssyncset.done @!p3 $0x0  }
0x88: {  	[sflag:s0] =	ssyncadd.s32 @!p3 $0xFFFFC000;
	s0 =	simm.s32 @!p1 $0x0  }
0x89: {  	[tilespmem:s0], [sflag:$0x1] =	stream.linear.gather @!p1 [hbm4b:s19+s0], $0x80, $0x38;
	[tilespmem:$0x10100] =	vst v63  }
0x8a: {  	s22 =	simm.s32 @!p1 $0x1;
	s21 =	simm.s32 @!p1 $0x80  }
0x8b: {  	[tilespmem:s21], [sflag:$0x2] =	stream.linear.gather @!p1 [hbm4b:s18+s0], $0x80, $0x38;
	[tilespmem:$0x10100] =	vst v63  }
0x8c: {  	_ =	swait.ge @!p1 [sflag:s22], $0x80  }
0x8d: {  	[sflag:s22] =	ssyncset.done @!p1 $0x0  }
0x8e: {  	s23 =	simm.s32 @!p1 $0x2;
	[sflag:s22] =	ssyncadd.s32 @!p1 $0xFFFFFF80  }
0x8f: {  	_ =	swait.ge @!p1 [sflag:s23], $0x80  }
0x90: {  	[sflag:s23] =	ssyncset.done @!p1 $0x0  }
0x91: {  	s25 =	simm.s32 @!p1 $0x100;
	[sflag:s23] =	ssyncadd.s32 @!p1 $0xFFFFFF80  }
0x92: {  	[tilespmem:s25], [sflag:$0x1] =	stream.indirect.gather @!p1 [hbm4b:s3+s21], $0x80, s0, s21, $0xb8;
	[tilespmem:$0x10100] =	vst v63  }
0x93: {  	s26 =	simm.s32 @!p1 $0x4100  }
0x94: {  	[tilespmem:s26], [sflag:$0x2] =	stream.indirect.gather @!p1 [hbm4b:s4+s21], $0x80, s21, s21, $0xb8;
	[tilespmem:$0x10100] =	vst v63  }
0x95: {  	_ =	swait.ge @!p1 [sflag:s22], $0x4000  }
0x96: {  	[sflag:s22] =	ssyncset.done @!p1 $0x0  }
0x97: {  	p3 =	seq.s32 s24, $0x1;
	[sflag:s22] =	ssyncadd.s32 @!p1 $0xFFFFC000  }
0x98: {  	p2 =	por !p3, p0;
	_ =	swait.ge @!p1 [sflag:s23], $0x4000  }
0x99: {  	p4 =	slt.u32 @!p2 s20, $0x2;
	[sflag:s23] =	ssyncset.done @!p1 $0x0  }
0x9a: {  	p3 =	por @!p0 p4, !p3;
	[sflag:s23] =	ssyncadd.s32 @!p1 $0xFFFFC000  }
0x9b: {  	[hbm4b:s17+s0] =	stream.linear.scatter @!p1 [tilespmem:s25], [sflag:$0x3], $0x4000, $0x38;
	[tilespmem:$0x10100] =	vst v63  }
0x9c: {  	p0 =	por p3, p0  }
0x9d: {  	[hbm4b:s16+s0] =	stream.linear.scatter @!p1 [tilespmem:s26], [sflag:$0x4], $0x4000, $0x38;
	[tilespmem:$0x10100] =	vst v63  }
0x9e: {  	s0 =	simm.s32 @!p0 $0x5  }
0x9f: {  	_ =	swait.ge @!p0 [sflag:s0], $0x4000  }
0xa0: {  	[sflag:s0] =	ssyncset.done @!p0 $0x0  }
0xa1: {  	[sflag:s0] =	ssyncadd.s32 @!p0 $0xFFFFC000;
	s0 =	simm.s32 @!p0 $0x6  }
0xa2: {  	_ =	swait.ge @!p0 [sflag:s0], $0x4000  }
0xa3: {  	[sflag:s0] =	ssyncset.done @!p0 $0x0  }
0xa4: {  	[sflag:s0] =	ssyncadd.s32 @!p0 $0xFFFFC000;
	s0 =	simm.s32 @!p2 $0x0  }
0xa5: {  	[tilespmem:s0], [sflag:$0x1] =	stream.linear.gather @!p2 [hbm4b:s19+s0], $0x80, $0x38;
	[tilespmem:$0x10100] =	vst v63  }
0xa6: {  	s20 =	simm.s32 @!p2 $0x1;
	s19 =	simm.s32 @!p2 $0x80  }
0xa7: {  	[tilespmem:s19], [sflag:$0x2] =	stream.linear.gather @!p2 [hbm4b:s18+s0], $0x80, $0x38;
	[tilespmem:$0x10100] =	vst v63  }
0xa8: {  	_ =	swait.ge @!p2 [sflag:s20], $0x80  }
0xa9: {  	[sflag:s20] =	ssyncset.done @!p2 $0x0  }
0xaa: {  	s18 =	simm.s32 @!p2 $0x2;
	[sflag:s20] =	ssyncadd.s32 @!p2 $0xFFFFFF80  }
0xab: {  	_ =	swait.ge @!p2 [sflag:s18], $0x80  }
0xac: {  	[sflag:s18] =	ssyncset.done @!p2 $0x0  }
0xad: {  	s21 =	simm.s32 @!p2 $0x8100;
	[sflag:s18] =	ssyncadd.s32 @!p2 $0xFFFFFF80  }
0xae: {  	[tilespmem:s21], [sflag:$0x1] =	stream.indirect.gather @!p2 [hbm4b:s3+s19], $0x80, s0, s19, $0xb8;
	[tilespmem:$0x10100] =	vst v63  }
0xaf: {  	s22 =	simm.s32 @!p2 $0xC100  }
0xb0: {  	[tilespmem:s22], [sflag:$0x2] =	stream.indirect.gather @!p2 [hbm4b:s4+s19], $0x80, s19, s19, $0xb8;
	[tilespmem:$0x10100] =	vst v63  }
0xb1: {  	_ =	swait.ge @!p2 [sflag:s20], $0x4000  }
0xb2: {  	[sflag:s20] =	ssyncset.done @!p2 $0x0  }
0xb3: {  	[sflag:s20] =	ssyncadd.s32 @!p2 $0xFFFFC000  }
0xb4: {  	_ =	swait.ge @!p2 [sflag:s18], $0x4000  }
0xb5: {  	[sflag:s18] =	ssyncset.done @!p2 $0x0  }
0xb6: {  	[sflag:s18] =	ssyncadd.s32 @!p2 $0xFFFFC000  }
0xb7: {  	[hbm4b:s17+s0] =	stream.linear.scatter @!p2 [tilespmem:s21], [sflag:$0x5], $0x4000, $0x38;
	[tilespmem:$0x10100] =	vst v63  }
0xb8: {  	_ = 	snop  }
0xb9: {  	[hbm4b:s16+s0] =	stream.linear.scatter @!p2 [tilespmem:s22], [sflag:$0x6], $0x4000, $0x38;
	[tilespmem:$0x10100] =	vst v63  }
0xba: {  	_ =	swait.ge [sflag:s7], $0x4000  }
0xbb: {  	[sflag:s7] =	ssyncset.done $0x0  }
0xbc: {  	[sflag:s7] =	ssyncadd.s32 $0xFFFFC000  }
0xbd: {  	_ =	swait.ge [sflag:s8], $0x4000  }
0xbe: {  	[sflag:s8] =	ssyncset.done $0x0  }
0xbf: {  	s15 =	sadd.s32 $0x1, s15;
	[sflag:s8] =	ssyncadd.s32 $0xFFFFC000  }
0xc0: {  	p0 =	sne.s32 s15, s6;
	_ =	swait.ge [sflag:s9], $0x4000  }
.Ltmp1:
0xc1: {  	[sflag:s9] =	ssyncset.done $0x0;
	(pc) =	sbr.rel @p0 .LBB2_1-.Ltmp1, $4  }
0xc2: {  	[sflag:s9] =	ssyncadd.s32 $0xFFFFC000  }
0xc3: {  	_ =	swait.ge [sflag:s10], $0x4000  }
0xc4: {  	[sflag:s10] =	ssyncset.done $0x0  }
0xc5: {  	[sflag:s10] =	ssyncadd.s32 $0xFFFFC000  }
0xc6: {  	_ =	sfence.sel $0x180000  }
0xc7: {  	[bflag:$0x0] =	sbarrier.arrive $0xFFFF  }
0xc8: {  	_ =	strace $0x90000047  }
0xc9: {  	[bflag:$0x2] =	sbarrier.arrive $0xFFFF  }
0xca: {  	p0 =	sne.s32 s1, $0x0;
	s0 =	rddreg [dreg:$0x1]  }
0xcb: {  	s0 =	sadd.s32 @!p0 $0x100000, s0  }
0xcc: {  	[sflag:s0] =	ssyncadd.tile.s32 @!p0 $0x1;
	_ =	shalt  }
.Lfunc_end2:
_tile_overlayer_lowered:
.L_overlay_start_2:
0xcd: {  	(tag) =	ssettag $0x2  }
0xce: {  	s0 =	rddreg [dreg:$0x0];
	s2 =	stileid.u32  }
0xcf: {  	s1 =	rddreg [dreg:$0x1];
	p0 =	sne.s32 s2, $0x0  }
0xd0: {  	s3 =	rddreg [dreg:$0x2];
	[bflag:$0x3] =	sbarrier.arrive $0xFFFF;
	s2 =	simm.s32 @!p0 $0x1C07  }
0xd1: {  	[timem:s3], [sflag:s2] =	dma.local @!p0 [hbm:s0], s1  }
0xd2: {  	s0 =	simm.s32 @!p0 $0x7  }
0xd3: {  	_ =	swait.ge @!p0 [sflag:s0], s1  }
0xd4: {  	s1 =	ssub.s32 @!p0 $0x0, s1;
	[sflag:s0] =	ssyncset.done @!p0 $0x0  }
0xd5: {  	[sflag:s0] =	ssyncadd.s32 @!p0 s1  }
0xd6: {  	[bflag:$0x3] =	sbarrier.arrive $0xFFFF  }
0xd7: {  	_ =	shalt  }

// kernel: kernel.23.cloned.1.call-start
scs
__scs_entry_jumppad:
0x0: {  	(pc) =	sbr.rel $0x88, $3  }
0x1: {  	(tag) =	ssettag $0x0;
	lr =	simm.s32 $0x1  }
0x2: {  	[smem:$0x3F74] =	sst lr;
	_ =	strace $0xD0000000  }
0x3: {  	_ = 	snop  }
0x4: {  	_ = 	snop  }
0x5: {  	_ = 	snop  }
0x6: {  	_ = 	snop  }
0x7: {  	_ = 	snop  }
__scs_overlays_trampoline_lowered:
0x8: {  	[smem:$0x3F83] =	sst s0  }
0x9: {  	[smem:$0x3F84] =	sst s1  }
0xa: {  	[smem:$0x3F85] =	sst s2  }
0xb: {  	[smem:$0x3F86] =	sst s3  }
0xc: {  	[smem:$0x3F87] =	sst s4  }
0xd: {  	[smem:$0x3F88] =	sst s5  }
0xe: {  	[smem:$0x3F89] =	sst s6  }
0xf: {  	[smem:$0x3F8A] =	sst s7  }
0x10: {  	[smem:$0x3F8B] =	sst s8  }
0x11: {  	[smem:$0x3F8C] =	sst s9;
	s0 =	simm.s32 @!p0 $0x0  }
0x12: {  	s1 =	sld [smem:$0x3F72];
	s0 =	simm.s32 @p0 $0x1  }
0x13: {  	[smem:$0x3F8D] =	sst s0;
	s0 =	simm.s32 @!p1 $0x0  }
0x14: {  	s2 =	sld [smem:$0x3F71];
	s0 =	simm.s32 @p1 $0x1  }
0x15: {  	[smem:$0x3F8E] =	sst s0;
	s0 =	simm.s32 @!p2 $0x0  }
0x16: {  	s3 =	sld [smem:$0x3FDB];
	s0 =	simm.s32 @p2 $0x1  }
0x17: {  	s4 =	simm.s32 $0x1BF5;
	[smem:$0x3F90] =	sst s0  }
0x18: {  	s0 =	sld [smem:$0x3F73];
	_ =	swait.ge [sflag:s4], $0x0  }
0x19: {  	s7 =	sld [smem:$0x3F74]  }
0x1a: {  	s8 =	sadd.s32 $0xFFFFE003, lr  }
0x1b: {  	s9 =	sadd.s32 $0xFFFFFEF7, lr;
	s5 =	simm.s32 $0xFFFFFFFF;
	p2 =	slt.u32 s8, $0xFFFFF086  }
0x1c: {  	p1 =	slt.u32 s9, $0xF7A;
	s5 =	simm.s32 @!p2 $0x0  }
0x1d: {  	s5 =	simm.s32 @p1 $0x1;
	p0 =	seq.s32 s7, s2  }
0x1e: {  	s7 =	smul.u32 @!p0 $0xF7A, s2;
	p2 =	seq.s32 @!p0 s5, $0x0  }
0x1f: {  	s9 =	smul.u32 $0xF7A, s1;
	s8 =	simm.s32 @!p0 $0x1BF5;
	p2 =	por !p2, p0  }
0x20: {  	[sflag:s8] =	ssyncset.s32 @!p0 $0xFFFFF086;
	s6 =	sadd.s32 @!p0 s3, s7;
	s7 =	simm.s32 @!p0 $0x108  }
0x21: {  	s3 =	sadd.s32 s3, s9;
	s6 =	sadd.s32 @!p0 $0x88, s6;
	s7 =	simm.s32 @p2 $0x1082  }
0x22: {  	[simem:s7], [sflag:s8] =	dma.local @!p0 [hbm:s6], $0xF7A  }
0x23: {  	s9 =	sor.u32 $0xD0000000, s2;
	s6 =	simm.s32 $0x108;
	_ =	swait.ge @!p0 [sflag:s8], $0x0  }
0x24: {  	s3 =	sadd.s32 $0x88, s3;
	s6 =	simm.s32 @!p1 $0x1082;
	[sflag:s4] =	ssyncset.s32 $0xFFFFF086  }
0x25: {  	[simem:s6], [sflag:s4] =	dma.local [hbm:s3], $0xF7A  }
0x26: {  	[smem:$0x3F74] =	sst s1;
	(tag) =	ssettag s2;
	_ =	strace s9  }
0x27: {  	s1 =	sld [smem:$0x3F84]  }
0x28: {  	s2 =	sld [smem:$0x3F85]  }
0x29: {  	s4 =	sld [smem:$0x3F87]  }
0x2a: {  	p0 =	seq.s32 s5, $0x0;
	s5 =	sld [smem:$0x3F88]  }
0x2b: {  	s6 =	sld [smem:$0x3F89]  }
0x2c: {  	s7 =	sld [smem:$0x3F8A]  }
0x2d: {  	s3 =	simm.s32 $0x108;
	s8 =	sld [smem:$0x3F8B]  }
0x2e: {  	s3 =	simm.s32 @!p0 $0x1082;
	s9 =	sld [smem:$0x3F8C]  }
0x2f: {  	lr =	sadd.s32 s0, s3;
	s0 =	sld [smem:$0x3F83]  }
0x30: {  	s3 =	sld [smem:$0x3F86]  }
0x31: {  	[smem:$0x3F8F] =	sst s10  }
0x32: {  	s10 =	sld [smem:$0x3F8D];
	_ =	sdelay $0x3  }
0x33: {  	p0 =	seq.s32 s10, $0x1;
	s10 =	sld [smem:$0x3F8F];
	_ =	sdelay $0x3  }
0x34: {  	[smem:$0x3F8F] =	sst s10  }
0x35: {  	s10 =	sld [smem:$0x3F8E];
	_ =	sdelay $0x3  }
0x36: {  	p1 =	seq.s32 s10, $0x1;
	s10 =	sld [smem:$0x3F8F];
	_ =	sdelay $0x3  }
0x37: {  	[smem:$0x3F8F] =	sst s10  }
0x38: {  	s10 =	sld [smem:$0x3F90]  }
0x39: {  	_ = 	snop;
	(pc) =	sbr.ind lr, $3  }
0x3a: {  	_ = 	snop  }
0x3b: {  	_ = 	snop  }
0x3c: {  	p2 =	seq.s32 s10, $0x1;
	s10 =	sld [smem:$0x3F8F]  }
0x3d: {  	_ =	shalt  }
0x3e: {  	_ =	shalt  }
0x3f: {  	_ =	shalt  }
0x40: {  	_ =	shalt  }
0x41: {  	_ =	shalt  }
0x42: {  	_ =	shalt  }
0x43: {  	_ =	shalt  }
0x44: {  	_ =	shalt  }
0x45: {  	_ =	shalt  }
0x46: {  	_ =	shalt  }
0x47: {  	_ =	shalt  }
0x48: {  	_ =	shalt  }
0x49: {  	_ =	shalt  }
0x4a: {  	_ =	shalt  }
0x4b: {  	_ =	shalt  }
0x4c: {  	_ =	shalt  }
0x4d: {  	_ =	shalt  }
0x4e: {  	_ =	shalt  }
0x4f: {  	_ =	shalt  }
0x50: {  	_ =	shalt  }
0x51: {  	_ =	shalt  }
0x52: {  	_ =	shalt  }
0x53: {  	_ =	shalt  }
0x54: {  	_ =	shalt  }
0x55: {  	_ =	shalt  }
0x56: {  	_ =	shalt  }
0x57: {  	_ =	shalt  }
0x58: {  	_ =	shalt  }
0x59: {  	_ =	shalt  }
0x5a: {  	_ =	shalt  }
0x5b: {  	_ =	shalt  }
0x5c: {  	_ =	shalt  }
0x5d: {  	_ =	shalt  }
0x5e: {  	_ =	shalt  }
0x5f: {  	_ =	shalt  }
0x60: {  	_ =	shalt  }
0x61: {  	_ =	shalt  }
0x62: {  	_ =	shalt  }
0x63: {  	_ =	shalt  }
0x64: {  	_ =	shalt  }
0x65: {  	_ =	shalt  }
0x66: {  	_ =	shalt  }
0x67: {  	_ =	shalt  }
0x68: {  	_ =	shalt  }
0x69: {  	_ =	shalt  }
0x6a: {  	_ =	shalt  }
0x6b: {  	_ =	shalt  }
0x6c: {  	_ =	shalt  }
0x6d: {  	_ =	shalt  }
0x6e: {  	_ =	shalt  }
0x6f: {  	_ =	shalt  }
0x70: {  	_ =	shalt  }
0x71: {  	_ =	shalt  }
0x72: {  	_ =	shalt  }
0x73: {  	_ =	shalt  }
0x74: {  	_ =	shalt  }
0x75: {  	_ =	shalt  }
0x76: {  	_ =	shalt  }
0x77: {  	_ =	shalt  }
0x78: {  	_ =	shalt  }
0x79: {  	_ =	shalt  }
0x7a: {  	_ =	shalt  }
0x7b: {  	_ =	shalt  }
0x7c: {  	_ =	shalt  }
0x7d: {  	_ =	shalt  }
0x7e: {  	_ =	shalt  }
0x7f: {  	_ =	shalt  }
0x80: {  	_ =	shalt  }
0x81: {  	_ =	shalt  }
0x82: {  	_ =	shalt  }
0x83: {  	_ =	shalt  }
0x84: {  	_ =	shalt  }
0x85: {  	_ =	shalt  }
0x86: {  	_ =	shalt  }
0x87: {  	_ =	shalt  }
.Lfunc_end0:
.L_simem_size_0:
called_computation.1_lowered:
.L_overlay_start_0:
0x88: {  	s2 =	sld [smem:$0x3FD9]  }
0x89: {  	s3 =	sld [smem:$0x3FFE];
	_ =	sdelay $0x1  }
0x8a: {  	s1 =	srdreg.scid  }
0x8b: {  	s0 =	sand.u32 $0x1, s1  }
0x8c: {  	s16 =	sshll.u32 s0, $0xA;
	s2 =	sadd.s32 s3, s2  }
0x8d: {  	s2 =	sadd.s32 s2, s16  }
0x8e: {  	[smem:$0x3F9B] =	sst s2  }
0x8f: {  	_ = 	snop  }
0x90: {  	(tm) =	ssettm $0x1  }
0x91: {  	s17 =	sld [smem:$0x3FFB];
	_ =	sdelay $0x3  }
0x92: {  	_ =	strace s17  }
0x93: {  	s2 =	sld [smem:$0x3FFC];
	_ =	sdelay $0x3  }
0x94: {  	_ =	strace s2  }
0x95: {  	s2 =	sld [smem:$0x3FFD];
	_ =	sdelay $0x3  }
0x96: {  	_ =	strace s2  }
0x97: {  	_ =	strace $0x8FFFFFFF  }
0x98: {  	s18 =	sld [smem:$0x3FDB];
	_ =	sdelay $0x1  }
0x99: {  	s19 =	simm.s32 $_scs_section_size  }
0x9a: {  	s4 =	simm.s32 $_size__tile_overlayer_lowered;
	s5 =	simm.s32 $_tile_overlayer_lowered  }
0x9b: {  	s22 =	simm.s32 $0x1BFF;
	s21 =	sshll.u32 s5, $0x1;
	s2 =	sadd.s32 s19, s18  }
0x9c: {  	s6 =	simm.s32 $0x0;
	s20 =	sshll.u32 s4, $0x1;
	s4 =	sadd.s32 s21, s2  }
0x9d: {  	[timem:s6], [sflag:s22] =	dma.local [hbm:s4], s20  }
0x9e: {  	_ =	swait.ge [sflag:s22], s20  }
0x9f: {  	s3 =	ssub.s32 $0x0, s20;
	[sflag:s22] =	ssyncset.done $0x0  }
0xa0: {  	[sflag:s22] =	ssyncadd.s32 s3;
	_ =	sdelay $0x1  }
0xa1: {  	s23 =	simm.s32 $0x1B8B  }
0xa2: {  	_ =	swait.ge [sflag:s23], $0x1  }
0xa3: {  	[sflag:s23] =	ssyncset.done $0x0  }
0xa4: {  	s25 =	simm.s32 $0x1B8E;
	s24 =	sld [smem:$0x3FFE];
	[sflag:s23] =	ssyncadd.s32 $0xFFFFFFFF  }
0xa5: {  	s26 =	simm.s32 $execute0_lowered;
	[smem:$0x3FD2] =	sst s25  }
0xa6: {  	s4 =	sshll.u32 s26, $0x1;
	_ =	strace $0x80000049;
	[dreg:$0x1] =	wrdreg $0xFFFFFFFF  }
0xa7: {  	s28 =	simm.s32 $_size_execute0_lowered;
	s2 =	sadd.s32 s2, s4;
	[dreg:$0x0] =	wrdreg $0x0  }
0xa8: {  	s4 =	sshll.u32 s28, $0x1;
	[dreg:$0x2] =	wrdreg s2  }
0xa9: {  	[dreg:$0x3] =	wrdreg s4  }
0xaa: {  	[dreg:$0x4] =	wrdreg $0xC0  }
0xab: {  	_ =	task [dreg:s6], $0x5FFFF  }
0xac: {  	[dreg:$0x1] =	wrdreg $0xFFFFFFFF  }
0xad: {  	[dreg:$0x0] =	wrdreg $0x60  }
0xae: {  	[dreg:$0x2] =	wrdreg s24  }
0xaf: {  	[dreg:$0x3] =	wrdreg $0x85000  }
0xb0: {  	[dreg:$0x4] =	wrdreg $0x9  }
0xb1: {  	_ =	task.clear_ibuf [dreg:s6], $0x5FFFF;
	_ =	strace $0x90000049  }
0xb2: {  	s29 =	simm.s32 $0x9;
	_ =	strace $0x8000004B  }
0xb3: {  	_ =	swait.ge [sflag:s29], $0x1  }
0xb4: {  	[sflag:s29] =	ssyncadd.s32 $0xFFFFFFFF  }
0xb5: {  	_ =	strace $0x9000004B  }
0xb6: {  	_ =	sfence  }
0xb7: {  	s30 =	sld [smem:$0x0];
	_ =	sdelay $0x2  }
0xb8: {  	s31 =	sshll.u32 s1, $0xD;
	s1 =	sshrl.u32 s1, $0x2  }
0xb9: {  	s3 =	sand.u32 $0x4000, s31;
	s1 =	sadd.s32 s1, s30  }
0xba: {  	s0 =	sor.u32 s3, s0;
	s1 =	sshll.u32 s1, $0x11  }
0xbb: {  	s0 =	sor.u32 s1, s0  }
0xbc: {  	s0 =	sadd.s32 $0x8F2B, s0  }
0xbd: {  	[sflag:s0] =	ssyncadd.remote.s32 $0x1  }
0xbe: {  	_ =	sfence.sel $0xFFFF  }
0xbf: {  	[dreg:$0x0] =	wrdreg $0xFFFFFFFF;
	(pc) =	sbr.abs _section_cstart, $3  }
0xc0: {  	[dreg:$0x1] =	wrdreg $0xFFFFFFFF  }
0xc1: {  	_ =	task.clear_ibuf [dreg:s6], $0x2FFFF;
	_ =	strace $0x9FFFFFFF  }
0xc2: {  	(tm) =	ssettm $0x7FFFFFFF  }
0xc3: {  	_ =	shalt  }
tec
execute0_lowered:
.L_overlay_start_1:
0x0: {  	(tag) =	ssettag $0x1  }
0x1: {  	s0 =	srdreg.scid  }
0x2: {  	s3 =	rddreg [dreg:$0x0];
	s26 =	stileid.u32;
	s1 =	simm.s32 $0x0  }
0x3: {  	s0 =	sand.u32 $0x1, s0;
	s4 =	sshll.u32 s26, $0x1;
	s8 =	smul.u32 $0x500, s26  }
0x4: {  	[smem:$0x7FF] =	sst s1;
	s10 =	sor.u32 $0x20, s26;
	s2 =	smul.u32 $0x29900, s0  }
0x5: {  	s5 =	sadd.s32 $0xF64400, s3;
	s13 =	sor.u32 $0x40, s26;
	s11 =	smul.u32 $0x500, s10  }
0x6: {  	s9 =	sor.u32 $0x10, s26;
	s15 =	sor.u32 $0x50, s26;
	s14 =	smul.u32 $0x500, s13  }
0x7: {  	s12 =	sor.u32 $0x30, s26;
	s17 =	sor.u32 $0x60, s26;
	s16 =	smul.u32 $0x500, s15  }
0x8: {  	s19 =	sor.u32 $0x70, s26;
	p0 =	slt.u32 s26, $0x2;
	s18 =	smul.u32 $0x500, s17  }
0x9: {  	s4 =	sor.u32 s0, s4;
	s0 =	ssub.s32 $0x2, s0;
	s13 =	smul.u32 $0xA000, s13  }
0xa: {  	s20 =	smul.u32 $0x4E, s4;
	s7 =	sshrl.u32 s0, $0x1;
	s4 =	smin.u32 s4, $0x4  }
0xb: {  	s21 =	sadd.s32 s5, s8;
	s6 =	sadd.s32 s2, s3;
	s28 =	ssub.s32 s0, s7  }
0xc: {  	s7 =	smul.u32 $0x500, s9;
	[dreg:$0x3] =	wrdreg s21;
	s23 =	sadd.s32 s5, s11  }
0xd: {  	s21 =	smul.u32 $0x500, s19;
	s0 =	sor.u32 $0x80, s26;
	s24 =	sadd.s32 s5, s14  }
0xe: {  	s25 =	sadd.s32 s5, s16;
	s2 =	sadd.s32 s4, s20;
	[dreg:$0x5] =	wrdreg s23  }
0xf: {  	s4 =	smul.u32 $0x500, s12;
	s6 =	sadd.s32 $0xF8DE00, s6;
	[dreg:$0x7] =	wrdreg s24  }
0x10: {  	[dreg:$0x8] =	wrdreg s25;
	s23 =	sadd.s32 s5, s18;
	s12 =	smul.u32 $0xA000, s12  }
0x11: {  	s28 =	smax.u32 s28, $0x1;
	s22 =	sadd.s32 s5, s7;
	[dreg:$0x9] =	wrdreg s23  }
0x12: {  	s24 =	sadd.s32 s5, s21;
	s25 =	sadd.s32 s6, s8;
	[dreg:$0x4] =	wrdreg s22  }
0x13: {  	s23 =	sadd.s32 s6, s14;
	s14 =	smul.u32 $0xA000, s15;
	[dreg:$0xa] =	wrdreg s24  }
0x14: {  	s8 =	sadd.s32 s6, s7;
	s15 =	smul.u32 $0xA000, s17;
	[dreg:$0xc] =	wrdreg s25  }
0x15: {  	s20 =	sadd.s32 s5, s4;
	s22 =	smul.u32 $0x500, s0;
	[dreg:$0xd] =	wrdreg s8  }
0x16: {  	s4 =	sadd.s32 s6, s4;
	[dreg:$0x10] =	wrdreg s23;
	s24 =	sadd.s32 s6, s16  }
0x17: {  	s25 =	sadd.s32 s6, s18;
	s8 =	smul.u32 $0xA000, s9;
	s23 =	sadd.s32 $0x21E00, s3  }
0x18: {  	s9 =	smul.u32 $0xA000, s26;
	s26 =	simm.s32 $0x4F;
	[dreg:$0x6] =	wrdreg s20  }
0x19: {  	s17 =	sshrl.u32 s12, $0x2;
	s18 =	smul.u32 $0xA000, s19;
	[dreg:$0xf] =	wrdreg s4  }
0x1a: {  	s19 =	smul.u32 $0xA000, s0;
	s12 =	simm.s32 $0x2;
	[dreg:$0x11] =	wrdreg s24  }
0x1b: {  	s20 =	sadd.s32 s6, s11;
	[dreg:$0x12] =	wrdreg s25;
	s24 =	sadd.s32 $0xF16200, s3  }
0x1c: {  	s25 =	sadd.s32 $0x18000, s3;
	s11 =	smul.u32 $0xA000, s10;
	s26 =	simm.s32 @!p0 $0x4E  }
0x1d: {  	p0 =	sgt.u32 s0, $0x84;
	s10 =	simm.s32 $0x8100;
	[dreg:$0xe] =	wrdreg s20  }
0x1e: {  	s5 =	sadd.s32 s5, s22;
	s20 =	rddreg [dreg:$0x1];
	s7 =	sadd.s32 s6, s22  }
0x1f: {  	s3 =	sshrl.u32 s9, $0x2;
	s4 =	sshrl.u32 s8, $0x2;
	s22 =	sshrl.u32 s19, $0x2  }
0x20: {  	s8 =	simm.s32 $0x4;
	s9 =	simm.s32 $0x3;
	[dreg:$0xb] =	wrdreg s5  }
0x21: {  	s5 =	sadd.s32 s6, s21;
	[dreg:$0x14] =	wrdreg s7;
	s29 =	sadd.s32 s3, s20  }
0x22: {  	s30 =	sadd.s32 s4, s20;
	s3 =	sshrl.u32 s13, $0x2;
	s7 =	sshrl.u32 s14, $0x2  }
0x23: {  	s16 =	sadd.s32 s17, s20;
	s4 =	sshrl.u32 s15, $0x2;
	s21 =	sshrl.u32 s18, $0x2  }
.Ltmp0:
0x24: {  	s6 =	sadd.s32 s22, s20;
	s13 =	simm.s32 $0x4100;
	(pc) =	sbr.rel .LBB2_1-.Ltmp0, $4  }
0x25: {  	s14 =	simm.s32 $0x80;
	s15 =	simm.s32 $0x0;
	[dreg:$0x13] =	wrdreg s5  }
0x26: {  	s5 =	sshrl.u32 s11, $0x2;
	s0 =	sadd.s32 s3, s20;
	s3 =	sadd.s32 s7, s20  }
0x27: {  	v0 =	vlaneseq.u32;
	s4 =	sadd.s32 s4, s20;
	s7 =	simm.s32 $0x100;
	s11 =	simm.s32 $0x1  }
0x28: {  	v1 =	vimm.f32 $0.0e+00;
	v2 =	vimm.s32 $0x0;
	v3 =	vmul.u32 $0x80, v0;
	_ =	strace $0x8000004A;
	s31 =	sadd.s32 s5, s20;
	s5 =	sadd.s32 s21, s20  }
.LBB2_11:
0x29: {  	[bflag:$0x0] =	sbarrier.arrive $0xFFFF  }
0x2a: {  	[tilespmem:s7], [sflag:$0x4] =	stream.linear.gather [spmem:s29], $0x2800, $0x38;
	[tilespmem:$0x1D180] =	vst v63  }
0x2b: {  	_ =	swait.ge [sflag:s8], $0x2800  }
0x2c: {  	[sflag:s8] =	ssyncset.done $0x0  }
0x2d: {  	s17 =	rddreg [dreg:$0xc];
	[sflag:s8] =	ssyncadd.s32 $0xFFFFD800  }
0x2e: {  	[hbm4b:s17+s1] =	stream.linear.scatter [tilespmem:s7], [sflag:$0x3], $0x2800, $0x38;
	[tilespmem:$0x1D180] =	vst v63  }
0x2f: {  	_ =	swait.ge [sflag:s9], $0x2800  }
0x30: {  	[sflag:s9] =	ssyncset.done $0x0  }
0x31: {  	[sflag:s9] =	ssyncadd.s32 $0xFFFFD800  }
0x32: {  	[tilespmem:s7], [sflag:$0x4] =	stream.linear.gather [spmem:s30], $0x2800, $0x38;
	[tilespmem:$0x1D180] =	vst v63  }
0x33: {  	_ =	swait.ge [sflag:s8], $0x2800  }
0x34: {  	[sflag:s8] =	ssyncset.done $0x0  }
0x35: {  	s19 =	rddreg [dreg:$0xd];
	[sflag:s8] =	ssyncadd.s32 $0xFFFFD800  }
0x36: {  	[hbm4b:s19+s1] =	stream.linear.scatter [tilespmem:s7], [sflag:$0x3], $0x2800, $0x38;
	[tilespmem:$0x1D180] =	vst v63  }
0x37: {  	_ =	swait.ge [sflag:s9], $0x2800  }
0x38: {  	[sflag:s9] =	ssyncset.done $0x0  }
0x39: {  	[sflag:s9] =	ssyncadd.s32 $0xFFFFD800  }
0x3a: {  	[tilespmem:s7], [sflag:$0x4] =	stream.linear.gather [spmem:s31], $0x2800, $0x38;
	[tilespmem:$0x1D180] =	vst v63  }
0x3b: {  	_ =	swait.ge [sflag:s8], $0x2800  }
0x3c: {  	[sflag:s8] =	ssyncset.done $0x0  }
0x3d: {  	s21 =	rddreg [dreg:$0xe];
	[sflag:s8] =	ssyncadd.s32 $0xFFFFD800  }
0x3e: {  	[hbm4b:s21+s1] =	stream.linear.scatter [tilespmem:s7], [sflag:$0x3], $0x2800, $0x38;
	[tilespmem:$0x1D180] =	vst v63  }
0x3f: {  	_ =	swait.ge [sflag:s9], $0x2800  }
0x40: {  	[sflag:s9] =	ssyncset.done $0x0  }
0x41: {  	[sflag:s9] =	ssyncadd.s32 $0xFFFFD800  }
0x42: {  	[tilespmem:s7], [sflag:$0x4] =	stream.linear.gather [spmem:s16], $0x2800, $0x38;
	[tilespmem:$0x1D180] =	vst v63  }
0x43: {  	_ =	swait.ge [sflag:s8], $0x2800  }
0x44: {  	[sflag:s8] =	ssyncset.done $0x0  }
0x45: {  	s22 =	rddreg [dreg:$0xf];
	[sflag:s8] =	ssyncadd.s32 $0xFFFFD800  }
0x46: {  	[hbm4b:s22+s1] =	stream.linear.scatter [tilespmem:s7], [sflag:$0x3], $0x2800, $0x38;
	[tilespmem:$0x1D180] =	vst v63  }
0x47: {  	_ =	swait.ge [sflag:s9], $0x2800  }
0x48: {  	[sflag:s9] =	ssyncset.done $0x0  }
0x49: {  	[sflag:s9] =	ssyncadd.s32 $0xFFFFD800  }
0x4a: {  	[tilespmem:s7], [sflag:$0x4] =	stream.linear.gather [spmem:s0], $0x2800, $0x38;
	[tilespmem:$0x1D180] =	vst v63  }
0x4b: {  	_ =	swait.ge [sflag:s8], $0x2800  }
0x4c: {  	[sflag:s8] =	ssyncset.done $0x0  }
0x4d: {  	s18 =	rddreg [dreg:$0x10];
	[sflag:s8] =	ssyncadd.s32 $0xFFFFD800  }
0x4e: {  	[hbm4b:s18+s1] =	stream.linear.scatter [tilespmem:s7], [sflag:$0x3], $0x2800, $0x38;
	[tilespmem:$0x1D180] =	vst v63  }
0x4f: {  	_ =	swait.ge [sflag:s9], $0x2800  }
0x50: {  	[sflag:s9] =	ssyncset.done $0x0  }
0x51: {  	[sflag:s9] =	ssyncadd.s32 $0xFFFFD800  }
0x52: {  	[tilespmem:s7], [sflag:$0x4] =	stream.linear.gather [spmem:s3], $0x2800, $0x38;
	[tilespmem:$0x1D180] =	vst v63  }
0x53: {  	_ =	swait.ge [sflag:s8], $0x2800  }
0x54: {  	[sflag:s8] =	ssyncset.done $0x0  }
0x55: {  	s19 =	rddreg [dreg:$0x11];
	[sflag:s8] =	ssyncadd.s32 $0xFFFFD800  }
0x56: {  	[hbm4b:s19+s1] =	stream.linear.scatter [tilespmem:s7], [sflag:$0x3], $0x2800, $0x38;
	[tilespmem:$0x1D180] =	vst v63  }
0x57: {  	_ =	swait.ge [sflag:s9], $0x2800  }
0x58: {  	[sflag:s9] =	ssyncset.done $0x0  }
0x59: {  	[sflag:s9] =	ssyncadd.s32 $0xFFFFD800  }
0x5a: {  	[tilespmem:s7], [sflag:$0x4] =	stream.linear.gather [spmem:s4], $0x2800, $0x38;
	[tilespmem:$0x1D180] =	vst v63  }
0x5b: {  	_ =	swait.ge [sflag:s8], $0x2800  }
0x5c: {  	[sflag:s8] =	ssyncset.done $0x0  }
0x5d: {  	s21 =	rddreg [dreg:$0x12];
	[sflag:s8] =	ssyncadd.s32 $0xFFFFD800  }
0x5e: {  	[hbm4b:s21+s1] =	stream.linear.scatter [tilespmem:s7], [sflag:$0x3], $0x2800, $0x38;
	[tilespmem:$0x1D180] =	vst v63  }
0x5f: {  	_ =	swait.ge [sflag:s9], $0x2800  }
0x60: {  	[sflag:s9] =	ssyncset.done $0x0  }
0x61: {  	[sflag:s9] =	ssyncadd.s32 $0xFFFFD800  }
0x62: {  	[tilespmem:s7], [sflag:$0x4] =	stream.linear.gather [spmem:s5], $0x2800, $0x38;
	[tilespmem:$0x1D180] =	vst v63  }
0x63: {  	_ =	swait.ge [sflag:s8], $0x2800  }
0x64: {  	[sflag:s8] =	ssyncset.done $0x0  }
0x65: {  	s22 =	rddreg [dreg:$0x13];
	[sflag:s8] =	ssyncadd.s32 $0xFFFFD800  }
0x66: {  	[hbm4b:s22+s1] =	stream.linear.scatter [tilespmem:s7], [sflag:$0x3], $0x2800, $0x38;
	[tilespmem:$0x1D180] =	vst v63  }
0x67: {  	_ =	swait.ge [sflag:s9], $0x2800  }
0x68: {  	[sflag:s9] =	ssyncset.done $0x0  }
0x69: {  	s17 =	simm.s32 @!p0 $0x100;
	s18 =	simm.s32 @!p0 $0x4;
	[sflag:s9] =	ssyncadd.s32 $0xFFFFD800  }
0x6a: {  	[tilespmem:s17], [sflag:$0x4] =	stream.linear.gather @!p0 [spmem:s6], $0x2800, $0x38;
	[tilespmem:$0x1D180] =	vst v63  }
0x6b: {  	s15 =	sadd.s32 $0x1, s15;
	_ =	swait.ge @!p0 [sflag:s18], $0x2800  }
0x6c: {  	p1 =	sne.s32 s15, s28;
	[sflag:s18] =	ssyncset.done @!p0 $0x0  }
0x6d: {  	s19 =	rddreg [dreg:$0x14];
	[sflag:s18] =	ssyncadd.s32 @!p0 $0xFFFFD800;
	s18 =	simm.s32 @!p0 $0x0  }
0x6e: {  	[hbm4b:s19+s18] =	stream.linear.scatter @!p0 [tilespmem:s17], [sflag:$0x3], $0x2800, $0x38;
	[tilespmem:$0x1D180] =	vst v63  }
.Ltmp1:
0x6f: {  	_ = 	snop;
	(pc) =	sbr.rel @!p1 .LBB2_12-.Ltmp1, $4  }
0x70: {  	s17 =	simm.s32 @!p0 $0x3  }
0x71: {  	_ =	swait.ge @!p0 [sflag:s17], $0x2800  }
0x72: {  	[sflag:s17] =	ssyncset.done @!p0 $0x0  }
0x73: {  	[sflag:s17] =	ssyncadd.s32 @!p0 $0xFFFFD800  }
.LBB2_1:
0x74: {  	s17 =	simm.s32 $0x0;
	s18 =	simm.s32 $0x200  }
.LBB2_2:
0x75: {  	p1 =	sne.s32 s18, $0xFE00;
	[tilespmem:s17+$0x4170] =	vst v1  }
0x76: {  	[tilespmem:s17+$0x4100] =	vst v1  }
0x77: {  	[tilespmem:s17+$0x4110] =	vst v1  }
.Ltmp2:
0x78: {  	[tilespmem:s17+$0x4120] =	vst v1;
	(pc) =	sbr.rel @p1 .LBB2_2-.Ltmp2, $4  }
0x79: {  	[tilespmem:s17+$0x4130] =	vst v1  }
0x7a: {  	[tilespmem:s17+$0x4140] =	vst v1  }
0x7b: {  	[tilespmem:s17+$0x4150] =	vst v1  }
0x7c: {  	[tilespmem:s17+$0x4160] =	vst v1;
	s17 =	sshra.s32 s18, $0x2;
	s18 =	sadd.s32 $0x200, s18  }
0x7d: {  	[tilespmem:s17+$0x4170] =	vst v1  }
0x7e: {  	[tilespmem:s17+$0x4100] =	vst v1  }
0x7f: {  	[tilespmem:s17+$0x4110] =	vst v1  }
0x80: {  	[tilespmem:s17+$0x4120] =	vst v1  }
0x81: {  	[tilespmem:s17+$0x4130] =	vst v1  }
0x82: {  	[tilespmem:s17+$0x4140] =	vst v1  }
0x83: {  	[tilespmem:s17+$0x4150] =	vst v1  }
0x84: {  	[tilespmem:s17+$0x4160] =	vst v1;
	s18 =	rddreg [dreg:$0x3]  }
0x85: {  	[tilespmem:s7], [sflag:$0x4] =	stream.linear.gather [hbm4b:s18+s1], $0x2800, $0x38;
	[tilespmem:$0x1D180] =	vst v63  }
0x86: {  	_ =	swait.ge [sflag:s8], $0x2800  }
0x87: {  	[sflag:s8] =	ssyncset.done $0x0  }
0x88: {  	[sflag:s8] =	ssyncadd.s32 $0xFFFFD800  }
0x89: {  	[spmem:s29] =	stream.linear.scatter [tilespmem:s7], [sflag:$0x3], $0x2800, $0x38;
	[tilespmem:$0x1D180] =	vst v63  }
0x8a: {  	_ =	swait.ge [sflag:s9], $0x2800  }
0x8b: {  	[sflag:s9] =	ssyncset.done $0x0  }
0x8c: {  	s19 =	rddreg [dreg:$0x4];
	[sflag:s9] =	ssyncadd.s32 $0xFFFFD800  }
0x8d: {  	[tilespmem:s7], [sflag:$0x4] =	stream.linear.gather [hbm4b:s19+s1], $0x2800, $0x38;
	[tilespmem:$0x1D180] =	vst v63  }
0x8e: {  	_ =	swait.ge [sflag:s8], $0x2800  }
0x8f: {  	[sflag:s8] =	ssyncset.done $0x0  }
0x90: {  	[sflag:s8] =	ssyncadd.s32 $0xFFFFD800  }
0x91: {  	[spmem:s30] =	stream.linear.scatter [tilespmem:s7], [sflag:$0x3], $0x2800, $0x38;
	[tilespmem:$0x1D180] =	vst v63  }
0x92: {  	_ =	swait.ge [sflag:s9], $0x2800  }
0x93: {  	[sflag:s9] =	ssyncset.done $0x0  }
0x94: {  	s21 =	rddreg [dreg:$0x5];
	[sflag:s9] =	ssyncadd.s32 $0xFFFFD800  }
0x95: {  	[tilespmem:s7], [sflag:$0x4] =	stream.linear.gather [hbm4b:s21+s1], $0x2800, $0x38;
	[tilespmem:$0x1D180] =	vst v63  }
0x96: {  	_ =	swait.ge [sflag:s8], $0x2800  }
0x97: {  	[sflag:s8] =	ssyncset.done $0x0  }
0x98: {  	[sflag:s8] =	ssyncadd.s32 $0xFFFFD800  }
0x99: {  	[spmem:s31] =	stream.linear.scatter [tilespmem:s7], [sflag:$0x3], $0x2800, $0x38;
	[tilespmem:$0x1D180] =	vst v63  }
0x9a: {  	_ =	swait.ge [sflag:s9], $0x2800  }
0x9b: {  	[sflag:s9] =	ssyncset.done $0x0  }
0x9c: {  	s22 =	rddreg [dreg:$0x6];
	[sflag:s9] =	ssyncadd.s32 $0xFFFFD800  }
0x9d: {  	[tilespmem:s7], [sflag:$0x4] =	stream.linear.gather [hbm4b:s22+s1], $0x2800, $0x38;
	[tilespmem:$0x1D180] =	vst v63  }
0x9e: {  	_ =	swait.ge [sflag:s8], $0x2800  }
0x9f: {  	[sflag:s8] =	ssyncset.done $0x0  }
0xa0: {  	[sflag:s8] =	ssyncadd.s32 $0xFFFFD800  }
0xa1: {  	[spmem:s16] =	stream.linear.scatter [tilespmem:s7], [sflag:$0x3], $0x2800, $0x38;
	[tilespmem:$0x1D180] =	vst v63  }
0xa2: {  	_ =	swait.ge [sflag:s9], $0x2800  }
0xa3: {  	[sflag:s9] =	ssyncset.done $0x0  }
0xa4: {  	s18 =	rddreg [dreg:$0x7];
	[sflag:s9] =	ssyncadd.s32 $0xFFFFD800  }
0xa5: {  	[tilespmem:s7], [sflag:$0x4] =	stream.linear.gather [hbm4b:s18+s1], $0x2800, $0x38;
	[tilespmem:$0x1D180] =	vst v63  }
0xa6: {  	_ =	swait.ge [sflag:s8], $0x2800  }
0xa7: {  	[sflag:s8] =	ssyncset.done $0x0  }
0xa8: {  	[sflag:s8] =	ssyncadd.s32 $0xFFFFD800  }
0xa9: {  	[spmem:s0] =	stream.linear.scatter [tilespmem:s7], [sflag:$0x3], $0x2800, $0x38;
	[tilespmem:$0x1D180] =	vst v63  }
0xaa: {  	_ =	swait.ge [sflag:s9], $0x2800  }
0xab: {  	[sflag:s9] =	ssyncset.done $0x0  }
0xac: {  	s19 =	rddreg [dreg:$0x8];
	[sflag:s9] =	ssyncadd.s32 $0xFFFFD800  }
0xad: {  	[tilespmem:s7], [sflag:$0x4] =	stream.linear.gather [hbm4b:s19+s1], $0x2800, $0x38;
	[tilespmem:$0x1D180] =	vst v63  }
0xae: {  	_ =	swait.ge [sflag:s8], $0x2800  }
0xaf: {  	[sflag:s8] =	ssyncset.done $0x0  }
0xb0: {  	[sflag:s8] =	ssyncadd.s32 $0xFFFFD800  }
0xb1: {  	[spmem:s3] =	stream.linear.scatter [tilespmem:s7], [sflag:$0x3], $0x2800, $0x38;
	[tilespmem:$0x1D180] =	vst v63  }
0xb2: {  	_ =	swait.ge [sflag:s9], $0x2800  }
0xb3: {  	[sflag:s9] =	ssyncset.done $0x0  }
0xb4: {  	s21 =	rddreg [dreg:$0x9];
	[sflag:s9] =	ssyncadd.s32 $0xFFFFD800  }
0xb5: {  	[tilespmem:s7], [sflag:$0x4] =	stream.linear.gather [hbm4b:s21+s1], $0x2800, $0x38;
	[tilespmem:$0x1D180] =	vst v63  }
0xb6: {  	_ =	swait.ge [sflag:s8], $0x2800  }
0xb7: {  	[sflag:s8] =	ssyncset.done $0x0  }
0xb8: {  	[sflag:s8] =	ssyncadd.s32 $0xFFFFD800  }
0xb9: {  	[spmem:s4] =	stream.linear.scatter [tilespmem:s7], [sflag:$0x3], $0x2800, $0x38;
	[tilespmem:$0x1D180] =	vst v63  }
0xba: {  	_ =	swait.ge [sflag:s9], $0x2800  }
0xbb: {  	[sflag:s9] =	ssyncset.done $0x0  }
0xbc: {  	s22 =	rddreg [dreg:$0xa];
	[sflag:s9] =	ssyncadd.s32 $0xFFFFD800  }
0xbd: {  	[tilespmem:s7], [sflag:$0x4] =	stream.linear.gather [hbm4b:s22+s1], $0x2800, $0x38;
	[tilespmem:$0x1D180] =	vst v63  }
0xbe: {  	_ =	swait.ge [sflag:s8], $0x2800  }
0xbf: {  	[sflag:s8] =	ssyncset.done $0x0  }
0xc0: {  	[sflag:s8] =	ssyncadd.s32 $0xFFFFD800  }
0xc1: {  	[spmem:s5] =	stream.linear.scatter [tilespmem:s7], [sflag:$0x3], $0x2800, $0x38;
	[tilespmem:$0x1D180] =	vst v63  }
0xc2: {  	_ =	swait.ge [sflag:s9], $0x2800  }
0xc3: {  	s17 =	simm.s32 @!p0 $0x0;
	[sflag:s9] =	ssyncset.done $0x0  }
0xc4: {  	s18 =	simm.s32 @!p0 $0x100;
	s19 =	rddreg [dreg:$0xb];
	[sflag:s9] =	ssyncadd.s32 $0xFFFFD800  }
0xc5: {  	[tilespmem:s18], [sflag:$0x4] =	stream.linear.gather @!p0 [hbm4b:s19+s17], $0x2800, $0x38;
	[tilespmem:$0x1D180] =	vst v63  }
0xc6: {  	s17 =	simm.s32 @!p0 $0x4  }
0xc7: {  	_ =	swait.ge @!p0 [sflag:s17], $0x2800  }
0xc8: {  	[sflag:s17] =	ssyncset.done @!p0 $0x0  }
0xc9: {  	[sflag:s17] =	ssyncadd.s32 @!p0 $0xFFFFD800;
	s17 =	simm.s32 @!p0 $0x3  }
0xca: {  	[spmem:s6] =	stream.linear.scatter @!p0 [tilespmem:s18], [sflag:$0x3], $0x2800, $0x38;
	[tilespmem:$0x1D180] =	vst v63  }
.Ltmp3:
0xcb: {  	_ =	swait.ge @!p0 [sflag:s17], $0x2800;
	(pc) =	sbr.rel .LBB2_4-.Ltmp3, $4  }
0xcc: {  	[sflag:s17] =	ssyncset.done @!p0 $0x0  }
0xcd: {  	[sflag:s17] =	ssyncadd.s32 @!p0 $0xFFFFD800  }
0xce: {  	[bflag:$0x0] =	sbarrier.arrive $0xFFFF  }
0xcf: {  	s17 =	simm.s32 $0x0  }
.LBB2_10:
0xd0: {  	s17 =	sadd.s32 $0x1, s17  }
0xd1: {  	p1 =	sne.s32 s17, $0x4F  }
.Ltmp4:
0xd2: {  	_ = 	snop;
	(pc) =	sbr.rel @!p1 .LBB2_11-.Ltmp4, $1  }
0xd3: {  	_ =	sdelay $0x3  }
.LBB2_4:
0xd4: {  	p1 =	sge.u32 s17, s26  }
.Ltmp5:
0xd5: {  	_ = 	snop;
	(pc) =	sbr.rel @p1 .LBB2_10-.Ltmp5, $1  }
0xd6: {  	_ =	sdelay $0x3  }
0xd7: {  	s19 =	sadd.s32 s17, s2  }
0xd8: {  	s18 =	sshll.u32 s19, $0x4  }
0xd9: {  	s18 =	sand.u32 $0x1FFFFFF0, s18  }
0xda: {  	s22 =	sshll.u32 s19, $0xB;
	s21 =	sadd.s32 s25, s18;
	s18 =	simm.s32 $0x0  }
0xdb: {  	[tilespmem:s18], [sflag:$0x1] =	stream.linear.gather [hbm4b:s21+s18], $0x80, $0x38;
	[tilespmem:$0x1D180] =	vst v63  }
0xdc: {  	s19 =	sshll.u32 s19, $0x7;
	s21 =	sand.u32 $0x1FFFF800, s22  }
0xdd: {  	s19 =	sand.u32 $0x1FFFFF80, s19;
	s21 =	sadd.s32 s23, s21  }
0xde: {  	[tilespmem:s7], [sflag:$0x2] =	stream.linear.gather [hbm4b:s21+s18], $0x4000, $0x38;
	[tilespmem:$0x1D180] =	vst v63  }
0xdf: {  	s19 =	sadd.s32 s24, s19  }
0xe0: {  	[tilespmem:s10], [sflag:$0x1] =	stream.linear.gather [hbm4b:s19+s18], $0x400, $0x38;
	[tilespmem:$0x1D180] =	vst v63  }
0xe1: {  	_ =	swait.ge [sflag:s11], $0x80  }
0xe2: {  	[sflag:s11] =	ssyncset.done $0x0  }
0xe3: {  	[sflag:s11] =	ssyncadd.s32 $0xFFFFFF80  }
0xe4: {  	_ =	swait.ge [sflag:s12], $0x4000  }
0xe5: {  	[sflag:s12] =	ssyncset.done $0x0  }
0xe6: {  	[sflag:s12] =	ssyncadd.s32 $0xFFFFC000  }
0xe7: {  	_ =	swait.ge [sflag:s11], $0x400  }
0xe8: {  	[sflag:s11] =	ssyncset.done $0x0  }
0xe9: {  	s19 =	simm.s32 $0x80;
	[sflag:s11] =	ssyncadd.s32 $0xFFFFFC00  }
0xea: {  	[spmem:s20] =	stream.indirect.scatter.add.f32 [tilespmem:s7], [sflag:$0x1], $0x80, s18, s19, $0xb8;
	[tilespmem:$0x1D180] =	vst v63  }
0xeb: {  	v4 =	vld [tilespmem:s18+$0x0];
	_ =	sdelay $0x4  }
0xec: {  	v5 =	vshra.s32 v4, $0x1F  }
0xed: {  	v5 =	vshrl.u32 v5, $0x1C  }
0xee: {  	v5 =	vadd.s32 v5, v4  }
0xef: {  	v5 =	vshra.s32 v5, $0x4  }
0xf0: {  	v6 =	vshll.u32 v5, $0x4  }
0xf1: {  	v7 =	vor.u32 s18, v0;
	vm0 =	vlt.s32 v4, $0x1;
	vm1 =	vne.s32 v4, v6  }
0xf2: {  	v8 =	vshll.u32 v7, $0x3;
	vm0 =	vmand vm0, vm1  }
0xf3: {  	v4 =	vsub.s32 v4, v6;
	v6 =	vsel vm0, $0xFFFFFFFF, v2  }
0xf4: {  	v4 =	vshll.u32 v4, $0x3;
	v5 =	vadd.s32 v6, v5  }
0xf5: {  	v7 =	vshll.u32 v7, $0x7;
	v6 =	vand.u32 $0xFFFFFF80, v4;
	v5 =	vadd.s32 $0x2710, v5  }
0xf6: {  	v4 =	vand.u32 $0x78, v4;
	v6 =	vadd.s32 v7, v6;
	[tilespmem:s19+$0x0] =	vst v5  }
0xf7: {  	v6 =	vor.u32 v4, v6;
	v5 =	vld.idx.msk [tilespmem:v8+s10+$0x0], $0xffff  }
0xf8: {  	v4 =	vor.u32 $0x1, v8;
	_ =	sdelay $0x3  }
0xf9: {  	[tilespmem:v6+s13+$0x0] =	vst.idx.msk $0xffff, v5  }
0xfa: {  	v5 =	vor.u32 $0x1, v6;
	v4 =	vld.idx.msk [tilespmem:v4+s10+$0x0], $0xffff  }
0xfb: {  	v7 =	vor.u32 $0x2, v8;
	_ =	sdelay $0x3  }
0xfc: {  	[tilespmem:v5+s13+$0x0] =	vst.idx.msk $0xffff, v4  }
0xfd: {  	v5 =	vor.u32 $0x2, v6;
	v4 =	vld.idx.msk [tilespmem:v7+s10+$0x0], $0xffff  }
0xfe: {  	v7 =	vor.u32 $0x3, v8;
	_ =	sdelay $0x3  }
0xff: {  	[tilespmem:v5+s13+$0x0] =	vst.idx.msk $0xffff, v4  }
0x100: {  	v5 =	vor.u32 $0x3, v6;
	v4 =	vld.idx.msk [tilespmem:v7+s10+$0x0], $0xffff  }
0x101: {  	v7 =	vor.u32 $0x4, v8;
	_ =	sdelay $0x3  }
0x102: {  	[tilespmem:v5+s13+$0x0] =	vst.idx.msk $0xffff, v4  }
0x103: {  	v5 =	vor.u32 $0x4, v6;
	v4 =	vld.idx.msk [tilespmem:v7+s10+$0x0], $0xffff  }
0x104: {  	v7 =	vor.u32 $0x5, v8;
	_ =	sdelay $0x3  }
0x105: {  	[tilespmem:v5+s13+$0x0] =	vst.idx.msk $0xffff, v4  }
0x106: {  	v5 =	vor.u32 $0x5, v6;
	v4 =	vld.idx.msk [tilespmem:v7+s10+$0x0], $0xffff  }
0x107: {  	v7 =	vor.u32 $0x6, v8;
	_ =	sdelay $0x3  }
0x108: {  	[tilespmem:v5+s13+$0x0] =	vst.idx.msk $0xffff, v4  }
0x109: {  	v5 =	vor.u32 $0x6, v6;
	v4 =	vld.idx.msk [tilespmem:v7+s10+$0x0], $0xffff  }
0x10a: {  	v7 =	vor.u32 $0x7, v8;
	_ =	sdelay $0x3  }
0x10b: {  	[tilespmem:v5+s13+$0x0] =	vst.idx.msk $0xffff, v4  }
0x10c: {  	s21 =	simm.s32 $0x10;
	v5 =	vor.u32 $0x7, v6;
	v4 =	vld.idx.msk [tilespmem:v7+s10+$0x0], $0xffff  }
.LBB2_6:
0x10d: {  	_ =	sdelay $0x3  }
0x10e: {  	p1 =	sne.s32 s21, $0x70;
	s18 =	sadd.s32 $0x10, s18;
	s19 =	sadd.s32 $0x10, s19;
	[tilespmem:v5+s13+$0x0] =	vst.idx.msk $0xffff, v4  }
0x10f: {  	s22 =	smov.u32 s21;
	s21 =	sadd.s32 $0x10, s21;
	v4 =	vld [tilespmem:s18+$0x0];
	_ =	sdelay $0x4  }
0x110: {  	v5 =	vshra.s32 v4, $0x1F  }
0x111: {  	v5 =	vshrl.u32 v5, $0x1C  }
0x112: {  	v5 =	vadd.s32 v5, v4  }
0x113: {  	v5 =	vshra.s32 v5, $0x4  }
0x114: {  	v6 =	vor.u32 s22, v0;
	v7 =	vshll.u32 v5, $0x4  }
0x115: {  	vm0 =	vlt.s32 v4, $0x1;
	v8 =	vsub.s32 v4, v7;
	vm1 =	vne.s32 v4, v7  }
0x116: {  	v7 =	vshll.u32 v6, $0x3;
	vm0 =	vmand vm0, vm1;
	v4 =	vshll.u32 v8, $0x3  }
0x117: {  	v6 =	vshll.u32 v6, $0x7;
	v8 =	vsel vm0, $0xFFFFFFFF, v2;
	v9 =	vand.u32 $0xFFFFFF80, v4  }
0x118: {  	v5 =	vadd.s32 v8, v5;
	v6 =	vadd.s32 v6, v9  }
0x119: {  	v5 =	vadd.s32 $0x2710, v5  }
0x11a: {  	[tilespmem:s19+$0x0] =	vst v5  }
0x11b: {  	v4 =	vand.u32 $0x78, v4;
	v5 =	vld.idx.msk [tilespmem:v7+s10+$0x0], $0xffff  }
0x11c: {  	v6 =	vor.u32 v4, v6  }
0x11d: {  	v4 =	vor.u32 $0x1, v7;
	_ =	sdelay $0x3  }
0x11e: {  	[tilespmem:v6+s13+$0x0] =	vst.idx.msk $0xffff, v5  }
0x11f: {  	v4 =	vld.idx.msk [tilespmem:v4+s10+$0x0], $0xffff  }
0x120: {  	v5 =	vor.u32 $0x1, v6  }
0x121: {  	v8 =	vor.u32 $0x2, v7;
	_ =	sdelay $0x3  }
0x122: {  	[tilespmem:v5+s13+$0x0] =	vst.idx.msk $0xffff, v4  }
0x123: {  	v4 =	vld.idx.msk [tilespmem:v8+s10+$0x0], $0xffff  }
0x124: {  	v5 =	vor.u32 $0x2, v6  }
0x125: {  	v8 =	vor.u32 $0x3, v7;
	_ =	sdelay $0x3  }
0x126: {  	[tilespmem:v5+s13+$0x0] =	vst.idx.msk $0xffff, v4  }
0x127: {  	v4 =	vld.idx.msk [tilespmem:v8+s10+$0x0], $0xffff  }
0x128: {  	v5 =	vor.u32 $0x3, v6  }
0x129: {  	v8 =	vor.u32 $0x4, v7;
	_ =	sdelay $0x3  }
0x12a: {  	[tilespmem:v5+s13+$0x0] =	vst.idx.msk $0xffff, v4  }
0x12b: {  	v4 =	vld.idx.msk [tilespmem:v8+s10+$0x0], $0xffff  }
0x12c: {  	v5 =	vor.u32 $0x4, v6  }
0x12d: {  	v8 =	vor.u32 $0x5, v7;
	_ =	sdelay $0x3  }
0x12e: {  	[tilespmem:v5+s13+$0x0] =	vst.idx.msk $0xffff, v4  }
0x12f: {  	v4 =	vld.idx.msk [tilespmem:v8+s10+$0x0], $0xffff  }
0x130: {  	v5 =	vor.u32 $0x5, v6  }
0x131: {  	v8 =	vor.u32 $0x6, v7;
	_ =	sdelay $0x3  }
0x132: {  	[tilespmem:v5+s13+$0x0] =	vst.idx.msk $0xffff, v4  }
0x133: {  	v4 =	vld.idx.msk [tilespmem:v8+s10+$0x0], $0xffff  }
0x134: {  	v5 =	vor.u32 $0x6, v6  }
0x135: {  	v7 =	vor.u32 $0x7, v7;
	_ =	sdelay $0x1  }
.Ltmp6:
0x136: {  	(pc) =	sbr.rel @p1 .LBB2_6-.Ltmp6, $4  }
0x137: {  	_ = 	snop  }
0x138: {  	[tilespmem:v5+s13+$0x0] =	vst.idx.msk $0xffff, v4  }
0x139: {  	v4 =	vld.idx.msk [tilespmem:v7+s10+$0x0], $0xffff  }
0x13a: {  	v5 =	vor.u32 $0x7, v6  }
0x13b: {  	_ =	sdelay $0x3  }
0x13c: {  	[tilespmem:v5+s13+$0x0] =	vst.idx.msk $0xffff, v4  }
0x13d: {  	[spmem:s20] =	stream.indirect.scatter.add.f32 [tilespmem:s13], [sflag:$0x2], $0x80, s14, s14, $0xb8;
	[tilespmem:$0x1D180] =	vst v63  }
0x13e: {  	_ =	swait.ge [sflag:s11], $0x4000  }
0x13f: {  	[sflag:s11] =	ssyncset.done $0x0  }
0x140: {  	[sflag:s11] =	ssyncadd.s32 $0xFFFFC000  }
0x141: {  	_ =	swait.ge [sflag:s12], $0x4000  }
0x142: {  	[sflag:s12] =	ssyncset.done $0x0  }
0x143: {  	s18 =	simm.s32 $0x0;
	[sflag:s12] =	ssyncadd.s32 $0xFFFFC000  }
0x144: {  	v4 =	vld [tilespmem:s18+$0x0];
	_ =	sdelay $0x4  }
0x145: {  	v5 =	vshra.s32 v4, $0x1F  }
0x146: {  	v5 =	vshrl.u32 v5, $0x1C  }
0x147: {  	v5 =	vadd.s32 v5, v4  }
0x148: {  	v5 =	vshrl.u32 v5, $0x4  }
0x149: {  	v5 =	vshll.u32 v5, $0x4  }
0x14a: {  	v6 =	vmov s18;
	v4 =	vsub.s32 v4, v5  }
0x14b: {  	v5 =	vshll.u32 v6, $0x7;
	v4 =	vshll.u32 v4, $0x3  }
0x14c: {  	v5 =	vor.u32 v3, v5;
	v6 =	vand.u32 $0xFFFFFF80, v4  }
0x14d: {  	v4 =	vand.u32 $0x78, v4;
	v5 =	vadd.s32 v5, v6  }
0x14e: {  	v4 =	vor.u32 v4, v5  }
0x14f: {  	v5 =	vor.u32 $0x1, v4  }
0x150: {  	v6 =	vor.u32 $0x2, v4  }
0x151: {  	v7 =	vor.u32 $0x3, v4  }
0x152: {  	v8 =	vor.u32 $0x4, v4  }
0x153: {  	v9 =	vor.u32 $0x5, v4;
	[tilespmem:v4+s13+$0x0] =	vst.idx.msk $0xffff, v1  }
0x154: {  	[tilespmem:v5+s13+$0x0] =	vst.idx.msk $0xffff, v1;
	v5 =	vor.u32 $0x6, v4  }
0x155: {  	[tilespmem:v6+s13+$0x0] =	vst.idx.msk $0xffff, v1  }
0x156: {  	v4 =	vor.u32 $0x7, v4;
	[tilespmem:v7+s13+$0x0] =	vst.idx.msk $0xffff, v1  }
0x157: {  	[tilespmem:v8+s13+$0x0] =	vst.idx.msk $0xffff, v1  }
0x158: {  	[tilespmem:v9+s13+$0x0] =	vst.idx.msk $0xffff, v1  }
0x159: {  	s19 =	simm.s32 $0x10;
	[tilespmem:v5+s13+$0x0] =	vst.idx.msk $0xffff, v1  }
.LBB2_8:
0x15a: {  	p1 =	sne.s32 s19, $0x70  }
0x15b: {  	[tilespmem:v4+s13+$0x0] =	vst.idx.msk $0xffff, v1;
	s18 =	sadd.s32 $0x10, s18;
	s21 =	smov.u32 s19;
	s19 =	sadd.s32 $0x10, s19  }
0x15c: {  	v4 =	vld [tilespmem:s18+$0x0];
	_ =	sdelay $0x4  }
0x15d: {  	v5 =	vshra.s32 v4, $0x1F  }
0x15e: {  	v5 =	vshrl.u32 v5, $0x1C  }
0x15f: {  	v5 =	vadd.s32 v5, v4  }
0x160: {  	v5 =	vshrl.u32 v5, $0x4  }
0x161: {  	v5 =	vshll.u32 v5, $0x4  }
0x162: {  	v6 =	vmov s21;
	v4 =	vsub.s32 v4, v5  }
0x163: {  	v5 =	vshll.u32 v6, $0x7;
	v4 =	vshll.u32 v4, $0x3  }
0x164: {  	v5 =	vor.u32 v3, v5;
	v6 =	vand.u32 $0xFFFFFF80, v4  }
0x165: {  	v4 =	vand.u32 $0x78, v4;
	v5 =	vadd.s32 v5, v6  }
0x166: {  	v4 =	vor.u32 v4, v5  }
0x167: {  	v5 =	vor.u32 $0x1, v4  }
0x168: {  	v6 =	vor.u32 $0x2, v4  }
0x169: {  	v7 =	vor.u32 $0x3, v4  }
0x16a: {  	v8 =	vor.u32 $0x4, v4  }
0x16b: {  	v9 =	vor.u32 $0x5, v4;
	[tilespmem:v4+s13+$0x0] =	vst.idx.msk $0xffff, v1  }
0x16c: {  	[tilespmem:v5+s13+$0x0] =	vst.idx.msk $0xffff, v1;
	v5 =	vor.u32 $0x6, v4  }
.Ltmp7:
0x16d: {  	v4 =	vor.u32 $0x7, v4;
	[tilespmem:v6+s13+$0x0] =	vst.idx.msk $0xffff, v1;
	(pc) =	sbr.rel @p1 .LBB2_8-.Ltmp7, $4  }
0x16e: {  	[tilespmem:v7+s13+$0x0] =	vst.idx.msk $0xffff, v1  }
0x16f: {  	[tilespmem:v8+s13+$0x0] =	vst.idx.msk $0xffff, v1  }
0x170: {  	[tilespmem:v9+s13+$0x0] =	vst.idx.msk $0xffff, v1  }
0x171: {  	[tilespmem:v5+s13+$0x0] =	vst.idx.msk $0xffff, v1  }
.Ltmp8:
0x172: {  	_ = 	snop;
	(pc) =	sbr.rel .LBB2_10-.Ltmp8, $2  }
0x173: {  	_ =	sdelay $0x2  }
0x174: {  	[tilespmem:v4+s13+$0x0] =	vst.idx.msk $0xffff, v1  }
.LBB2_12:
0x175: {  	_ =	sfence.sel $0x180000  }
0x176: {  	[bflag:$0x0] =	sbarrier.arrive $0xFFFF  }
0x177: {  	_ =	strace $0x9000004A  }
0x178: {  	s0 =	stileid.u32;
	[bflag:$0x2] =	sbarrier.arrive $0xFFFF  }
0x179: {  	p0 =	sne.s32 s0, $0x0;
	s0 =	rddreg [dreg:$0x2]  }
0x17a: {  	s0 =	sadd.s32 @!p0 $0x100000, s0  }
0x17b: {  	[sflag:s0] =	ssyncadd.tile.s32 @!p0 $0x1;
	_ =	shalt  }
.Lfunc_end2:
_tile_overlayer_lowered:
.L_overlay_start_2:
0x17c: {  	(tag) =	ssettag $0x2  }
0x17d: {  	s0 =	rddreg [dreg:$0x0];
	s2 =	stileid.u32  }
0x17e: {  	s1 =	rddreg [dreg:$0x1];
	p0 =	sne.s32 s2, $0x0  }
0x17f: {  	s3 =	rddreg [dreg:$0x2];
	[bflag:$0x3] =	sbarrier.arrive $0xFFFF;
	s2 =	simm.s32 @!p0 $0x1C03  }
0x180: {  	[timem:s3], [sflag:s2] =	dma.local @!p0 [hbm:s0], s1  }
0x181: {  	s0 =	simm.s32 @!p0 $0x3  }
0x182: {  	_ =	swait.ge @!p0 [sflag:s0], s1  }
0x183: {  	s1 =	ssub.s32 @!p0 $0x0, s1;
	[sflag:s0] =	ssyncset.done @!p0 $0x0  }
0x184: {  	[sflag:s0] =	ssyncadd.s32 @!p0 s1  }
0x185: {  	[bflag:$0x3] =	sbarrier.arrive $0xFFFF  }
0x186: {  	_ =	shalt  }

// kernel: kernel.26.cloned.1.call-start
scs
__scs_entry_jumppad:
0x0: {  	(pc) =	sbr.rel $0x88, $3  }
0x1: {  	(tag) =	ssettag $0x0;
	lr =	simm.s32 $0x1  }
0x2: {  	[smem:$0x3F74] =	sst lr;
	_ =	strace $0xD0000000  }
0x3: {  	_ = 	snop  }
0x4: {  	_ = 	snop  }
0x5: {  	_ = 	snop  }
0x6: {  	_ = 	snop  }
0x7: {  	_ = 	snop  }
__scs_overlays_trampoline_lowered:
0x8: {  	[smem:$0x3F83] =	sst s0  }
0x9: {  	[smem:$0x3F84] =	sst s1  }
0xa: {  	[smem:$0x3F85] =	sst s2  }
0xb: {  	[smem:$0x3F86] =	sst s3  }
0xc: {  	[smem:$0x3F87] =	sst s4  }
0xd: {  	[smem:$0x3F88] =	sst s5  }
0xe: {  	[smem:$0x3F89] =	sst s6  }
0xf: {  	[smem:$0x3F8A] =	sst s7  }
0x10: {  	[smem:$0x3F8B] =	sst s8  }
0x11: {  	[smem:$0x3F8C] =	sst s9;
	s0 =	simm.s32 @!p0 $0x0  }
0x12: {  	s1 =	sld [smem:$0x3F72];
	s0 =	simm.s32 @p0 $0x1  }
0x13: {  	[smem:$0x3F8D] =	sst s0;
	s0 =	simm.s32 @!p1 $0x0  }
0x14: {  	s2 =	sld [smem:$0x3F71];
	s0 =	simm.s32 @p1 $0x1  }
0x15: {  	[smem:$0x3F8E] =	sst s0;
	s0 =	simm.s32 @!p2 $0x0  }
0x16: {  	s3 =	sld [smem:$0x3FDB];
	s0 =	simm.s32 @p2 $0x1  }
0x17: {  	s4 =	simm.s32 $0x1BF5;
	[smem:$0x3F90] =	sst s0  }
0x18: {  	s0 =	sld [smem:$0x3F73];
	_ =	swait.ge [sflag:s4], $0x0  }
0x19: {  	s7 =	sld [smem:$0x3F74]  }
0x1a: {  	s8 =	sadd.s32 $0xFFFFE003, lr  }
0x1b: {  	s9 =	sadd.s32 $0xFFFFFEF7, lr;
	s5 =	simm.s32 $0xFFFFFFFF;
	p2 =	slt.u32 s8, $0xFFFFF086  }
0x1c: {  	p1 =	slt.u32 s9, $0xF7A;
	s5 =	simm.s32 @!p2 $0x0  }
0x1d: {  	s5 =	simm.s32 @p1 $0x1;
	p0 =	seq.s32 s7, s2  }
0x1e: {  	s7 =	smul.u32 @!p0 $0xF7A, s2;
	p2 =	seq.s32 @!p0 s5, $0x0  }
0x1f: {  	s9 =	smul.u32 $0xF7A, s1;
	s8 =	simm.s32 @!p0 $0x1BF5;
	p2 =	por !p2, p0  }
0x20: {  	[sflag:s8] =	ssyncset.s32 @!p0 $0xFFFFF086;
	s6 =	sadd.s32 @!p0 s3, s7;
	s7 =	simm.s32 @!p0 $0x108  }
0x21: {  	s3 =	sadd.s32 s3, s9;
	s6 =	sadd.s32 @!p0 $0x88, s6;
	s7 =	simm.s32 @p2 $0x1082  }
0x22: {  	[simem:s7], [sflag:s8] =	dma.local @!p0 [hbm:s6], $0xF7A  }
0x23: {  	s9 =	sor.u32 $0xD0000000, s2;
	s6 =	simm.s32 $0x108;
	_ =	swait.ge @!p0 [sflag:s8], $0x0  }
0x24: {  	s3 =	sadd.s32 $0x88, s3;
	s6 =	simm.s32 @!p1 $0x1082;
	[sflag:s4] =	ssyncset.s32 $0xFFFFF086  }
0x25: {  	[simem:s6], [sflag:s4] =	dma.local [hbm:s3], $0xF7A  }
0x26: {  	[smem:$0x3F74] =	sst s1;
	(tag) =	ssettag s2;
	_ =	strace s9  }
0x27: {  	s1 =	sld [smem:$0x3F84]  }
0x28: {  	s2 =	sld [smem:$0x3F85]  }
0x29: {  	s4 =	sld [smem:$0x3F87]  }
0x2a: {  	p0 =	seq.s32 s5, $0x0;
	s5 =	sld [smem:$0x3F88]  }
0x2b: {  	s6 =	sld [smem:$0x3F89]  }
0x2c: {  	s7 =	sld [smem:$0x3F8A]  }
0x2d: {  	s3 =	simm.s32 $0x108;
	s8 =	sld [smem:$0x3F8B]  }
0x2e: {  	s3 =	simm.s32 @!p0 $0x1082;
	s9 =	sld [smem:$0x3F8C]  }
0x2f: {  	lr =	sadd.s32 s0, s3;
	s0 =	sld [smem:$0x3F83]  }
0x30: {  	s3 =	sld [smem:$0x3F86]  }
0x31: {  	[smem:$0x3F8F] =	sst s10  }
0x32: {  	s10 =	sld [smem:$0x3F8D];
	_ =	sdelay $0x3  }
0x33: {  	p0 =	seq.s32 s10, $0x1;
	s10 =	sld [smem:$0x3F8F];
	_ =	sdelay $0x3  }
0x34: {  	[smem:$0x3F8F] =	sst s10  }
0x35: {  	s10 =	sld [smem:$0x3F8E];
	_ =	sdelay $0x3  }
0x36: {  	p1 =	seq.s32 s10, $0x1;
	s10 =	sld [smem:$0x3F8F];
	_ =	sdelay $0x3  }
0x37: {  	[smem:$0x3F8F] =	sst s10  }
0x38: {  	s10 =	sld [smem:$0x3F90]  }
0x39: {  	_ = 	snop;
	(pc) =	sbr.ind lr, $3  }
0x3a: {  	_ = 	snop  }
0x3b: {  	_ = 	snop  }
0x3c: {  	p2 =	seq.s32 s10, $0x1;
	s10 =	sld [smem:$0x3F8F]  }
0x3d: {  	_ =	shalt  }
0x3e: {  	_ =	shalt  }
0x3f: {  	_ =	shalt  }
0x40: {  	_ =	shalt  }
0x41: {  	_ =	shalt  }
0x42: {  	_ =	shalt  }
0x43: {  	_ =	shalt  }
0x44: {  	_ =	shalt  }
0x45: {  	_ =	shalt  }
0x46: {  	_ =	shalt  }
0x47: {  	_ =	shalt  }
0x48: {  	_ =	shalt  }
0x49: {  	_ =	shalt  }
0x4a: {  	_ =	shalt  }
0x4b: {  	_ =	shalt  }
0x4c: {  	_ =	shalt  }
0x4d: {  	_ =	shalt  }
0x4e: {  	_ =	shalt  }
0x4f: {  	_ =	shalt  }
0x50: {  	_ =	shalt  }
0x51: {  	_ =	shalt  }
0x52: {  	_ =	shalt  }
0x53: {  	_ =	shalt  }
0x54: {  	_ =	shalt  }
0x55: {  	_ =	shalt  }
0x56: {  	_ =	shalt  }
0x57: {  	_ =	shalt  }
0x58: {  	_ =	shalt  }
0x59: {  	_ =	shalt  }
0x5a: {  	_ =	shalt  }
0x5b: {  	_ =	shalt  }
0x5c: {  	_ =	shalt  }
0x5d: {  	_ =	shalt  }
0x5e: {  	_ =	shalt  }
0x5f: {  	_ =	shalt  }
0x60: {  	_ =	shalt  }
0x61: {  	_ =	shalt  }
0x62: {  	_ =	shalt  }
0x63: {  	_ =	shalt  }
0x64: {  	_ =	shalt  }
0x65: {  	_ =	shalt  }
0x66: {  	_ =	shalt  }
0x67: {  	_ =	shalt  }
0x68: {  	_ =	shalt  }
0x69: {  	_ =	shalt  }
0x6a: {  	_ =	shalt  }
0x6b: {  	_ =	shalt  }
0x6c: {  	_ =	shalt  }
0x6d: {  	_ =	shalt  }
0x6e: {  	_ =	shalt  }
0x6f: {  	_ =	shalt  }
0x70: {  	_ =	shalt  }
0x71: {  	_ =	shalt  }
0x72: {  	_ =	shalt  }
0x73: {  	_ =	shalt  }
0x74: {  	_ =	shalt  }
0x75: {  	_ =	shalt  }
0x76: {  	_ =	shalt  }
0x77: {  	_ =	shalt  }
0x78: {  	_ =	shalt  }
0x79: {  	_ =	shalt  }
0x7a: {  	_ =	shalt  }
0x7b: {  	_ =	shalt  }
0x7c: {  	_ =	shalt  }
0x7d: {  	_ =	shalt  }
0x7e: {  	_ =	shalt  }
0x7f: {  	_ =	shalt  }
0x80: {  	_ =	shalt  }
0x81: {  	_ =	shalt  }
0x82: {  	_ =	shalt  }
0x83: {  	_ =	shalt  }
0x84: {  	_ =	shalt  }
0x85: {  	_ =	shalt  }
0x86: {  	_ =	shalt  }
0x87: {  	_ =	shalt  }
.Lfunc_end0:
.L_simem_size_0:
called_computation.2_lowered:
.L_overlay_start_0:
0x88: {  	s2 =	sld [smem:$0x3FD9]  }
0x89: {  	s3 =	sld [smem:$0x3FFE];
	_ =	sdelay $0x1  }
0x8a: {  	s1 =	srdreg.scid  }
0x8b: {  	s0 =	sand.u32 $0x1, s1  }
0x8c: {  	s16 =	sshll.u32 s0, $0xA;
	s2 =	sadd.s32 s3, s2  }
0x8d: {  	s2 =	sadd.s32 s2, s16  }
0x8e: {  	[smem:$0x3F9B] =	sst s2  }
0x8f: {  	_ = 	snop  }
0x90: {  	(tm) =	ssettm $0x1  }
0x91: {  	s17 =	sld [smem:$0x3FFB];
	_ =	sdelay $0x3  }
0x92: {  	_ =	strace s17  }
0x93: {  	s2 =	sld [smem:$0x3FFC];
	_ =	sdelay $0x3  }
0x94: {  	_ =	strace s2  }
0x95: {  	s2 =	sld [smem:$0x3FFD];
	_ =	sdelay $0x3  }
0x96: {  	_ =	strace s2  }
0x97: {  	_ =	strace $0x8FFFFFFF  }
0x98: {  	s18 =	sld [smem:$0x3FDB];
	_ =	sdelay $0x1  }
0x99: {  	s19 =	simm.s32 $_scs_section_size  }
0x9a: {  	s4 =	simm.s32 $_size__tile_overlayer_lowered;
	s5 =	simm.s32 $_tile_overlayer_lowered  }
0x9b: {  	s22 =	simm.s32 $0x1BFF;
	s21 =	sshll.u32 s5, $0x1;
	s2 =	sadd.s32 s19, s18  }
0x9c: {  	s6 =	simm.s32 $0x0;
	s20 =	sshll.u32 s4, $0x1;
	s4 =	sadd.s32 s21, s2  }
0x9d: {  	[timem:s6], [sflag:s22] =	dma.local [hbm:s4], s20  }
0x9e: {  	_ =	swait.ge [sflag:s22], s20  }
0x9f: {  	s3 =	ssub.s32 $0x0, s20;
	[sflag:s22] =	ssyncset.done $0x0  }
0xa0: {  	[sflag:s22] =	ssyncadd.s32 s3;
	_ =	sdelay $0x1  }
0xa1: {  	s23 =	simm.s32 $0x1B8B  }
0xa2: {  	_ =	swait.ge [sflag:s23], $0x1  }
0xa3: {  	[sflag:s23] =	ssyncset.done $0x0  }
0xa4: {  	s25 =	simm.s32 $0x1B8E;
	s24 =	sld [smem:$0x3FFE];
	[sflag:s23] =	ssyncadd.s32 $0xFFFFFFFF  }
0xa5: {  	s26 =	simm.s32 $execute0_lowered;
	[smem:$0x3FD2] =	sst s25  }
0xa6: {  	s4 =	sshll.u32 s26, $0x1;
	_ =	strace $0x8000004C;
	[dreg:$0x1] =	wrdreg $0xFFFFFFFF  }
0xa7: {  	s28 =	simm.s32 $_size_execute0_lowered;
	s2 =	sadd.s32 s2, s4;
	[dreg:$0x0] =	wrdreg $0x0  }
0xa8: {  	s4 =	sshll.u32 s28, $0x1;
	[dreg:$0x2] =	wrdreg s2  }
0xa9: {  	[dreg:$0x3] =	wrdreg s4  }
0xaa: {  	[dreg:$0x4] =	wrdreg $0xC0  }
0xab: {  	_ =	task [dreg:s6], $0x5FFFF  }
0xac: {  	[dreg:$0x1] =	wrdreg $0xFFFFFFFF  }
0xad: {  	[dreg:$0x0] =	wrdreg $0x60  }
0xae: {  	[dreg:$0x2] =	wrdreg s24  }
0xaf: {  	[dreg:$0x3] =	wrdreg $0x9  }
0xb0: {  	_ =	task.clear_ibuf [dreg:s6], $0x4FFFF;
	_ =	strace $0x9000004C  }
0xb1: {  	s29 =	simm.s32 $0x9;
	_ =	strace $0x8000004E  }
0xb2: {  	_ =	swait.ge [sflag:s29], $0x1  }
0xb3: {  	[sflag:s29] =	ssyncadd.s32 $0xFFFFFFFF  }
0xb4: {  	_ =	strace $0x9000004E  }
0xb5: {  	_ =	sfence  }
0xb6: {  	s30 =	sld [smem:$0x0];
	_ =	sdelay $0x2  }
0xb7: {  	s31 =	sshll.u32 s1, $0xD;
	s1 =	sshrl.u32 s1, $0x2  }
0xb8: {  	s3 =	sand.u32 $0x4000, s31;
	s1 =	sadd.s32 s1, s30  }
0xb9: {  	s0 =	sor.u32 s3, s0;
	s1 =	sshll.u32 s1, $0x11  }
0xba: {  	s0 =	sor.u32 s1, s0  }
0xbb: {  	s0 =	sadd.s32 $0x8F2B, s0  }
0xbc: {  	[sflag:s0] =	ssyncadd.remote.s32 $0x1  }
0xbd: {  	_ =	sfence.sel $0xFFFF  }
0xbe: {  	[dreg:$0x0] =	wrdreg $0xFFFFFFFF;
	(pc) =	sbr.abs _section_cstart, $3  }
0xbf: {  	[dreg:$0x1] =	wrdreg $0xFFFFFFFF  }
0xc0: {  	_ =	task.clear_ibuf [dreg:s6], $0x2FFFF;
	_ =	strace $0x9FFFFFFF  }
0xc1: {  	(tm) =	ssettm $0x7FFFFFFF  }
tec
execute0_lowered:
.L_overlay_start_1:
0x0: {  	(tag) =	ssettag $0x1  }
0x1: {  	s5 =	rddreg [dreg:$0x0]  }
0x2: {  	s2 =	srdreg.scid;
	s1 =	stileid.u32;
	s9 =	simm.s32 $0x5  }
0x3: {  	s10 =	simm.s32 $0x6;
	s15 =	simm.s32 $0x0;
	s6 =	sand.u32 $0x1, s2  }
0x4: {  	s3 =	smul.u32 $0x9C, s1;
	s2 =	simm.s32 $0x0;
	s4 =	sshll.u32 s1, $0x1  }
0x5: {  	p0 =	slt.u32 s1, $0x2;
	s7 =	smul.u32 $0x4E, s6;
	[smem:$0x7FF] =	sst s2  }
0x6: {  	s4 =	sor.u32 s6, s4;
	s6 =	ssub.s32 $0x2, s6;
	s9 =	simm.s32 @!p0 $0x3  }
0x7: {  	s10 =	simm.s32 @!p0 $0x4;
	_ =	strace $0x8000004D;
	s8 =	smin.u32 s4, $0x4  }
0x8: {  	s4 =	sadd.s32 $0xFDC200, s5;
	s31 =	sshrl.u32 s6, $0x1;
	s7 =	sadd.s32 s7, s3  }
0x9: {  	s3 =	sadd.s32 $0xFB5000, s5;
	s6 =	ssub.s32 s6, s31;
	s7 =	sadd.s32 s8, s7  }
0xa: {  	s6 =	smax.u32 s6, $0x1;
	s8 =	sshll.u32 s7, $0x4;
	s7 =	sshll.u32 s7, $0xB  }
0xb: {  	s14 =	sadd.s32 s8, s5;
	s12 =	sadd.s32 s7, s5;
	s5 =	simm.s32 $0x4F  }
0xc: {  	s7 =	simm.s32 $0x3;
	s8 =	simm.s32 $0x4;
	s5 =	simm.s32 @!p0 $0x4E  }
0xd: {  	s7 =	simm.s32 @!p0 $0x5;
	s8 =	simm.s32 @!p0 $0x6;
	s11 =	sadd.s32 $0x503E00, s12  }
0xe: {  	s12 =	sadd.s32 $0x21E00, s12;
	s13 =	sadd.s32 $0xE200, s14;
	s14 =	sadd.s32 $0x18000, s14  }
.LBB2_1:
0xf: {  	p0 =	sle.u32 s5, $0x0;
	s16 =	sand.u32 $0x1, s2  }
0x10: {  	p2 =	sne.s32 @!p0 s16, $0x0  }
0x11: {  	p1 =	por p2, p0  }
0x12: {  	p3 =	por @!p1 $0x1, $0x1  }
0x13: {  	p2 =	por @!p0 p3, p2  }
0x14: {  	p2 =	por p2, p0  }
0x15: {  	s17 =	simm.s32 @!p2 $0x3  }
0x16: {  	_ =	swait.ge @!p2 [sflag:s17], $0x4000  }
0x17: {  	[sflag:s17] =	ssyncset.done @!p2 $0x0  }
0x18: {  	s18 =	simm.s32 @!p2 $0x4;
	[sflag:s17] =	ssyncadd.s32 @!p2 $0xFFFFC000  }
0x19: {  	_ =	swait.ge @!p2 [sflag:s18], $0x4000  }
0x1a: {  	[sflag:s18] =	ssyncset.done @!p2 $0x0  }
0x1b: {  	s17 =	simm.s32 @!p1 $0x0;
	[sflag:s18] =	ssyncadd.s32 @!p2 $0xFFFFC000  }
0x1c: {  	[tilespmem:s17], [sflag:$0x1] =	stream.linear.gather @!p1 [hbm4b:s13+s17], $0x80, $0x38;
	[tilespmem:$0x10100] =	vst v63  }
0x1d: {  	s19 =	simm.s32 @!p1 $0x1;
	s18 =	simm.s32 @!p1 $0x80  }
0x1e: {  	[tilespmem:s18], [sflag:$0x2] =	stream.linear.gather @!p1 [hbm4b:s14+s17], $0x80, $0x38;
	[tilespmem:$0x10100] =	vst v63  }
0x1f: {  	_ =	swait.ge @!p1 [sflag:s19], $0x80  }
0x20: {  	[sflag:s19] =	ssyncset.done @!p1 $0x0  }
0x21: {  	s20 =	simm.s32 @!p1 $0x2;
	[sflag:s19] =	ssyncadd.s32 @!p1 $0xFFFFFF80  }
0x22: {  	_ =	swait.ge @!p1 [sflag:s20], $0x80  }
0x23: {  	[sflag:s20] =	ssyncset.done @!p1 $0x0  }
0x24: {  	s21 =	simm.s32 @!p1 $0x100;
	[sflag:s20] =	ssyncadd.s32 @!p1 $0xFFFFFF80  }
0x25: {  	[tilespmem:s21], [sflag:$0x1] =	stream.indirect.gather @!p1 [hbm4b:s3+s18], $0x80, s17, s18, $0xb8;
	[tilespmem:$0x10100] =	vst v63  }
0x26: {  	s22 =	simm.s32 @!p1 $0x4100  }
0x27: {  	[tilespmem:s22], [sflag:$0x2] =	stream.indirect.gather @!p1 [hbm4b:s4+s18], $0x80, s18, s18, $0xb8;
	[tilespmem:$0x10100] =	vst v63  }
0x28: {  	_ =	swait.ge @!p1 [sflag:s19], $0x4000  }
0x29: {  	p3 =	seq.s32 s16, $0x1;
	[sflag:s19] =	ssyncset.done @!p1 $0x0  }
0x2a: {  	p2 =	por !p3, p0;
	[sflag:s19] =	ssyncadd.s32 @!p1 $0xFFFFC000  }
0x2b: {  	p4 =	por @!p2 $0x1, $0x1;
	_ =	swait.ge @!p1 [sflag:s20], $0x4000  }
0x2c: {  	p3 =	por @!p0 p4, !p3;
	[sflag:s20] =	ssyncset.done @!p1 $0x0  }
0x2d: {  	p0 =	por p3, p0;
	[sflag:s20] =	ssyncadd.s32 @!p1 $0xFFFFC000  }
0x2e: {  	[hbm4b:s11+s17] =	stream.linear.scatter @!p1 [tilespmem:s21], [sflag:$0x3], $0x4000, $0x38;
	[tilespmem:$0x10100] =	vst v63  }
0x2f: {  	s16 =	simm.s32 @!p0 $0x5  }
0x30: {  	[hbm4b:s12+s17] =	stream.linear.scatter @!p1 [tilespmem:s22], [sflag:$0x4], $0x4000, $0x38;
	[tilespmem:$0x10100] =	vst v63  }
0x31: {  	_ =	swait.ge @!p0 [sflag:s16], $0x4000  }
0x32: {  	[sflag:s16] =	ssyncset.done @!p0 $0x0  }
0x33: {  	[sflag:s16] =	ssyncadd.s32 @!p0 $0xFFFFC000;
	s16 =	simm.s32 @!p0 $0x6  }
0x34: {  	_ =	swait.ge @!p0 [sflag:s16], $0x4000  }
0x35: {  	s23 =	smov.u32 s12;
	[sflag:s16] =	ssyncset.done @!p0 $0x0  }
0x36: {  	s25 =	simm.s32 @!p2 $0x0;
	s29 =	simm.s32 @!p2 $0x80;
	[sflag:s16] =	ssyncadd.s32 @!p0 $0xFFFFC000  }
0x37: {  	[tilespmem:s25], [sflag:$0x1] =	stream.linear.gather @!p2 [hbm4b:s13+s25], $0x80, $0x38;
	[tilespmem:$0x10100] =	vst v63  }
0x38: {  	s28 =	simm.s32 @!p2 $0x1;
	s30 =	simm.s32 @!p2 $0x2;
	s31 =	simm.s32 @!p2 $0x8100  }
0x39: {  	[tilespmem:s29], [sflag:$0x2] =	stream.linear.gather @!p2 [hbm4b:s14+s25], $0x80, $0x38;
	[tilespmem:$0x10100] =	vst v63  }
0x3a: {  	s18 =	sadd.s32 $0x10, s14;
	s19 =	sadd.s32 $0x10, s13;
	_ =	swait.ge @!p2 [sflag:s28], $0x80  }
0x3b: {  	s20 =	simm.s32 $0x1;
	s21 =	simm.s32 $0x2;
	[sflag:s28] =	ssyncset.done @!p2 $0x0  }
0x3c: {  	s24 =	sand.u32 $0x1, s20;
	p0 =	sle.u32 s5, $0x1;
	[sflag:s28] =	ssyncadd.s32 @!p2 $0xFFFFFF80  }
0x3d: {  	s17 =	sadd.s32 $0x800, s11;
	p4 =	sne.s32 @!p0 s24, $0x0;
	_ =	swait.ge @!p2 [sflag:s30], $0x80  }
0x3e: {  	s22 =	smov.u32 s11;
	p1 =	por p4, p0;
	[sflag:s30] =	ssyncset.done @!p2 $0x0  }
0x3f: {  	s16 =	sadd.s32 $0x800, s12;
	p5 =	por @!p1 $0x1, $0x1;
	[sflag:s30] =	ssyncadd.s32 @!p2 $0xFFFFFF80  }
.LBB2_2:
0x40: {  	[tilespmem:s31], [sflag:$0x1] =	stream.indirect.gather @!p2 [hbm4b:s3+s29], $0x80, s25, s29, $0xb8;
	[tilespmem:$0x10100] =	vst v63  }
0x41: {  	s0 =	simm.s32 @!p2 $0xC100;
	s26 =	smov.u32 s21;
	s21 =	sadd.s32 $0x1, s21  }
0x42: {  	[tilespmem:s0], [sflag:$0x2] =	stream.indirect.gather @!p2 [hbm4b:s4+s29], $0x80, s29, s29, $0xb8;
	[tilespmem:$0x10100] =	vst v63  }
0x43: {  	p3 =	sne.s32 s21, $0x4F;
	_ =	swait.ge @!p2 [sflag:s28], $0x4000  }
0x44: {  	[sflag:s28] =	ssyncset.done @!p2 $0x0  }
0x45: {  	[sflag:s28] =	ssyncadd.s32 @!p2 $0xFFFFC000  }
0x46: {  	p4 =	por @!p0 p5, p4;
	_ =	swait.ge @!p2 [sflag:s30], $0x4000  }
0x47: {  	p4 =	por p4, p0;
	[sflag:s30] =	ssyncset.done @!p2 $0x0  }
0x48: {  	[sflag:s30] =	ssyncadd.s32 @!p2 $0xFFFFC000  }
0x49: {  	[hbm4b:s22+s25] =	stream.linear.scatter @!p2 [tilespmem:s31], [sflag:$0x5], $0x4000, $0x38;
	[tilespmem:$0x10100] =	vst v63  }
0x4a: {  	s28 =	simm.s32 @!p4 $0x3;
	s22 =	smov.u32 s17  }
0x4b: {  	[hbm4b:s23+s25] =	stream.linear.scatter @!p2 [tilespmem:s0], [sflag:$0x6], $0x4000, $0x38;
	[tilespmem:$0x10100] =	vst v63  }
0x4c: {  	s0 =	simm.s32 @!p4 $0x4;
	s23 =	smov.u32 s16;
	_ =	swait.ge @!p4 [sflag:s28], $0x4000  }
0x4d: {  	[sflag:s28] =	ssyncset.done @!p4 $0x0  }
0x4e: {  	[sflag:s28] =	ssyncadd.s32 @!p4 $0xFFFFC000  }
0x4f: {  	_ =	swait.ge @!p4 [sflag:s0], $0x4000  }
0x50: {  	[sflag:s0] =	ssyncset.done @!p4 $0x0  }
0x51: {  	[sflag:s0] =	ssyncadd.s32 @!p4 $0xFFFFC000;
	s0 =	simm.s32 @!p1 $0x0  }
0x52: {  	[tilespmem:s0], [sflag:$0x1] =	stream.linear.gather @!p1 [hbm4b:s19+s0], $0x80, $0x38;
	[tilespmem:$0x10100] =	vst v63  }
0x53: {  	s25 =	simm.s32 @!p1 $0x80;
	s28 =	simm.s32 @!p1 $0x1  }
0x54: {  	[tilespmem:s25], [sflag:$0x2] =	stream.linear.gather @!p1 [hbm4b:s18+s0], $0x80, $0x38;
	[tilespmem:$0x10100] =	vst v63  }
0x55: {  	s29 =	simm.s32 @!p1 $0x2;
	_ =	swait.ge @!p1 [sflag:s28], $0x80  }
0x56: {  	[sflag:s28] =	ssyncset.done @!p1 $0x0  }
0x57: {  	[sflag:s28] =	ssyncadd.s32 @!p1 $0xFFFFFF80  }
0x58: {  	s30 =	simm.s32 @!p1 $0x100;
	_ =	swait.ge @!p1 [sflag:s29], $0x80  }
0x59: {  	[sflag:s29] =	ssyncset.done @!p1 $0x0  }
0x5a: {  	p4 =	seq.s32 s24, $0x1;
	[sflag:s29] =	ssyncadd.s32 @!p1 $0xFFFFFF80  }
0x5b: {  	[tilespmem:s30], [sflag:$0x1] =	stream.indirect.gather @!p1 [hbm4b:s3+s25], $0x80, s0, s25, $0xb8;
	[tilespmem:$0x10100] =	vst v63  }
0x5c: {  	s24 =	simm.s32 @!p1 $0x4100;
	p2 =	por !p4, p0  }
0x5d: {  	[tilespmem:s24], [sflag:$0x2] =	stream.indirect.gather @!p1 [hbm4b:s4+s25], $0x80, s25, s25, $0xb8;
	[tilespmem:$0x10100] =	vst v63  }
0x5e: {  	p5 =	slt.u32 @!p2 s20, $0x2;
	s20 =	smov.u32 s26;
	_ =	swait.ge @!p1 [sflag:s28], $0x4000  }
0x5f: {  	p4 =	por @!p0 p5, !p4;
	[sflag:s28] =	ssyncset.done @!p1 $0x0  }
0x60: {  	[sflag:s28] =	ssyncadd.s32 @!p1 $0xFFFFC000  }
0x61: {  	_ =	swait.ge @!p1 [sflag:s29], $0x4000  }
0x62: {  	[sflag:s29] =	ssyncset.done @!p1 $0x0  }
0x63: {  	[sflag:s29] =	ssyncadd.s32 @!p1 $0xFFFFC000  }
0x64: {  	[hbm4b:s17+s0] =	stream.linear.scatter @!p1 [tilespmem:s30], [sflag:$0x3], $0x4000, $0x38;
	[tilespmem:$0x10100] =	vst v63  }
0x65: {  	p0 =	por p4, p0  }
0x66: {  	[hbm4b:s16+s0] =	stream.linear.scatter @!p1 [tilespmem:s24], [sflag:$0x4], $0x4000, $0x38;
	[tilespmem:$0x10100] =	vst v63  }
0x67: {  	s0 =	simm.s32 @!p0 $0x5  }
0x68: {  	_ =	swait.ge @!p0 [sflag:s0], $0x4000  }
0x69: {  	[sflag:s0] =	ssyncset.done @!p0 $0x0  }
0x6a: {  	[sflag:s0] =	ssyncadd.s32 @!p0 $0xFFFFC000;
	s0 =	simm.s32 @!p0 $0x6  }
0x6b: {  	_ =	swait.ge @!p0 [sflag:s0], $0x4000  }
0x6c: {  	[sflag:s0] =	ssyncset.done @!p0 $0x0  }
0x6d: {  	s25 =	simm.s32 @!p2 $0x0;
	[sflag:s0] =	ssyncadd.s32 @!p0 $0xFFFFC000  }
0x6e: {  	[tilespmem:s25], [sflag:$0x1] =	stream.linear.gather @!p2 [hbm4b:s19+s25], $0x80, $0x38;
	[tilespmem:$0x10100] =	vst v63  }
0x6f: {  	s28 =	simm.s32 @!p2 $0x1;
	s29 =	simm.s32 @!p2 $0x80  }
0x70: {  	[tilespmem:s29], [sflag:$0x2] =	stream.linear.gather @!p2 [hbm4b:s18+s25], $0x80, $0x38;
	[tilespmem:$0x10100] =	vst v63  }
0x71: {  	s24 =	sand.u32 $0x1, s20;
	s18 =	sadd.s32 $0x10, s18;
	_ =	swait.ge @!p2 [sflag:s28], $0x80  }
.Ltmp0:
0x72: {  	p0 =	sge.u32 s20, s5;
	[sflag:s28] =	ssyncset.done @!p2 $0x0;
	(pc) =	sbr.rel @p3 .LBB2_2-.Ltmp0, $4  }
0x73: {  	s30 =	simm.s32 @!p2 $0x2;
	p4 =	sne.s32 @!p0 s24, $0x0;
	[sflag:s28] =	ssyncadd.s32 @!p2 $0xFFFFFF80  }
0x74: {  	s16 =	sadd.s32 $0x800, s16;
	s19 =	sadd.s32 $0x10, s19;
	_ =	swait.ge @!p2 [sflag:s30], $0x80  }
0x75: {  	s17 =	sadd.s32 $0x800, s17;
	p1 =	por p4, p0;
	[sflag:s30] =	ssyncset.done @!p2 $0x0  }
0x76: {  	s31 =	simm.s32 @!p2 $0x8100;
	p5 =	slt.u32 @!p1 s20, $0x2;
	[sflag:s30] =	ssyncadd.s32 @!p2 $0xFFFFFF80  }
0x77: {  	[tilespmem:s31], [sflag:$0x1] =	stream.indirect.gather @!p2 [hbm4b:s3+s29], $0x80, s25, s29, $0xb8;
	[tilespmem:$0x10100] =	vst v63  }
0x78: {  	s0 =	simm.s32 @!p2 $0xC100  }
0x79: {  	[tilespmem:s0], [sflag:$0x2] =	stream.indirect.gather @!p2 [hbm4b:s4+s29], $0x80, s29, s29, $0xb8;
	[tilespmem:$0x10100] =	vst v63  }
0x7a: {  	_ =	swait.ge @!p2 [sflag:s28], $0x4000  }
0x7b: {  	[sflag:s28] =	ssyncset.done @!p2 $0x0  }
0x7c: {  	[sflag:s28] =	ssyncadd.s32 @!p2 $0xFFFFC000  }
0x7d: {  	_ =	swait.ge @!p2 [sflag:s30], $0x4000  }
0x7e: {  	p3 =	por @!p0 p5, p4;
	[sflag:s30] =	ssyncset.done @!p2 $0x0  }
0x7f: {  	p3 =	por p3, p0;
	[sflag:s30] =	ssyncadd.s32 @!p2 $0xFFFFC000  }
0x80: {  	[hbm4b:s22+s25] =	stream.linear.scatter @!p2 [tilespmem:s31], [sflag:$0x5], $0x4000, $0x38;
	[tilespmem:$0x10100] =	vst v63  }
0x81: {  	s21 =	simm.s32 @!p3 $0x3  }
0x82: {  	[hbm4b:s23+s25] =	stream.linear.scatter @!p2 [tilespmem:s0], [sflag:$0x6], $0x4000, $0x38;
	[tilespmem:$0x10100] =	vst v63  }
0x83: {  	_ =	swait.ge @!p3 [sflag:s21], $0x4000  }
0x84: {  	[sflag:s21] =	ssyncset.done @!p3 $0x0  }
0x85: {  	s0 =	simm.s32 @!p3 $0x4;
	[sflag:s21] =	ssyncadd.s32 @!p3 $0xFFFFC000  }
0x86: {  	_ =	swait.ge @!p3 [sflag:s0], $0x4000  }
0x87: {  	[sflag:s0] =	ssyncset.done @!p3 $0x0  }
0x88: {  	[sflag:s0] =	ssyncadd.s32 @!p3 $0xFFFFC000;
	s0 =	simm.s32 @!p1 $0x0  }
0x89: {  	[tilespmem:s0], [sflag:$0x1] =	stream.linear.gather @!p1 [hbm4b:s19+s0], $0x80, $0x38;
	[tilespmem:$0x10100] =	vst v63  }
0x8a: {  	s22 =	simm.s32 @!p1 $0x1;
	s21 =	simm.s32 @!p1 $0x80  }
0x8b: {  	[tilespmem:s21], [sflag:$0x2] =	stream.linear.gather @!p1 [hbm4b:s18+s0], $0x80, $0x38;
	[tilespmem:$0x10100] =	vst v63  }
0x8c: {  	_ =	swait.ge @!p1 [sflag:s22], $0x80  }
0x8d: {  	[sflag:s22] =	ssyncset.done @!p1 $0x0  }
0x8e: {  	s23 =	simm.s32 @!p1 $0x2;
	[sflag:s22] =	ssyncadd.s32 @!p1 $0xFFFFFF80  }
0x8f: {  	_ =	swait.ge @!p1 [sflag:s23], $0x80  }
0x90: {  	[sflag:s23] =	ssyncset.done @!p1 $0x0  }
0x91: {  	s25 =	simm.s32 @!p1 $0x100;
	[sflag:s23] =	ssyncadd.s32 @!p1 $0xFFFFFF80  }
0x92: {  	[tilespmem:s25], [sflag:$0x1] =	stream.indirect.gather @!p1 [hbm4b:s3+s21], $0x80, s0, s21, $0xb8;
	[tilespmem:$0x10100] =	vst v63  }
0x93: {  	s26 =	simm.s32 @!p1 $0x4100  }
0x94: {  	[tilespmem:s26], [sflag:$0x2] =	stream.indirect.gather @!p1 [hbm4b:s4+s21], $0x80, s21, s21, $0xb8;
	[tilespmem:$0x10100] =	vst v63  }
0x95: {  	_ =	swait.ge @!p1 [sflag:s22], $0x4000  }
0x96: {  	[sflag:s22] =	ssyncset.done @!p1 $0x0  }
0x97: {  	p3 =	seq.s32 s24, $0x1;
	[sflag:s22] =	ssyncadd.s32 @!p1 $0xFFFFC000  }
0x98: {  	p2 =	por !p3, p0;
	_ =	swait.ge @!p1 [sflag:s23], $0x4000  }
0x99: {  	p4 =	slt.u32 @!p2 s20, $0x2;
	[sflag:s23] =	ssyncset.done @!p1 $0x0  }
0x9a: {  	p3 =	por @!p0 p4, !p3;
	[sflag:s23] =	ssyncadd.s32 @!p1 $0xFFFFC000  }
0x9b: {  	[hbm4b:s17+s0] =	stream.linear.scatter @!p1 [tilespmem:s25], [sflag:$0x3], $0x4000, $0x38;
	[tilespmem:$0x10100] =	vst v63  }
0x9c: {  	p0 =	por p3, p0  }
0x9d: {  	[hbm4b:s16+s0] =	stream.linear.scatter @!p1 [tilespmem:s26], [sflag:$0x4], $0x4000, $0x38;
	[tilespmem:$0x10100] =	vst v63  }
0x9e: {  	s0 =	simm.s32 @!p0 $0x5  }
0x9f: {  	_ =	swait.ge @!p0 [sflag:s0], $0x4000  }
0xa0: {  	[sflag:s0] =	ssyncset.done @!p0 $0x0  }
0xa1: {  	[sflag:s0] =	ssyncadd.s32 @!p0 $0xFFFFC000;
	s0 =	simm.s32 @!p0 $0x6  }
0xa2: {  	_ =	swait.ge @!p0 [sflag:s0], $0x4000  }
0xa3: {  	[sflag:s0] =	ssyncset.done @!p0 $0x0  }
0xa4: {  	[sflag:s0] =	ssyncadd.s32 @!p0 $0xFFFFC000;
	s0 =	simm.s32 @!p2 $0x0  }
0xa5: {  	[tilespmem:s0], [sflag:$0x1] =	stream.linear.gather @!p2 [hbm4b:s19+s0], $0x80, $0x38;
	[tilespmem:$0x10100] =	vst v63  }
0xa6: {  	s20 =	simm.s32 @!p2 $0x1;
	s19 =	simm.s32 @!p2 $0x80  }
0xa7: {  	[tilespmem:s19], [sflag:$0x2] =	stream.linear.gather @!p2 [hbm4b:s18+s0], $0x80, $0x38;
	[tilespmem:$0x10100] =	vst v63  }
0xa8: {  	_ =	swait.ge @!p2 [sflag:s20], $0x80  }
0xa9: {  	[sflag:s20] =	ssyncset.done @!p2 $0x0  }
0xaa: {  	s18 =	simm.s32 @!p2 $0x2;
	[sflag:s20] =	ssyncadd.s32 @!p2 $0xFFFFFF80  }
0xab: {  	_ =	swait.ge @!p2 [sflag:s18], $0x80  }
0xac: {  	[sflag:s18] =	ssyncset.done @!p2 $0x0  }
0xad: {  	s21 =	simm.s32 @!p2 $0x8100;
	[sflag:s18] =	ssyncadd.s32 @!p2 $0xFFFFFF80  }
0xae: {  	[tilespmem:s21], [sflag:$0x1] =	stream.indirect.gather @!p2 [hbm4b:s3+s19], $0x80, s0, s19, $0xb8;
	[tilespmem:$0x10100] =	vst v63  }
0xaf: {  	s22 =	simm.s32 @!p2 $0xC100  }
0xb0: {  	[tilespmem:s22], [sflag:$0x2] =	stream.indirect.gather @!p2 [hbm4b:s4+s19], $0x80, s19, s19, $0xb8;
	[tilespmem:$0x10100] =	vst v63  }
0xb1: {  	_ =	swait.ge @!p2 [sflag:s20], $0x4000  }
0xb2: {  	[sflag:s20] =	ssyncset.done @!p2 $0x0  }
0xb3: {  	[sflag:s20] =	ssyncadd.s32 @!p2 $0xFFFFC000  }
0xb4: {  	_ =	swait.ge @!p2 [sflag:s18], $0x4000  }
0xb5: {  	[sflag:s18] =	ssyncset.done @!p2 $0x0  }
0xb6: {  	[sflag:s18] =	ssyncadd.s32 @!p2 $0xFFFFC000  }
0xb7: {  	[hbm4b:s17+s0] =	stream.linear.scatter @!p2 [tilespmem:s21], [sflag:$0x5], $0x4000, $0x38;
	[tilespmem:$0x10100] =	vst v63  }
0xb8: {  	_ = 	snop  }
0xb9: {  	[hbm4b:s16+s0] =	stream.linear.scatter @!p2 [tilespmem:s22], [sflag:$0x6], $0x4000, $0x38;
	[tilespmem:$0x10100] =	vst v63  }
0xba: {  	_ =	swait.ge [sflag:s7], $0x4000  }
0xbb: {  	[sflag:s7] =	ssyncset.done $0x0  }
0xbc: {  	[sflag:s7] =	ssyncadd.s32 $0xFFFFC000  }
0xbd: {  	_ =	swait.ge [sflag:s8], $0x4000  }
0xbe: {  	[sflag:s8] =	ssyncset.done $0x0  }
0xbf: {  	s15 =	sadd.s32 $0x1, s15;
	[sflag:s8] =	ssyncadd.s32 $0xFFFFC000  }
0xc0: {  	p0 =	sne.s32 s15, s6;
	_ =	swait.ge [sflag:s9], $0x4000  }
.Ltmp1:
0xc1: {  	[sflag:s9] =	ssyncset.done $0x0;
	(pc) =	sbr.rel @p0 .LBB2_1-.Ltmp1, $4  }
0xc2: {  	[sflag:s9] =	ssyncadd.s32 $0xFFFFC000  }
0xc3: {  	_ =	swait.ge [sflag:s10], $0x4000  }
0xc4: {  	[sflag:s10] =	ssyncset.done $0x0  }
0xc5: {  	[sflag:s10] =	ssyncadd.s32 $0xFFFFC000  }
0xc6: {  	_ =	sfence.sel $0x180000  }
0xc7: {  	[bflag:$0x0] =	sbarrier.arrive $0xFFFF  }
0xc8: {  	_ =	strace $0x9000004D  }
0xc9: {  	[bflag:$0x2] =	sbarrier.arrive $0xFFFF  }
0xca: {  	p0 =	sne.s32 s1, $0x0;
	s0 =	rddreg [dreg:$0x1]  }
0xcb: {  	s0 =	sadd.s32 @!p0 $0x100000, s0  }
0xcc: {  	[sflag:s0] =	ssyncadd.tile.s32 @!p0 $0x1;
	_ =	shalt  }
.Lfunc_end2:
_tile_overlayer_lowered:
.L_overlay_start_2:
0xcd: {  	(tag) =	ssettag $0x2  }
0xce: {  	s0 =	rddreg [dreg:$0x0];
	s2 =	stileid.u32  }
0xcf: {  	s1 =	rddreg [dreg:$0x1];
	p0 =	sne.s32 s2, $0x0  }
0xd0: {  	s3 =	rddreg [dreg:$0x2];
	[bflag:$0x3] =	sbarrier.arrive $0xFFFF;
	s2 =	simm.s32 @!p0 $0x1C07  }
0xd1: {  	[timem:s3], [sflag:s2] =	dma.local @!p0 [hbm:s0], s1  }
0xd2: {  	s0 =	simm.s32 @!p0 $0x7  }
0xd3: {  	_ =	swait.ge @!p0 [sflag:s0], s1  }
0xd4: {  	s1 =	ssub.s32 @!p0 $0x0, s1;
	[sflag:s0] =	ssyncset.done @!p0 $0x0  }
0xd5: {  	[sflag:s0] =	ssyncadd.s32 @!p0 s1  }
0xd6: {  	[bflag:$0x3] =	sbarrier.arrive $0xFFFF  }
0xd7: {  	_ =	shalt  }

// kernel: kernel.29.cloned.1.call-start
scs
__scs_entry_jumppad:
0x0: {  	(pc) =	sbr.rel $0x88, $3  }
0x1: {  	(tag) =	ssettag $0x0;
	lr =	simm.s32 $0x1  }
0x2: {  	[smem:$0x3F74] =	sst lr;
	_ =	strace $0xD0000000  }
0x3: {  	_ = 	snop  }
0x4: {  	_ = 	snop  }
0x5: {  	_ = 	snop  }
0x6: {  	_ = 	snop  }
0x7: {  	_ = 	snop  }
__scs_overlays_trampoline_lowered:
0x8: {  	[smem:$0x3F83] =	sst s0  }
0x9: {  	[smem:$0x3F84] =	sst s1  }
0xa: {  	[smem:$0x3F85] =	sst s2  }
0xb: {  	[smem:$0x3F86] =	sst s3  }
0xc: {  	[smem:$0x3F87] =	sst s4  }
0xd: {  	[smem:$0x3F88] =	sst s5  }
0xe: {  	[smem:$0x3F89] =	sst s6  }
0xf: {  	[smem:$0x3F8A] =	sst s7  }
0x10: {  	[smem:$0x3F8B] =	sst s8  }
0x11: {  	[smem:$0x3F8C] =	sst s9;
	s0 =	simm.s32 @!p0 $0x0  }
0x12: {  	s1 =	sld [smem:$0x3F72];
	s0 =	simm.s32 @p0 $0x1  }
0x13: {  	[smem:$0x3F8D] =	sst s0;
	s0 =	simm.s32 @!p1 $0x0  }
0x14: {  	s2 =	sld [smem:$0x3F71];
	s0 =	simm.s32 @p1 $0x1  }
0x15: {  	[smem:$0x3F8E] =	sst s0;
	s0 =	simm.s32 @!p2 $0x0  }
0x16: {  	s3 =	sld [smem:$0x3FDB];
	s0 =	simm.s32 @p2 $0x1  }
0x17: {  	s4 =	simm.s32 $0x1BF5;
	[smem:$0x3F90] =	sst s0  }
0x18: {  	s0 =	sld [smem:$0x3F73];
	_ =	swait.ge [sflag:s4], $0x0  }
0x19: {  	s7 =	sld [smem:$0x3F74]  }
0x1a: {  	s8 =	sadd.s32 $0xFFFFE003, lr  }
0x1b: {  	s9 =	sadd.s32 $0xFFFFFEF7, lr;
	s5 =	simm.s32 $0xFFFFFFFF;
	p2 =	slt.u32 s8, $0xFFFFF086  }
0x1c: {  	p1 =	slt.u32 s9, $0xF7A;
	s5 =	simm.s32 @!p2 $0x0  }
0x1d: {  	s5 =	simm.s32 @p1 $0x1;
	p0 =	seq.s32 s7, s2  }
0x1e: {  	s7 =	smul.u32 @!p0 $0xF7A, s2;
	p2 =	seq.s32 @!p0 s5, $0x0  }
0x1f: {  	s9 =	smul.u32 $0xF7A, s1;
	s8 =	simm.s32 @!p0 $0x1BF5;
	p2 =	por !p2, p0  }
0x20: {  	[sflag:s8] =	ssyncset.s32 @!p0 $0xFFFFF086;
	s6 =	sadd.s32 @!p0 s3, s7;
	s7 =	simm.s32 @!p0 $0x108  }
0x21: {  	s3 =	sadd.s32 s3, s9;
	s6 =	sadd.s32 @!p0 $0x88, s6;
	s7 =	simm.s32 @p2 $0x1082  }
0x22: {  	[simem:s7], [sflag:s8] =	dma.local @!p0 [hbm:s6], $0xF7A  }
0x23: {  	s9 =	sor.u32 $0xD0000000, s2;
	s6 =	simm.s32 $0x108;
	_ =	swait.ge @!p0 [sflag:s8], $0x0  }
0x24: {  	s3 =	sadd.s32 $0x88, s3;
	s6 =	simm.s32 @!p1 $0x1082;
	[sflag:s4] =	ssyncset.s32 $0xFFFFF086  }
0x25: {  	[simem:s6], [sflag:s4] =	dma.local [hbm:s3], $0xF7A  }
0x26: {  	[smem:$0x3F74] =	sst s1;
	(tag) =	ssettag s2;
	_ =	strace s9  }
0x27: {  	s1 =	sld [smem:$0x3F84]  }
0x28: {  	s2 =	sld [smem:$0x3F85]  }
0x29: {  	s4 =	sld [smem:$0x3F87]  }
0x2a: {  	p0 =	seq.s32 s5, $0x0;
	s5 =	sld [smem:$0x3F88]  }
0x2b: {  	s6 =	sld [smem:$0x3F89]  }
0x2c: {  	s7 =	sld [smem:$0x3F8A]  }
0x2d: {  	s3 =	simm.s32 $0x108;
	s8 =	sld [smem:$0x3F8B]  }
0x2e: {  	s3 =	simm.s32 @!p0 $0x1082;
	s9 =	sld [smem:$0x3F8C]  }
0x2f: {  	lr =	sadd.s32 s0, s3;
	s0 =	sld [smem:$0x3F83]  }
0x30: {  	s3 =	sld [smem:$0x3F86]  }
0x31: {  	[smem:$0x3F8F] =	sst s10  }
0x32: {  	s10 =	sld [smem:$0x3F8D];
	_ =	sdelay $0x3  }
0x33: {  	p0 =	seq.s32 s10, $0x1;
	s10 =	sld [smem:$0x3F8F];
	_ =	sdelay $0x3  }
0x34: {  	[smem:$0x3F8F] =	sst s10  }
0x35: {  	s10 =	sld [smem:$0x3F8E];
	_ =	sdelay $0x3  }
0x36: {  	p1 =	seq.s32 s10, $0x1;
	s10 =	sld [smem:$0x3F8F];
	_ =	sdelay $0x3  }
0x37: {  	[smem:$0x3F8F] =	sst s10  }
0x38: {  	s10 =	sld [smem:$0x3F90]  }
0x39: {  	_ = 	snop;
	(pc) =	sbr.ind lr, $3  }
0x3a: {  	_ = 	snop  }
0x3b: {  	_ = 	snop  }
0x3c: {  	p2 =	seq.s32 s10, $0x1;
	s10 =	sld [smem:$0x3F8F]  }
0x3d: {  	_ =	shalt  }
0x3e: {  	_ =	shalt  }
0x3f: {  	_ =	shalt  }
0x40: {  	_ =	shalt  }
0x41: {  	_ =	shalt  }
0x42: {  	_ =	shalt  }
0x43: {  	_ =	shalt  }
0x44: {  	_ =	shalt  }
0x45: {  	_ =	shalt  }
0x46: {  	_ =	shalt  }
0x47: {  	_ =	shalt  }
0x48: {  	_ =	shalt  }
0x49: {  	_ =	shalt  }
0x4a: {  	_ =	shalt  }
0x4b: {  	_ =	shalt  }
0x4c: {  	_ =	shalt  }
0x4d: {  	_ =	shalt  }
0x4e: {  	_ =	shalt  }
0x4f: {  	_ =	shalt  }
0x50: {  	_ =	shalt  }
0x51: {  	_ =	shalt  }
0x52: {  	_ =	shalt  }
0x53: {  	_ =	shalt  }
0x54: {  	_ =	shalt  }
0x55: {  	_ =	shalt  }
0x56: {  	_ =	shalt  }
0x57: {  	_ =	shalt  }
0x58: {  	_ =	shalt  }
0x59: {  	_ =	shalt  }
0x5a: {  	_ =	shalt  }
0x5b: {  	_ =	shalt  }
0x5c: {  	_ =	shalt  }
0x5d: {  	_ =	shalt  }
0x5e: {  	_ =	shalt  }
0x5f: {  	_ =	shalt  }
0x60: {  	_ =	shalt  }
0x61: {  	_ =	shalt  }
0x62: {  	_ =	shalt  }
0x63: {  	_ =	shalt  }
0x64: {  	_ =	shalt  }
0x65: {  	_ =	shalt  }
0x66: {  	_ =	shalt  }
0x67: {  	_ =	shalt  }
0x68: {  	_ =	shalt  }
0x69: {  	_ =	shalt  }
0x6a: {  	_ =	shalt  }
0x6b: {  	_ =	shalt  }
0x6c: {  	_ =	shalt  }
0x6d: {  	_ =	shalt  }
0x6e: {  	_ =	shalt  }
0x6f: {  	_ =	shalt  }
0x70: {  	_ =	shalt  }
0x71: {  	_ =	shalt  }
0x72: {  	_ =	shalt  }
0x73: {  	_ =	shalt  }
0x74: {  	_ =	shalt  }
0x75: {  	_ =	shalt  }
0x76: {  	_ =	shalt  }
0x77: {  	_ =	shalt  }
0x78: {  	_ =	shalt  }
0x79: {  	_ =	shalt  }
0x7a: {  	_ =	shalt  }
0x7b: {  	_ =	shalt  }
0x7c: {  	_ =	shalt  }
0x7d: {  	_ =	shalt  }
0x7e: {  	_ =	shalt  }
0x7f: {  	_ =	shalt  }
0x80: {  	_ =	shalt  }
0x81: {  	_ =	shalt  }
0x82: {  	_ =	shalt  }
0x83: {  	_ =	shalt  }
0x84: {  	_ =	shalt  }
0x85: {  	_ =	shalt  }
0x86: {  	_ =	shalt  }
0x87: {  	_ =	shalt  }
.Lfunc_end0:
.L_simem_size_0:
called_computation.3_lowered:
.L_overlay_start_0:
0x88: {  	s2 =	sld [smem:$0x3FD9]  }
0x89: {  	s3 =	sld [smem:$0x3FFE];
	_ =	sdelay $0x1  }
0x8a: {  	s1 =	srdreg.scid  }
0x8b: {  	s0 =	sand.u32 $0x1, s1  }
0x8c: {  	s16 =	sshll.u32 s0, $0xA;
	s2 =	sadd.s32 s3, s2  }
0x8d: {  	s2 =	sadd.s32 s2, s16  }
0x8e: {  	[smem:$0x3F9B] =	sst s2  }
0x8f: {  	_ = 	snop  }
0x90: {  	(tm) =	ssettm $0x1  }
0x91: {  	s17 =	sld [smem:$0x3FFB];
	_ =	sdelay $0x3  }
0x92: {  	_ =	strace s17  }
0x93: {  	s2 =	sld [smem:$0x3FFC];
	_ =	sdelay $0x3  }
0x94: {  	_ =	strace s2  }
0x95: {  	s2 =	sld [smem:$0x3FFD];
	_ =	sdelay $0x3  }
0x96: {  	_ =	strace s2  }
0x97: {  	_ =	strace $0x8FFFFFFF  }
0x98: {  	s18 =	sld [smem:$0x3FDB];
	_ =	sdelay $0x1  }
0x99: {  	s19 =	simm.s32 $_scs_section_size  }
0x9a: {  	s4 =	simm.s32 $_size__tile_overlayer_lowered;
	s5 =	simm.s32 $_tile_overlayer_lowered  }
0x9b: {  	s22 =	simm.s32 $0x1BFF;
	s21 =	sshll.u32 s5, $0x1;
	s2 =	sadd.s32 s19, s18  }
0x9c: {  	s6 =	simm.s32 $0x0;
	s20 =	sshll.u32 s4, $0x1;
	s4 =	sadd.s32 s21, s2  }
0x9d: {  	[timem:s6], [sflag:s22] =	dma.local [hbm:s4], s20  }
0x9e: {  	_ =	swait.ge [sflag:s22], s20  }
0x9f: {  	s3 =	ssub.s32 $0x0, s20;
	[sflag:s22] =	ssyncset.done $0x0  }
0xa0: {  	[sflag:s22] =	ssyncadd.s32 s3;
	_ =	sdelay $0x1  }
0xa1: {  	s23 =	simm.s32 $0x1B8B  }
0xa2: {  	_ =	swait.ge [sflag:s23], $0x1  }
0xa3: {  	[sflag:s23] =	ssyncset.done $0x0  }
0xa4: {  	s25 =	simm.s32 $0x1B8E;
	s24 =	sld [smem:$0x3FFE];
	[sflag:s23] =	ssyncadd.s32 $0xFFFFFFFF  }
0xa5: {  	s26 =	simm.s32 $execute0_lowered;
	[smem:$0x3FD2] =	sst s25  }
0xa6: {  	s4 =	sshll.u32 s26, $0x1;
	_ =	strace $0x8000004F;
	[dreg:$0x1] =	wrdreg $0xFFFFFFFF  }
0xa7: {  	s28 =	simm.s32 $_size_execute0_lowered;
	s2 =	sadd.s32 s2, s4;
	[dreg:$0x0] =	wrdreg $0x0  }
0xa8: {  	s4 =	sshll.u32 s28, $0x1;
	[dreg:$0x2] =	wrdreg s2  }
0xa9: {  	[dreg:$0x3] =	wrdreg s4  }
0xaa: {  	[dreg:$0x4] =	wrdreg $0xC0  }
0xab: {  	_ =	task [dreg:s6], $0x5FFFF  }
0xac: {  	[dreg:$0x1] =	wrdreg $0xFFFFFFFF  }
0xad: {  	[dreg:$0x0] =	wrdreg $0x60  }
0xae: {  	[dreg:$0x2] =	wrdreg s24  }
0xaf: {  	[dreg:$0x3] =	wrdreg $0x85000  }
0xb0: {  	[dreg:$0x4] =	wrdreg $0x9  }
0xb1: {  	_ =	task.clear_ibuf [dreg:s6], $0x5FFFF;
	_ =	strace $0x9000004F  }
0xb2: {  	s29 =	simm.s32 $0x9;
	_ =	strace $0x80000051  }
0xb3: {  	_ =	swait.ge [sflag:s29], $0x1  }
0xb4: {  	[sflag:s29] =	ssyncadd.s32 $0xFFFFFFFF  }
0xb5: {  	_ =	strace $0x90000051  }
0xb6: {  	_ =	sfence  }
0xb7: {  	s30 =	sld [smem:$0x0];
	_ =	sdelay $0x2  }
0xb8: {  	s31 =	sshll.u32 s1, $0xD;
	s1 =	sshrl.u32 s1, $0x2  }
0xb9: {  	s3 =	sand.u32 $0x4000, s31;
	s1 =	sadd.s32 s1, s30  }
0xba: {  	s0 =	sor.u32 s3, s0;
	s1 =	sshll.u32 s1, $0x11  }
0xbb: {  	s0 =	sor.u32 s1, s0  }
0xbc: {  	s0 =	sadd.s32 $0x8F2B, s0  }
0xbd: {  	[sflag:s0] =	ssyncadd.remote.s32 $0x1  }
0xbe: {  	_ =	sfence.sel $0xFFFF  }
0xbf: {  	[dreg:$0x0] =	wrdreg $0xFFFFFFFF;
	(pc) =	sbr.abs _section_cstart, $3  }
0xc0: {  	[dreg:$0x1] =	wrdreg $0xFFFFFFFF  }
0xc1: {  	_ =	task.clear_ibuf [dreg:s6], $0x2FFFF;
	_ =	strace $0x9FFFFFFF  }
0xc2: {  	(tm) =	ssettm $0x7FFFFFFF  }
0xc3: {  	_ =	shalt  }
tec
execute0_lowered:
.L_overlay_start_1:
0x0: {  	(tag) =	ssettag $0x1  }
0x1: {  	s0 =	srdreg.scid  }
0x2: {  	s3 =	rddreg [dreg:$0x0];
	s26 =	stileid.u32;
	s1 =	simm.s32 $0x0  }
0x3: {  	s0 =	sand.u32 $0x1, s0;
	s4 =	sshll.u32 s26, $0x1;
	s8 =	smul.u32 $0x500, s26  }
0x4: {  	[smem:$0x7FF] =	sst s1;
	s10 =	sor.u32 $0x20, s26;
	s2 =	smul.u32 $0x29900, s0  }
0x5: {  	s5 =	sadd.s32 $0xF64400, s3;
	s13 =	sor.u32 $0x40, s26;
	s11 =	smul.u32 $0x500, s10  }
0x6: {  	s9 =	sor.u32 $0x10, s26;
	s15 =	sor.u32 $0x50, s26;
	s14 =	smul.u32 $0x500, s13  }
0x7: {  	s12 =	sor.u32 $0x30, s26;
	s17 =	sor.u32 $0x60, s26;
	s16 =	smul.u32 $0x500, s15  }
0x8: {  	s19 =	sor.u32 $0x70, s26;
	p0 =	slt.u32 s26, $0x2;
	s18 =	smul.u32 $0x500, s17  }
0x9: {  	s4 =	sor.u32 s0, s4;
	s0 =	ssub.s32 $0x2, s0;
	s13 =	smul.u32 $0xA000, s13  }
0xa: {  	s20 =	smul.u32 $0x4E, s4;
	s7 =	sshrl.u32 s0, $0x1;
	s4 =	smin.u32 s4, $0x4  }
0xb: {  	s21 =	sadd.s32 s5, s8;
	s6 =	sadd.s32 s2, s3;
	s28 =	ssub.s32 s0, s7  }
0xc: {  	s7 =	smul.u32 $0x500, s9;
	[dreg:$0x3] =	wrdreg s21;
	s23 =	sadd.s32 s5, s11  }
0xd: {  	s21 =	smul.u32 $0x500, s19;
	s0 =	sor.u32 $0x80, s26;
	s24 =	sadd.s32 s5, s14  }
0xe: {  	s25 =	sadd.s32 s5, s16;
	s2 =	sadd.s32 s4, s20;
	[dreg:$0x5] =	wrdreg s23  }
0xf: {  	s4 =	smul.u32 $0x500, s12;
	s6 =	sadd.s32 $0x14E5200, s6;
	[dreg:$0x7] =	wrdreg s24  }
0x10: {  	[dreg:$0x8] =	wrdreg s25;
	s23 =	sadd.s32 s5, s18;
	s12 =	smul.u32 $0xA000, s12  }
0x11: {  	s28 =	smax.u32 s28, $0x1;
	s22 =	sadd.s32 s5, s7;
	[dreg:$0x9] =	wrdreg s23  }
0x12: {  	s24 =	sadd.s32 s5, s21;
	s25 =	sadd.s32 s6, s8;
	[dreg:$0x4] =	wrdreg s22  }
0x13: {  	s23 =	sadd.s32 s6, s14;
	s14 =	smul.u32 $0xA000, s15;
	[dreg:$0xa] =	wrdreg s24  }
0x14: {  	s8 =	sadd.s32 s6, s7;
	s15 =	smul.u32 $0xA000, s17;
	[dreg:$0xc] =	wrdreg s25  }
0x15: {  	s20 =	sadd.s32 s5, s4;
	s22 =	smul.u32 $0x500, s0;
	[dreg:$0xd] =	wrdreg s8  }
0x16: {  	s4 =	sadd.s32 s6, s4;
	[dreg:$0x10] =	wrdreg s23;
	s24 =	sadd.s32 s6, s16  }
0x17: {  	s25 =	sadd.s32 s6, s18;
	s8 =	smul.u32 $0xA000, s9;
	s23 =	sadd.s32 $0xFB5000, s3  }
0x18: {  	s9 =	smul.u32 $0xA000, s26;
	s26 =	simm.s32 $0x4F;
	[dreg:$0x6] =	wrdreg s20  }
0x19: {  	s17 =	sshrl.u32 s12, $0x2;
	s18 =	smul.u32 $0xA000, s19;
	[dreg:$0xf] =	wrdreg s4  }
0x1a: {  	s19 =	smul.u32 $0xA000, s0;
	s12 =	simm.s32 $0x2;
	[dreg:$0x11] =	wrdreg s24  }
0x1b: {  	s20 =	sadd.s32 s6, s11;
	[dreg:$0x12] =	wrdreg s25;
	s24 =	sadd.s32 $0x1497000, s3  }
0x1c: {  	s25 =	sadd.s32 $0x18000, s3;
	s11 =	smul.u32 $0xA000, s10;
	s26 =	simm.s32 @!p0 $0x4E  }
0x1d: {  	p0 =	sgt.u32 s0, $0x84;
	s10 =	simm.s32 $0x8100;
	[dreg:$0xe] =	wrdreg s20  }
0x1e: {  	s5 =	sadd.s32 s5, s22;
	s20 =	rddreg [dreg:$0x1];
	s7 =	sadd.s32 s6, s22  }
0x1f: {  	s3 =	sshrl.u32 s9, $0x2;
	s4 =	sshrl.u32 s8, $0x2;
	s22 =	sshrl.u32 s19, $0x2  }
0x20: {  	s8 =	simm.s32 $0x4;
	s9 =	simm.s32 $0x3;
	[dreg:$0xb] =	wrdreg s5  }
0x21: {  	s5 =	sadd.s32 s6, s21;
	[dreg:$0x14] =	wrdreg s7;
	s29 =	sadd.s32 s3, s20  }
0x22: {  	s30 =	sadd.s32 s4, s20;
	s3 =	sshrl.u32 s13, $0x2;
	s7 =	sshrl.u32 s14, $0x2  }
0x23: {  	s16 =	sadd.s32 s17, s20;
	s4 =	sshrl.u32 s15, $0x2;
	s21 =	sshrl.u32 s18, $0x2  }
.Ltmp0:
0x24: {  	s6 =	sadd.s32 s22, s20;
	s13 =	simm.s32 $0x4100;
	(pc) =	sbr.rel .LBB2_1-.Ltmp0, $4  }
0x25: {  	s14 =	simm.s32 $0x80;
	s15 =	simm.s32 $0x0;
	[dreg:$0x13] =	wrdreg s5  }
0x26: {  	s5 =	sshrl.u32 s11, $0x2;
	s0 =	sadd.s32 s3, s20;
	s3 =	sadd.s32 s7, s20  }
0x27: {  	v0 =	vlaneseq.u32;
	s4 =	sadd.s32 s4, s20;
	s7 =	simm.s32 $0x100;
	s11 =	simm.s32 $0x1  }
0x28: {  	v1 =	vimm.f32 $0.0e+00;
	v2 =	vimm.s32 $0x0;
	v3 =	vmul.u32 $0x80, v0;
	_ =	strace $0x80000050;
	s31 =	sadd.s32 s5, s20;
	s5 =	sadd.s32 s21, s20  }
.LBB2_11:
0x29: {  	[bflag:$0x0] =	sbarrier.arrive $0xFFFF  }
0x2a: {  	[tilespmem:s7], [sflag:$0x4] =	stream.linear.gather [spmem:s29], $0x2800, $0x38;
	[tilespmem:$0x1D180] =	vst v63  }
0x2b: {  	_ =	swait.ge [sflag:s8], $0x2800  }
0x2c: {  	[sflag:s8] =	ssyncset.done $0x0  }
0x2d: {  	s17 =	rddreg [dreg:$0xc];
	[sflag:s8] =	ssyncadd.s32 $0xFFFFD800  }
0x2e: {  	[hbm4b:s17+s1] =	stream.linear.scatter [tilespmem:s7], [sflag:$0x3], $0x2800, $0x38;
	[tilespmem:$0x1D180] =	vst v63  }
0x2f: {  	_ =	swait.ge [sflag:s9], $0x2800  }
0x30: {  	[sflag:s9] =	ssyncset.done $0x0  }
0x31: {  	[sflag:s9] =	ssyncadd.s32 $0xFFFFD800  }
0x32: {  	[tilespmem:s7], [sflag:$0x4] =	stream.linear.gather [spmem:s30], $0x2800, $0x38;
	[tilespmem:$0x1D180] =	vst v63  }
0x33: {  	_ =	swait.ge [sflag:s8], $0x2800  }
0x34: {  	[sflag:s8] =	ssyncset.done $0x0  }
0x35: {  	s19 =	rddreg [dreg:$0xd];
	[sflag:s8] =	ssyncadd.s32 $0xFFFFD800  }
0x36: {  	[hbm4b:s19+s1] =	stream.linear.scatter [tilespmem:s7], [sflag:$0x3], $0x2800, $0x38;
	[tilespmem:$0x1D180] =	vst v63  }
0x37: {  	_ =	swait.ge [sflag:s9], $0x2800  }
0x38: {  	[sflag:s9] =	ssyncset.done $0x0  }
0x39: {  	[sflag:s9] =	ssyncadd.s32 $0xFFFFD800  }
0x3a: {  	[tilespmem:s7], [sflag:$0x4] =	stream.linear.gather [spmem:s31], $0x2800, $0x38;
	[tilespmem:$0x1D180] =	vst v63  }
0x3b: {  	_ =	swait.ge [sflag:s8], $0x2800  }
0x3c: {  	[sflag:s8] =	ssyncset.done $0x0  }
0x3d: {  	s21 =	rddreg [dreg:$0xe];
	[sflag:s8] =	ssyncadd.s32 $0xFFFFD800  }
0x3e: {  	[hbm4b:s21+s1] =	stream.linear.scatter [tilespmem:s7], [sflag:$0x3], $0x2800, $0x38;
	[tilespmem:$0x1D180] =	vst v63  }
0x3f: {  	_ =	swait.ge [sflag:s9], $0x2800  }
0x40: {  	[sflag:s9] =	ssyncset.done $0x0  }
0x41: {  	[sflag:s9] =	ssyncadd.s32 $0xFFFFD800  }
0x42: {  	[tilespmem:s7], [sflag:$0x4] =	stream.linear.gather [spmem:s16], $0x2800, $0x38;
	[tilespmem:$0x1D180] =	vst v63  }
0x43: {  	_ =	swait.ge [sflag:s8], $0x2800  }
0x44: {  	[sflag:s8] =	ssyncset.done $0x0  }
0x45: {  	s22 =	rddreg [dreg:$0xf];
	[sflag:s8] =	ssyncadd.s32 $0xFFFFD800  }
0x46: {  	[hbm4b:s22+s1] =	stream.linear.scatter [tilespmem:s7], [sflag:$0x3], $0x2800, $0x38;
	[tilespmem:$0x1D180] =	vst v63  }
0x47: {  	_ =	swait.ge [sflag:s9], $0x2800  }
0x48: {  	[sflag:s9] =	ssyncset.done $0x0  }
0x49: {  	[sflag:s9] =	ssyncadd.s32 $0xFFFFD800  }
0x4a: {  	[tilespmem:s7], [sflag:$0x4] =	stream.linear.gather [spmem:s0], $0x2800, $0x38;
	[tilespmem:$0x1D180] =	vst v63  }
0x4b: {  	_ =	swait.ge [sflag:s8], $0x2800  }
0x4c: {  	[sflag:s8] =	ssyncset.done $0x0  }
0x4d: {  	s18 =	rddreg [dreg:$0x10];
	[sflag:s8] =	ssyncadd.s32 $0xFFFFD800  }
0x4e: {  	[hbm4b:s18+s1] =	stream.linear.scatter [tilespmem:s7], [sflag:$0x3], $0x2800, $0x38;
	[tilespmem:$0x1D180] =	vst v63  }
0x4f: {  	_ =	swait.ge [sflag:s9], $0x2800  }
0x50: {  	[sflag:s9] =	ssyncset.done $0x0  }
0x51: {  	[sflag:s9] =	ssyncadd.s32 $0xFFFFD800  }
0x52: {  	[tilespmem:s7], [sflag:$0x4] =	stream.linear.gather [spmem:s3], $0x2800, $0x38;
	[tilespmem:$0x1D180] =	vst v63  }
0x53: {  	_ =	swait.ge [sflag:s8], $0x2800  }
0x54: {  	[sflag:s8] =	ssyncset.done $0x0  }
0x55: {  	s19 =	rddreg [dreg:$0x11];
	[sflag:s8] =	ssyncadd.s32 $0xFFFFD800  }
0x56: {  	[hbm4b:s19+s1] =	stream.linear.scatter [tilespmem:s7], [sflag:$0x3], $0x2800, $0x38;
	[tilespmem:$0x1D180] =	vst v63  }
0x57: {  	_ =	swait.ge [sflag:s9], $0x2800  }
0x58: {  	[sflag:s9] =	ssyncset.done $0x0  }
0x59: {  	[sflag:s9] =	ssyncadd.s32 $0xFFFFD800  }
0x5a: {  	[tilespmem:s7], [sflag:$0x4] =	stream.linear.gather [spmem:s4], $0x2800, $0x38;
	[tilespmem:$0x1D180] =	vst v63  }
0x5b: {  	_ =	swait.ge [sflag:s8], $0x2800  }
0x5c: {  	[sflag:s8] =	ssyncset.done $0x0  }
0x5d: {  	s21 =	rddreg [dreg:$0x12];
	[sflag:s8] =	ssyncadd.s32 $0xFFFFD800  }
0x5e: {  	[hbm4b:s21+s1] =	stream.linear.scatter [tilespmem:s7], [sflag:$0x3], $0x2800, $0x38;
	[tilespmem:$0x1D180] =	vst v63  }
0x5f: {  	_ =	swait.ge [sflag:s9], $0x2800  }
0x60: {  	[sflag:s9] =	ssyncset.done $0x0  }
0x61: {  	[sflag:s9] =	ssyncadd.s32 $0xFFFFD800  }
0x62: {  	[tilespmem:s7], [sflag:$0x4] =	stream.linear.gather [spmem:s5], $0x2800, $0x38;
	[tilespmem:$0x1D180] =	vst v63  }
0x63: {  	_ =	swait.ge [sflag:s8], $0x2800  }
0x64: {  	[sflag:s8] =	ssyncset.done $0x0  }
0x65: {  	s22 =	rddreg [dreg:$0x13];
	[sflag:s8] =	ssyncadd.s32 $0xFFFFD800  }
0x66: {  	[hbm4b:s22+s1] =	stream.linear.scatter [tilespmem:s7], [sflag:$0x3], $0x2800, $0x38;
	[tilespmem:$0x1D180] =	vst v63  }
0x67: {  	_ =	swait.ge [sflag:s9], $0x2800  }
0x68: {  	[sflag:s9] =	ssyncset.done $0x0  }
0x69: {  	s17 =	simm.s32 @!p0 $0x100;
	s18 =	simm.s32 @!p0 $0x4;
	[sflag:s9] =	ssyncadd.s32 $0xFFFFD800  }
0x6a: {  	[tilespmem:s17], [sflag:$0x4] =	stream.linear.gather @!p0 [spmem:s6], $0x2800, $0x38;
	[tilespmem:$0x1D180] =	vst v63  }
0x6b: {  	s15 =	sadd.s32 $0x1, s15;
	_ =	swait.ge @!p0 [sflag:s18], $0x2800  }
0x6c: {  	p1 =	sne.s32 s15, s28;
	[sflag:s18] =	ssyncset.done @!p0 $0x0  }
0x6d: {  	s19 =	rddreg [dreg:$0x14];
	[sflag:s18] =	ssyncadd.s32 @!p0 $0xFFFFD800;
	s18 =	simm.s32 @!p0 $0x0  }
0x6e: {  	[hbm4b:s19+s18] =	stream.linear.scatter @!p0 [tilespmem:s17], [sflag:$0x3], $0x2800, $0x38;
	[tilespmem:$0x1D180] =	vst v63  }
.Ltmp1:
0x6f: {  	_ = 	snop;
	(pc) =	sbr.rel @!p1 .LBB2_12-.Ltmp1, $4  }
0x70: {  	s17 =	simm.s32 @!p0 $0x3  }
0x71: {  	_ =	swait.ge @!p0 [sflag:s17], $0x2800  }
0x72: {  	[sflag:s17] =	ssyncset.done @!p0 $0x0  }
0x73: {  	[sflag:s17] =	ssyncadd.s32 @!p0 $0xFFFFD800  }
.LBB2_1:
0x74: {  	s17 =	simm.s32 $0x0;
	s18 =	simm.s32 $0x200  }
.LBB2_2:
0x75: {  	p1 =	sne.s32 s18, $0xFE00;
	[tilespmem:s17+$0x4170] =	vst v1  }
0x76: {  	[tilespmem:s17+$0x4100] =	vst v1  }
0x77: {  	[tilespmem:s17+$0x4110] =	vst v1  }
.Ltmp2:
0x78: {  	[tilespmem:s17+$0x4120] =	vst v1;
	(pc) =	sbr.rel @p1 .LBB2_2-.Ltmp2, $4  }
0x79: {  	[tilespmem:s17+$0x4130] =	vst v1  }
0x7a: {  	[tilespmem:s17+$0x4140] =	vst v1  }
0x7b: {  	[tilespmem:s17+$0x4150] =	vst v1  }
0x7c: {  	[tilespmem:s17+$0x4160] =	vst v1;
	s17 =	sshra.s32 s18, $0x2;
	s18 =	sadd.s32 $0x200, s18  }
0x7d: {  	[tilespmem:s17+$0x4170] =	vst v1  }
0x7e: {  	[tilespmem:s17+$0x4100] =	vst v1  }
0x7f: {  	[tilespmem:s17+$0x4110] =	vst v1  }
0x80: {  	[tilespmem:s17+$0x4120] =	vst v1  }
0x81: {  	[tilespmem:s17+$0x4130] =	vst v1  }
0x82: {  	[tilespmem:s17+$0x4140] =	vst v1  }
0x83: {  	[tilespmem:s17+$0x4150] =	vst v1  }
0x84: {  	[tilespmem:s17+$0x4160] =	vst v1;
	s18 =	rddreg [dreg:$0x3]  }
0x85: {  	[tilespmem:s7], [sflag:$0x4] =	stream.linear.gather [hbm4b:s18+s1], $0x2800, $0x38;
	[tilespmem:$0x1D180] =	vst v63  }
0x86: {  	_ =	swait.ge [sflag:s8], $0x2800  }
0x87: {  	[sflag:s8] =	ssyncset.done $0x0  }
0x88: {  	[sflag:s8] =	ssyncadd.s32 $0xFFFFD800  }
0x89: {  	[spmem:s29] =	stream.linear.scatter [tilespmem:s7], [sflag:$0x3], $0x2800, $0x38;
	[tilespmem:$0x1D180] =	vst v63  }
0x8a: {  	_ =	swait.ge [sflag:s9], $0x2800  }
0x8b: {  	[sflag:s9] =	ssyncset.done $0x0  }
0x8c: {  	s19 =	rddreg [dreg:$0x4];
	[sflag:s9] =	ssyncadd.s32 $0xFFFFD800  }
0x8d: {  	[tilespmem:s7], [sflag:$0x4] =	stream.linear.gather [hbm4b:s19+s1], $0x2800, $0x38;
	[tilespmem:$0x1D180] =	vst v63  }
0x8e: {  	_ =	swait.ge [sflag:s8], $0x2800  }
0x8f: {  	[sflag:s8] =	ssyncset.done $0x0  }
0x90: {  	[sflag:s8] =	ssyncadd.s32 $0xFFFFD800  }
0x91: {  	[spmem:s30] =	stream.linear.scatter [tilespmem:s7], [sflag:$0x3], $0x2800, $0x38;
	[tilespmem:$0x1D180] =	vst v63  }
0x92: {  	_ =	swait.ge [sflag:s9], $0x2800  }
0x93: {  	[sflag:s9] =	ssyncset.done $0x0  }
0x94: {  	s21 =	rddreg [dreg:$0x5];
	[sflag:s9] =	ssyncadd.s32 $0xFFFFD800  }
0x95: {  	[tilespmem:s7], [sflag:$0x4] =	stream.linear.gather [hbm4b:s21+s1], $0x2800, $0x38;
	[tilespmem:$0x1D180] =	vst v63  }
0x96: {  	_ =	swait.ge [sflag:s8], $0x2800  }
0x97: {  	[sflag:s8] =	ssyncset.done $0x0  }
0x98: {  	[sflag:s8] =	ssyncadd.s32 $0xFFFFD800  }
0x99: {  	[spmem:s31] =	stream.linear.scatter [tilespmem:s7], [sflag:$0x3], $0x2800, $0x38;
	[tilespmem:$0x1D180] =	vst v63  }
0x9a: {  	_ =	swait.ge [sflag:s9], $0x2800  }
0x9b: {  	[sflag:s9] =	ssyncset.done $0x0  }
0x9c: {  	s22 =	rddreg [dreg:$0x6];
	[sflag:s9] =	ssyncadd.s32 $0xFFFFD800  }
0x9d: {  	[tilespmem:s7], [sflag:$0x4] =	stream.linear.gather [hbm4b:s22+s1], $0x2800, $0x38;
	[tilespmem:$0x1D180] =	vst v63  }
0x9e: {  	_ =	swait.ge [sflag:s8], $0x2800  }
0x9f: {  	[sflag:s8] =	ssyncset.done $0x0  }
0xa0: {  	[sflag:s8] =	ssyncadd.s32 $0xFFFFD800  }
0xa1: {  	[spmem:s16] =	stream.linear.scatter [tilespmem:s7], [sflag:$0x3], $0x2800, $0x38;
	[tilespmem:$0x1D180] =	vst v63  }
0xa2: {  	_ =	swait.ge [sflag:s9], $0x2800  }
0xa3: {  	[sflag:s9] =	ssyncset.done $0x0  }
0xa4: {  	s18 =	rddreg [dreg:$0x7];
	[sflag:s9] =	ssyncadd.s32 $0xFFFFD800  }
0xa5: {  	[tilespmem:s7], [sflag:$0x4] =	stream.linear.gather [hbm4b:s18+s1], $0x2800, $0x38;
	[tilespmem:$0x1D180] =	vst v63  }
0xa6: {  	_ =	swait.ge [sflag:s8], $0x2800  }
0xa7: {  	[sflag:s8] =	ssyncset.done $0x0  }
0xa8: {  	[sflag:s8] =	ssyncadd.s32 $0xFFFFD800  }
0xa9: {  	[spmem:s0] =	stream.linear.scatter [tilespmem:s7], [sflag:$0x3], $0x2800, $0x38;
	[tilespmem:$0x1D180] =	vst v63  }
0xaa: {  	_ =	swait.ge [sflag:s9], $0x2800  }
0xab: {  	[sflag:s9] =	ssyncset.done $0x0  }
0xac: {  	s19 =	rddreg [dreg:$0x8];
	[sflag:s9] =	ssyncadd.s32 $0xFFFFD800  }
0xad: {  	[tilespmem:s7], [sflag:$0x4] =	stream.linear.gather [hbm4b:s19+s1], $0x2800, $0x38;
	[tilespmem:$0x1D180] =	vst v63  }
0xae: {  	_ =	swait.ge [sflag:s8], $0x2800  }
0xaf: {  	[sflag:s8] =	ssyncset.done $0x0  }
0xb0: {  	[sflag:s8] =	ssyncadd.s32 $0xFFFFD800  }
0xb1: {  	[spmem:s3] =	stream.linear.scatter [tilespmem:s7], [sflag:$0x3], $0x2800, $0x38;
	[tilespmem:$0x1D180] =	vst v63  }
0xb2: {  	_ =	swait.ge [sflag:s9], $0x2800  }
0xb3: {  	[sflag:s9] =	ssyncset.done $0x0  }
0xb4: {  	s21 =	rddreg [dreg:$0x9];
	[sflag:s9] =	ssyncadd.s32 $0xFFFFD800  }
0xb5: {  	[tilespmem:s7], [sflag:$0x4] =	stream.linear.gather [hbm4b:s21+s1], $0x2800, $0x38;
	[tilespmem:$0x1D180] =	vst v63  }
0xb6: {  	_ =	swait.ge [sflag:s8], $0x2800  }
0xb7: {  	[sflag:s8] =	ssyncset.done $0x0  }
0xb8: {  	[sflag:s8] =	ssyncadd.s32 $0xFFFFD800  }
0xb9: {  	[spmem:s4] =	stream.linear.scatter [tilespmem:s7], [sflag:$0x3], $0x2800, $0x38;
	[tilespmem:$0x1D180] =	vst v63  }
0xba: {  	_ =	swait.ge [sflag:s9], $0x2800  }
0xbb: {  	[sflag:s9] =	ssyncset.done $0x0  }
0xbc: {  	s22 =	rddreg [dreg:$0xa];
	[sflag:s9] =	ssyncadd.s32 $0xFFFFD800  }
0xbd: {  	[tilespmem:s7], [sflag:$0x4] =	stream.linear.gather [hbm4b:s22+s1], $0x2800, $0x38;
	[tilespmem:$0x1D180] =	vst v63  }
0xbe: {  	_ =	swait.ge [sflag:s8], $0x2800  }
0xbf: {  	[sflag:s8] =	ssyncset.done $0x0  }
0xc0: {  	[sflag:s8] =	ssyncadd.s32 $0xFFFFD800  }
0xc1: {  	[spmem:s5] =	stream.linear.scatter [tilespmem:s7], [sflag:$0x3], $0x2800, $0x38;
	[tilespmem:$0x1D180] =	vst v63  }
0xc2: {  	_ =	swait.ge [sflag:s9], $0x2800  }
0xc3: {  	s17 =	simm.s32 @!p0 $0x0;
	[sflag:s9] =	ssyncset.done $0x0  }
0xc4: {  	s18 =	simm.s32 @!p0 $0x100;
	s19 =	rddreg [dreg:$0xb];
	[sflag:s9] =	ssyncadd.s32 $0xFFFFD800  }
0xc5: {  	[tilespmem:s18], [sflag:$0x4] =	stream.linear.gather @!p0 [hbm4b:s19+s17], $0x2800, $0x38;
	[tilespmem:$0x1D180] =	vst v63  }
0xc6: {  	s17 =	simm.s32 @!p0 $0x4  }
0xc7: {  	_ =	swait.ge @!p0 [sflag:s17], $0x2800  }
0xc8: {  	[sflag:s17] =	ssyncset.done @!p0 $0x0  }
0xc9: {  	[sflag:s17] =	ssyncadd.s32 @!p0 $0xFFFFD800;
	s17 =	simm.s32 @!p0 $0x3  }
0xca: {  	[spmem:s6] =	stream.linear.scatter @!p0 [tilespmem:s18], [sflag:$0x3], $0x2800, $0x38;
	[tilespmem:$0x1D180] =	vst v63  }
.Ltmp3:
0xcb: {  	_ =	swait.ge @!p0 [sflag:s17], $0x2800;
	(pc) =	sbr.rel .LBB2_4-.Ltmp3, $4  }
0xcc: {  	[sflag:s17] =	ssyncset.done @!p0 $0x0  }
0xcd: {  	[sflag:s17] =	ssyncadd.s32 @!p0 $0xFFFFD800  }
0xce: {  	[bflag:$0x0] =	sbarrier.arrive $0xFFFF  }
0xcf: {  	s17 =	simm.s32 $0x0  }
.LBB2_10:
0xd0: {  	s17 =	sadd.s32 $0x1, s17  }
0xd1: {  	p1 =	sne.s32 s17, $0x4F  }
.Ltmp4:
0xd2: {  	_ = 	snop;
	(pc) =	sbr.rel @!p1 .LBB2_11-.Ltmp4, $1  }
0xd3: {  	_ =	sdelay $0x3  }
.LBB2_4:
0xd4: {  	p1 =	sge.u32 s17, s26  }
.Ltmp5:
0xd5: {  	_ = 	snop;
	(pc) =	sbr.rel @p1 .LBB2_10-.Ltmp5, $1  }
0xd6: {  	_ =	sdelay $0x3  }
0xd7: {  	s19 =	sadd.s32 s17, s2  }
0xd8: {  	s18 =	sshll.u32 s19, $0x4  }
0xd9: {  	s18 =	sand.u32 $0x1FFFFFF0, s18  }
0xda: {  	s22 =	sshll.u32 s19, $0xB;
	s21 =	sadd.s32 s25, s18;
	s18 =	simm.s32 $0x0  }
0xdb: {  	[tilespmem:s18], [sflag:$0x1] =	stream.linear.gather [hbm4b:s21+s18], $0x80, $0x38;
	[tilespmem:$0x1D180] =	vst v63  }
0xdc: {  	s19 =	sshll.u32 s19, $0x7;
	s21 =	sand.u32 $0x1FFFF800, s22  }
0xdd: {  	s19 =	sand.u32 $0x1FFFFF80, s19;
	s21 =	sadd.s32 s23, s21  }
0xde: {  	[tilespmem:s7], [sflag:$0x2] =	stream.linear.gather [hbm4b:s21+s18], $0x4000, $0x38;
	[tilespmem:$0x1D180] =	vst v63  }
0xdf: {  	s19 =	sadd.s32 s24, s19  }
0xe0: {  	[tilespmem:s10], [sflag:$0x1] =	stream.linear.gather [hbm4b:s19+s18], $0x400, $0x38;
	[tilespmem:$0x1D180] =	vst v63  }
0xe1: {  	_ =	swait.ge [sflag:s11], $0x80  }
0xe2: {  	[sflag:s11] =	ssyncset.done $0x0  }
0xe3: {  	[sflag:s11] =	ssyncadd.s32 $0xFFFFFF80  }
0xe4: {  	_ =	swait.ge [sflag:s12], $0x4000  }
0xe5: {  	[sflag:s12] =	ssyncset.done $0x0  }
0xe6: {  	[sflag:s12] =	ssyncadd.s32 $0xFFFFC000  }
0xe7: {  	_ =	swait.ge [sflag:s11], $0x400  }
0xe8: {  	[sflag:s11] =	ssyncset.done $0x0  }
0xe9: {  	s19 =	simm.s32 $0x80;
	[sflag:s11] =	ssyncadd.s32 $0xFFFFFC00  }
0xea: {  	[spmem:s20] =	stream.indirect.scatter.add.f32 [tilespmem:s7], [sflag:$0x1], $0x80, s18, s19, $0xb8;
	[tilespmem:$0x1D180] =	vst v63  }
0xeb: {  	v4 =	vld [tilespmem:s18+$0x0];
	_ =	sdelay $0x4  }
0xec: {  	v5 =	vshra.s32 v4, $0x1F  }
0xed: {  	v5 =	vshrl.u32 v5, $0x1C  }
0xee: {  	v5 =	vadd.s32 v5, v4  }
0xef: {  	v5 =	vshra.s32 v5, $0x4  }
0xf0: {  	v6 =	vshll.u32 v5, $0x4  }
0xf1: {  	v7 =	vor.u32 s18, v0;
	vm0 =	vlt.s32 v4, $0x1;
	vm1 =	vne.s32 v4, v6  }
0xf2: {  	v8 =	vshll.u32 v7, $0x3;
	vm0 =	vmand vm0, vm1  }
0xf3: {  	v4 =	vsub.s32 v4, v6;
	v6 =	vsel vm0, $0xFFFFFFFF, v2  }
0xf4: {  	v4 =	vshll.u32 v4, $0x3;
	v5 =	vadd.s32 v6, v5  }
0xf5: {  	v7 =	vshll.u32 v7, $0x7;
	v6 =	vand.u32 $0xFFFFFF80, v4;
	v5 =	vadd.s32 $0x2710, v5  }
0xf6: {  	v4 =	vand.u32 $0x78, v4;
	v6 =	vadd.s32 v7, v6;
	[tilespmem:s19+$0x0] =	vst v5  }
0xf7: {  	v6 =	vor.u32 v4, v6;
	v5 =	vld.idx.msk [tilespmem:v8+s10+$0x0], $0xffff  }
0xf8: {  	v4 =	vor.u32 $0x1, v8;
	_ =	sdelay $0x3  }
0xf9: {  	[tilespmem:v6+s13+$0x0] =	vst.idx.msk $0xffff, v5  }
0xfa: {  	v5 =	vor.u32 $0x1, v6;
	v4 =	vld.idx.msk [tilespmem:v4+s10+$0x0], $0xffff  }
0xfb: {  	v7 =	vor.u32 $0x2, v8;
	_ =	sdelay $0x3  }
0xfc: {  	[tilespmem:v5+s13+$0x0] =	vst.idx.msk $0xffff, v4  }
0xfd: {  	v5 =	vor.u32 $0x2, v6;
	v4 =	vld.idx.msk [tilespmem:v7+s10+$0x0], $0xffff  }
0xfe: {  	v7 =	vor.u32 $0x3, v8;
	_ =	sdelay $0x3  }
0xff: {  	[tilespmem:v5+s13+$0x0] =	vst.idx.msk $0xffff, v4  }
0x100: {  	v5 =	vor.u32 $0x3, v6;
	v4 =	vld.idx.msk [tilespmem:v7+s10+$0x0], $0xffff  }
0x101: {  	v7 =	vor.u32 $0x4, v8;
	_ =	sdelay $0x3  }
0x102: {  	[tilespmem:v5+s13+$0x0] =	vst.idx.msk $0xffff, v4  }
0x103: {  	v5 =	vor.u32 $0x4, v6;
	v4 =	vld.idx.msk [tilespmem:v7+s10+$0x0], $0xffff  }
0x104: {  	v7 =	vor.u32 $0x5, v8;
	_ =	sdelay $0x3  }
0x105: {  	[tilespmem:v5+s13+$0x0] =	vst.idx.msk $0xffff, v4  }
0x106: {  	v5 =	vor.u32 $0x5, v6;
	v4 =	vld.idx.msk [tilespmem:v7+s10+$0x0], $0xffff  }
0x107: {  	v7 =	vor.u32 $0x6, v8;
	_ =	sdelay $0x3  }
0x108: {  	[tilespmem:v5+s13+$0x0] =	vst.idx.msk $0xffff, v4  }
0x109: {  	v5 =	vor.u32 $0x6, v6;
	v4 =	vld.idx.msk [tilespmem:v7+s10+$0x0], $0xffff  }
0x10a: {  	v7 =	vor.u32 $0x7, v8;
	_ =	sdelay $0x3  }
0x10b: {  	[tilespmem:v5+s13+$0x0] =	vst.idx.msk $0xffff, v4  }
0x10c: {  	s21 =	simm.s32 $0x10;
	v5 =	vor.u32 $0x7, v6;
	v4 =	vld.idx.msk [tilespmem:v7+s10+$0x0], $0xffff  }
.LBB2_6:
0x10d: {  	_ =	sdelay $0x3  }
0x10e: {  	p1 =	sne.s32 s21, $0x70;
	s18 =	sadd.s32 $0x10, s18;
	s19 =	sadd.s32 $0x10, s19;
	[tilespmem:v5+s13+$0x0] =	vst.idx.msk $0xffff, v4  }
0x10f: {  	s22 =	smov.u32 s21;
	s21 =	sadd.s32 $0x10, s21;
	v4 =	vld [tilespmem:s18+$0x0];
	_ =	sdelay $0x4  }
0x110: {  	v5 =	vshra.s32 v4, $0x1F  }
0x111: {  	v5 =	vshrl.u32 v5, $0x1C  }
0x112: {  	v5 =	vadd.s32 v5, v4  }
0x113: {  	v5 =	vshra.s32 v5, $0x4  }
0x114: {  	v6 =	vor.u32 s22, v0;
	v7 =	vshll.u32 v5, $0x4  }
0x115: {  	vm0 =	vlt.s32 v4, $0x1;
	v8 =	vsub.s32 v4, v7;
	vm1 =	vne.s32 v4, v7  }
0x116: {  	v7 =	vshll.u32 v6, $0x3;
	vm0 =	vmand vm0, vm1;
	v4 =	vshll.u32 v8, $0x3  }
0x117: {  	v6 =	vshll.u32 v6, $0x7;
	v8 =	vsel vm0, $0xFFFFFFFF, v2;
	v9 =	vand.u32 $0xFFFFFF80, v4  }
0x118: {  	v5 =	vadd.s32 v8, v5;
	v6 =	vadd.s32 v6, v9  }
0x119: {  	v5 =	vadd.s32 $0x2710, v5  }
0x11a: {  	[tilespmem:s19+$0x0] =	vst v5  }
0x11b: {  	v4 =	vand.u32 $0x78, v4;
	v5 =	vld.idx.msk [tilespmem:v7+s10+$0x0], $0xffff  }
0x11c: {  	v6 =	vor.u32 v4, v6  }
0x11d: {  	v4 =	vor.u32 $0x1, v7;
	_ =	sdelay $0x3  }
0x11e: {  	[tilespmem:v6+s13+$0x0] =	vst.idx.msk $0xffff, v5  }
0x11f: {  	v4 =	vld.idx.msk [tilespmem:v4+s10+$0x0], $0xffff  }
0x120: {  	v5 =	vor.u32 $0x1, v6  }
0x121: {  	v8 =	vor.u32 $0x2, v7;
	_ =	sdelay $0x3  }
0x122: {  	[tilespmem:v5+s13+$0x0] =	vst.idx.msk $0xffff, v4  }
0x123: {  	v4 =	vld.idx.msk [tilespmem:v8+s10+$0x0], $0xffff  }
0x124: {  	v5 =	vor.u32 $0x2, v6  }
0x125: {  	v8 =	vor.u32 $0x3, v7;
	_ =	sdelay $0x3  }
0x126: {  	[tilespmem:v5+s13+$0x0] =	vst.idx.msk $0xffff, v4  }
0x127: {  	v4 =	vld.idx.msk [tilespmem:v8+s10+$0x0], $0xffff  }
0x128: {  	v5 =	vor.u32 $0x3, v6  }
0x129: {  	v8 =	vor.u32 $0x4, v7;
	_ =	sdelay $0x3  }
0x12a: {  	[tilespmem:v5+s13+$0x0] =	vst.idx.msk $0xffff, v4  }
0x12b: {  	v4 =	vld.idx.msk [tilespmem:v8+s10+$0x0], $0xffff  }
0x12c: {  	v5 =	vor.u32 $0x4, v6  }
0x12d: {  	v8 =	vor.u32 $0x5, v7;
	_ =	sdelay $0x3  }
0x12e: {  	[tilespmem:v5+s13+$0x0] =	vst.idx.msk $0xffff, v4  }
0x12f: {  	v4 =	vld.idx.msk [tilespmem:v8+s10+$0x0], $0xffff  }
0x130: {  	v5 =	vor.u32 $0x5, v6  }
0x131: {  	v8 =	vor.u32 $0x6, v7;
	_ =	sdelay $0x3  }
0x132: {  	[tilespmem:v5+s13+$0x0] =	vst.idx.msk $0xffff, v4  }
0x133: {  	v4 =	vld.idx.msk [tilespmem:v8+s10+$0x0], $0xffff  }
0x134: {  	v5 =	vor.u32 $0x6, v6  }
0x135: {  	v7 =	vor.u32 $0x7, v7;
	_ =	sdelay $0x1  }
.Ltmp6:
0x136: {  	(pc) =	sbr.rel @p1 .LBB2_6-.Ltmp6, $4  }
0x137: {  	_ = 	snop  }
0x138: {  	[tilespmem:v5+s13+$0x0] =	vst.idx.msk $0xffff, v4  }
0x139: {  	v4 =	vld.idx.msk [tilespmem:v7+s10+$0x0], $0xffff  }
0x13a: {  	v5 =	vor.u32 $0x7, v6  }
0x13b: {  	_ =	sdelay $0x3  }
0x13c: {  	[tilespmem:v5+s13+$0x0] =	vst.idx.msk $0xffff, v4  }
0x13d: {  	[spmem:s20] =	stream.indirect.scatter.add.f32 [tilespmem:s13], [sflag:$0x2], $0x80, s14, s14, $0xb8;
	[tilespmem:$0x1D180] =	vst v63  }
0x13e: {  	_ =	swait.ge [sflag:s11], $0x4000  }
0x13f: {  	[sflag:s11] =	ssyncset.done $0x0  }
0x140: {  	[sflag:s11] =	ssyncadd.s32 $0xFFFFC000  }
0x141: {  	_ =	swait.ge [sflag:s12], $0x4000  }
0x142: {  	[sflag:s12] =	ssyncset.done $0x0  }
0x143: {  	s18 =	simm.s32 $0x0;
	[sflag:s12] =	ssyncadd.s32 $0xFFFFC000  }
0x144: {  	v4 =	vld [tilespmem:s18+$0x0];
	_ =	sdelay $0x4  }
0x145: {  	v5 =	vshra.s32 v4, $0x1F  }
0x146: {  	v5 =	vshrl.u32 v5, $0x1C  }
0x147: {  	v5 =	vadd.s32 v5, v4  }
0x148: {  	v5 =	vshrl.u32 v5, $0x4  }
0x149: {  	v5 =	vshll.u32 v5, $0x4  }
0x14a: {  	v6 =	vmov s18;
	v4 =	vsub.s32 v4, v5  }
0x14b: {  	v5 =	vshll.u32 v6, $0x7;
	v4 =	vshll.u32 v4, $0x3  }
0x14c: {  	v5 =	vor.u32 v3, v5;
	v6 =	vand.u32 $0xFFFFFF80, v4  }
0x14d: {  	v4 =	vand.u32 $0x78, v4;
	v5 =	vadd.s32 v5, v6  }
0x14e: {  	v4 =	vor.u32 v4, v5  }
0x14f: {  	v5 =	vor.u32 $0x1, v4  }
0x150: {  	v6 =	vor.u32 $0x2, v4  }
0x151: {  	v7 =	vor.u32 $0x3, v4  }
0x152: {  	v8 =	vor.u32 $0x4, v4  }
0x153: {  	v9 =	vor.u32 $0x5, v4;
	[tilespmem:v4+s13+$0x0] =	vst.idx.msk $0xffff, v1  }
0x154: {  	[tilespmem:v5+s13+$0x0] =	vst.idx.msk $0xffff, v1;
	v5 =	vor.u32 $0x6, v4  }
0x155: {  	[tilespmem:v6+s13+$0x0] =	vst.idx.msk $0xffff, v1  }
0x156: {  	v4 =	vor.u32 $0x7, v4;
	[tilespmem:v7+s13+$0x0] =	vst.idx.msk $0xffff, v1  }
0x157: {  	[tilespmem:v8+s13+$0x0] =	vst.idx.msk $0xffff, v1  }
0x158: {  	[tilespmem:v9+s13+$0x0] =	vst.idx.msk $0xffff, v1  }
0x159: {  	s19 =	simm.s32 $0x10;
	[tilespmem:v5+s13+$0x0] =	vst.idx.msk $0xffff, v1  }
.LBB2_8:
0x15a: {  	p1 =	sne.s32 s19, $0x70  }
0x15b: {  	[tilespmem:v4+s13+$0x0] =	vst.idx.msk $0xffff, v1;
	s18 =	sadd.s32 $0x10, s18;
	s21 =	smov.u32 s19;
	s19 =	sadd.s32 $0x10, s19  }
0x15c: {  	v4 =	vld [tilespmem:s18+$0x0];
	_ =	sdelay $0x4  }
0x15d: {  	v5 =	vshra.s32 v4, $0x1F  }
0x15e: {  	v5 =	vshrl.u32 v5, $0x1C  }
0x15f: {  	v5 =	vadd.s32 v5, v4  }
0x160: {  	v5 =	vshrl.u32 v5, $0x4  }
0x161: {  	v5 =	vshll.u32 v5, $0x4  }
0x162: {  	v6 =	vmov s21;
	v4 =	vsub.s32 v4, v5  }
0x163: {  	v5 =	vshll.u32 v6, $0x7;
	v4 =	vshll.u32 v4, $0x3  }
0x164: {  	v5 =	vor.u32 v3, v5;
	v6 =	vand.u32 $0xFFFFFF80, v4  }
0x165: {  	v4 =	vand.u32 $0x78, v4;
	v5 =	vadd.s32 v5, v6  }
0x166: {  	v4 =	vor.u32 v4, v5  }
0x167: {  	v5 =	vor.u32 $0x1, v4  }
0x168: {  	v6 =	vor.u32 $0x2, v4  }
0x169: {  	v7 =	vor.u32 $0x3, v4  }
0x16a: {  	v8 =	vor.u32 $0x4, v4  }
0x16b: {  	v9 =	vor.u32 $0x5, v4;
	[tilespmem:v4+s13+$0x0] =	vst.idx.msk $0xffff, v1  }
0x16c: {  	[tilespmem:v5+s13+$0x0] =	vst.idx.msk $0xffff, v1;
	v5 =	vor.u32 $0x6, v4  }
.Ltmp7:
0x16d: {  	v4 =	vor.u32 $0x7, v4;
	[tilespmem:v6+s13+$0x0] =	vst.idx.msk $0xffff, v1;
	(pc) =	sbr.rel @p1 .LBB2_8-.Ltmp7, $4  }
0x16e: {  	[tilespmem:v7+s13+$0x0] =	vst.idx.msk $0xffff, v1  }
0x16f: {  	[tilespmem:v8+s13+$0x0] =	vst.idx.msk $0xffff, v1  }
0x170: {  	[tilespmem:v9+s13+$0x0] =	vst.idx.msk $0xffff, v1  }
0x171: {  	[tilespmem:v5+s13+$0x0] =	vst.idx.msk $0xffff, v1  }
.Ltmp8:
0x172: {  	_ = 	snop;
	(pc) =	sbr.rel .LBB2_10-.Ltmp8, $2  }
0x173: {  	_ =	sdelay $0x2  }
0x174: {  	[tilespmem:v4+s13+$0x0] =	vst.idx.msk $0xffff, v1  }
.LBB2_12:
0x175: {  	_ =	sfence.sel $0x180000  }
0x176: {  	[bflag:$0x0] =	sbarrier.arrive $0xFFFF  }
0x177: {  	_ =	strace $0x90000050  }
0x178: {  	s0 =	stileid.u32;
	[bflag:$0x2] =	sbarrier.arrive $0xFFFF  }
0x179: {  	p0 =	sne.s32 s0, $0x0;
	s0 =	rddreg [dreg:$0x2]  }
0x17a: {  	s0 =	sadd.s32 @!p0 $0x100000, s0  }
0x17b: {  	[sflag:s0] =	ssyncadd.tile.s32 @!p0 $0x1;
	_ =	shalt  }
.Lfunc_end2:
_tile_overlayer_lowered:
.L_overlay_start_2:
0x17c: {  	(tag) =	ssettag $0x2  }
0x17d: {  	s0 =	rddreg [dreg:$0x0];
	s2 =	stileid.u32  }
0x17e: {  	s1 =	rddreg [dreg:$0x1];
	p0 =	sne.s32 s2, $0x0  }
0x17f: {  	s3 =	rddreg [dreg:$0x2];
	[bflag:$0x3] =	sbarrier.arrive $0xFFFF;
	s2 =	simm.s32 @!p0 $0x1C03  }
0x180: {  	[timem:s3], [sflag:s2] =	dma.local @!p0 [hbm:s0], s1  }
0x181: {  	s0 =	simm.s32 @!p0 $0x3  }
0x182: {  	_ =	swait.ge @!p0 [sflag:s0], s1  }
0x183: {  	s1 =	ssub.s32 @!p0 $0x0, s1;
	[sflag:s0] =	ssyncset.done @!p0 $0x0  }
0x184: {  	[sflag:s0] =	ssyncadd.s32 @!p0 s1  }
0x185: {  	[bflag:$0x3] =	sbarrier.arrive $0xFFFF  }
0x186: {  	_ =	shalt  }

// kernel: kernel.32.cloned.1.call-start
scs
__scs_entry_jumppad:
0x0: {  	(pc) =	sbr.rel $0x88, $3  }
0x1: {  	(tag) =	ssettag $0x0;
	lr =	simm.s32 $0x1  }
0x2: {  	[smem:$0x3F74] =	sst lr;
	_ =	strace $0xD0000000  }
0x3: {  	_ = 	snop  }
0x4: {  	_ = 	snop  }
0x5: {  	_ = 	snop  }
0x6: {  	_ = 	snop  }
0x7: {  	_ = 	snop  }
__scs_overlays_trampoline_lowered:
0x8: {  	[smem:$0x3F83] =	sst s0  }
0x9: {  	[smem:$0x3F84] =	sst s1  }
0xa: {  	[smem:$0x3F85] =	sst s2  }
0xb: {  	[smem:$0x3F86] =	sst s3  }
0xc: {  	[smem:$0x3F87] =	sst s4  }
0xd: {  	[smem:$0x3F88] =	sst s5  }
0xe: {  	[smem:$0x3F89] =	sst s6  }
0xf: {  	[smem:$0x3F8A] =	sst s7  }
0x10: {  	[smem:$0x3F8B] =	sst s8  }
0x11: {  	[smem:$0x3F8C] =	sst s9;
	s0 =	simm.s32 @!p0 $0x0  }
0x12: {  	s1 =	sld [smem:$0x3F72];
	s0 =	simm.s32 @p0 $0x1  }
0x13: {  	[smem:$0x3F8D] =	sst s0;
	s0 =	simm.s32 @!p1 $0x0  }
0x14: {  	s2 =	sld [smem:$0x3F71];
	s0 =	simm.s32 @p1 $0x1  }
0x15: {  	[smem:$0x3F8E] =	sst s0;
	s0 =	simm.s32 @!p2 $0x0  }
0x16: {  	s3 =	sld [smem:$0x3FDB];
	s0 =	simm.s32 @p2 $0x1  }
0x17: {  	s4 =	simm.s32 $0x1BF5;
	[smem:$0x3F90] =	sst s0  }
0x18: {  	s0 =	sld [smem:$0x3F73];
	_ =	swait.ge [sflag:s4], $0x0  }
0x19: {  	s7 =	sld [smem:$0x3F74]  }
0x1a: {  	s8 =	sadd.s32 $0xFFFFE003, lr  }
0x1b: {  	s9 =	sadd.s32 $0xFFFFFEF7, lr;
	s5 =	simm.s32 $0xFFFFFFFF;
	p2 =	slt.u32 s8, $0xFFFFF086  }
0x1c: {  	p1 =	slt.u32 s9, $0xF7A;
	s5 =	simm.s32 @!p2 $0x0  }
0x1d: {  	s5 =	simm.s32 @p1 $0x1;
	p0 =	seq.s32 s7, s2  }
0x1e: {  	s7 =	smul.u32 @!p0 $0xF7A, s2;
	p2 =	seq.s32 @!p0 s5, $0x0  }
0x1f: {  	s9 =	smul.u32 $0xF7A, s1;
	s8 =	simm.s32 @!p0 $0x1BF5;
	p2 =	por !p2, p0  }
0x20: {  	[sflag:s8] =	ssyncset.s32 @!p0 $0xFFFFF086;
	s6 =	sadd.s32 @!p0 s3, s7;
	s7 =	simm.s32 @!p0 $0x108  }
0x21: {  	s3 =	sadd.s32 s3, s9;
	s6 =	sadd.s32 @!p0 $0x88, s6;
	s7 =	simm.s32 @p2 $0x1082  }
0x22: {  	[simem:s7], [sflag:s8] =	dma.local @!p0 [hbm:s6], $0xF7A  }
0x23: {  	s9 =	sor.u32 $0xD0000000, s2;
	s6 =	simm.s32 $0x108;
	_ =	swait.ge @!p0 [sflag:s8], $0x0  }
0x24: {  	s3 =	sadd.s32 $0x88, s3;
	s6 =	simm.s32 @!p1 $0x1082;
	[sflag:s4] =	ssyncset.s32 $0xFFFFF086  }
0x25: {  	[simem:s6], [sflag:s4] =	dma.local [hbm:s3], $0xF7A  }
0x26: {  	[smem:$0x3F74] =	sst s1;
	(tag) =	ssettag s2;
	_ =	strace s9  }
0x27: {  	s1 =	sld [smem:$0x3F84]  }
0x28: {  	s2 =	sld [smem:$0x3F85]  }
0x29: {  	s4 =	sld [smem:$0x3F87]  }
0x2a: {  	p0 =	seq.s32 s5, $0x0;
	s5 =	sld [smem:$0x3F88]  }
0x2b: {  	s6 =	sld [smem:$0x3F89]  }
0x2c: {  	s7 =	sld [smem:$0x3F8A]  }
0x2d: {  	s3 =	simm.s32 $0x108;
	s8 =	sld [smem:$0x3F8B]  }
0x2e: {  	s3 =	simm.s32 @!p0 $0x1082;
	s9 =	sld [smem:$0x3F8C]  }
0x2f: {  	lr =	sadd.s32 s0, s3;
	s0 =	sld [smem:$0x3F83]  }
0x30: {  	s3 =	sld [smem:$0x3F86]  }
0x31: {  	[smem:$0x3F8F] =	sst s10  }
0x32: {  	s10 =	sld [smem:$0x3F8D];
	_ =	sdelay $0x3  }
0x33: {  	p0 =	seq.s32 s10, $0x1;
	s10 =	sld [smem:$0x3F8F];
	_ =	sdelay $0x3  }
0x34: {  	[smem:$0x3F8F] =	sst s10  }
0x35: {  	s10 =	sld [smem:$0x3F8E];
	_ =	sdelay $0x3  }
0x36: {  	p1 =	seq.s32 s10, $0x1;
	s10 =	sld [smem:$0x3F8F];
	_ =	sdelay $0x3  }
0x37: {  	[smem:$0x3F8F] =	sst s10  }
0x38: {  	s10 =	sld [smem:$0x3F90]  }
0x39: {  	_ = 	snop;
	(pc) =	sbr.ind lr, $3  }
0x3a: {  	_ = 	snop  }
0x3b: {  	_ = 	snop  }
0x3c: {  	p2 =	seq.s32 s10, $0x1;
	s10 =	sld [smem:$0x3F8F]  }
0x3d: {  	_ =	shalt  }
0x3e: {  	_ =	shalt  }
0x3f: {  	_ =	shalt  }
0x40: {  	_ =	shalt  }
0x41: {  	_ =	shalt  }
0x42: {  	_ =	shalt  }
0x43: {  	_ =	shalt  }
0x44: {  	_ =	shalt  }
0x45: {  	_ =	shalt  }
0x46: {  	_ =	shalt  }
0x47: {  	_ =	shalt  }
0x48: {  	_ =	shalt  }
0x49: {  	_ =	shalt  }
0x4a: {  	_ =	shalt  }
0x4b: {  	_ =	shalt  }
0x4c: {  	_ =	shalt  }
0x4d: {  	_ =	shalt  }
0x4e: {  	_ =	shalt  }
0x4f: {  	_ =	shalt  }
0x50: {  	_ =	shalt  }
0x51: {  	_ =	shalt  }
0x52: {  	_ =	shalt  }
0x53: {  	_ =	shalt  }
0x54: {  	_ =	shalt  }
0x55: {  	_ =	shalt  }
0x56: {  	_ =	shalt  }
0x57: {  	_ =	shalt  }
0x58: {  	_ =	shalt  }
0x59: {  	_ =	shalt  }
0x5a: {  	_ =	shalt  }
0x5b: {  	_ =	shalt  }
0x5c: {  	_ =	shalt  }
0x5d: {  	_ =	shalt  }
0x5e: {  	_ =	shalt  }
0x5f: {  	_ =	shalt  }
0x60: {  	_ =	shalt  }
0x61: {  	_ =	shalt  }
0x62: {  	_ =	shalt  }
0x63: {  	_ =	shalt  }
0x64: {  	_ =	shalt  }
0x65: {  	_ =	shalt  }
0x66: {  	_ =	shalt  }
0x67: {  	_ =	shalt  }
0x68: {  	_ =	shalt  }
0x69: {  	_ =	shalt  }
0x6a: {  	_ =	shalt  }
0x6b: {  	_ =	shalt  }
0x6c: {  	_ =	shalt  }
0x6d: {  	_ =	shalt  }
0x6e: {  	_ =	shalt  }
0x6f: {  	_ =	shalt  }
0x70: {  	_ =	shalt  }
0x71: {  	_ =	shalt  }
0x72: {  	_ =	shalt  }
0x73: {  	_ =	shalt  }
0x74: {  	_ =	shalt  }
0x75: {  	_ =	shalt  }
0x76: {  	_ =	shalt  }
0x77: {  	_ =	shalt  }
0x78: {  	_ =	shalt  }
0x79: {  	_ =	shalt  }
0x7a: {  	_ =	shalt  }
0x7b: {  	_ =	shalt  }
0x7c: {  	_ =	shalt  }
0x7d: {  	_ =	shalt  }
0x7e: {  	_ =	shalt  }
0x7f: {  	_ =	shalt  }
0x80: {  	_ =	shalt  }
0x81: {  	_ =	shalt  }
0x82: {  	_ =	shalt  }
0x83: {  	_ =	shalt  }
0x84: {  	_ =	shalt  }
0x85: {  	_ =	shalt  }
0x86: {  	_ =	shalt  }
0x87: {  	_ =	shalt  }
.Lfunc_end0:
.L_simem_size_0:
called_computation.4_lowered:
.L_overlay_start_0:
0x88: {  	s2 =	sld [smem:$0x3FD9]  }
0x89: {  	s3 =	sld [smem:$0x3FFE];
	_ =	sdelay $0x1  }
0x8a: {  	s1 =	srdreg.scid  }
0x8b: {  	s0 =	sand.u32 $0x1, s1  }
0x8c: {  	s16 =	sshll.u32 s0, $0xA;
	s2 =	sadd.s32 s3, s2  }
0x8d: {  	s2 =	sadd.s32 s2, s16  }
0x8e: {  	[smem:$0x3F9B] =	sst s2  }
0x8f: {  	_ = 	snop  }
0x90: {  	(tm) =	ssettm $0x1  }
0x91: {  	s17 =	sld [smem:$0x3FFB];
	_ =	sdelay $0x3  }
0x92: {  	_ =	strace s17  }
0x93: {  	s2 =	sld [smem:$0x3FFC];
	_ =	sdelay $0x3  }
0x94: {  	_ =	strace s2  }
0x95: {  	s2 =	sld [smem:$0x3FFD];
	_ =	sdelay $0x3  }
0x96: {  	_ =	strace s2  }
0x97: {  	_ =	strace $0x8FFFFFFF  }
0x98: {  	s18 =	sld [smem:$0x3FDB];
	_ =	sdelay $0x1  }
0x99: {  	s19 =	simm.s32 $_scs_section_size  }
0x9a: {  	s4 =	simm.s32 $_size__tile_overlayer_lowered;
	s5 =	simm.s32 $_tile_overlayer_lowered  }
0x9b: {  	s22 =	simm.s32 $0x1BFF;
	s21 =	sshll.u32 s5, $0x1;
	s2 =	sadd.s32 s19, s18  }
0x9c: {  	s6 =	simm.s32 $0x0;
	s20 =	sshll.u32 s4, $0x1;
	s4 =	sadd.s32 s21, s2  }
0x9d: {  	[timem:s6], [sflag:s22] =	dma.local [hbm:s4], s20  }
0x9e: {  	_ =	swait.ge [sflag:s22], s20  }
0x9f: {  	s3 =	ssub.s32 $0x0, s20;
	[sflag:s22] =	ssyncset.done $0x0  }
0xa0: {  	[sflag:s22] =	ssyncadd.s32 s3;
	_ =	sdelay $0x1  }
0xa1: {  	s23 =	simm.s32 $0x1B8B  }
0xa2: {  	_ =	swait.ge [sflag:s23], $0x1  }
0xa3: {  	[sflag:s23] =	ssyncset.done $0x0  }
0xa4: {  	s25 =	simm.s32 $0x1B8E;
	s24 =	sld [smem:$0x3FFE];
	[sflag:s23] =	ssyncadd.s32 $0xFFFFFFFF  }
0xa5: {  	s26 =	simm.s32 $execute0_lowered;
	[smem:$0x3FD2] =	sst s25  }
0xa6: {  	s4 =	sshll.u32 s26, $0x1;
	_ =	strace $0x80000052;
	[dreg:$0x1] =	wrdreg $0xFFFFFFFF  }
0xa7: {  	s28 =	simm.s32 $_size_execute0_lowered;
	s2 =	sadd.s32 s2, s4;
	[dreg:$0x0] =	wrdreg $0x0  }
0xa8: {  	s4 =	sshll.u32 s28, $0x1;
	[dreg:$0x2] =	wrdreg s2  }
0xa9: {  	[dreg:$0x3] =	wrdreg s4  }
0xaa: {  	[dreg:$0x4] =	wrdreg $0xC0  }
0xab: {  	_ =	task [dreg:s6], $0x5FFFF  }
0xac: {  	[dreg:$0x1] =	wrdreg $0xFFFFFFFF  }
0xad: {  	[dreg:$0x0] =	wrdreg $0x60  }
0xae: {  	[dreg:$0x2] =	wrdreg s24  }
0xaf: {  	[dreg:$0x3] =	wrdreg $0x9  }
0xb0: {  	_ =	task.clear_ibuf [dreg:s6], $0x4FFFF;
	_ =	strace $0x90000052  }
0xb1: {  	s29 =	simm.s32 $0x9;
	_ =	strace $0x80000054  }
0xb2: {  	_ =	swait.ge [sflag:s29], $0x1  }
0xb3: {  	[sflag:s29] =	ssyncadd.s32 $0xFFFFFFFF  }
0xb4: {  	_ =	strace $0x90000054  }
0xb5: {  	_ =	sfence  }
0xb6: {  	s30 =	sld [smem:$0x0];
	_ =	sdelay $0x2  }
0xb7: {  	s31 =	sshll.u32 s1, $0xD;
	s1 =	sshrl.u32 s1, $0x2  }
0xb8: {  	s3 =	sand.u32 $0x4000, s31;
	s1 =	sadd.s32 s1, s30  }
0xb9: {  	s0 =	sor.u32 s3, s0;
	s1 =	sshll.u32 s1, $0x11  }
0xba: {  	s0 =	sor.u32 s1, s0  }
0xbb: {  	s0 =	sadd.s32 $0x8F2B, s0  }
0xbc: {  	[sflag:s0] =	ssyncadd.remote.s32 $0x1  }
0xbd: {  	_ =	sfence.sel $0xFFFF  }
0xbe: {  	[dreg:$0x0] =	wrdreg $0xFFFFFFFF;
	(pc) =	sbr.abs _section_cstart, $3  }
0xbf: {  	[dreg:$0x1] =	wrdreg $0xFFFFFFFF  }
0xc0: {  	_ =	task.clear_ibuf [dreg:s6], $0x2FFFF;
	_ =	strace $0x9FFFFFFF  }
0xc1: {  	(tm) =	ssettm $0x7FFFFFFF  }
tec
execute0_lowered:
.L_overlay_start_1:
0x0: {  	(tag) =	ssettag $0x1  }
0x1: {  	s5 =	rddreg [dreg:$0x0]  }
0x2: {  	s2 =	srdreg.scid;
	s1 =	stileid.u32;
	s9 =	simm.s32 $0x5  }
0x3: {  	s10 =	simm.s32 $0x6;
	s15 =	simm.s32 $0x0;
	s6 =	sand.u32 $0x1, s2  }
0x4: {  	s3 =	smul.u32 $0x9C, s1;
	s2 =	simm.s32 $0x0;
	s4 =	sshll.u32 s1, $0x1  }
0x5: {  	p0 =	slt.u32 s1, $0x2;
	s7 =	smul.u32 $0x4E, s6;
	[smem:$0x7FF] =	sst s2  }
0x6: {  	s4 =	sor.u32 s6, s4;
	s6 =	ssub.s32 $0x2, s6;
	s9 =	simm.s32 @!p0 $0x3  }
0x7: {  	s10 =	simm.s32 @!p0 $0x4;
	_ =	strace $0x80000053;
	s8 =	smin.u32 s4, $0x4  }
0x8: {  	s4 =	sadd.s32 $0xFDC200, s5;
	s31 =	sshrl.u32 s6, $0x1;
	s7 =	sadd.s32 s7, s3  }
0x9: {  	s3 =	sadd.s32 $0xFB5000, s5;
	s6 =	ssub.s32 s6, s31;
	s7 =	sadd.s32 s8, s7  }
0xa: {  	s6 =	smax.u32 s6, $0x1;
	s8 =	sshll.u32 s7, $0x4;
	s7 =	sshll.u32 s7, $0xB  }
0xb: {  	s14 =	sadd.s32 s8, s5;
	s12 =	sadd.s32 s7, s5;
	s5 =	simm.s32 $0x4F  }
0xc: {  	s7 =	simm.s32 $0x3;
	s8 =	simm.s32 $0x4;
	s5 =	simm.s32 @!p0 $0x4E  }
0xd: {  	s7 =	simm.s32 @!p0 $0x5;
	s8 =	simm.s32 @!p0 $0x6;
	s11 =	sadd.s32 $0x21E00, s12  }
0xe: {  	s12 =	sadd.s32 $0x1003400, s12;
	s13 =	sadd.s32 $0xE200, s14;
	s14 =	sadd.s32 $0x18000, s14  }
.LBB2_1:
0xf: {  	p0 =	sle.u32 s5, $0x0;
	s16 =	sand.u32 $0x1, s2  }
0x10: {  	p2 =	sne.s32 @!p0 s16, $0x0  }
0x11: {  	p1 =	por p2, p0  }
0x12: {  	p3 =	por @!p1 $0x1, $0x1  }
0x13: {  	p2 =	por @!p0 p3, p2  }
0x14: {  	p2 =	por p2, p0  }
0x15: {  	s17 =	simm.s32 @!p2 $0x3  }
0x16: {  	_ =	swait.ge @!p2 [sflag:s17], $0x4000  }
0x17: {  	[sflag:s17] =	ssyncset.done @!p2 $0x0  }
0x18: {  	s18 =	simm.s32 @!p2 $0x4;
	[sflag:s17] =	ssyncadd.s32 @!p2 $0xFFFFC000  }
0x19: {  	_ =	swait.ge @!p2 [sflag:s18], $0x4000  }
0x1a: {  	[sflag:s18] =	ssyncset.done @!p2 $0x0  }
0x1b: {  	s17 =	simm.s32 @!p1 $0x0;
	[sflag:s18] =	ssyncadd.s32 @!p2 $0xFFFFC000  }
0x1c: {  	[tilespmem:s17], [sflag:$0x1] =	stream.linear.gather @!p1 [hbm4b:s13+s17], $0x80, $0x38;
	[tilespmem:$0x10100] =	vst v63  }
0x1d: {  	s19 =	simm.s32 @!p1 $0x1;
	s18 =	simm.s32 @!p1 $0x80  }
0x1e: {  	[tilespmem:s18], [sflag:$0x2] =	stream.linear.gather @!p1 [hbm4b:s14+s17], $0x80, $0x38;
	[tilespmem:$0x10100] =	vst v63  }
0x1f: {  	_ =	swait.ge @!p1 [sflag:s19], $0x80  }
0x20: {  	[sflag:s19] =	ssyncset.done @!p1 $0x0  }
0x21: {  	s20 =	simm.s32 @!p1 $0x2;
	[sflag:s19] =	ssyncadd.s32 @!p1 $0xFFFFFF80  }
0x22: {  	_ =	swait.ge @!p1 [sflag:s20], $0x80  }
0x23: {  	[sflag:s20] =	ssyncset.done @!p1 $0x0  }
0x24: {  	s21 =	simm.s32 @!p1 $0x100;
	[sflag:s20] =	ssyncadd.s32 @!p1 $0xFFFFFF80  }
0x25: {  	[tilespmem:s21], [sflag:$0x1] =	stream.indirect.gather @!p1 [hbm4b:s3+s18], $0x80, s17, s18, $0xb8;
	[tilespmem:$0x10100] =	vst v63  }
0x26: {  	s22 =	simm.s32 @!p1 $0x4100  }
0x27: {  	[tilespmem:s22], [sflag:$0x2] =	stream.indirect.gather @!p1 [hbm4b:s4+s18], $0x80, s18, s18, $0xb8;
	[tilespmem:$0x10100] =	vst v63  }
0x28: {  	_ =	swait.ge @!p1 [sflag:s19], $0x4000  }
0x29: {  	p3 =	seq.s32 s16, $0x1;
	[sflag:s19] =	ssyncset.done @!p1 $0x0  }
0x2a: {  	p2 =	por !p3, p0;
	[sflag:s19] =	ssyncadd.s32 @!p1 $0xFFFFC000  }
0x2b: {  	p4 =	por @!p2 $0x1, $0x1;
	_ =	swait.ge @!p1 [sflag:s20], $0x4000  }
0x2c: {  	p3 =	por @!p0 p4, !p3;
	[sflag:s20] =	ssyncset.done @!p1 $0x0  }
0x2d: {  	p0 =	por p3, p0;
	[sflag:s20] =	ssyncadd.s32 @!p1 $0xFFFFC000  }
0x2e: {  	[hbm4b:s11+s17] =	stream.linear.scatter @!p1 [tilespmem:s21], [sflag:$0x3], $0x4000, $0x38;
	[tilespmem:$0x10100] =	vst v63  }
0x2f: {  	s16 =	simm.s32 @!p0 $0x5  }
0x30: {  	[hbm4b:s12+s17] =	stream.linear.scatter @!p1 [tilespmem:s22], [sflag:$0x4], $0x4000, $0x38;
	[tilespmem:$0x10100] =	vst v63  }
0x31: {  	_ =	swait.ge @!p0 [sflag:s16], $0x4000  }
0x32: {  	[sflag:s16] =	ssyncset.done @!p0 $0x0  }
0x33: {  	[sflag:s16] =	ssyncadd.s32 @!p0 $0xFFFFC000;
	s16 =	simm.s32 @!p0 $0x6  }
0x34: {  	_ =	swait.ge @!p0 [sflag:s16], $0x4000  }
0x35: {  	s23 =	smov.u32 s12;
	[sflag:s16] =	ssyncset.done @!p0 $0x0  }
0x36: {  	s25 =	simm.s32 @!p2 $0x0;
	s29 =	simm.s32 @!p2 $0x80;
	[sflag:s16] =	ssyncadd.s32 @!p0 $0xFFFFC000  }
0x37: {  	[tilespmem:s25], [sflag:$0x1] =	stream.linear.gather @!p2 [hbm4b:s13+s25], $0x80, $0x38;
	[tilespmem:$0x10100] =	vst v63  }
0x38: {  	s28 =	simm.s32 @!p2 $0x1;
	s30 =	simm.s32 @!p2 $0x2;
	s31 =	simm.s32 @!p2 $0x8100  }
0x39: {  	[tilespmem:s29], [sflag:$0x2] =	stream.linear.gather @!p2 [hbm4b:s14+s25], $0x80, $0x38;
	[tilespmem:$0x10100] =	vst v63  }
0x3a: {  	s18 =	sadd.s32 $0x10, s14;
	s19 =	sadd.s32 $0x10, s13;
	_ =	swait.ge @!p2 [sflag:s28], $0x80  }
0x3b: {  	s20 =	simm.s32 $0x1;
	s21 =	simm.s32 $0x2;
	[sflag:s28] =	ssyncset.done @!p2 $0x0  }
0x3c: {  	s24 =	sand.u32 $0x1, s20;
	p0 =	sle.u32 s5, $0x1;
	[sflag:s28] =	ssyncadd.s32 @!p2 $0xFFFFFF80  }
0x3d: {  	s17 =	sadd.s32 $0x800, s11;
	p4 =	sne.s32 @!p0 s24, $0x0;
	_ =	swait.ge @!p2 [sflag:s30], $0x80  }
0x3e: {  	s22 =	smov.u32 s11;
	p1 =	por p4, p0;
	[sflag:s30] =	ssyncset.done @!p2 $0x0  }
0x3f: {  	s16 =	sadd.s32 $0x800, s12;
	p5 =	por @!p1 $0x1, $0x1;
	[sflag:s30] =	ssyncadd.s32 @!p2 $0xFFFFFF80  }
.LBB2_2:
0x40: {  	[tilespmem:s31], [sflag:$0x1] =	stream.indirect.gather @!p2 [hbm4b:s3+s29], $0x80, s25, s29, $0xb8;
	[tilespmem:$0x10100] =	vst v63  }
0x41: {  	s0 =	simm.s32 @!p2 $0xC100;
	s26 =	smov.u32 s21;
	s21 =	sadd.s32 $0x1, s21  }
0x42: {  	[tilespmem:s0], [sflag:$0x2] =	stream.indirect.gather @!p2 [hbm4b:s4+s29], $0x80, s29, s29, $0xb8;
	[tilespmem:$0x10100] =	vst v63  }
0x43: {  	p3 =	sne.s32 s21, $0x4F;
	_ =	swait.ge @!p2 [sflag:s28], $0x4000  }
0x44: {  	[sflag:s28] =	ssyncset.done @!p2 $0x0  }
0x45: {  	[sflag:s28] =	ssyncadd.s32 @!p2 $0xFFFFC000  }
0x46: {  	p4 =	por @!p0 p5, p4;
	_ =	swait.ge @!p2 [sflag:s30], $0x4000  }
0x47: {  	p4 =	por p4, p0;
	[sflag:s30] =	ssyncset.done @!p2 $0x0  }
0x48: {  	[sflag:s30] =	ssyncadd.s32 @!p2 $0xFFFFC000  }
0x49: {  	[hbm4b:s22+s25] =	stream.linear.scatter @!p2 [tilespmem:s31], [sflag:$0x5], $0x4000, $0x38;
	[tilespmem:$0x10100] =	vst v63  }
0x4a: {  	s28 =	simm.s32 @!p4 $0x3;
	s22 =	smov.u32 s17  }
0x4b: {  	[hbm4b:s23+s25] =	stream.linear.scatter @!p2 [tilespmem:s0], [sflag:$0x6], $0x4000, $0x38;
	[tilespmem:$0x10100] =	vst v63  }
0x4c: {  	s0 =	simm.s32 @!p4 $0x4;
	s23 =	smov.u32 s16;
	_ =	swait.ge @!p4 [sflag:s28], $0x4000  }
0x4d: {  	[sflag:s28] =	ssyncset.done @!p4 $0x0  }
0x4e: {  	[sflag:s28] =	ssyncadd.s32 @!p4 $0xFFFFC000  }
0x4f: {  	_ =	swait.ge @!p4 [sflag:s0], $0x4000  }
0x50: {  	[sflag:s0] =	ssyncset.done @!p4 $0x0  }
0x51: {  	[sflag:s0] =	ssyncadd.s32 @!p4 $0xFFFFC000;
	s0 =	simm.s32 @!p1 $0x0  }
0x52: {  	[tilespmem:s0], [sflag:$0x1] =	stream.linear.gather @!p1 [hbm4b:s19+s0], $0x80, $0x38;
	[tilespmem:$0x10100] =	vst v63  }
0x53: {  	s25 =	simm.s32 @!p1 $0x80;
	s28 =	simm.s32 @!p1 $0x1  }
0x54: {  	[tilespmem:s25], [sflag:$0x2] =	stream.linear.gather @!p1 [hbm4b:s18+s0], $0x80, $0x38;
	[tilespmem:$0x10100] =	vst v63  }
0x55: {  	s29 =	simm.s32 @!p1 $0x2;
	_ =	swait.ge @!p1 [sflag:s28], $0x80  }
0x56: {  	[sflag:s28] =	ssyncset.done @!p1 $0x0  }
0x57: {  	[sflag:s28] =	ssyncadd.s32 @!p1 $0xFFFFFF80  }
0x58: {  	s30 =	simm.s32 @!p1 $0x100;
	_ =	swait.ge @!p1 [sflag:s29], $0x80  }
0x59: {  	[sflag:s29] =	ssyncset.done @!p1 $0x0  }
0x5a: {  	p4 =	seq.s32 s24, $0x1;
	[sflag:s29] =	ssyncadd.s32 @!p1 $0xFFFFFF80  }
0x5b: {  	[tilespmem:s30], [sflag:$0x1] =	stream.indirect.gather @!p1 [hbm4b:s3+s25], $0x80, s0, s25, $0xb8;
	[tilespmem:$0x10100] =	vst v63  }
0x5c: {  	s24 =	simm.s32 @!p1 $0x4100;
	p2 =	por !p4, p0  }
0x5d: {  	[tilespmem:s24], [sflag:$0x2] =	stream.indirect.gather @!p1 [hbm4b:s4+s25], $0x80, s25, s25, $0xb8;
	[tilespmem:$0x10100] =	vst v63  }
0x5e: {  	p5 =	slt.u32 @!p2 s20, $0x2;
	s20 =	smov.u32 s26;
	_ =	swait.ge @!p1 [sflag:s28], $0x4000  }
0x5f: {  	p4 =	por @!p0 p5, !p4;
	[sflag:s28] =	ssyncset.done @!p1 $0x0  }
0x60: {  	[sflag:s28] =	ssyncadd.s32 @!p1 $0xFFFFC000  }
0x61: {  	_ =	swait.ge @!p1 [sflag:s29], $0x4000  }
0x62: {  	[sflag:s29] =	ssyncset.done @!p1 $0x0  }
0x63: {  	[sflag:s29] =	ssyncadd.s32 @!p1 $0xFFFFC000  }
0x64: {  	[hbm4b:s17+s0] =	stream.linear.scatter @!p1 [tilespmem:s30], [sflag:$0x3], $0x4000, $0x38;
	[tilespmem:$0x10100] =	vst v63  }
0x65: {  	p0 =	por p4, p0  }
0x66: {  	[hbm4b:s16+s0] =	stream.linear.scatter @!p1 [tilespmem:s24], [sflag:$0x4], $0x4000, $0x38;
	[tilespmem:$0x10100] =	vst v63  }
0x67: {  	s0 =	simm.s32 @!p0 $0x5  }
0x68: {  	_ =	swait.ge @!p0 [sflag:s0], $0x4000  }
0x69: {  	[sflag:s0] =	ssyncset.done @!p0 $0x0  }
0x6a: {  	[sflag:s0] =	ssyncadd.s32 @!p0 $0xFFFFC000;
	s0 =	simm.s32 @!p0 $0x6  }
0x6b: {  	_ =	swait.ge @!p0 [sflag:s0], $0x4000  }
0x6c: {  	[sflag:s0] =	ssyncset.done @!p0 $0x0  }
0x6d: {  	s25 =	simm.s32 @!p2 $0x0;
	[sflag:s0] =	ssyncadd.s32 @!p0 $0xFFFFC000  }
0x6e: {  	[tilespmem:s25], [sflag:$0x1] =	stream.linear.gather @!p2 [hbm4b:s19+s25], $0x80, $0x38;
	[tilespmem:$0x10100] =	vst v63  }
0x6f: {  	s28 =	simm.s32 @!p2 $0x1;
	s29 =	simm.s32 @!p2 $0x80  }
0x70: {  	[tilespmem:s29], [sflag:$0x2] =	stream.linear.gather @!p2 [hbm4b:s18+s25], $0x80, $0x38;
	[tilespmem:$0x10100] =	vst v63  }
0x71: {  	s24 =	sand.u32 $0x1, s20;
	s18 =	sadd.s32 $0x10, s18;
	_ =	swait.ge @!p2 [sflag:s28], $0x80  }
.Ltmp0:
0x72: {  	p0 =	sge.u32 s20, s5;
	[sflag:s28] =	ssyncset.done @!p2 $0x0;
	(pc) =	sbr.rel @p3 .LBB2_2-.Ltmp0, $4  }
0x73: {  	s30 =	simm.s32 @!p2 $0x2;
	p4 =	sne.s32 @!p0 s24, $0x0;
	[sflag:s28] =	ssyncadd.s32 @!p2 $0xFFFFFF80  }
0x74: {  	s16 =	sadd.s32 $0x800, s16;
	s19 =	sadd.s32 $0x10, s19;
	_ =	swait.ge @!p2 [sflag:s30], $0x80  }
0x75: {  	s17 =	sadd.s32 $0x800, s17;
	p1 =	por p4, p0;
	[sflag:s30] =	ssyncset.done @!p2 $0x0  }
0x76: {  	s31 =	simm.s32 @!p2 $0x8100;
	p5 =	slt.u32 @!p1 s20, $0x2;
	[sflag:s30] =	ssyncadd.s32 @!p2 $0xFFFFFF80  }
0x77: {  	[tilespmem:s31], [sflag:$0x1] =	stream.indirect.gather @!p2 [hbm4b:s3+s29], $0x80, s25, s29, $0xb8;
	[tilespmem:$0x10100] =	vst v63  }
0x78: {  	s0 =	simm.s32 @!p2 $0xC100  }
0x79: {  	[tilespmem:s0], [sflag:$0x2] =	stream.indirect.gather @!p2 [hbm4b:s4+s29], $0x80, s29, s29, $0xb8;
	[tilespmem:$0x10100] =	vst v63  }
0x7a: {  	_ =	swait.ge @!p2 [sflag:s28], $0x4000  }
0x7b: {  	[sflag:s28] =	ssyncset.done @!p2 $0x0  }
0x7c: {  	[sflag:s28] =	ssyncadd.s32 @!p2 $0xFFFFC000  }
0x7d: {  	_ =	swait.ge @!p2 [sflag:s30], $0x4000  }
0x7e: {  	p3 =	por @!p0 p5, p4;
	[sflag:s30] =	ssyncset.done @!p2 $0x0  }
0x7f: {  	p3 =	por p3, p0;
	[sflag:s30] =	ssyncadd.s32 @!p2 $0xFFFFC000  }
0x80: {  	[hbm4b:s22+s25] =	stream.linear.scatter @!p2 [tilespmem:s31], [sflag:$0x5], $0x4000, $0x38;
	[tilespmem:$0x10100] =	vst v63  }
0x81: {  	s21 =	simm.s32 @!p3 $0x3  }
0x82: {  	[hbm4b:s23+s25] =	stream.linear.scatter @!p2 [tilespmem:s0], [sflag:$0x6], $0x4000, $0x38;
	[tilespmem:$0x10100] =	vst v63  }
0x83: {  	_ =	swait.ge @!p3 [sflag:s21], $0x4000  }
0x84: {  	[sflag:s21] =	ssyncset.done @!p3 $0x0  }
0x85: {  	s0 =	simm.s32 @!p3 $0x4;
	[sflag:s21] =	ssyncadd.s32 @!p3 $0xFFFFC000  }
0x86: {  	_ =	swait.ge @!p3 [sflag:s0], $0x4000  }
0x87: {  	[sflag:s0] =	ssyncset.done @!p3 $0x0  }
0x88: {  	[sflag:s0] =	ssyncadd.s32 @!p3 $0xFFFFC000;
	s0 =	simm.s32 @!p1 $0x0  }
0x89: {  	[tilespmem:s0], [sflag:$0x1] =	stream.linear.gather @!p1 [hbm4b:s19+s0], $0x80, $0x38;
	[tilespmem:$0x10100] =	vst v63  }
0x8a: {  	s22 =	simm.s32 @!p1 $0x1;
	s21 =	simm.s32 @!p1 $0x80  }
0x8b: {  	[tilespmem:s21], [sflag:$0x2] =	stream.linear.gather @!p1 [hbm4b:s18+s0], $0x80, $0x38;
	[tilespmem:$0x10100] =	vst v63  }
0x8c: {  	_ =	swait.ge @!p1 [sflag:s22], $0x80  }
0x8d: {  	[sflag:s22] =	ssyncset.done @!p1 $0x0  }
0x8e: {  	s23 =	simm.s32 @!p1 $0x2;
	[sflag:s22] =	ssyncadd.s32 @!p1 $0xFFFFFF80  }
0x8f: {  	_ =	swait.ge @!p1 [sflag:s23], $0x80  }
0x90: {  	[sflag:s23] =	ssyncset.done @!p1 $0x0  }
0x91: {  	s25 =	simm.s32 @!p1 $0x100;
	[sflag:s23] =	ssyncadd.s32 @!p1 $0xFFFFFF80  }
0x92: {  	[tilespmem:s25], [sflag:$0x1] =	stream.indirect.gather @!p1 [hbm4b:s3+s21], $0x80, s0, s21, $0xb8;
	[tilespmem:$0x10100] =	vst v63  }
0x93: {  	s26 =	simm.s32 @!p1 $0x4100  }
0x94: {  	[tilespmem:s26], [sflag:$0x2] =	stream.indirect.gather @!p1 [hbm4b:s4+s21], $0x80, s21, s21, $0xb8;
	[tilespmem:$0x10100] =	vst v63  }
0x95: {  	_ =	swait.ge @!p1 [sflag:s22], $0x4000  }
0x96: {  	[sflag:s22] =	ssyncset.done @!p1 $0x0  }
0x97: {  	p3 =	seq.s32 s24, $0x1;
	[sflag:s22] =	ssyncadd.s32 @!p1 $0xFFFFC000  }
0x98: {  	p2 =	por !p3, p0;
	_ =	swait.ge @!p1 [sflag:s23], $0x4000  }
0x99: {  	p4 =	slt.u32 @!p2 s20, $0x2;
	[sflag:s23] =	ssyncset.done @!p1 $0x0  }
0x9a: {  	p3 =	por @!p0 p4, !p3;
	[sflag:s23] =	ssyncadd.s32 @!p1 $0xFFFFC000  }
0x9b: {  	[hbm4b:s17+s0] =	stream.linear.scatter @!p1 [tilespmem:s25], [sflag:$0x3], $0x4000, $0x38;
	[tilespmem:$0x10100] =	vst v63  }
0x9c: {  	p0 =	por p3, p0  }
0x9d: {  	[hbm4b:s16+s0] =	stream.linear.scatter @!p1 [tilespmem:s26], [sflag:$0x4], $0x4000, $0x38;
	[tilespmem:$0x10100] =	vst v63  }
0x9e: {  	s0 =	simm.s32 @!p0 $0x5  }
0x9f: {  	_ =	swait.ge @!p0 [sflag:s0], $0x4000  }
0xa0: {  	[sflag:s0] =	ssyncset.done @!p0 $0x0  }
0xa1: {  	[sflag:s0] =	ssyncadd.s32 @!p0 $0xFFFFC000;
	s0 =	simm.s32 @!p0 $0x6  }
0xa2: {  	_ =	swait.ge @!p0 [sflag:s0], $0x4000  }
0xa3: {  	[sflag:s0] =	ssyncset.done @!p0 $0x0  }
0xa4: {  	[sflag:s0] =	ssyncadd.s32 @!p0 $0xFFFFC000;
	s0 =	simm.s32 @!p2 $0x0  }
0xa5: {  	[tilespmem:s0], [sflag:$0x1] =	stream.linear.gather @!p2 [hbm4b:s19+s0], $0x80, $0x38;
	[tilespmem:$0x10100] =	vst v63  }
0xa6: {  	s20 =	simm.s32 @!p2 $0x1;
	s19 =	simm.s32 @!p2 $0x80  }
0xa7: {  	[tilespmem:s19], [sflag:$0x2] =	stream.linear.gather @!p2 [hbm4b:s18+s0], $0x80, $0x38;
	[tilespmem:$0x10100] =	vst v63  }
0xa8: {  	_ =	swait.ge @!p2 [sflag:s20], $0x80  }
0xa9: {  	[sflag:s20] =	ssyncset.done @!p2 $0x0  }
0xaa: {  	s18 =	simm.s32 @!p2 $0x2;
	[sflag:s20] =	ssyncadd.s32 @!p2 $0xFFFFFF80  }
0xab: {  	_ =	swait.ge @!p2 [sflag:s18], $0x80  }
0xac: {  	[sflag:s18] =	ssyncset.done @!p2 $0x0  }
0xad: {  	s21 =	simm.s32 @!p2 $0x8100;
	[sflag:s18] =	ssyncadd.s32 @!p2 $0xFFFFFF80  }
0xae: {  	[tilespmem:s21], [sflag:$0x1] =	stream.indirect.gather @!p2 [hbm4b:s3+s19], $0x80, s0, s19, $0xb8;
	[tilespmem:$0x10100] =	vst v63  }
0xaf: {  	s22 =	simm.s32 @!p2 $0xC100  }
0xb0: {  	[tilespmem:s22], [sflag:$0x2] =	stream.indirect.gather @!p2 [hbm4b:s4+s19], $0x80, s19, s19, $0xb8;
	[tilespmem:$0x10100] =	vst v63  }
0xb1: {  	_ =	swait.ge @!p2 [sflag:s20], $0x4000  }
0xb2: {  	[sflag:s20] =	ssyncset.done @!p2 $0x0  }
0xb3: {  	[sflag:s20] =	ssyncadd.s32 @!p2 $0xFFFFC000  }
0xb4: {  	_ =	swait.ge @!p2 [sflag:s18], $0x4000  }
0xb5: {  	[sflag:s18] =	ssyncset.done @!p2 $0x0  }
0xb6: {  	[sflag:s18] =	ssyncadd.s32 @!p2 $0xFFFFC000  }
0xb7: {  	[hbm4b:s17+s0] =	stream.linear.scatter @!p2 [tilespmem:s21], [sflag:$0x5], $0x4000, $0x38;
	[tilespmem:$0x10100] =	vst v63  }
0xb8: {  	_ = 	snop  }
0xb9: {  	[hbm4b:s16+s0] =	stream.linear.scatter @!p2 [tilespmem:s22], [sflag:$0x6], $0x4000, $0x38;
	[tilespmem:$0x10100] =	vst v63  }
0xba: {  	_ =	swait.ge [sflag:s7], $0x4000  }
0xbb: {  	[sflag:s7] =	ssyncset.done $0x0  }
0xbc: {  	[sflag:s7] =	ssyncadd.s32 $0xFFFFC000  }
0xbd: {  	_ =	swait.ge [sflag:s8], $0x4000  }
0xbe: {  	[sflag:s8] =	ssyncset.done $0x0  }
0xbf: {  	s15 =	sadd.s32 $0x1, s15;
	[sflag:s8] =	ssyncadd.s32 $0xFFFFC000  }
0xc0: {  	p0 =	sne.s32 s15, s6;
	_ =	swait.ge [sflag:s9], $0x4000  }
.Ltmp1:
0xc1: {  	[sflag:s9] =	ssyncset.done $0x0;
	(pc) =	sbr.rel @p0 .LBB2_1-.Ltmp1, $4  }
0xc2: {  	[sflag:s9] =	ssyncadd.s32 $0xFFFFC000  }
0xc3: {  	_ =	swait.ge [sflag:s10], $0x4000  }
0xc4: {  	[sflag:s10] =	ssyncset.done $0x0  }
0xc5: {  	[sflag:s10] =	ssyncadd.s32 $0xFFFFC000  }
0xc6: {  	_ =	sfence.sel $0x180000  }
0xc7: {  	[bflag:$0x0] =	sbarrier.arrive $0xFFFF  }
0xc8: {  	_ =	strace $0x90000053  }
0xc9: {  	[bflag:$0x2] =	sbarrier.arrive $0xFFFF  }
0xca: {  	p0 =	sne.s32 s1, $0x0;
	s0 =	rddreg [dreg:$0x1]  }
0xcb: {  	s0 =	sadd.s32 @!p0 $0x100000, s0  }
0xcc: {  	[sflag:s0] =	ssyncadd.tile.s32 @!p0 $0x1;
	_ =	shalt  }
.Lfunc_end2:
_tile_overlayer_lowered:
.L_overlay_start_2:
0xcd: {  	(tag) =	ssettag $0x2  }
0xce: {  	s0 =	rddreg [dreg:$0x0];
	s2 =	stileid.u32  }
0xcf: {  	s1 =	rddreg [dreg:$0x1];
	p0 =	sne.s32 s2, $0x0  }
0xd0: {  	s3 =	rddreg [dreg:$0x2];
	[bflag:$0x3] =	sbarrier.arrive $0xFFFF;
	s2 =	simm.s32 @!p0 $0x1C07  }
0xd1: {  	[timem:s3], [sflag:s2] =	dma.local @!p0 [hbm:s0], s1  }
0xd2: {  	s0 =	simm.s32 @!p0 $0x7  }
0xd3: {  	_ =	swait.ge @!p0 [sflag:s0], s1  }
0xd4: {  	s1 =	ssub.s32 @!p0 $0x0, s1;
	[sflag:s0] =	ssyncset.done @!p0 $0x0  }
0xd5: {  	[sflag:s0] =	ssyncadd.s32 @!p0 s1  }
0xd6: {  	[bflag:$0x3] =	sbarrier.arrive $0xFFFF  }
0xd7: {  	_ =	shalt  }

// kernel: kernel.35.cloned.1.call-start
scs
__scs_entry_jumppad:
0x0: {  	(pc) =	sbr.rel $0x88, $3  }
0x1: {  	(tag) =	ssettag $0x0;
	lr =	simm.s32 $0x1  }
0x2: {  	[smem:$0x3F74] =	sst lr;
	_ =	strace $0xD0000000  }
0x3: {  	_ = 	snop  }
0x4: {  	_ = 	snop  }
0x5: {  	_ = 	snop  }
0x6: {  	_ = 	snop  }
0x7: {  	_ = 	snop  }
__scs_overlays_trampoline_lowered:
0x8: {  	[smem:$0x3F83] =	sst s0  }
0x9: {  	[smem:$0x3F84] =	sst s1  }
0xa: {  	[smem:$0x3F85] =	sst s2  }
0xb: {  	[smem:$0x3F86] =	sst s3  }
0xc: {  	[smem:$0x3F87] =	sst s4  }
0xd: {  	[smem:$0x3F88] =	sst s5  }
0xe: {  	[smem:$0x3F89] =	sst s6  }
0xf: {  	[smem:$0x3F8A] =	sst s7  }
0x10: {  	[smem:$0x3F8B] =	sst s8  }
0x11: {  	[smem:$0x3F8C] =	sst s9;
	s0 =	simm.s32 @!p0 $0x0  }
0x12: {  	s1 =	sld [smem:$0x3F72];
	s0 =	simm.s32 @p0 $0x1  }
0x13: {  	[smem:$0x3F8D] =	sst s0;
	s0 =	simm.s32 @!p1 $0x0  }
0x14: {  	s2 =	sld [smem:$0x3F71];
	s0 =	simm.s32 @p1 $0x1  }
0x15: {  	[smem:$0x3F8E] =	sst s0;
	s0 =	simm.s32 @!p2 $0x0  }
0x16: {  	s3 =	sld [smem:$0x3FDB];
	s0 =	simm.s32 @p2 $0x1  }
0x17: {  	s4 =	simm.s32 $0x1BF5;
	[smem:$0x3F90] =	sst s0  }
0x18: {  	s0 =	sld [smem:$0x3F73];
	_ =	swait.ge [sflag:s4], $0x0  }
0x19: {  	s7 =	sld [smem:$0x3F74]  }
0x1a: {  	s8 =	sadd.s32 $0xFFFFE003, lr  }
0x1b: {  	s9 =	sadd.s32 $0xFFFFFEF7, lr;
	s5 =	simm.s32 $0xFFFFFFFF;
	p2 =	slt.u32 s8, $0xFFFFF086  }
0x1c: {  	p1 =	slt.u32 s9, $0xF7A;
	s5 =	simm.s32 @!p2 $0x0  }
0x1d: {  	s5 =	simm.s32 @p1 $0x1;
	p0 =	seq.s32 s7, s2  }
0x1e: {  	s7 =	smul.u32 @!p0 $0xF7A, s2;
	p2 =	seq.s32 @!p0 s5, $0x0  }
0x1f: {  	s9 =	smul.u32 $0xF7A, s1;
	s8 =	simm.s32 @!p0 $0x1BF5;
	p2 =	por !p2, p0  }
0x20: {  	[sflag:s8] =	ssyncset.s32 @!p0 $0xFFFFF086;
	s6 =	sadd.s32 @!p0 s3, s7;
	s7 =	simm.s32 @!p0 $0x108  }
0x21: {  	s3 =	sadd.s32 s3, s9;
	s6 =	sadd.s32 @!p0 $0x88, s6;
	s7 =	simm.s32 @p2 $0x1082  }
0x22: {  	[simem:s7], [sflag:s8] =	dma.local @!p0 [hbm:s6], $0xF7A  }
0x23: {  	s9 =	sor.u32 $0xD0000000, s2;
	s6 =	simm.s32 $0x108;
	_ =	swait.ge @!p0 [sflag:s8], $0x0  }
0x24: {  	s3 =	sadd.s32 $0x88, s3;
	s6 =	simm.s32 @!p1 $0x1082;
	[sflag:s4] =	ssyncset.s32 $0xFFFFF086  }
0x25: {  	[simem:s6], [sflag:s4] =	dma.local [hbm:s3], $0xF7A  }
0x26: {  	[smem:$0x3F74] =	sst s1;
	(tag) =	ssettag s2;
	_ =	strace s9  }
0x27: {  	s1 =	sld [smem:$0x3F84]  }
0x28: {  	s2 =	sld [smem:$0x3F85]  }
0x29: {  	s4 =	sld [smem:$0x3F87]  }
0x2a: {  	p0 =	seq.s32 s5, $0x0;
	s5 =	sld [smem:$0x3F88]  }
0x2b: {  	s6 =	sld [smem:$0x3F89]  }
0x2c: {  	s7 =	sld [smem:$0x3F8A]  }
0x2d: {  	s3 =	simm.s32 $0x108;
	s8 =	sld [smem:$0x3F8B]  }
0x2e: {  	s3 =	simm.s32 @!p0 $0x1082;
	s9 =	sld [smem:$0x3F8C]  }
0x2f: {  	lr =	sadd.s32 s0, s3;
	s0 =	sld [smem:$0x3F83]  }
0x30: {  	s3 =	sld [smem:$0x3F86]  }
0x31: {  	[smem:$0x3F8F] =	sst s10  }
0x32: {  	s10 =	sld [smem:$0x3F8D];
	_ =	sdelay $0x3  }
0x33: {  	p0 =	seq.s32 s10, $0x1;
	s10 =	sld [smem:$0x3F8F];
	_ =	sdelay $0x3  }
0x34: {  	[smem:$0x3F8F] =	sst s10  }
0x35: {  	s10 =	sld [smem:$0x3F8E];
	_ =	sdelay $0x3  }
0x36: {  	p1 =	seq.s32 s10, $0x1;
	s10 =	sld [smem:$0x3F8F];
	_ =	sdelay $0x3  }
0x37: {  	[smem:$0x3F8F] =	sst s10  }
0x38: {  	s10 =	sld [smem:$0x3F90]  }
0x39: {  	_ = 	snop;
	(pc) =	sbr.ind lr, $3  }
0x3a: {  	_ = 	snop  }
0x3b: {  	_ = 	snop  }
0x3c: {  	p2 =	seq.s32 s10, $0x1;
	s10 =	sld [smem:$0x3F8F]  }
0x3d: {  	_ =	shalt  }
0x3e: {  	_ =	shalt  }
0x3f: {  	_ =	shalt  }
0x40: {  	_ =	shalt  }
0x41: {  	_ =	shalt  }
0x42: {  	_ =	shalt  }
0x43: {  	_ =	shalt  }
0x44: {  	_ =	shalt  }
0x45: {  	_ =	shalt  }
0x46: {  	_ =	shalt  }
0x47: {  	_ =	shalt  }
0x48: {  	_ =	shalt  }
0x49: {  	_ =	shalt  }
0x4a: {  	_ =	shalt  }
0x4b: {  	_ =	shalt  }
0x4c: {  	_ =	shalt  }
0x4d: {  	_ =	shalt  }
0x4e: {  	_ =	shalt  }
0x4f: {  	_ =	shalt  }
0x50: {  	_ =	shalt  }
0x51: {  	_ =	shalt  }
0x52: {  	_ =	shalt  }
0x53: {  	_ =	shalt  }
0x54: {  	_ =	shalt  }
0x55: {  	_ =	shalt  }
0x56: {  	_ =	shalt  }
0x57: {  	_ =	shalt  }
0x58: {  	_ =	shalt  }
0x59: {  	_ =	shalt  }
0x5a: {  	_ =	shalt  }
0x5b: {  	_ =	shalt  }
0x5c: {  	_ =	shalt  }
0x5d: {  	_ =	shalt  }
0x5e: {  	_ =	shalt  }
0x5f: {  	_ =	shalt  }
0x60: {  	_ =	shalt  }
0x61: {  	_ =	shalt  }
0x62: {  	_ =	shalt  }
0x63: {  	_ =	shalt  }
0x64: {  	_ =	shalt  }
0x65: {  	_ =	shalt  }
0x66: {  	_ =	shalt  }
0x67: {  	_ =	shalt  }
0x68: {  	_ =	shalt  }
0x69: {  	_ =	shalt  }
0x6a: {  	_ =	shalt  }
0x6b: {  	_ =	shalt  }
0x6c: {  	_ =	shalt  }
0x6d: {  	_ =	shalt  }
0x6e: {  	_ =	shalt  }
0x6f: {  	_ =	shalt  }
0x70: {  	_ =	shalt  }
0x71: {  	_ =	shalt  }
0x72: {  	_ =	shalt  }
0x73: {  	_ =	shalt  }
0x74: {  	_ =	shalt  }
0x75: {  	_ =	shalt  }
0x76: {  	_ =	shalt  }
0x77: {  	_ =	shalt  }
0x78: {  	_ =	shalt  }
0x79: {  	_ =	shalt  }
0x7a: {  	_ =	shalt  }
0x7b: {  	_ =	shalt  }
0x7c: {  	_ =	shalt  }
0x7d: {  	_ =	shalt  }
0x7e: {  	_ =	shalt  }
0x7f: {  	_ =	shalt  }
0x80: {  	_ =	shalt  }
0x81: {  	_ =	shalt  }
0x82: {  	_ =	shalt  }
0x83: {  	_ =	shalt  }
0x84: {  	_ =	shalt  }
0x85: {  	_ =	shalt  }
0x86: {  	_ =	shalt  }
0x87: {  	_ =	shalt  }
.Lfunc_end0:
.L_simem_size_0:
called_computation.5_lowered:
.L_overlay_start_0:
0x88: {  	s2 =	sld [smem:$0x3FD9]  }
0x89: {  	s3 =	sld [smem:$0x3FFE];
	_ =	sdelay $0x1  }
0x8a: {  	s1 =	srdreg.scid  }
0x8b: {  	s0 =	sand.u32 $0x1, s1  }
0x8c: {  	s16 =	sshll.u32 s0, $0xA;
	s2 =	sadd.s32 s3, s2  }
0x8d: {  	s2 =	sadd.s32 s2, s16  }
0x8e: {  	[smem:$0x3F9B] =	sst s2  }
0x8f: {  	_ = 	snop  }
0x90: {  	(tm) =	ssettm $0x1  }
0x91: {  	s17 =	sld [smem:$0x3FFB];
	_ =	sdelay $0x3  }
0x92: {  	_ =	strace s17  }
0x93: {  	s2 =	sld [smem:$0x3FFC];
	_ =	sdelay $0x3  }
0x94: {  	_ =	strace s2  }
0x95: {  	s2 =	sld [smem:$0x3FFD];
	_ =	sdelay $0x3  }
0x96: {  	_ =	strace s2  }
0x97: {  	_ =	strace $0x8FFFFFFF  }
0x98: {  	s18 =	sld [smem:$0x3FDB];
	_ =	sdelay $0x1  }
0x99: {  	s19 =	simm.s32 $_scs_section_size  }
0x9a: {  	s4 =	simm.s32 $_size__tile_overlayer_lowered;
	s5 =	simm.s32 $_tile_overlayer_lowered  }
0x9b: {  	s22 =	simm.s32 $0x1BFF;
	s21 =	sshll.u32 s5, $0x1;
	s2 =	sadd.s32 s19, s18  }
0x9c: {  	s6 =	simm.s32 $0x0;
	s20 =	sshll.u32 s4, $0x1;
	s4 =	sadd.s32 s21, s2  }
0x9d: {  	[timem:s6], [sflag:s22] =	dma.local [hbm:s4], s20  }
0x9e: {  	_ =	swait.ge [sflag:s22], s20  }
0x9f: {  	s3 =	ssub.s32 $0x0, s20;
	[sflag:s22] =	ssyncset.done $0x0  }
0xa0: {  	[sflag:s22] =	ssyncadd.s32 s3;
	_ =	sdelay $0x1  }
0xa1: {  	s23 =	simm.s32 $0x1B8B  }
0xa2: {  	_ =	swait.ge [sflag:s23], $0x1  }
0xa3: {  	[sflag:s23] =	ssyncset.done $0x0  }
0xa4: {  	s25 =	simm.s32 $0x1B8E;
	s24 =	sld [smem:$0x3FFE];
	[sflag:s23] =	ssyncadd.s32 $0xFFFFFFFF  }
0xa5: {  	s26 =	simm.s32 $execute0_lowered;
	[smem:$0x3FD2] =	sst s25  }
0xa6: {  	s4 =	sshll.u32 s26, $0x1;
	_ =	strace $0x80000055;
	[dreg:$0x1] =	wrdreg $0xFFFFFFFF  }
0xa7: {  	s28 =	simm.s32 $_size_execute0_lowered;
	s2 =	sadd.s32 s2, s4;
	[dreg:$0x0] =	wrdreg $0x0  }
0xa8: {  	s4 =	sshll.u32 s28, $0x1;
	[dreg:$0x2] =	wrdreg s2  }
0xa9: {  	[dreg:$0x3] =	wrdreg s4  }
0xaa: {  	[dreg:$0x4] =	wrdreg $0xC0  }
0xab: {  	_ =	task [dreg:s6], $0x5FFFF  }
0xac: {  	[dreg:$0x1] =	wrdreg $0xFFFFFFFF  }
0xad: {  	[dreg:$0x0] =	wrdreg $0x60  }
0xae: {  	[dreg:$0x2] =	wrdreg s24  }
0xaf: {  	[dreg:$0x3] =	wrdreg $0x85000  }
0xb0: {  	[dreg:$0x4] =	wrdreg $0x9  }
0xb1: {  	_ =	task.clear_ibuf [dreg:s6], $0x5FFFF;
	_ =	strace $0x90000055  }
0xb2: {  	s29 =	simm.s32 $0x9;
	_ =	strace $0x80000057  }
0xb3: {  	_ =	swait.ge [sflag:s29], $0x1  }
0xb4: {  	[sflag:s29] =	ssyncadd.s32 $0xFFFFFFFF  }
0xb5: {  	_ =	strace $0x90000057  }
0xb6: {  	_ =	sfence  }
0xb7: {  	s30 =	sld [smem:$0x0];
	_ =	sdelay $0x2  }
0xb8: {  	s31 =	sshll.u32 s1, $0xD;
	s1 =	sshrl.u32 s1, $0x2  }
0xb9: {  	s3 =	sand.u32 $0x4000, s31;
	s1 =	sadd.s32 s1, s30  }
0xba: {  	s0 =	sor.u32 s3, s0;
	s1 =	sshll.u32 s1, $0x11  }
0xbb: {  	s0 =	sor.u32 s1, s0  }
0xbc: {  	s0 =	sadd.s32 $0x8F2B, s0  }
0xbd: {  	[sflag:s0] =	ssyncadd.remote.s32 $0x1  }
0xbe: {  	_ =	sfence.sel $0xFFFF  }
0xbf: {  	[dreg:$0x0] =	wrdreg $0xFFFFFFFF;
	(pc) =	sbr.abs _section_cstart, $3  }
0xc0: {  	[dreg:$0x1] =	wrdreg $0xFFFFFFFF  }
0xc1: {  	_ =	task.clear_ibuf [dreg:s6], $0x2FFFF;
	_ =	strace $0x9FFFFFFF  }
0xc2: {  	(tm) =	ssettm $0x7FFFFFFF  }
0xc3: {  	_ =	shalt  }
tec
execute0_lowered:
.L_overlay_start_1:
0x0: {  	(tag) =	ssettag $0x1  }
0x1: {  	s0 =	srdreg.scid  }
0x2: {  	s3 =	rddreg [dreg:$0x0];
	s26 =	stileid.u32;
	s1 =	simm.s32 $0x0  }
0x3: {  	s0 =	sand.u32 $0x1, s0;
	s4 =	sshll.u32 s26, $0x1;
	s8 =	smul.u32 $0x500, s26  }
0x4: {  	[smem:$0x7FF] =	sst s1;
	s10 =	sor.u32 $0x20, s26;
	s2 =	smul.u32 $0x29900, s0  }
0x5: {  	s5 =	sadd.s32 $0xF64400, s3;
	s13 =	sor.u32 $0x40, s26;
	s11 =	smul.u32 $0x500, s10  }
0x6: {  	s9 =	sor.u32 $0x10, s26;
	s15 =	sor.u32 $0x50, s26;
	s14 =	smul.u32 $0x500, s13  }
0x7: {  	s12 =	sor.u32 $0x30, s26;
	s17 =	sor.u32 $0x60, s26;
	s16 =	smul.u32 $0x500, s15  }
0x8: {  	s19 =	sor.u32 $0x70, s26;
	p0 =	slt.u32 s26, $0x2;
	s18 =	smul.u32 $0x500, s17  }
0x9: {  	s4 =	sor.u32 s0, s4;
	s0 =	ssub.s32 $0x2, s0;
	s13 =	smul.u32 $0xA000, s13  }
0xa: {  	s20 =	smul.u32 $0x4E, s4;
	s7 =	sshrl.u32 s0, $0x1;
	s4 =	smin.u32 s4, $0x4  }
0xb: {  	s21 =	sadd.s32 s5, s8;
	s6 =	sadd.s32 s2, s3;
	s28 =	ssub.s32 s0, s7  }
0xc: {  	s7 =	smul.u32 $0x500, s9;
	[dreg:$0x3] =	wrdreg s21;
	s23 =	sadd.s32 s5, s11  }
0xd: {  	s21 =	smul.u32 $0x500, s19;
	s0 =	sor.u32 $0x80, s26;
	s24 =	sadd.s32 s5, s14  }
0xe: {  	s25 =	sadd.s32 s5, s16;
	s2 =	sadd.s32 s4, s20;
	[dreg:$0x5] =	wrdreg s23  }
0xf: {  	s4 =	smul.u32 $0x500, s12;
	s6 =	sadd.s32 $0x70000, s6;
	[dreg:$0x7] =	wrdreg s24  }
0x10: {  	[dreg:$0x8] =	wrdreg s25;
	s23 =	sadd.s32 s5, s18;
	s12 =	smul.u32 $0xA000, s12  }
0x11: {  	s28 =	smax.u32 s28, $0x1;
	s22 =	sadd.s32 s5, s7;
	[dreg:$0x9] =	wrdreg s23  }
0x12: {  	s24 =	sadd.s32 s5, s21;
	s25 =	sadd.s32 s6, s8;
	[dreg:$0x4] =	wrdreg s22  }
0x13: {  	s23 =	sadd.s32 s6, s14;
	s14 =	smul.u32 $0xA000, s15;
	[dreg:$0xa] =	wrdreg s24  }
0x14: {  	s8 =	sadd.s32 s6, s7;
	s15 =	smul.u32 $0xA000, s17;
	[dreg:$0xc] =	wrdreg s25  }
0x15: {  	s20 =	sadd.s32 s5, s4;
	s22 =	smul.u32 $0x500, s0;
	[dreg:$0xd] =	wrdreg s8  }
0x16: {  	s4 =	sadd.s32 s6, s4;
	[dreg:$0x10] =	wrdreg s23;
	s24 =	sadd.s32 s6, s16  }
0x17: {  	s25 =	sadd.s32 s6, s18;
	s8 =	smul.u32 $0xA000, s9;
	s23 =	sadd.s32 $0xFB5000, s3  }
0x18: {  	s9 =	smul.u32 $0xA000, s26;
	s26 =	simm.s32 $0x4F;
	[dreg:$0x6] =	wrdreg s20  }
0x19: {  	s17 =	sshrl.u32 s12, $0x2;
	s18 =	smul.u32 $0xA000, s19;
	[dreg:$0xf] =	wrdreg s4  }
0x1a: {  	s19 =	smul.u32 $0xA000, s0;
	s12 =	simm.s32 $0x2;
	[dreg:$0x11] =	wrdreg s24  }
0x1b: {  	s20 =	sadd.s32 s6, s11;
	[dreg:$0x12] =	wrdreg s25;
	s24 =	sadd.s32 $0x21E00, s3  }
0x1c: {  	s25 =	sadd.s32 $0x18000, s3;
	s11 =	smul.u32 $0xA000, s10;
	s26 =	simm.s32 @!p0 $0x4E  }
0x1d: {  	p0 =	sgt.u32 s0, $0x84;
	s10 =	simm.s32 $0x8100;
	[dreg:$0xe] =	wrdreg s20  }
0x1e: {  	s5 =	sadd.s32 s5, s22;
	s20 =	rddreg [dreg:$0x1];
	s7 =	sadd.s32 s6, s22  }
0x1f: {  	s3 =	sshrl.u32 s9, $0x2;
	s4 =	sshrl.u32 s8, $0x2;
	s22 =	sshrl.u32 s19, $0x2  }
0x20: {  	s8 =	simm.s32 $0x4;
	s9 =	simm.s32 $0x3;
	[dreg:$0xb] =	wrdreg s5  }
0x21: {  	s5 =	sadd.s32 s6, s21;
	[dreg:$0x14] =	wrdreg s7;
	s29 =	sadd.s32 s3, s20  }
0x22: {  	s30 =	sadd.s32 s4, s20;
	s3 =	sshrl.u32 s13, $0x2;
	s7 =	sshrl.u32 s14, $0x2  }
0x23: {  	s16 =	sadd.s32 s17, s20;
	s4 =	sshrl.u32 s15, $0x2;
	s21 =	sshrl.u32 s18, $0x2  }
.Ltmp0:
0x24: {  	s6 =	sadd.s32 s22, s20;
	s13 =	simm.s32 $0x4100;
	(pc) =	sbr.rel .LBB2_1-.Ltmp0, $4  }
0x25: {  	s14 =	simm.s32 $0x80;
	s15 =	simm.s32 $0x0;
	[dreg:$0x13] =	wrdreg s5  }
0x26: {  	s5 =	sshrl.u32 s11, $0x2;
	s0 =	sadd.s32 s3, s20;
	s3 =	sadd.s32 s7, s20  }
0x27: {  	v0 =	vlaneseq.u32;
	s4 =	sadd.s32 s4, s20;
	s7 =	simm.s32 $0x100;
	s11 =	simm.s32 $0x1  }
0x28: {  	v1 =	vimm.f32 $0.0e+00;
	v2 =	vimm.s32 $0x0;
	v3 =	vmul.u32 $0x80, v0;
	_ =	strace $0x80000056;
	s31 =	sadd.s32 s5, s20;
	s5 =	sadd.s32 s21, s20  }
.LBB2_11:
0x29: {  	[bflag:$0x0] =	sbarrier.arrive $0xFFFF  }
0x2a: {  	[tilespmem:s7], [sflag:$0x4] =	stream.linear.gather [spmem:s29], $0x2800, $0x38;
	[tilespmem:$0x1D180] =	vst v63  }
0x2b: {  	_ =	swait.ge [sflag:s8], $0x2800  }
0x2c: {  	[sflag:s8] =	ssyncset.done $0x0  }
0x2d: {  	s17 =	rddreg [dreg:$0xc];
	[sflag:s8] =	ssyncadd.s32 $0xFFFFD800  }
0x2e: {  	[hbm4b:s17+s1] =	stream.linear.scatter [tilespmem:s7], [sflag:$0x3], $0x2800, $0x38;
	[tilespmem:$0x1D180] =	vst v63  }
0x2f: {  	_ =	swait.ge [sflag:s9], $0x2800  }
0x30: {  	[sflag:s9] =	ssyncset.done $0x0  }
0x31: {  	[sflag:s9] =	ssyncadd.s32 $0xFFFFD800  }
0x32: {  	[tilespmem:s7], [sflag:$0x4] =	stream.linear.gather [spmem:s30], $0x2800, $0x38;
	[tilespmem:$0x1D180] =	vst v63  }
0x33: {  	_ =	swait.ge [sflag:s8], $0x2800  }
0x34: {  	[sflag:s8] =	ssyncset.done $0x0  }
0x35: {  	s19 =	rddreg [dreg:$0xd];
	[sflag:s8] =	ssyncadd.s32 $0xFFFFD800  }
0x36: {  	[hbm4b:s19+s1] =	stream.linear.scatter [tilespmem:s7], [sflag:$0x3], $0x2800, $0x38;
	[tilespmem:$0x1D180] =	vst v63  }
0x37: {  	_ =	swait.ge [sflag:s9], $0x2800  }
0x38: {  	[sflag:s9] =	ssyncset.done $0x0  }
0x39: {  	[sflag:s9] =	ssyncadd.s32 $0xFFFFD800  }
0x3a: {  	[tilespmem:s7], [sflag:$0x4] =	stream.linear.gather [spmem:s31], $0x2800, $0x38;
	[tilespmem:$0x1D180] =	vst v63  }
0x3b: {  	_ =	swait.ge [sflag:s8], $0x2800  }
0x3c: {  	[sflag:s8] =	ssyncset.done $0x0  }
0x3d: {  	s21 =	rddreg [dreg:$0xe];
	[sflag:s8] =	ssyncadd.s32 $0xFFFFD800  }
0x3e: {  	[hbm4b:s21+s1] =	stream.linear.scatter [tilespmem:s7], [sflag:$0x3], $0x2800, $0x38;
	[tilespmem:$0x1D180] =	vst v63  }
0x3f: {  	_ =	swait.ge [sflag:s9], $0x2800  }
0x40: {  	[sflag:s9] =	ssyncset.done $0x0  }
0x41: {  	[sflag:s9] =	ssyncadd.s32 $0xFFFFD800  }
0x42: {  	[tilespmem:s7], [sflag:$0x4] =	stream.linear.gather [spmem:s16], $0x2800, $0x38;
	[tilespmem:$0x1D180] =	vst v63  }
0x43: {  	_ =	swait.ge [sflag:s8], $0x2800  }
0x44: {  	[sflag:s8] =	ssyncset.done $0x0  }
0x45: {  	s22 =	rddreg [dreg:$0xf];
	[sflag:s8] =	ssyncadd.s32 $0xFFFFD800  }
0x46: {  	[hbm4b:s22+s1] =	stream.linear.scatter [tilespmem:s7], [sflag:$0x3], $0x2800, $0x38;
	[tilespmem:$0x1D180] =	vst v63  }
0x47: {  	_ =	swait.ge [sflag:s9], $0x2800  }
0x48: {  	[sflag:s9] =	ssyncset.done $0x0  }
0x49: {  	[sflag:s9] =	ssyncadd.s32 $0xFFFFD800  }
0x4a: {  	[tilespmem:s7], [sflag:$0x4] =	stream.linear.gather [spmem:s0], $0x2800, $0x38;
	[tilespmem:$0x1D180] =	vst v63  }
0x4b: {  	_ =	swait.ge [sflag:s8], $0x2800  }
0x4c: {  	[sflag:s8] =	ssyncset.done $0x0  }
0x4d: {  	s18 =	rddreg [dreg:$0x10];
	[sflag:s8] =	ssyncadd.s32 $0xFFFFD800  }
0x4e: {  	[hbm4b:s18+s1] =	stream.linear.scatter [tilespmem:s7], [sflag:$0x3], $0x2800, $0x38;
	[tilespmem:$0x1D180] =	vst v63  }
0x4f: {  	_ =	swait.ge [sflag:s9], $0x2800  }
0x50: {  	[sflag:s9] =	ssyncset.done $0x0  }
0x51: {  	[sflag:s9] =	ssyncadd.s32 $0xFFFFD800  }
0x52: {  	[tilespmem:s7], [sflag:$0x4] =	stream.linear.gather [spmem:s3], $0x2800, $0x38;
	[tilespmem:$0x1D180] =	vst v63  }
0x53: {  	_ =	swait.ge [sflag:s8], $0x2800  }
0x54: {  	[sflag:s8] =	ssyncset.done $0x0  }
0x55: {  	s19 =	rddreg [dreg:$0x11];
	[sflag:s8] =	ssyncadd.s32 $0xFFFFD800  }
0x56: {  	[hbm4b:s19+s1] =	stream.linear.scatter [tilespmem:s7], [sflag:$0x3], $0x2800, $0x38;
	[tilespmem:$0x1D180] =	vst v63  }
0x57: {  	_ =	swait.ge [sflag:s9], $0x2800  }
0x58: {  	[sflag:s9] =	ssyncset.done $0x0  }
0x59: {  	[sflag:s9] =	ssyncadd.s32 $0xFFFFD800  }
0x5a: {  	[tilespmem:s7], [sflag:$0x4] =	stream.linear.gather [spmem:s4], $0x2800, $0x38;
	[tilespmem:$0x1D180] =	vst v63  }
0x5b: {  	_ =	swait.ge [sflag:s8], $0x2800  }
0x5c: {  	[sflag:s8] =	ssyncset.done $0x0  }
0x5d: {  	s21 =	rddreg [dreg:$0x12];
	[sflag:s8] =	ssyncadd.s32 $0xFFFFD800  }
0x5e: {  	[hbm4b:s21+s1] =	stream.linear.scatter [tilespmem:s7], [sflag:$0x3], $0x2800, $0x38;
	[tilespmem:$0x1D180] =	vst v63  }
0x5f: {  	_ =	swait.ge [sflag:s9], $0x2800  }
0x60: {  	[sflag:s9] =	ssyncset.done $0x0  }
0x61: {  	[sflag:s9] =	ssyncadd.s32 $0xFFFFD800  }
0x62: {  	[tilespmem:s7], [sflag:$0x4] =	stream.linear.gather [spmem:s5], $0x2800, $0x38;
	[tilespmem:$0x1D180] =	vst v63  }
0x63: {  	_ =	swait.ge [sflag:s8], $0x2800  }
0x64: {  	[sflag:s8] =	ssyncset.done $0x0  }
0x65: {  	s22 =	rddreg [dreg:$0x13];
	[sflag:s8] =	ssyncadd.s32 $0xFFFFD800  }
0x66: {  	[hbm4b:s22+s1] =	stream.linear.scatter [tilespmem:s7], [sflag:$0x3], $0x2800, $0x38;
	[tilespmem:$0x1D180] =	vst v63  }
0x67: {  	_ =	swait.ge [sflag:s9], $0x2800  }
0x68: {  	[sflag:s9] =	ssyncset.done $0x0  }
0x69: {  	s17 =	simm.s32 @!p0 $0x100;
	s18 =	simm.s32 @!p0 $0x4;
	[sflag:s9] =	ssyncadd.s32 $0xFFFFD800  }
0x6a: {  	[tilespmem:s17], [sflag:$0x4] =	stream.linear.gather @!p0 [spmem:s6], $0x2800, $0x38;
	[tilespmem:$0x1D180] =	vst v63  }
0x6b: {  	s15 =	sadd.s32 $0x1, s15;
	_ =	swait.ge @!p0 [sflag:s18], $0x2800  }
0x6c: {  	p1 =	sne.s32 s15, s28;
	[sflag:s18] =	ssyncset.done @!p0 $0x0  }
0x6d: {  	s19 =	rddreg [dreg:$0x14];
	[sflag:s18] =	ssyncadd.s32 @!p0 $0xFFFFD800;
	s18 =	simm.s32 @!p0 $0x0  }
0x6e: {  	[hbm4b:s19+s18] =	stream.linear.scatter @!p0 [tilespmem:s17], [sflag:$0x3], $0x2800, $0x38;
	[tilespmem:$0x1D180] =	vst v63  }
.Ltmp1:
0x6f: {  	_ = 	snop;
	(pc) =	sbr.rel @!p1 .LBB2_12-.Ltmp1, $4  }
0x70: {  	s17 =	simm.s32 @!p0 $0x3  }
0x71: {  	_ =	swait.ge @!p0 [sflag:s17], $0x2800  }
0x72: {  	[sflag:s17] =	ssyncset.done @!p0 $0x0  }
0x73: {  	[sflag:s17] =	ssyncadd.s32 @!p0 $0xFFFFD800  }
.LBB2_1:
0x74: {  	s17 =	simm.s32 $0x0;
	s18 =	simm.s32 $0x200  }
.LBB2_2:
0x75: {  	p1 =	sne.s32 s18, $0xFE00;
	[tilespmem:s17+$0x4170] =	vst v1  }
0x76: {  	[tilespmem:s17+$0x4100] =	vst v1  }
0x77: {  	[tilespmem:s17+$0x4110] =	vst v1  }
.Ltmp2:
0x78: {  	[tilespmem:s17+$0x4120] =	vst v1;
	(pc) =	sbr.rel @p1 .LBB2_2-.Ltmp2, $4  }
0x79: {  	[tilespmem:s17+$0x4130] =	vst v1  }
0x7a: {  	[tilespmem:s17+$0x4140] =	vst v1  }
0x7b: {  	[tilespmem:s17+$0x4150] =	vst v1  }
0x7c: {  	[tilespmem:s17+$0x4160] =	vst v1;
	s17 =	sshra.s32 s18, $0x2;
	s18 =	sadd.s32 $0x200, s18  }
0x7d: {  	[tilespmem:s17+$0x4170] =	vst v1  }
0x7e: {  	[tilespmem:s17+$0x4100] =	vst v1  }
0x7f: {  	[tilespmem:s17+$0x4110] =	vst v1  }
0x80: {  	[tilespmem:s17+$0x4120] =	vst v1  }
0x81: {  	[tilespmem:s17+$0x4130] =	vst v1  }
0x82: {  	[tilespmem:s17+$0x4140] =	vst v1  }
0x83: {  	[tilespmem:s17+$0x4150] =	vst v1  }
0x84: {  	[tilespmem:s17+$0x4160] =	vst v1;
	s18 =	rddreg [dreg:$0x3]  }
0x85: {  	[tilespmem:s7], [sflag:$0x4] =	stream.linear.gather [hbm4b:s18+s1], $0x2800, $0x38;
	[tilespmem:$0x1D180] =	vst v63  }
0x86: {  	_ =	swait.ge [sflag:s8], $0x2800  }
0x87: {  	[sflag:s8] =	ssyncset.done $0x0  }
0x88: {  	[sflag:s8] =	ssyncadd.s32 $0xFFFFD800  }
0x89: {  	[spmem:s29] =	stream.linear.scatter [tilespmem:s7], [sflag:$0x3], $0x2800, $0x38;
	[tilespmem:$0x1D180] =	vst v63  }
0x8a: {  	_ =	swait.ge [sflag:s9], $0x2800  }
0x8b: {  	[sflag:s9] =	ssyncset.done $0x0  }
0x8c: {  	s19 =	rddreg [dreg:$0x4];
	[sflag:s9] =	ssyncadd.s32 $0xFFFFD800  }
0x8d: {  	[tilespmem:s7], [sflag:$0x4] =	stream.linear.gather [hbm4b:s19+s1], $0x2800, $0x38;
	[tilespmem:$0x1D180] =	vst v63  }
0x8e: {  	_ =	swait.ge [sflag:s8], $0x2800  }
0x8f: {  	[sflag:s8] =	ssyncset.done $0x0  }
0x90: {  	[sflag:s8] =	ssyncadd.s32 $0xFFFFD800  }
0x91: {  	[spmem:s30] =	stream.linear.scatter [tilespmem:s7], [sflag:$0x3], $0x2800, $0x38;
	[tilespmem:$0x1D180] =	vst v63  }
0x92: {  	_ =	swait.ge [sflag:s9], $0x2800  }
0x93: {  	[sflag:s9] =	ssyncset.done $0x0  }
0x94: {  	s21 =	rddreg [dreg:$0x5];
	[sflag:s9] =	ssyncadd.s32 $0xFFFFD800  }
0x95: {  	[tilespmem:s7], [sflag:$0x4] =	stream.linear.gather [hbm4b:s21+s1], $0x2800, $0x38;
	[tilespmem:$0x1D180] =	vst v63  }
0x96: {  	_ =	swait.ge [sflag:s8], $0x2800  }
0x97: {  	[sflag:s8] =	ssyncset.done $0x0  }
0x98: {  	[sflag:s8] =	ssyncadd.s32 $0xFFFFD800  }
0x99: {  	[spmem:s31] =	stream.linear.scatter [tilespmem:s7], [sflag:$0x3], $0x2800, $0x38;
	[tilespmem:$0x1D180] =	vst v63  }
0x9a: {  	_ =	swait.ge [sflag:s9], $0x2800  }
0x9b: {  	[sflag:s9] =	ssyncset.done $0x0  }
0x9c: {  	s22 =	rddreg [dreg:$0x6];
	[sflag:s9] =	ssyncadd.s32 $0xFFFFD800  }
0x9d: {  	[tilespmem:s7], [sflag:$0x4] =	stream.linear.gather [hbm4b:s22+s1], $0x2800, $0x38;
	[tilespmem:$0x1D180] =	vst v63  }
0x9e: {  	_ =	swait.ge [sflag:s8], $0x2800  }
0x9f: {  	[sflag:s8] =	ssyncset.done $0x0  }
0xa0: {  	[sflag:s8] =	ssyncadd.s32 $0xFFFFD800  }
0xa1: {  	[spmem:s16] =	stream.linear.scatter [tilespmem:s7], [sflag:$0x3], $0x2800, $0x38;
	[tilespmem:$0x1D180] =	vst v63  }
0xa2: {  	_ =	swait.ge [sflag:s9], $0x2800  }
0xa3: {  	[sflag:s9] =	ssyncset.done $0x0  }
0xa4: {  	s18 =	rddreg [dreg:$0x7];
	[sflag:s9] =	ssyncadd.s32 $0xFFFFD800  }
0xa5: {  	[tilespmem:s7], [sflag:$0x4] =	stream.linear.gather [hbm4b:s18+s1], $0x2800, $0x38;
	[tilespmem:$0x1D180] =	vst v63  }
0xa6: {  	_ =	swait.ge [sflag:s8], $0x2800  }
0xa7: {  	[sflag:s8] =	ssyncset.done $0x0  }
0xa8: {  	[sflag:s8] =	ssyncadd.s32 $0xFFFFD800  }
0xa9: {  	[spmem:s0] =	stream.linear.scatter [tilespmem:s7], [sflag:$0x3], $0x2800, $0x38;
	[tilespmem:$0x1D180] =	vst v63  }
0xaa: {  	_ =	swait.ge [sflag:s9], $0x2800  }
0xab: {  	[sflag:s9] =	ssyncset.done $0x0  }
0xac: {  	s19 =	rddreg [dreg:$0x8];
	[sflag:s9] =	ssyncadd.s32 $0xFFFFD800  }
0xad: {  	[tilespmem:s7], [sflag:$0x4] =	stream.linear.gather [hbm4b:s19+s1], $0x2800, $0x38;
	[tilespmem:$0x1D180] =	vst v63  }
0xae: {  	_ =	swait.ge [sflag:s8], $0x2800  }
0xaf: {  	[sflag:s8] =	ssyncset.done $0x0  }
0xb0: {  	[sflag:s8] =	ssyncadd.s32 $0xFFFFD800  }
0xb1: {  	[spmem:s3] =	stream.linear.scatter [tilespmem:s7], [sflag:$0x3], $0x2800, $0x38;
	[tilespmem:$0x1D180] =	vst v63  }
0xb2: {  	_ =	swait.ge [sflag:s9], $0x2800  }
0xb3: {  	[sflag:s9] =	ssyncset.done $0x0  }
0xb4: {  	s21 =	rddreg [dreg:$0x9];
	[sflag:s9] =	ssyncadd.s32 $0xFFFFD800  }
0xb5: {  	[tilespmem:s7], [sflag:$0x4] =	stream.linear.gather [hbm4b:s21+s1], $0x2800, $0x38;
	[tilespmem:$0x1D180] =	vst v63  }
0xb6: {  	_ =	swait.ge [sflag:s8], $0x2800  }
0xb7: {  	[sflag:s8] =	ssyncset.done $0x0  }
0xb8: {  	[sflag:s8] =	ssyncadd.s32 $0xFFFFD800  }
0xb9: {  	[spmem:s4] =	stream.linear.scatter [tilespmem:s7], [sflag:$0x3], $0x2800, $0x38;
	[tilespmem:$0x1D180] =	vst v63  }
0xba: {  	_ =	swait.ge [sflag:s9], $0x2800  }
0xbb: {  	[sflag:s9] =	ssyncset.done $0x0  }
0xbc: {  	s22 =	rddreg [dreg:$0xa];
	[sflag:s9] =	ssyncadd.s32 $0xFFFFD800  }
0xbd: {  	[tilespmem:s7], [sflag:$0x4] =	stream.linear.gather [hbm4b:s22+s1], $0x2800, $0x38;
	[tilespmem:$0x1D180] =	vst v63  }
0xbe: {  	_ =	swait.ge [sflag:s8], $0x2800  }
0xbf: {  	[sflag:s8] =	ssyncset.done $0x0  }
0xc0: {  	[sflag:s8] =	ssyncadd.s32 $0xFFFFD800  }
0xc1: {  	[spmem:s5] =	stream.linear.scatter [tilespmem:s7], [sflag:$0x3], $0x2800, $0x38;
	[tilespmem:$0x1D180] =	vst v63  }
0xc2: {  	_ =	swait.ge [sflag:s9], $0x2800  }
0xc3: {  	s17 =	simm.s32 @!p0 $0x0;
	[sflag:s9] =	ssyncset.done $0x0  }
0xc4: {  	s18 =	simm.s32 @!p0 $0x100;
	s19 =	rddreg [dreg:$0xb];
	[sflag:s9] =	ssyncadd.s32 $0xFFFFD800  }
0xc5: {  	[tilespmem:s18], [sflag:$0x4] =	stream.linear.gather @!p0 [hbm4b:s19+s17], $0x2800, $0x38;
	[tilespmem:$0x1D180] =	vst v63  }
0xc6: {  	s17 =	simm.s32 @!p0 $0x4  }
0xc7: {  	_ =	swait.ge @!p0 [sflag:s17], $0x2800  }
0xc8: {  	[sflag:s17] =	ssyncset.done @!p0 $0x0  }
0xc9: {  	[sflag:s17] =	ssyncadd.s32 @!p0 $0xFFFFD800;
	s17 =	simm.s32 @!p0 $0x3  }
0xca: {  	[spmem:s6] =	stream.linear.scatter @!p0 [tilespmem:s18], [sflag:$0x3], $0x2800, $0x38;
	[tilespmem:$0x1D180] =	vst v63  }
.Ltmp3:
0xcb: {  	_ =	swait.ge @!p0 [sflag:s17], $0x2800;
	(pc) =	sbr.rel .LBB2_4-.Ltmp3, $4  }
0xcc: {  	[sflag:s17] =	ssyncset.done @!p0 $0x0  }
0xcd: {  	[sflag:s17] =	ssyncadd.s32 @!p0 $0xFFFFD800  }
0xce: {  	[bflag:$0x0] =	sbarrier.arrive $0xFFFF  }
0xcf: {  	s17 =	simm.s32 $0x0  }
.LBB2_10:
0xd0: {  	s17 =	sadd.s32 $0x1, s17  }
0xd1: {  	p1 =	sne.s32 s17, $0x4F  }
.Ltmp4:
0xd2: {  	_ = 	snop;
	(pc) =	sbr.rel @!p1 .LBB2_11-.Ltmp4, $1  }
0xd3: {  	_ =	sdelay $0x3  }
.LBB2_4:
0xd4: {  	p1 =	sge.u32 s17, s26  }
.Ltmp5:
0xd5: {  	_ = 	snop;
	(pc) =	sbr.rel @p1 .LBB2_10-.Ltmp5, $1  }
0xd6: {  	_ =	sdelay $0x3  }
0xd7: {  	s19 =	sadd.s32 s17, s2  }
0xd8: {  	s18 =	sshll.u32 s19, $0x4  }
0xd9: {  	s18 =	sand.u32 $0x1FFFFFF0, s18  }
0xda: {  	s22 =	sshll.u32 s19, $0xB;
	s21 =	sadd.s32 s25, s18;
	s18 =	simm.s32 $0x0  }
0xdb: {  	[tilespmem:s18], [sflag:$0x1] =	stream.linear.gather [hbm4b:s21+s18], $0x80, $0x38;
	[tilespmem:$0x1D180] =	vst v63  }
0xdc: {  	s19 =	sshll.u32 s19, $0x7;
	s21 =	sand.u32 $0x1FFFF800, s22  }
0xdd: {  	s19 =	sand.u32 $0x1FFFFF80, s19;
	s21 =	sadd.s32 s23, s21  }
0xde: {  	[tilespmem:s7], [sflag:$0x2] =	stream.linear.gather [hbm4b:s21+s18], $0x4000, $0x38;
	[tilespmem:$0x1D180] =	vst v63  }
0xdf: {  	s19 =	sadd.s32 s24, s19  }
0xe0: {  	[tilespmem:s10], [sflag:$0x1] =	stream.linear.gather [hbm4b:s19+s18], $0x400, $0x38;
	[tilespmem:$0x1D180] =	vst v63  }
0xe1: {  	_ =	swait.ge [sflag:s11], $0x80  }
0xe2: {  	[sflag:s11] =	ssyncset.done $0x0  }
0xe3: {  	[sflag:s11] =	ssyncadd.s32 $0xFFFFFF80  }
0xe4: {  	_ =	swait.ge [sflag:s12], $0x4000  }
0xe5: {  	[sflag:s12] =	ssyncset.done $0x0  }
0xe6: {  	[sflag:s12] =	ssyncadd.s32 $0xFFFFC000  }
0xe7: {  	_ =	swait.ge [sflag:s11], $0x400  }
0xe8: {  	[sflag:s11] =	ssyncset.done $0x0  }
0xe9: {  	s19 =	simm.s32 $0x80;
	[sflag:s11] =	ssyncadd.s32 $0xFFFFFC00  }
0xea: {  	[spmem:s20] =	stream.indirect.scatter.add.f32 [tilespmem:s7], [sflag:$0x1], $0x80, s18, s19, $0xb8;
	[tilespmem:$0x1D180] =	vst v63  }
0xeb: {  	v4 =	vld [tilespmem:s18+$0x0];
	_ =	sdelay $0x4  }
0xec: {  	v5 =	vshra.s32 v4, $0x1F  }
0xed: {  	v5 =	vshrl.u32 v5, $0x1C  }
0xee: {  	v5 =	vadd.s32 v5, v4  }
0xef: {  	v5 =	vshra.s32 v5, $0x4  }
0xf0: {  	v6 =	vshll.u32 v5, $0x4  }
0xf1: {  	v7 =	vor.u32 s18, v0;
	vm0 =	vlt.s32 v4, $0x1;
	vm1 =	vne.s32 v4, v6  }
0xf2: {  	v8 =	vshll.u32 v7, $0x3;
	vm0 =	vmand vm0, vm1  }
0xf3: {  	v4 =	vsub.s32 v4, v6;
	v6 =	vsel vm0, $0xFFFFFFFF, v2  }
0xf4: {  	v4 =	vshll.u32 v4, $0x3;
	v5 =	vadd.s32 v6, v5  }
0xf5: {  	v7 =	vshll.u32 v7, $0x7;
	v6 =	vand.u32 $0xFFFFFF80, v4;
	v5 =	vadd.s32 $0x2710, v5  }
0xf6: {  	v4 =	vand.u32 $0x78, v4;
	v6 =	vadd.s32 v7, v6;
	[tilespmem:s19+$0x0] =	vst v5  }
0xf7: {  	v6 =	vor.u32 v4, v6;
	v5 =	vld.idx.msk [tilespmem:v8+s10+$0x0], $0xffff  }
0xf8: {  	v4 =	vor.u32 $0x1, v8;
	_ =	sdelay $0x3  }
0xf9: {  	[tilespmem:v6+s13+$0x0] =	vst.idx.msk $0xffff, v5  }
0xfa: {  	v5 =	vor.u32 $0x1, v6;
	v4 =	vld.idx.msk [tilespmem:v4+s10+$0x0], $0xffff  }
0xfb: {  	v7 =	vor.u32 $0x2, v8;
	_ =	sdelay $0x3  }
0xfc: {  	[tilespmem:v5+s13+$0x0] =	vst.idx.msk $0xffff, v4  }
0xfd: {  	v5 =	vor.u32 $0x2, v6;
	v4 =	vld.idx.msk [tilespmem:v7+s10+$0x0], $0xffff  }
0xfe: {  	v7 =	vor.u32 $0x3, v8;
	_ =	sdelay $0x3  }
0xff: {  	[tilespmem:v5+s13+$0x0] =	vst.idx.msk $0xffff, v4  }
0x100: {  	v5 =	vor.u32 $0x3, v6;
	v4 =	vld.idx.msk [tilespmem:v7+s10+$0x0], $0xffff  }
0x101: {  	v7 =	vor.u32 $0x4, v8;
	_ =	sdelay $0x3  }
0x102: {  	[tilespmem:v5+s13+$0x0] =	vst.idx.msk $0xffff, v4  }
0x103: {  	v5 =	vor.u32 $0x4, v6;
	v4 =	vld.idx.msk [tilespmem:v7+s10+$0x0], $0xffff  }
0x104: {  	v7 =	vor.u32 $0x5, v8;
	_ =	sdelay $0x3  }
0x105: {  	[tilespmem:v5+s13+$0x0] =	vst.idx.msk $0xffff, v4  }
0x106: {  	v5 =	vor.u32 $0x5, v6;
	v4 =	vld.idx.msk [tilespmem:v7+s10+$0x0], $0xffff  }
0x107: {  	v7 =	vor.u32 $0x6, v8;
	_ =	sdelay $0x3  }
0x108: {  	[tilespmem:v5+s13+$0x0] =	vst.idx.msk $0xffff, v4  }
0x109: {  	v5 =	vor.u32 $0x6, v6;
	v4 =	vld.idx.msk [tilespmem:v7+s10+$0x0], $0xffff  }
0x10a: {  	v7 =	vor.u32 $0x7, v8;
	_ =	sdelay $0x3  }
0x10b: {  	[tilespmem:v5+s13+$0x0] =	vst.idx.msk $0xffff, v4  }
0x10c: {  	s21 =	simm.s32 $0x10;
	v5 =	vor.u32 $0x7, v6;
	v4 =	vld.idx.msk [tilespmem:v7+s10+$0x0], $0xffff  }
.LBB2_6:
0x10d: {  	_ =	sdelay $0x3  }
0x10e: {  	p1 =	sne.s32 s21, $0x70;
	s18 =	sadd.s32 $0x10, s18;
	s19 =	sadd.s32 $0x10, s19;
	[tilespmem:v5+s13+$0x0] =	vst.idx.msk $0xffff, v4  }
0x10f: {  	s22 =	smov.u32 s21;
	s21 =	sadd.s32 $0x10, s21;
	v4 =	vld [tilespmem:s18+$0x0];
	_ =	sdelay $0x4  }
0x110: {  	v5 =	vshra.s32 v4, $0x1F  }
0x111: {  	v5 =	vshrl.u32 v5, $0x1C  }
0x112: {  	v5 =	vadd.s32 v5, v4  }
0x113: {  	v5 =	vshra.s32 v5, $0x4  }
0x114: {  	v6 =	vor.u32 s22, v0;
	v7 =	vshll.u32 v5, $0x4  }
0x115: {  	vm0 =	vlt.s32 v4, $0x1;
	v8 =	vsub.s32 v4, v7;
	vm1 =	vne.s32 v4, v7  }
0x116: {  	v7 =	vshll.u32 v6, $0x3;
	vm0 =	vmand vm0, vm1;
	v4 =	vshll.u32 v8, $0x3  }
0x117: {  	v6 =	vshll.u32 v6, $0x7;
	v8 =	vsel vm0, $0xFFFFFFFF, v2;
	v9 =	vand.u32 $0xFFFFFF80, v4  }
0x118: {  	v5 =	vadd.s32 v8, v5;
	v6 =	vadd.s32 v6, v9  }
0x119: {  	v5 =	vadd.s32 $0x2710, v5  }
0x11a: {  	[tilespmem:s19+$0x0] =	vst v5  }
0x11b: {  	v4 =	vand.u32 $0x78, v4;
	v5 =	vld.idx.msk [tilespmem:v7+s10+$0x0], $0xffff  }
0x11c: {  	v6 =	vor.u32 v4, v6  }
0x11d: {  	v4 =	vor.u32 $0x1, v7;
	_ =	sdelay $0x3  }
0x11e: {  	[tilespmem:v6+s13+$0x0] =	vst.idx.msk $0xffff, v5  }
0x11f: {  	v4 =	vld.idx.msk [tilespmem:v4+s10+$0x0], $0xffff  }
0x120: {  	v5 =	vor.u32 $0x1, v6  }
0x121: {  	v8 =	vor.u32 $0x2, v7;
	_ =	sdelay $0x3  }
0x122: {  	[tilespmem:v5+s13+$0x0] =	vst.idx.msk $0xffff, v4  }
0x123: {  	v4 =	vld.idx.msk [tilespmem:v8+s10+$0x0], $0xffff  }
0x124: {  	v5 =	vor.u32 $0x2, v6  }
0x125: {  	v8 =	vor.u32 $0x3, v7;
	_ =	sdelay $0x3  }
0x126: {  	[tilespmem:v5+s13+$0x0] =	vst.idx.msk $0xffff, v4  }
0x127: {  	v4 =	vld.idx.msk [tilespmem:v8+s10+$0x0], $0xffff  }
0x128: {  	v5 =	vor.u32 $0x3, v6  }
0x129: {  	v8 =	vor.u32 $0x4, v7;
	_ =	sdelay $0x3  }
0x12a: {  	[tilespmem:v5+s13+$0x0] =	vst.idx.msk $0xffff, v4  }
0x12b: {  	v4 =	vld.idx.msk [tilespmem:v8+s10+$0x0], $0xffff  }
0x12c: {  	v5 =	vor.u32 $0x4, v6  }
0x12d: {  	v8 =	vor.u32 $0x5, v7;
	_ =	sdelay $0x3  }
0x12e: {  	[tilespmem:v5+s13+$0x0] =	vst.idx.msk $0xffff, v4  }
0x12f: {  	v4 =	vld.idx.msk [tilespmem:v8+s10+$0x0], $0xffff  }
0x130: {  	v5 =	vor.u32 $0x5, v6  }
0x131: {  	v8 =	vor.u32 $0x6, v7;
	_ =	sdelay $0x3  }
0x132: {  	[tilespmem:v5+s13+$0x0] =	vst.idx.msk $0xffff, v4  }
0x133: {  	v4 =	vld.idx.msk [tilespmem:v8+s10+$0x0], $0xffff  }
0x134: {  	v5 =	vor.u32 $0x6, v6  }
0x135: {  	v7 =	vor.u32 $0x7, v7;
	_ =	sdelay $0x1  }
.Ltmp6:
0x136: {  	(pc) =	sbr.rel @p1 .LBB2_6-.Ltmp6, $4  }
0x137: {  	_ = 	snop  }
0x138: {  	[tilespmem:v5+s13+$0x0] =	vst.idx.msk $0xffff, v4  }
0x139: {  	v4 =	vld.idx.msk [tilespmem:v7+s10+$0x0], $0xffff  }
0x13a: {  	v5 =	vor.u32 $0x7, v6  }
0x13b: {  	_ =	sdelay $0x3  }
0x13c: {  	[tilespmem:v5+s13+$0x0] =	vst.idx.msk $0xffff, v4  }
0x13d: {  	[spmem:s20] =	stream.indirect.scatter.add.f32 [tilespmem:s13], [sflag:$0x2], $0x80, s14, s14, $0xb8;
	[tilespmem:$0x1D180] =	vst v63  }
0x13e: {  	_ =	swait.ge [sflag:s11], $0x4000  }
0x13f: {  	[sflag:s11] =	ssyncset.done $0x0  }
0x140: {  	[sflag:s11] =	ssyncadd.s32 $0xFFFFC000  }
0x141: {  	_ =	swait.ge [sflag:s12], $0x4000  }
0x142: {  	[sflag:s12] =	ssyncset.done $0x0  }
0x143: {  	s18 =	simm.s32 $0x0;
	[sflag:s12] =	ssyncadd.s32 $0xFFFFC000  }
0x144: {  	v4 =	vld [tilespmem:s18+$0x0];
	_ =	sdelay $0x4  }
0x145: {  	v5 =	vshra.s32 v4, $0x1F  }
0x146: {  	v5 =	vshrl.u32 v5, $0x1C  }
0x147: {  	v5 =	vadd.s32 v5, v4  }
0x148: {  	v5 =	vshrl.u32 v5, $0x4  }
0x149: {  	v5 =	vshll.u32 v5, $0x4  }
0x14a: {  	v6 =	vmov s18;
	v4 =	vsub.s32 v4, v5  }
0x14b: {  	v5 =	vshll.u32 v6, $0x7;
	v4 =	vshll.u32 v4, $0x3  }
0x14c: {  	v5 =	vor.u32 v3, v5;
	v6 =	vand.u32 $0xFFFFFF80, v4  }
0x14d: {  	v4 =	vand.u32 $0x78, v4;
	v5 =	vadd.s32 v5, v6  }
0x14e: {  	v4 =	vor.u32 v4, v5  }
0x14f: {  	v5 =	vor.u32 $0x1, v4  }
0x150: {  	v6 =	vor.u32 $0x2, v4  }
0x151: {  	v7 =	vor.u32 $0x3, v4  }
0x152: {  	v8 =	vor.u32 $0x4, v4  }
0x153: {  	v9 =	vor.u32 $0x5, v4;
	[tilespmem:v4+s13+$0x0] =	vst.idx.msk $0xffff, v1  }
0x154: {  	[tilespmem:v5+s13+$0x0] =	vst.idx.msk $0xffff, v1;
	v5 =	vor.u32 $0x6, v4  }
0x155: {  	[tilespmem:v6+s13+$0x0] =	vst.idx.msk $0xffff, v1  }
0x156: {  	v4 =	vor.u32 $0x7, v4;
	[tilespmem:v7+s13+$0x0] =	vst.idx.msk $0xffff, v1  }
0x157: {  	[tilespmem:v8+s13+$0x0] =	vst.idx.msk $0xffff, v1  }
0x158: {  	[tilespmem:v9+s13+$0x0] =	vst.idx.msk $0xffff, v1  }
0x159: {  	s19 =	simm.s32 $0x10;
	[tilespmem:v5+s13+$0x0] =	vst.idx.msk $0xffff, v1  }
.LBB2_8:
0x15a: {  	p1 =	sne.s32 s19, $0x70  }
0x15b: {  	[tilespmem:v4+s13+$0x0] =	vst.idx.msk $0xffff, v1;
	s18 =	sadd.s32 $0x10, s18;
	s21 =	smov.u32 s19;
	s19 =	sadd.s32 $0x10, s19  }
0x15c: {  	v4 =	vld [tilespmem:s18+$0x0];
	_ =	sdelay $0x4  }
0x15d: {  	v5 =	vshra.s32 v4, $0x1F  }
0x15e: {  	v5 =	vshrl.u32 v5, $0x1C  }
0x15f: {  	v5 =	vadd.s32 v5, v4  }
0x160: {  	v5 =	vshrl.u32 v5, $0x4  }
0x161: {  	v5 =	vshll.u32 v5, $0x4  }
0x162: {  	v6 =	vmov s21;
	v4 =	vsub.s32 v4, v5  }
0x163: {  	v5 =	vshll.u32 v6, $0x7;
	v4 =	vshll.u32 v4, $0x3  }
0x164: {  	v5 =	vor.u32 v3, v5;
	v6 =	vand.u32 $0xFFFFFF80, v4  }
0x165: {  	v4 =	vand.u32 $0x78, v4;
	v5 =	vadd.s32 v5, v6  }
0x166: {  	v4 =	vor.u32 v4, v5  }
0x167: {  	v5 =	vor.u32 $0x1, v4  }
0x168: {  	v6 =	vor.u32 $0x2, v4  }
0x169: {  	v7 =	vor.u32 $0x3, v4  }
0x16a: {  	v8 =	vor.u32 $0x4, v4  }
0x16b: {  	v9 =	vor.u32 $0x5, v4;
	[tilespmem:v4+s13+$0x0] =	vst.idx.msk $0xffff, v1  }
0x16c: {  	[tilespmem:v5+s13+$0x0] =	vst.idx.msk $0xffff, v1;
	v5 =	vor.u32 $0x6, v4  }
.Ltmp7:
0x16d: {  	v4 =	vor.u32 $0x7, v4;
	[tilespmem:v6+s13+$0x0] =	vst.idx.msk $0xffff, v1;
	(pc) =	sbr.rel @p1 .LBB2_8-.Ltmp7, $4  }
0x16e: {  	[tilespmem:v7+s13+$0x0] =	vst.idx.msk $0xffff, v1  }
0x16f: {  	[tilespmem:v8+s13+$0x0] =	vst.idx.msk $0xffff, v1  }
0x170: {  	[tilespmem:v9+s13+$0x0] =	vst.idx.msk $0xffff, v1  }
0x171: {  	[tilespmem:v5+s13+$0x0] =	vst.idx.msk $0xffff, v1  }
.Ltmp8:
0x172: {  	_ = 	snop;
	(pc) =	sbr.rel .LBB2_10-.Ltmp8, $2  }
0x173: {  	_ =	sdelay $0x2  }
0x174: {  	[tilespmem:v4+s13+$0x0] =	vst.idx.msk $0xffff, v1  }
.LBB2_12:
0x175: {  	_ =	sfence.sel $0x180000  }
0x176: {  	[bflag:$0x0] =	sbarrier.arrive $0xFFFF  }
0x177: {  	_ =	strace $0x90000056  }
0x178: {  	s0 =	stileid.u32;
	[bflag:$0x2] =	sbarrier.arrive $0xFFFF  }
0x179: {  	p0 =	sne.s32 s0, $0x0;
	s0 =	rddreg [dreg:$0x2]  }
0x17a: {  	s0 =	sadd.s32 @!p0 $0x100000, s0  }
0x17b: {  	[sflag:s0] =	ssyncadd.tile.s32 @!p0 $0x1;
	_ =	shalt  }
.Lfunc_end2:
_tile_overlayer_lowered:
.L_overlay_start_2:
0x17c: {  	(tag) =	ssettag $0x2  }
0x17d: {  	s0 =	rddreg [dreg:$0x0];
	s2 =	stileid.u32  }
0x17e: {  	s1 =	rddreg [dreg:$0x1];
	p0 =	sne.s32 s2, $0x0  }
0x17f: {  	s3 =	rddreg [dreg:$0x2];
	[bflag:$0x3] =	sbarrier.arrive $0xFFFF;
	s2 =	simm.s32 @!p0 $0x1C03  }
0x180: {  	[timem:s3], [sflag:s2] =	dma.local @!p0 [hbm:s0], s1  }
0x181: {  	s0 =	simm.s32 @!p0 $0x3  }
0x182: {  	_ =	swait.ge @!p0 [sflag:s0], s1  }
0x183: {  	s1 =	ssub.s32 @!p0 $0x0, s1;
	[sflag:s0] =	ssyncset.done @!p0 $0x0  }
0x184: {  	[sflag:s0] =	ssyncadd.s32 @!p0 s1  }
0x185: {  	[bflag:$0x3] =	sbarrier.arrive $0xFFFF  }
0x186: {  	_ =	shalt  }

</sc_bundles>
